<compile_context>
chip_gen: v7x
topology: tpu7x:2x2x1
jax: 0.10.2.dev20260603
libtpu: 0.0.44.dev20260713+nightly
codegen_flags: <defaults>
</compile_context>

<pallas_src>
import jax
import jax.numpy as jnp
from jax import lax
from jax.experimental import pallas as pl
from jax.experimental.pallas import tpu as pltpu
from jax.experimental.pallas import tpu_sc as plsc

B, L, D = 1024, 200, 128
N = B * L
NC, NS = 2, 16
NW = NC * NS
PER_W = N // NW
CH = 128
SCH = 256
GPC = SCH // CH
NCHUNK = PER_W // SCH
NBUF = 3


def _pe_add_body(x_hbm, idx_hbm, pe_hbm, out_hbm,
                 idx_v, xb_v, sem_x, sem_g, sem_o):
    wid = lax.axis_index("s") * NC + lax.axis_index("c")
    base = wid * PER_W

    pltpu.sync_copy(idx_hbm.at[pl.ds(base, PER_W)], idx_v)

    def off(c):
        return base + c * SCH

    def fire_x(c, b):
        pltpu.async_copy(x_hbm.at[pl.ds(off(c), SCH)], xb_v.at[b], sem_x.at[b])

    def wait_x(c, b):
        pltpu.make_async_copy(
            x_hbm.at[pl.ds(off(c), SCH)], xb_v.at[b], sem_x.at[b]).wait()

    def fire_ga(c, b):
        for g in range(GPC):
            pltpu.async_copy(
                pe_hbm.at[idx_v.at[pl.ds(c * SCH + g * CH, CH)]],
                xb_v.at[b, pl.ds(g * CH, CH)], sem_g.at[b], add=True)

    def wait_ga(c, b):
        for g in range(GPC):
            pltpu.make_async_copy(
                pe_hbm.at[idx_v.at[pl.ds(c * SCH + g * CH, CH)]],
                xb_v.at[b, pl.ds(g * CH, CH)], sem_g.at[b]).wait()

    def fire_out(c, b):
        pltpu.async_copy(xb_v.at[b], out_hbm.at[pl.ds(off(c), SCH)],
                         sem_o.at[b])

    def wait_out(c, b):
        pltpu.make_async_copy(
            xb_v.at[b], out_hbm.at[pl.ds(off(c), SCH)], sem_o.at[b]).wait()

    for t in range(NCHUNK + 2):
        if t >= 2:
            c = t - 2
            wait_ga(c, c % NBUF)
            fire_out(c, c % NBUF)
        if 1 <= t <= NCHUNK:
            c = t - 1
            wait_x(c, c % NBUF)
            fire_ga(c, c % NBUF)
        if t < NCHUNK:
            if t >= NBUF:
                wait_out(t - NBUF, t % NBUF)
            fire_x(t, t % NBUF)
    for k in range(NBUF):
        c = NCHUNK - NBUF + k
        wait_out(c, c % NBUF)


@jax.jit
def kernel(x, tss_indexes, pe):
    xf = x.reshape(N, D)
    idx = tss_indexes.reshape(N).astype(jnp.int32)
    mesh = plsc.VectorSubcoreMesh(
        core_axis_name="c", subcore_axis_name="s",
        num_cores=NC, num_subcores=NS,
    )
    out = pl.kernel(
        _pe_add_body,
        out_type=jax.ShapeDtypeStruct((N, D), jnp.float32),
        mesh=mesh,
        scratch_types=[
            pltpu.VMEM((PER_W,), jnp.int32),
            pltpu.VMEM((NBUF, SCH, D), jnp.float32),
            pltpu.SemaphoreType.DMA((NBUF,)),
            pltpu.SemaphoreType.DMA((NBUF,)),
            pltpu.SemaphoreType.DMA((NBUF,)),
        ],
    )(xf, idx, pe)
    return out.reshape(B, L, D)

# --- scband reference (transcript-rebuilt; emitter-appended) ---
"""Pipeline reference for scband-learnable-positional-encoding-33354716021128 (READ-ONLY COPY).

The authoritative reference and input builder live on the scoring server;
editing this copy changes nothing except your own understanding.
"""

import jax, jax.numpy as jnp
import numpy as np


def setup_inputs(seed: int = 0) -> dict:
    key = jax.random.key(seed)
    k1, k2, k3 = jax.random.split(key, 3)
    x = jax.random.normal(k1, (1024, 200, 128), dtype=jnp.float32)
    tss_indexes = jax.random.randint(k2, (1024, 200), 0, 100000, dtype=jnp.int64 if jax.config.read('jax_enable_x64') else jnp.int32)
    pe = jax.random.normal(k3, (100000, 128), dtype=jnp.float32)
    return {"x": x, "tss_indexes": tss_indexes, "pe": pe}


def reference(x, tss_indexes, pe):
    # x: [B, L, D]; pe: [n_genes, D]; tss_indexes: [B, L]
    # gather positional rows and add; dropout is identity in eval mode
    gathered = jnp.take(pe, tss_indexes, axis=0)  # [B, L, D]
    out = x + gathered
    return out

if __name__ == "__main__":
    import jax
    _d = setup_inputs()
    print(jax.jit(kernel)(*tuple(_d.values())))

</pallas_src>

<mosaic_0001>
#map = affine_map<(d0, d1) -> (0, 0)>
#map1 = affine_map<(d0, d1) -> (0)>
module attributes {stable_mosaic.version = 14 : i64} {
  func.func @_pe_add_body(%arg0: i32, %arg1: i32, %arg2: memref<204800x128xf32, #tpu.memory_space<hbm>>, %arg3: memref<204800xi32, #tpu.memory_space<hbm>>, %arg4: memref<100000x128xf32, #tpu.memory_space<hbm>>, %arg5: memref<204800x128xf32, #tpu.memory_space<hbm>>, %arg6: memref<6400xi32, #tpu.memory_space<vmem>>, %arg7: memref<3x256x128xf32, #tpu.memory_space<vmem>>, %arg8: memref<3x!tpu.dma_semaphore, #tpu.memory_space<semaphore_mem>>, %arg9: memref<3x!tpu.dma_semaphore, #tpu.memory_space<semaphore_mem>>, %arg10: memref<3x!tpu.dma_semaphore, #tpu.memory_space<semaphore_mem>>) attributes {dimension_semantics = [#tpu.dimension_semantics<core_parallel>, #tpu.dimension_semantics<subcore_parallel>], iteration_bounds = array<i64: 2, 16>, scalar_prefetch = 0 : i64, scratch_operands = 5 : i64, tpu.core_type = #tpu.core_type<sc_vector_subcore>, window_params = [{transform_indices = #map}, {transform_indices = #map1}, {transform_indices = #map}, {transform_indices = #map}]} {
    %mul3A = arith.constant 2 : i32
    %mul3A_0 = arith.muli %arg1, %mul3A : i32
    %add3A = arith.addi %mul3A_0, %arg0 : i32
    %mul3A_1 = arith.constant 6400 : i32
    %mul3A_2 = arith.muli %add3A, %mul3A_1 : i32
    "tpu.region"() ({
      %run_scoped3A = tpu.sem_alloc : memref<!tpu.dma_semaphore, #tpu.memory_space<semaphore_mem>>
      %dma_start3A_3101 = tpu.memref_slice %arg3[%mul3A_2] : memref<204800xi32, #tpu.memory_space<hbm>> -> memref<6400xi32, #tpu.memory_space<hbm>>
      %dma_start3A_3102 = tpu.memref_slice %arg3[%mul3A_2] : memref<204800xi32, #tpu.memory_space<hbm>> -> memref<6400xi32, #tpu.memory_space<hbm>>
      tpu.enqueue_dma source(%dma_start3A_3102 : memref<6400xi32, #tpu.memory_space<hbm>>) target(%arg6 : memref<6400xi32, #tpu.memory_space<vmem>>) target_semaphore(%run_scoped3A : memref<!tpu.dma_semaphore, #tpu.memory_space<semaphore_mem>>)
      %dma_wait3A_3103 = tpu.memref_slice %arg3[%mul3A_2] : memref<204800xi32, #tpu.memory_space<hbm>> -> memref<6400xi32, #tpu.memory_space<hbm>>
      %dma_wait3A_3104 = tpu.memref_slice %arg3[%mul3A_2] : memref<204800xi32, #tpu.memory_space<hbm>> -> memref<6400xi32, #tpu.memory_space<hbm>>
      tpu.wait_dma2 semaphore(%run_scoped3A : memref<!tpu.dma_semaphore, #tpu.memory_space<semaphore_mem>>) src(%dma_wait3A_3104 : memref<6400xi32, #tpu.memory_space<hbm>>) dst(%arg6 : memref<6400xi32, #tpu.memory_space<vmem>>)
      tpu.yield
    }) : () -> ()
    %add3A_3 = arith.constant 0 : i32
    %add3A_4 = arith.addi %mul3A_2, %add3A_3 : i32
    %dma_start3A = arith.constant 0 : i32
    %dma_start3A_5 = arith.constant 0 : i32
    %dma_start3A_6 = arith.constant 0 : i32
    %dma_start3A_7 = arith.constant 0 : i32
    %dma_start3A_8 = tpu.memref_slice %arg7[%dma_start3A, %dma_start3A_6, %dma_start3A_7] : memref<3x256x128xf32, #tpu.memory_space<vmem>> -> memref<1x256x128xf32, #tpu.memory_space<vmem>>
    %dma_start3A_9 = tpu.memref_squeeze %dma_start3A_8 : memref<1x256x128xf32, #tpu.memory_space<vmem>> -> memref<256x128xf32, #tpu.memory_space<vmem>>
    %dma_start3A_10 = arith.constant 0 : i32
    %dma_start3A_11 = tpu.memref_slice %arg2[%add3A_4, %dma_start3A_10] : memref<204800x128xf32, #tpu.memory_space<hbm>> -> memref<256x128xf32, #tpu.memory_space<hbm>>
    %dma_start3A_12 = tpu.memref_slice %arg8[%dma_start3A_5] : memref<3x!tpu.dma_semaphore, #tpu.memory_space<semaphore_mem>> -> memref<1x!tpu.dma_semaphore, #tpu.memory_space<semaphore_mem>>
    %dma_start3A_13 = tpu.memref_squeeze %dma_start3A_12 : memref<1x!tpu.dma_semaphore, #tpu.memory_space<semaphore_mem>> -> memref<!tpu.dma_semaphore, #tpu.memory_space<semaphore_mem>>
    %dma_start3A_14 = arith.constant 0 : i32
    %dma_start3A_15 = arith.constant 0 : i32
    %dma_start3A_16 = tpu.memref_slice %arg7[%dma_start3A, %dma_start3A_14, %dma_start3A_15] : memref<3x256x128xf32, #tpu.memory_space<vmem>> -> memref<1x256x128xf32, #tpu.memory_space<vmem>>
    %dma_start3A_17 = tpu.memref_squeeze %dma_start3A_16 : memref<1x256x128xf32, #tpu.memory_space<vmem>> -> memref<256x128xf32, #tpu.memory_space<vmem>>
    %dma_start3A_18 = arith.constant 0 : i32
    %dma_start3A_19 = tpu.memref_slice %arg2[%add3A_4, %dma_start3A_18] : memref<204800x128xf32, #tpu.memory_space<hbm>> -> memref<256x128xf32, #tpu.memory_space<hbm>>
    tpu.enqueue_dma source(%dma_start3A_19 : memref<256x128xf32, #tpu.memory_space<hbm>>) target(%dma_start3A_17 : memref<256x128xf32, #tpu.memory_space<vmem>>) target_semaphore(%dma_start3A_13 : memref<!tpu.dma_semaphore, #tpu.memory_space<semaphore_mem>>)
    %add3A_20 = arith.constant 0 : i32
    %add3A_21 = arith.addi %mul3A_2, %add3A_20 : i32
    %dma_wait3A = arith.constant 0 : i32
    %dma_wait3A_22 = arith.constant 0 : i32
    %dma_wait3A_23 = arith.constant 0 : i32
    %dma_wait3A_24 = arith.constant 0 : i32
    %dma_wait3A_25 = tpu.memref_slice %arg7[%dma_wait3A, %dma_wait3A_23, %dma_wait3A_24] : memref<3x256x128xf32, #tpu.memory_space<vmem>> -> memref<1x256x128xf32, #tpu.memory_space<vmem>>
    %dma_wait3A_26 = tpu.memref_squeeze %dma_wait3A_25 : memref<1x256x128xf32, #tpu.memory_space<vmem>> -> memref<256x128xf32, #tpu.memory_space<vmem>>
    %dma_wait3A_27 = arith.constant 0 : i32
    %dma_wait3A_28 = tpu.memref_slice %arg2[%add3A_21, %dma_wait3A_27] : memref<204800x128xf32, #tpu.memory_space<hbm>> -> memref<256x128xf32, #tpu.memory_space<hbm>>
    %dma_wait3A_29 = tpu.memref_slice %arg8[%dma_wait3A_22] : memref<3x!tpu.dma_semaphore, #tpu.memory_space<semaphore_mem>> -> memref<1x!tpu.dma_semaphore, #tpu.memory_space<semaphore_mem>>
    %dma_wait3A_30 = tpu.memref_squeeze %dma_wait3A_29 : memref<1x!tpu.dma_semaphore, #tpu.memory_space<semaphore_mem>> -> memref<!tpu.dma_semaphore, #tpu.memory_space<semaphore_mem>>
    %dma_wait3A_31 = arith.constant 0 : i32
    %dma_wait3A_32 = arith.constant 0 : i32
    %dma_wait3A_33 = tpu.memref_slice %arg7[%dma_wait3A, %dma_wait3A_31, %dma_wait3A_32] : memref<3x256x128xf32, #tpu.memory_space<vmem>> -> memref<1x256x128xf32, #tpu.memory_space<vmem>>
    %dma_wait3A_34 = tpu.memref_squeeze %dma_wait3A_33 : memref<1x256x128xf32, #tpu.memory_space<vmem>> -> memref<256x128xf32, #tpu.memory_space<vmem>>
    %dma_wait3A_35 = arith.constant 0 : i32
    %dma_wait3A_36 = tpu.memref_slice %arg2[%add3A_21, %dma_wait3A_35] : memref<204800x128xf32, #tpu.memory_space<hbm>> -> memref<256x128xf32, #tpu.memory_space<hbm>>
    tpu.wait_dma2 semaphore(%dma_wait3A_30 : memref<!tpu.dma_semaphore, #tpu.memory_space<semaphore_mem>>) src(%dma_wait3A_36 : memref<256x128xf32, #tpu.memory_space<hbm>>) dst(%dma_wait3A_34 : memref<256x128xf32, #tpu.memory_space<vmem>>)
    %dma_start3A_37 = arith.constant 0 : i32
    %dma_start3A_38 = arith.constant 0 : i32
    %dma_start3A_39 = arith.constant 0 : i32
    %dma_start3A_40 = arith.constant 0 : i32
    %dma_start3A_41 = tpu.memref_slice %arg7[%dma_start3A_37, %dma_start3A_39, %dma_start3A_40] : memref<3x256x128xf32, #tpu.memory_space<vmem>> -> memref<1x128x128xf32, #tpu.memory_space<vmem>>
    %dma_start3A_42 = tpu.memref_squeeze %dma_start3A_41 : memref<1x128x128xf32, #tpu.memory_space<vmem>> -> memref<128x128xf32, #tpu.memory_space<vmem>>
    %dma_start3A_43 = arith.constant 0 : i32
    %dma_start3A_44 = tpu.memref_slice %arg6[%dma_start3A_43] : memref<6400xi32, #tpu.memory_space<vmem>> -> memref<128xi32, #tpu.memory_space<vmem>>
    %dma_start3A_45 = arith.constant 0 : i32
    %dma_start3A_46 = arith.constant 0 : i32
    %dma_start3A_47 = tpu.memref_slice %arg4[%dma_start3A_45, %dma_start3A_46] : memref<100000x128xf32, #tpu.memory_space<hbm>> -> memref<100000x128xf32, #tpu.memory_space<hbm>>
    %dma_start3A_48 = tpu.memref_slice %arg9[%dma_start3A_38] : memref<3x!tpu.dma_semaphore, #tpu.memory_space<semaphore_mem>> -> memref<1x!tpu.dma_semaphore, #tpu.memory_space<semaphore_mem>>
    %dma_start3A_49 = tpu.memref_squeeze %dma_start3A_48 : memref<1x!tpu.dma_semaphore, #tpu.memory_space<semaphore_mem>> -> memref<!tpu.dma_semaphore, #tpu.memory_space<semaphore_mem>>
    tpu.enqueue_indirect_dma source(%dma_start3A_47 : memref<100000x128xf32, #tpu.memory_space<hbm>>) target(%dma_start3A_42 : memref<128x128xf32, #tpu.memory_space<vmem>>) offsets(%dma_start3A_44 : memref<128xi32, #tpu.memory_space<vmem>>) semaphore(%dma_start3A_49 : memref<!tpu.dma_semaphore, #tpu.memory_space<semaphore_mem>>) {add = true}
    %dma_start3A_50 = arith.constant 0 : i32
    %dma_start3A_51 = arith.constant 0 : i32
    %dma_start3A_52 = arith.constant 128 : i32
    %dma_start3A_53 = arith.constant 0 : i32
    %dma_start3A_54 = tpu.memref_slice %arg7[%dma_start3A_50, %dma_start3A_52, %dma_start3A_53] : memref<3x256x128xf32, #tpu.memory_space<vmem>> -> memref<1x128x128xf32, #tpu.memory_space<vmem>>
    %dma_start3A_55 = tpu.memref_squeeze %dma_start3A_54 : memref<1x128x128xf32, #tpu.memory_space<vmem>> -> memref<128x128xf32, #tpu.memory_space<vmem>>
    %dma_start3A_56 = arith.constant 128 : i32
    %dma_start3A_57 = tpu.memref_slice %arg6[%dma_start3A_56] : memref<6400xi32, #tpu.memory_space<vmem>> -> memref<128xi32, #tpu.memory_space<vmem>>
    %dma_start3A_58 = arith.constant 0 : i32
    %dma_start3A_59 = arith.constant 0 : i32
    %dma_start3A_60 = tpu.memref_slice %arg4[%dma_start3A_58, %dma_start3A_59] : memref<100000x128xf32, #tpu.memory_space<hbm>> -> memref<100000x128xf32, #tpu.memory_space<hbm>>
    %dma_start3A_61 = tpu.memref_slice %arg9[%dma_start3A_51] : memref<3x!tpu.dma_semaphore, #tpu.memory_space<semaphore_mem>> -> memref<1x!tpu.dma_semaphore, #tpu.memory_space<semaphore_mem>>
    %dma_start3A_62 = tpu.memref_squeeze %dma_start3A_61 : memref<1x!tpu.dma_semaphore, #tpu.memory_space<semaphore_mem>> -> memref<!tpu.dma_semaphore, #tpu.memory_space<semaphore_mem>>
    tpu.enqueue_indirect_dma source(%dma_start3A_60 : memref<100000x128xf32, #tpu.memory_space<hbm>>) target(%dma_start3A_55 : memref<128x128xf32, #tpu.memory_space<vmem>>) offsets(%dma_start3A_57 : memref<128xi32, #tpu.memory_space<vmem>>) semaphore(%dma_start3A_62 : memref<!tpu.dma_semaphore, #tpu.memory_space<semaphore_mem>>) {add = true}
    %add3A_63 = arith.constant 256 : i32
    %add3A_64 = arith.addi %mul3A_2, %add3A_63 : i32
    %dma_start3A_65 = arith.constant 1 : i32
    %dma_start3A_66 = arith.constant 1 : i32
    %dma_start3A_67 = arith.constant 0 : i32
    %dma_start3A_68 = arith.constant 0 : i32
    %dma_start3A_69 = tpu.memref_slice %arg7[%dma_start3A_65, %dma_start3A_67, %dma_start3A_68] : memref<3x256x128xf32, #tpu.memory_space<vmem>> -> memref<1x256x128xf32, #tpu.memory_space<vmem>>
    %dma_start3A_70 = tpu.memref_squeeze %dma_start3A_69 : memref<1x256x128xf32, #tpu.memory_space<vmem>> -> memref<256x128xf32, #tpu.memory_space<vmem>>
    %dma_start3A_71 = arith.constant 0 : i32
    %dma_start3A_72 = tpu.memref_slice %arg2[%add3A_64, %dma_start3A_71] : memref<204800x128xf32, #tpu.memory_space<hbm>> -> memref<256x128xf32, #tpu.memory_space<hbm>>
    %dma_start3A_73 = tpu.memref_slice %arg8[%dma_start3A_66] : memref<3x!tpu.dma_semaphore, #tpu.memory_space<semaphore_mem>> -> memref<1x!tpu.dma_semaphore, #tpu.memory_space<semaphore_mem>>
    %dma_start3A_74 = tpu.memref_squeeze %dma_start3A_73 : memref<1x!tpu.dma_semaphore, #tpu.memory_space<semaphore_mem>> -> memref<!tpu.dma_semaphore, #tpu.memory_space<semaphore_mem>>
    %dma_start3A_75 = arith.constant 0 : i32
    %dma_start3A_76 = arith.constant 0 : i32
    %dma_start3A_77 = tpu.memref_slice %arg7[%dma_start3A_65, %dma_start3A_75, %dma_start3A_76] : memref<3x256x128xf32, #tpu.memory_space<vmem>> -> memref<1x256x128xf32, #tpu.memory_space<vmem>>
    %dma_start3A_78 = tpu.memref_squeeze %dma_start3A_77 : memref<1x256x128xf32, #tpu.memory_space<vmem>> -> memref<256x128xf32, #tpu.memory_space<vmem>>
    %dma_start3A_79 = arith.constant 0 : i32
    %dma_start3A_80 = tpu.memref_slice %arg2[%add3A_64, %dma_start3A_79] : memref<204800x128xf32, #tpu.memory_space<hbm>> -> memref<256x128xf32, #tpu.memory_space<hbm>>
    tpu.enqueue_dma source(%dma_start3A_80 : memref<256x128xf32, #tpu.memory_space<hbm>>) target(%dma_start3A_78 : memref<256x128xf32, #tpu.memory_space<vmem>>) target_semaphore(%dma_start3A_74 : memref<!tpu.dma_semaphore, #tpu.memory_space<semaphore_mem>>)
    %dma_wait3A_81 = arith.constant 0 : i32
    %dma_wait3A_82 = arith.constant 0 : i32
    %dma_wait3A_83 = arith.constant 0 : i32
    %dma_wait3A_84 = arith.constant 0 : i32
    %dma_wait3A_85 = tpu.memref_slice %arg7[%dma_wait3A_81, %dma_wait3A_83, %dma_wait3A_84] : memref<3x256x128xf32, #tpu.memory_space<vmem>> -> memref<1x128x128xf32, #tpu.memory_space<vmem>>
    %dma_wait3A_86 = tpu.memref_squeeze %dma_wait3A_85 : memref<1x128x128xf32, #tpu.memory_space<vmem>> -> memref<128x128xf32, #tpu.memory_space<vmem>>
    %dma_wait3A_87 = arith.constant 0 : i32
    %dma_wait3A_88 = tpu.memref_slice %arg6[%dma_wait3A_87] : memref<6400xi32, #tpu.memory_space<vmem>> -> memref<128xi32, #tpu.memory_space<vmem>>
    %dma_wait3A_89 = arith.constant 0 : i32
    %dma_wait3A_90 = arith.constant 0 : i32
    %dma_wait3A_91 = tpu.memref_slice %arg4[%dma_wait3A_89, %dma_wait3A_90] : memref<100000x128xf32, #tpu.memory_space<hbm>> -> memref<100000x128xf32, #tpu.memory_space<hbm>>
    %dma_wait3A_92 = tpu.memref_slice %arg9[%dma_wait3A_82] : memref<3x!tpu.dma_semaphore, #tpu.memory_space<semaphore_mem>> -> memref<1x!tpu.dma_semaphore, #tpu.memory_space<semaphore_mem>>
    %dma_wait3A_93 = tpu.memref_squeeze %dma_wait3A_92 : memref<1x!tpu.dma_semaphore, #tpu.memory_space<semaphore_mem>> -> memref<!tpu.dma_semaphore, #tpu.memory_space<semaphore_mem>>
    tpu.wait_indirect_dma semaphore(%dma_wait3A_93 : memref<!tpu.dma_semaphore, #tpu.memory_space<semaphore_mem>>) src(%dma_wait3A_91 : memref<100000x128xf32, #tpu.memory_space<hbm>>) dst(%dma_wait3A_86 : memref<128x128xf32, #tpu.memory_space<vmem>>)
    %dma_wait3A_94 = arith.constant 0 : i32
    %dma_wait3A_95 = arith.constant 0 : i32
    %dma_wait3A_96 = arith.constant 128 : i32
    %dma_wait3A_97 = arith.constant 0 : i32
    %dma_wait3A_98 = tpu.memref_slice %arg7[%dma_wait3A_94, %dma_wait3A_96, %dma_wait3A_97] : memref<3x256x128xf32, #tpu.memory_space<vmem>> -> memref<1x128x128xf32, #tpu.memory_space<vmem>>
    %dma_wait3A_99 = tpu.memref_squeeze %dma_wait3A_98 : memref<1x128x128xf32, #tpu.memory_space<vmem>> -> memref<128x128xf32, #tpu.memory_space<vmem>>
    %dma_wait3A_100 = arith.constant 128 : i32
    %dma_wait3A_101 = tpu.memref_slice %arg6[%dma_wait3A_100] : memref<6400xi32, #tpu.memory_space<vmem>> -> memref<128xi32, #tpu.memory_space<vmem>>
    %dma_wait3A_102 = arith.constant 0 : i32
    %dma_wait3A_103 = arith.constant 0 : i32
    %dma_wait3A_104 = tpu.memref_slice %arg4[%dma_wait3A_102, %dma_wait3A_103] : memref<100000x128xf32, #tpu.memory_space<hbm>> -> memref<100000x128xf32, #tpu.memory_space<hbm>>
    %dma_wait3A_105 = tpu.memref_slice %arg9[%dma_wait3A_95] : memref<3x!tpu.dma_semaphore, #tpu.memory_space<semaphore_mem>> -> memref<1x!tpu.dma_semaphore, #tpu.memory_space<semaphore_mem>>
    %dma_wait3A_106 = tpu.memref_squeeze %dma_wait3A_105 : memref<1x!tpu.dma_semaphore, #tpu.memory_space<semaphore_mem>> -> memref<!tpu.dma_semaphore, #tpu.memory_space<semaphore_mem>>
    tpu.wait_indirect_dma semaphore(%dma_wait3A_106 : memref<!tpu.dma_semaphore, #tpu.memory_space<semaphore_mem>>) src(%dma_wait3A_104 : memref<100000x128xf32, #tpu.memory_space<hbm>>) dst(%dma_wait3A_99 : memref<128x128xf32, #tpu.memory_space<vmem>>)
    %add3A_107 = arith.constant 0 : i32
    %add3A_108 = arith.addi %mul3A_2, %add3A_107 : i32
    %dma_start3A_109 = arith.constant 0 : i32
    %dma_start3A_110 = arith.constant 0 : i32
    %dma_start3A_111 = arith.constant 0 : i32
    %dma_start3A_112 = arith.constant 0 : i32
    %dma_start3A_113 = tpu.memref_slice %arg7[%dma_start3A_109, %dma_start3A_111, %dma_start3A_112] : memref<3x256x128xf32, #tpu.memory_space<vmem>> -> memref<1x256x128xf32, #tpu.memory_space<vmem>>
    %dma_start3A_114 = tpu.memref_squeeze %dma_start3A_113 : memref<1x256x128xf32, #tpu.memory_space<vmem>> -> memref<256x128xf32, #tpu.memory_space<vmem>>
    %dma_start3A_115 = arith.constant 0 : i32
    %dma_start3A_116 = tpu.memref_slice %arg5[%add3A_108, %dma_start3A_115] : memref<204800x128xf32, #tpu.memory_space<hbm>> -> memref<256x128xf32, #tpu.memory_space<hbm>>
    %dma_start3A_117 = tpu.memref_slice %arg10[%dma_start3A_110] : memref<3x!tpu.dma_semaphore, #tpu.memory_space<semaphore_mem>> -> memref<1x!tpu.dma_semaphore, #tpu.memory_space<semaphore_mem>>
    %dma_start3A_118 = tpu.memref_squeeze %dma_start3A_117 : memref<1x!tpu.dma_semaphore, #tpu.memory_space<semaphore_mem>> -> memref<!tpu.dma_semaphore, #tpu.memory_space<semaphore_mem>>
    %dma_start3A_119 = arith.constant 0 : i32
    %dma_start3A_120 = tpu.memref_slice %arg5[%add3A_108, %dma_start3A_119] : memref<204800x128xf32, #tpu.memory_space<hbm>> -> memref<256x128xf32, #tpu.memory_space<hbm>>
    %dma_start3A_121 = arith.constant 0 : i32
    %dma_start3A_122 = arith.constant 0 : i32
    %dma_start3A_123 = tpu.memref_slice %arg7[%dma_start3A_109, %dma_start3A_121, %dma_start3A_122] : memref<3x256x128xf32, #tpu.memory_space<vmem>> -> memref<1x256x128xf32, #tpu.memory_space<vmem>>
    %dma_start3A_124 = tpu.memref_squeeze %dma_start3A_123 : memref<1x256x128xf32, #tpu.memory_space<vmem>> -> memref<256x128xf32, #tpu.memory_space<vmem>>
    tpu.enqueue_dma source(%dma_start3A_124 : memref<256x128xf32, #tpu.memory_space<vmem>>) target(%dma_start3A_120 : memref<256x128xf32, #tpu.memory_space<hbm>>) target_semaphore(%dma_start3A_118 : memref<!tpu.dma_semaphore, #tpu.memory_space<semaphore_mem>>)
    %add3A_125 = arith.constant 256 : i32
    %add3A_126 = arith.addi %mul3A_2, %add3A_125 : i32
    %dma_wait3A_127 = arith.constant 1 : i32
    %dma_wait3A_128 = arith.constant 1 : i32
    %dma_wait3A_129 = arith.constant 0 : i32
    %dma_wait3A_130 = arith.constant 0 : i32
    %dma_wait3A_131 = tpu.memref_slice %arg7[%dma_wait3A_127, %dma_wait3A_129, %dma_wait3A_130] : memref<3x256x128xf32, #tpu.memory_space<vmem>> -> memref<1x256x128xf32, #tpu.memory_space<vmem>>
    %dma_wait3A_132 = tpu.memref_squeeze %dma_wait3A_131 : memref<1x256x128xf32, #tpu.memory_space<vmem>> -> memref<256x128xf32, #tpu.memory_space<vmem>>
    %dma_wait3A_133 = arith.constant 0 : i32
    %dma_wait3A_134 = tpu.memref_slice %arg2[%add3A_126, %dma_wait3A_133] : memref<204800x128xf32, #tpu.memory_space<hbm>> -> memref<256x128xf32, #tpu.memory_space<hbm>>
    %dma_wait3A_135 = tpu.memref_slice %arg8[%dma_wait3A_128] : memref<3x!tpu.dma_semaphore, #tpu.memory_space<semaphore_mem>> -> memref<1x!tpu.dma_semaphore, #tpu.memory_space<semaphore_mem>>
    %dma_wait3A_136 = tpu.memref_squeeze %dma_wait3A_135 : memref<1x!tpu.dma_semaphore, #tpu.memory_space<semaphore_mem>> -> memref<!tpu.dma_semaphore, #tpu.memory_space<semaphore_mem>>
    %dma_wait3A_137 = arith.constant 0 : i32
    %dma_wait3A_138 = arith.constant 0 : i32
    %dma_wait3A_139 = tpu.memref_slice %arg7[%dma_wait3A_127, %dma_wait3A_137, %dma_wait3A_138] : memref<3x256x128xf32, #tpu.memory_space<vmem>> -> memref<1x256x128xf32, #tpu.memory_space<vmem>>
    %dma_wait3A_140 = tpu.memref_squeeze %dma_wait3A_139 : memref<1x256x128xf32, #tpu.memory_space<vmem>> -> memref<256x128xf32, #tpu.memory_space<vmem>>
    %dma_wait3A_141 = arith.constant 0 : i32
    %dma_wait3A_142 = tpu.memref_slice %arg2[%add3A_126, %dma_wait3A_141] : memref<204800x128xf32, #tpu.memory_space<hbm>> -> memref<256x128xf32, #tpu.memory_space<hbm>>
    tpu.wait_dma2 semaphore(%dma_wait3A_136 : memref<!tpu.dma_semaphore, #tpu.memory_space<semaphore_mem>>) src(%dma_wait3A_142 : memref<256x128xf32, #tpu.memory_space<hbm>>) dst(%dma_wait3A_140 : memref<256x128xf32, #tpu.memory_space<vmem>>)
    %dma_start3A_143 = arith.constant 1 : i32
    %dma_start3A_144 = arith.constant 1 : i32
    %dma_start3A_145 = arith.constant 0 : i32
    %dma_start3A_146 = arith.constant 0 : i32
    %dma_start3A_147 = tpu.memref_slice %arg7[%dma_start3A_143, %dma_start3A_145, %dma_start3A_146] : memref<3x256x128xf32, #tpu.memory_space<vmem>> -> memref<1x128x128xf32, #tpu.memory_space<vmem>>
    %dma_start3A_148 = tpu.memref_squeeze %dma_start3A_147 : memref<1x128x128xf32, #tpu.memory_space<vmem>> -> memref<128x128xf32, #tpu.memory_space<vmem>>
    %dma_start3A_149 = arith.constant 256 : i32
    %dma_start3A_150 = tpu.memref_slice %arg6[%dma_start3A_149] : memref<6400xi32, #tpu.memory_space<vmem>> -> memref<128xi32, #tpu.memory_space<vmem>>
    %dma_start3A_151 = arith.constant 0 : i32
    %dma_start3A_152 = arith.constant 0 : i32
    %dma_start3A_153 = tpu.memref_slice %arg4[%dma_start3A_151, %dma_start3A_152] : memref<100000x128xf32, #tpu.memory_space<hbm>> -> memref<100000x128xf32, #tpu.memory_space<hbm>>
    %dma_start3A_154 = tpu.memref_slice %arg9[%dma_start3A_144] : memref<3x!tpu.dma_semaphore, #tpu.memory_space<semaphore_mem>> -> memref<1x!tpu.dma_semaphore, #tpu.memory_space<semaphore_mem>>
    %dma_start3A_155 = tpu.memref_squeeze %dma_start3A_154 : memref<1x!tpu.dma_semaphore, #tpu.memory_space<semaphore_mem>> -> memref<!tpu.dma_semaphore, #tpu.memory_space<semaphore_mem>>
    tpu.enqueue_indirect_dma source(%dma_start3A_153 : memref<100000x128xf32, #tpu.memory_space<hbm>>) target(%dma_start3A_148 : memref<128x128xf32, #tpu.memory_space<vmem>>) offsets(%dma_start3A_150 : memref<128xi32, #tpu.memory_space<vmem>>) semaphore(%dma_start3A_155 : memref<!tpu.dma_semaphore, #tpu.memory_space<semaphore_mem>>) {add = true}
    %dma_start3A_156 = arith.constant 1 : i32
    %dma_start3A_157 = arith.constant 1 : i32
    %dma_start3A_158 = arith.constant 128 : i32
    %dma_start3A_159 = arith.constant 0 : i32
    %dma_start3A_160 = tpu.memref_slice %arg7[%dma_start3A_156, %dma_start3A_158, %dma_start3A_159] : memref<3x256x128xf32, #tpu.memory_space<vmem>> -> memref<1x128x128xf32, #tpu.memory_space<vmem>>
    %dma_start3A_161 = tpu.memref_squeeze %dma_start3A_160 : memref<1x128x128xf32, #tpu.memory_space<vmem>> -> memref<128x128xf32, #tpu.memory_space<vmem>>
    %dma_start3A_162 = arith.constant 384 : i32
    %dma_start3A_163 = tpu.memref_slice %arg6[%dma_start3A_162] : memref<6400xi32, #tpu.memory_space<vmem>> -> memref<128xi32, #tpu.memory_space<vmem>>
    %dma_start3A_164 = arith.constant 0 : i32
    %dma_start3A_165 = arith.constant 0 : i32
    %dma_start3A_166 = tpu.memref_slice %arg4[%dma_start3A_164, %dma_start3A_165] : memref<100000x128xf32, #tpu.memory_space<hbm>> -> memref<100000x128xf32, #tpu.memory_space<hbm>>
    %dma_start3A_167 = tpu.memref_slice %arg9[%dma_start3A_157] : memref<3x!tpu.dma_semaphore, #tpu.memory_space<semaphore_mem>> -> memref<1x!tpu.dma_semaphore, #tpu.memory_space<semaphore_mem>>
    %dma_start3A_168 = tpu.memref_squeeze %dma_start3A_167 : memref<1x!tpu.dma_semaphore, #tpu.memory_space<semaphore_mem>> -> memref<!tpu.dma_semaphore, #tpu.memory_space<semaphore_mem>>
    tpu.enqueue_indirect_dma source(%dma_start3A_166 : memref<100000x128xf32, #tpu.memory_space<hbm>>) target(%dma_start3A_161 : memref<128x128xf32, #tpu.memory_space<vmem>>) offsets(%dma_start3A_163 : memref<128xi32, #tpu.memory_space<vmem>>) semaphore(%dma_start3A_168 : memref<!tpu.dma_semaphore, #tpu.memory_space<semaphore_mem>>) {add = true}
    %add3A_169 = arith.constant 512 : i32
    %add3A_170 = arith.addi %mul3A_2, %add3A_169 : i32
    %dma_start3A_171 = arith.constant 2 : i32
    %dma_start3A_172 = arith.constant 2 : i32
    %dma_start3A_173 = arith.constant 0 : i32
    %dma_start3A_174 = arith.constant 0 : i32
    %dma_start3A_175 = tpu.memref_slice %arg7[%dma_start3A_171, %dma_start3A_173, %dma_start3A_174] : memref<3x256x128xf32, #tpu.memory_space<vmem>> -> memref<1x256x128xf32, #tpu.memory_space<vmem>>
    %dma_start3A_176 = tpu.memref_squeeze %dma_start3A_175 : memref<1x256x128xf32, #tpu.memory_space<vmem>> -> memref<256x128xf32, #tpu.memory_space<vmem>>
    %dma_start3A_177 = arith.constant 0 : i32
    %dma_start3A_178 = tpu.memref_slice %arg2[%add3A_170, %dma_start3A_177] : memref<204800x128xf32, #tpu.memory_space<hbm>> -> memref<256x128xf32, #tpu.memory_space<hbm>>
    %dma_start3A_179 = tpu.memref_slice %arg8[%dma_start3A_172] : memref<3x!tpu.dma_semaphore, #tpu.memory_space<semaphore_mem>> -> memref<1x!tpu.dma_semaphore, #tpu.memory_space<semaphore_mem>>
    %dma_start3A_180 = tpu.memref_squeeze %dma_start3A_179 : memref<1x!tpu.dma_semaphore, #tpu.memory_space<semaphore_mem>> -> memref<!tpu.dma_semaphore, #tpu.memory_space<semaphore_mem>>
    %dma_start3A_181 = arith.constant 0 : i32
    %dma_start3A_182 = arith.constant 0 : i32
    %dma_start3A_183 = tpu.memref_slice %arg7[%dma_start3A_171, %dma_start3A_181, %dma_start3A_182] : memref<3x256x128xf32, #tpu.memory_space<vmem>> -> memref<1x256x128xf32, #tpu.memory_space<vmem>>
    %dma_start3A_184 = tpu.memref_squeeze %dma_start3A_183 : memref<1x256x128xf32, #tpu.memory_space<vmem>> -> memref<256x128xf32, #tpu.memory_space<vmem>>
    %dma_start3A_185 = arith.constant 0 : i32
    %dma_start3A_186 = tpu.memref_slice %arg2[%add3A_170, %dma_start3A_185] : memref<204800x128xf32, #tpu.memory_space<hbm>> -> memref<256x128xf32, #tpu.memory_space<hbm>>
    tpu.enqueue_dma source(%dma_start3A_186 : memref<256x128xf32, #tpu.memory_space<hbm>>) target(%dma_start3A_184 : memref<256x128xf32, #tpu.memory_space<vmem>>) target_semaphore(%dma_start3A_180 : memref<!tpu.dma_semaphore, #tpu.memory_space<semaphore_mem>>)
    %dma_wait3A_187 = arith.constant 1 : i32
    %dma_wait3A_188 = arith.constant 1 : i32
    %dma_wait3A_189 = arith.constant 0 : i32
    %dma_wait3A_190 = arith.constant 0 : i32
    %dma_wait3A_191 = tpu.memref_slice %arg7[%dma_wait3A_187, %dma_wait3A_189, %dma_wait3A_190] : memref<3x256x128xf32, #tpu.memory_space<vmem>> -> memref<1x128x128xf32, #tpu.memory_space<vmem>>
    %dma_wait3A_192 = tpu.memref_squeeze %dma_wait3A_191 : memref<1x128x128xf32, #tpu.memory_space<vmem>> -> memref<128x128xf32, #tpu.memory_space<vmem>>
    %dma_wait3A_193 = arith.constant 256 : i32
    %dma_wait3A_194 = tpu.memref_slice %arg6[%dma_wait3A_193] : memref<6400xi32, #tpu.memory_space<vmem>> -> memref<128xi32, #tpu.memory_space<vmem>>
    %dma_wait3A_195 = arith.constant 0 : i32
    %dma_wait3A_196 = arith.constant 0 : i32
    %dma_wait3A_197 = tpu.memref_slice %arg4[%dma_wait3A_195, %dma_wait3A_196] : memref<100000x128xf32, #tpu.memory_space<hbm>> -> memref<100000x128xf32, #tpu.memory_space<hbm>>
    %dma_wait3A_198 = tpu.memref_slice %arg9[%dma_wait3A_188] : memref<3x!tpu.dma_semaphore, #tpu.memory_space<semaphore_mem>> -> memref<1x!tpu.dma_semaphore, #tpu.memory_space<semaphore_mem>>
    %dma_wait3A_199 = tpu.memref_squeeze %dma_wait3A_198 : memref<1x!tpu.dma_semaphore, #tpu.memory_space<semaphore_mem>> -> memref<!tpu.dma_semaphore, #tpu.memory_space<semaphore_mem>>
    tpu.wait_indirect_dma semaphore(%dma_wait3A_199 : memref<!tpu.dma_semaphore, #tpu.memory_space<semaphore_mem>>) src(%dma_wait3A_197 : memref<100000x128xf32, #tpu.memory_space<hbm>>) dst(%dma_wait3A_192 : memref<128x128xf32, #tpu.memory_space<vmem>>)
    %dma_wait3A_200 = arith.constant 1 : i32
    %dma_wait3A_201 = arith.constant 1 : i32
    %dma_wait3A_202 = arith.constant 128 : i32
    %dma_wait3A_203 = arith.constant 0 : i32
    %dma_wait3A_204 = tpu.memref_slice %arg7[%dma_wait3A_200, %dma_wait3A_202, %dma_wait3A_203] : memref<3x256x128xf32, #tpu.memory_space<vmem>> -> memref<1x128x128xf32, #tpu.memory_space<vmem>>
    %dma_wait3A_205 = tpu.memref_squeeze %dma_wait3A_204 : memref<1x128x128xf32, #tpu.memory_space<vmem>> -> memref<128x128xf32, #tpu.memory_space<vmem>>
    %dma_wait3A_206 = arith.constant 384 : i32
    %dma_wait3A_207 = tpu.memref_slice %arg6[%dma_wait3A_206] : memref<6400xi32, #tpu.memory_space<vmem>> -> memref<128xi32, #tpu.memory_space<vmem>>
    %dma_wait3A_208 = arith.constant 0 : i32
    %dma_wait3A_209 = arith.constant 0 : i32
    %dma_wait3A_210 = tpu.memref_slice %arg4[%dma_wait3A_208, %dma_wait3A_209] : memref<100000x128xf32, #tpu.memory_space<hbm>> -> memref<100000x128xf32, #tpu.memory_space<hbm>>
    %dma_wait3A_211 = tpu.memref_slice %arg9[%dma_wait3A_201] : memref<3x!tpu.dma_semaphore, #tpu.memory_space<semaphore_mem>> -> memref<1x!tpu.dma_semaphore, #tpu.memory_space<semaphore_mem>>
    %dma_wait3A_212 = tpu.memref_squeeze %dma_wait3A_211 : memref<1x!tpu.dma_semaphore, #tpu.memory_space<semaphore_mem>> -> memref<!tpu.dma_semaphore, #tpu.memory_space<semaphore_mem>>
    tpu.wait_indirect_dma semaphore(%dma_wait3A_212 : memref<!tpu.dma_semaphore, #tpu.memory_space<semaphore_mem>>) src(%dma_wait3A_210 : memref<100000x128xf32, #tpu.memory_space<hbm>>) dst(%dma_wait3A_205 : memref<128x128xf32, #tpu.memory_space<vmem>>)
    %add3A_213 = arith.constant 256 : i32
    %add3A_214 = arith.addi %mul3A_2, %add3A_213 : i32
    %dma_start3A_215 = arith.constant 1 : i32
    %dma_start3A_216 = arith.constant 1 : i32
    %dma_start3A_217 = arith.constant 0 : i32
    %dma_start3A_218 = arith.constant 0 : i32
    %dma_start3A_219 = tpu.memref_slice %arg7[%dma_start3A_215, %dma_start3A_217, %dma_start3A_218] : memref<3x256x128xf32, #tpu.memory_space<vmem>> -> memref<1x256x128xf32, #tpu.memory_space<vmem>>
    %dma_start3A_220 = tpu.memref_squeeze %dma_start3A_219 : memref<1x256x128xf32, #tpu.memory_space<vmem>> -> memref<256x128xf32, #tpu.memory_space<vmem>>
    %dma_start3A_221 = arith.constant 0 : i32
    %dma_start3A_222 = tpu.memref_slice %arg5[%add3A_214, %dma_start3A_221] : memref<204800x128xf32, #tpu.memory_space<hbm>> -> memref<256x128xf32, #tpu.memory_space<hbm>>
    %dma_start3A_223 = tpu.memref_slice %arg10[%dma_start3A_216] : memref<3x!tpu.dma_semaphore, #tpu.memory_space<semaphore_mem>> -> memref<1x!tpu.dma_semaphore, #tpu.memory_space<semaphore_mem>>
    %dma_start3A_224 = tpu.memref_squeeze %dma_start3A_223 : memref<1x!tpu.dma_semaphore, #tpu.memory_space<semaphore_mem>> -> memref<!tpu.dma_semaphore, #tpu.memory_space<semaphore_mem>>
    %dma_start3A_225 = arith.constant 0 : i32
    %dma_start3A_226 = tpu.memref_slice %arg5[%add3A_214, %dma_start3A_225] : memref<204800x128xf32, #tpu.memory_space<hbm>> -> memref<256x128xf32, #tpu.memory_space<hbm>>
    %dma_start3A_227 = arith.constant 0 : i32
    %dma_start3A_228 = arith.constant 0 : i32
    %dma_start3A_229 = tpu.memref_slice %arg7[%dma_start3A_215, %dma_start3A_227, %dma_start3A_228] : memref<3x256x128xf32, #tpu.memory_space<vmem>> -> memref<1x256x128xf32, #tpu.memory_space<vmem>>
    %dma_start3A_230 = tpu.memref_squeeze %dma_start3A_229 : memref<1x256x128xf32, #tpu.memory_space<vmem>> -> memref<256x128xf32, #tpu.memory_space<vmem>>
    tpu.enqueue_dma source(%dma_start3A_230 : memref<256x128xf32, #tpu.memory_space<vmem>>) target(%dma_start3A_226 : memref<256x128xf32, #tpu.memory_space<hbm>>) target_semaphore(%dma_start3A_224 : memref<!tpu.dma_semaphore, #tpu.memory_space<semaphore_mem>>)
    %add3A_231 = arith.constant 512 : i32
    %add3A_232 = arith.addi %mul3A_2, %add3A_231 : i32
    %dma_wait3A_233 = arith.constant 2 : i32
    %dma_wait3A_234 = arith.constant 2 : i32
    %dma_wait3A_235 = arith.constant 0 : i32
    %dma_wait3A_236 = arith.constant 0 : i32
    %dma_wait3A_237 = tpu.memref_slice %arg7[%dma_wait3A_233, %dma_wait3A_235, %dma_wait3A_236] : memref<3x256x128xf32, #tpu.memory_space<vmem>> -> memref<1x256x128xf32, #tpu.memory_space<vmem>>
    %dma_wait3A_238 = tpu.memref_squeeze %dma_wait3A_237 : memref<1x256x128xf32, #tpu.memory_space<vmem>> -> memref<256x128xf32, #tpu.memory_space<vmem>>
    %dma_wait3A_239 = arith.constant 0 : i32
    %dma_wait3A_240 = tpu.memref_slice %arg2[%add3A_232, %dma_wait3A_239] : memref<204800x128xf32, #tpu.memory_space<hbm>> -> memref<256x128xf32, #tpu.memory_space<hbm>>
    %dma_wait3A_241 = tpu.memref_slice %arg8[%dma_wait3A_234] : memref<3x!tpu.dma_semaphore, #tpu.memory_space<semaphore_mem>> -> memref<1x!tpu.dma_semaphore, #tpu.memory_space<semaphore_mem>>
    %dma_wait3A_242 = tpu.memref_squeeze %dma_wait3A_241 : memref<1x!tpu.dma_semaphore, #tpu.memory_space<semaphore_mem>> -> memref<!tpu.dma_semaphore, #tpu.memory_space<semaphore_mem>>
    %dma_wait3A_243 = arith.constant 0 : i32
    %dma_wait3A_244 = arith.constant 0 : i32
    %dma_wait3A_245 = tpu.memref_slice %arg7[%dma_wait3A_233, %dma_wait3A_243, %dma_wait3A_244] : memref<3x256x128xf32, #tpu.memory_space<vmem>> -> memref<1x256x128xf32, #tpu.memory_space<vmem>>
    %dma_wait3A_246 = tpu.memref_squeeze %dma_wait3A_245 : memref<1x256x128xf32, #tpu.memory_space<vmem>> -> memref<256x128xf32, #tpu.memory_space<vmem>>
    %dma_wait3A_247 = arith.constant 0 : i32
    %dma_wait3A_248 = tpu.memref_slice %arg2[%add3A_232, %dma_wait3A_247] : memref<204800x128xf32, #tpu.memory_space<hbm>> -> memref<256x128xf32, #tpu.memory_space<hbm>>
    tpu.wait_dma2 semaphore(%dma_wait3A_242 : memref<!tpu.dma_semaphore, #tpu.memory_space<semaphore_mem>>) src(%dma_wait3A_248 : memref<256x128xf32, #tpu.memory_space<hbm>>) dst(%dma_wait3A_246 : memref<256x128xf32, #tpu.memory_space<vmem>>)
    %dma_start3A_249 = arith.constant 2 : i32
    %dma_start3A_250 = arith.constant 2 : i32
    %dma_start3A_251 = arith.constant 0 : i32
    %dma_start3A_252 = arith.constant 0 : i32
    %dma_start3A_253 = tpu.memref_slice %arg7[%dma_start3A_249, %dma_start3A_251, %dma_start3A_252] : memref<3x256x128xf32, #tpu.memory_space<vmem>> -> memref<1x128x128xf32, #tpu.memory_space<vmem>>
    %dma_start3A_254 = tpu.memref_squeeze %dma_start3A_253 : memref<1x128x128xf32, #tpu.memory_space<vmem>> -> memref<128x128xf32, #tpu.memory_space<vmem>>
    %dma_start3A_255 = arith.constant 512 : i32
    %dma_start3A_256 = tpu.memref_slice %arg6[%dma_start3A_255] : memref<6400xi32, #tpu.memory_space<vmem>> -> memref<128xi32, #tpu.memory_space<vmem>>
    %dma_start3A_257 = arith.constant 0 : i32
    %dma_start3A_258 = arith.constant 0 : i32
    %dma_start3A_259 = tpu.memref_slice %arg4[%dma_start3A_257, %dma_start3A_258] : memref<100000x128xf32, #tpu.memory_space<hbm>> -> memref<100000x128xf32, #tpu.memory_space<hbm>>
    %dma_start3A_260 = tpu.memref_slice %arg9[%dma_start3A_250] : memref<3x!tpu.dma_semaphore, #tpu.memory_space<semaphore_mem>> -> memref<1x!tpu.dma_semaphore, #tpu.memory_space<semaphore_mem>>
    %dma_start3A_261 = tpu.memref_squeeze %dma_start3A_260 : memref<1x!tpu.dma_semaphore, #tpu.memory_space<semaphore_mem>> -> memref<!tpu.dma_semaphore, #tpu.memory_space<semaphore_mem>>
    tpu.enqueue_indirect_dma source(%dma_start3A_259 : memref<100000x128xf32, #tpu.memory_space<hbm>>) target(%dma_start3A_254 : memref<128x128xf32, #tpu.memory_space<vmem>>) offsets(%dma_start3A_256 : memref<128xi32, #tpu.memory_space<vmem>>) semaphore(%dma_start3A_261 : memref<!tpu.dma_semaphore, #tpu.memory_space<semaphore_mem>>) {add = true}
    %dma_start3A_262 = arith.constant 2 : i32
    %dma_start3A_263 = arith.constant 2 : i32
    %dma_start3A_264 = arith.constant 128 : i32
    %dma_start3A_265 = arith.constant 0 : i32
    %dma_start3A_266 = tpu.memref_slice %arg7[%dma_start3A_262, %dma_start3A_264, %dma_start3A_265] : memref<3x256x128xf32, #tpu.memory_space<vmem>> -> memref<1x128x128xf32, #tpu.memory_space<vmem>>
    %dma_start3A_267 = tpu.memref_squeeze %dma_start3A_266 : memref<1x128x128xf32, #tpu.memory_space<vmem>> -> memref<128x128xf32, #tpu.memory_space<vmem>>
    %dma_start3A_268 = arith.constant 640 : i32
    %dma_start3A_269 = tpu.memref_slice %arg6[%dma_start3A_268] : memref<6400xi32, #tpu.memory_space<vmem>> -> memref<128xi32, #tpu.memory_space<vmem>>
    %dma_start3A_270 = arith.constant 0 : i32
    %dma_start3A_271 = arith.constant 0 : i32
    %dma_start3A_272 = tpu.memref_slice %arg4[%dma_start3A_270, %dma_start3A_271] : memref<100000x128xf32, #tpu.memory_space<hbm>> -> memref<100000x128xf32, #tpu.memory_space<hbm>>
    %dma_start3A_273 = tpu.memref_slice %arg9[%dma_start3A_263] : memref<3x!tpu.dma_semaphore, #tpu.memory_space<semaphore_mem>> -> memref<1x!tpu.dma_semaphore, #tpu.memory_space<semaphore_mem>>
    %dma_start3A_274 = tpu.memref_squeeze %dma_start3A_273 : memref<1x!tpu.dma_semaphore, #tpu.memory_space<semaphore_mem>> -> memref<!tpu.dma_semaphore, #tpu.memory_space<semaphore_mem>>
    tpu.enqueue_indirect_dma source(%dma_start3A_272 : memref<100000x128xf32, #tpu.memory_space<hbm>>) target(%dma_start3A_267 : memref<128x128xf32, #tpu.memory_space<vmem>>) offsets(%dma_start3A_269 : memref<128xi32, #tpu.memory_space<vmem>>) semaphore(%dma_start3A_274 : memref<!tpu.dma_semaphore, #tpu.memory_space<semaphore_mem>>) {add = true}
    %add3A_275 = arith.constant 0 : i32
    %add3A_276 = arith.addi %mul3A_2, %add3A_275 : i32
    %dma_wait3A_277 = arith.constant 0 : i32
    %dma_wait3A_278 = arith.constant 0 : i32
    %dma_wait3A_279 = arith.constant 0 : i32
    %dma_wait3A_280 = arith.constant 0 : i32
    %dma_wait3A_281 = tpu.memref_slice %arg7[%dma_wait3A_277, %dma_wait3A_279, %dma_wait3A_280] : memref<3x256x128xf32, #tpu.memory_space<vmem>> -> memref<1x256x128xf32, #tpu.memory_space<vmem>>
    %dma_wait3A_282 = tpu.memref_squeeze %dma_wait3A_281 : memref<1x256x128xf32, #tpu.memory_space<vmem>> -> memref<256x128xf32, #tpu.memory_space<vmem>>
    %dma_wait3A_283 = arith.constant 0 : i32
    %dma_wait3A_284 = tpu.memref_slice %arg5[%add3A_276, %dma_wait3A_283] : memref<204800x128xf32, #tpu.memory_space<hbm>> -> memref<256x128xf32, #tpu.memory_space<hbm>>
    %dma_wait3A_285 = tpu.memref_slice %arg10[%dma_wait3A_278] : memref<3x!tpu.dma_semaphore, #tpu.memory_space<semaphore_mem>> -> memref<1x!tpu.dma_semaphore, #tpu.memory_space<semaphore_mem>>
    %dma_wait3A_286 = tpu.memref_squeeze %dma_wait3A_285 : memref<1x!tpu.dma_semaphore, #tpu.memory_space<semaphore_mem>> -> memref<!tpu.dma_semaphore, #tpu.memory_space<semaphore_mem>>
    %dma_wait3A_287 = arith.constant 0 : i32
    %dma_wait3A_288 = tpu.memref_slice %arg5[%add3A_276, %dma_wait3A_287] : memref<204800x128xf32, #tpu.memory_space<hbm>> -> memref<256x128xf32, #tpu.memory_space<hbm>>
    %dma_wait3A_289 = arith.constant 0 : i32
    %dma_wait3A_290 = arith.constant 0 : i32
    %dma_wait3A_291 = tpu.memref_slice %arg7[%dma_wait3A_277, %dma_wait3A_289, %dma_wait3A_290] : memref<3x256x128xf32, #tpu.memory_space<vmem>> -> memref<1x256x128xf32, #tpu.memory_space<vmem>>
    %dma_wait3A_292 = tpu.memref_squeeze %dma_wait3A_291 : memref<1x256x128xf32, #tpu.memory_space<vmem>> -> memref<256x128xf32, #tpu.memory_space<vmem>>
    tpu.wait_dma2 semaphore(%dma_wait3A_286 : memref<!tpu.dma_semaphore, #tpu.memory_space<semaphore_mem>>) src(%dma_wait3A_292 : memref<256x128xf32, #tpu.memory_space<vmem>>) dst(%dma_wait3A_288 : memref<256x128xf32, #tpu.memory_space<hbm>>)
    %add3A_293 = arith.constant 768 : i32
    %add3A_294 = arith.addi %mul3A_2, %add3A_293 : i32
    %dma_start3A_295 = arith.constant 0 : i32
    %dma_start3A_296 = arith.constant 0 : i32
    %dma_start3A_297 = arith.constant 0 : i32
    %dma_start3A_298 = arith.constant 0 : i32
    %dma_start3A_299 = tpu.memref_slice %arg7[%dma_start3A_295, %dma_start3A_297, %dma_start3A_298] : memref<3x256x128xf32, #tpu.memory_space<vmem>> -> memref<1x256x128xf32, #tpu.memory_space<vmem>>
    %dma_start3A_300 = tpu.memref_squeeze %dma_start3A_299 : memref<1x256x128xf32, #tpu.memory_space<vmem>> -> memref<256x128xf32, #tpu.memory_space<vmem>>
    %dma_start3A_301 = arith.constant 0 : i32
    %dma_start3A_302 = tpu.memref_slice %arg2[%add3A_294, %dma_start3A_301] : memref<204800x128xf32, #tpu.memory_space<hbm>> -> memref<256x128xf32, #tpu.memory_space<hbm>>
    %dma_start3A_303 = tpu.memref_slice %arg8[%dma_start3A_296] : memref<3x!tpu.dma_semaphore, #tpu.memory_space<semaphore_mem>> -> memref<1x!tpu.dma_semaphore, #tpu.memory_space<semaphore_mem>>
    %dma_start3A_304 = tpu.memref_squeeze %dma_start3A_303 : memref<1x!tpu.dma_semaphore, #tpu.memory_space<semaphore_mem>> -> memref<!tpu.dma_semaphore, #tpu.memory_space<semaphore_mem>>
    %dma_start3A_305 = arith.constant 0 : i32
    %dma_start3A_306 = arith.constant 0 : i32
    %dma_start3A_307 = tpu.memref_slice %arg7[%dma_start3A_295, %dma_start3A_305, %dma_start3A_306] : memref<3x256x128xf32, #tpu.memory_space<vmem>> -> memref<1x256x128xf32, #tpu.memory_space<vmem>>
    %dma_start3A_308 = tpu.memref_squeeze %dma_start3A_307 : memref<1x256x128xf32, #tpu.memory_space<vmem>> -> memref<256x128xf32, #tpu.memory_space<vmem>>
    %dma_start3A_309 = arith.constant 0 : i32
    %dma_start3A_310 = tpu.memref_slice %arg2[%add3A_294, %dma_start3A_309] : memref<204800x128xf32, #tpu.memory_space<hbm>> -> memref<256x128xf32, #tpu.memory_space<hbm>>
    tpu.enqueue_dma source(%dma_start3A_310 : memref<256x128xf32, #tpu.memory_space<hbm>>) target(%dma_start3A_308 : memref<256x128xf32, #tpu.memory_space<vmem>>) target_semaphore(%dma_start3A_304 : memref<!tpu.dma_semaphore, #tpu.memory_space<semaphore_mem>>)
    %dma_wait3A_311 = arith.constant 2 : i32
    %dma_wait3A_312 = arith.constant 2 : i32
    %dma_wait3A_313 = arith.constant 0 : i32
    %dma_wait3A_314 = arith.constant 0 : i32
    %dma_wait3A_315 = tpu.memref_slice %arg7[%dma_wait3A_311, %dma_wait3A_313, %dma_wait3A_314] : memref<3x256x128xf32, #tpu.memory_space<vmem>> -> memref<1x128x128xf32, #tpu.memory_space<vmem>>
    %dma_wait3A_316 = tpu.memref_squeeze %dma_wait3A_315 : memref<1x128x128xf32, #tpu.memory_space<vmem>> -> memref<128x128xf32, #tpu.memory_space<vmem>>
    %dma_wait3A_317 = arith.constant 512 : i32
    %dma_wait3A_318 = tpu.memref_slice %arg6[%dma_wait3A_317] : memref<6400xi32, #tpu.memory_space<vmem>> -> memref<128xi32, #tpu.memory_space<vmem>>
    %dma_wait3A_319 = arith.constant 0 : i32
    %dma_wait3A_320 = arith.constant 0 : i32
    %dma_wait3A_321 = tpu.memref_slice %arg4[%dma_wait3A_319, %dma_wait3A_320] : memref<100000x128xf32, #tpu.memory_space<hbm>> -> memref<100000x128xf32, #tpu.memory_space<hbm>>
    %dma_wait3A_322 = tpu.memref_slice %arg9[%dma_wait3A_312] : memref<3x!tpu.dma_semaphore, #tpu.memory_space<semaphore_mem>> -> memref<1x!tpu.dma_semaphore, #tpu.memory_space<semaphore_mem>>
    %dma_wait3A_323 = tpu.memref_squeeze %dma_wait3A_322 : memref<1x!tpu.dma_semaphore, #tpu.memory_space<semaphore_mem>> -> memref<!tpu.dma_semaphore, #tpu.memory_space<semaphore_mem>>
    tpu.wait_indirect_dma semaphore(%dma_wait3A_323 : memref<!tpu.dma_semaphore, #tpu.memory_space<semaphore_mem>>) src(%dma_wait3A_321 : memref<100000x128xf32, #tpu.memory_space<hbm>>) dst(%dma_wait3A_316 : memref<128x128xf32, #tpu.memory_space<vmem>>)
    %dma_wait3A_324 = arith.constant 2 : i32
    %dma_wait3A_325 = arith.constant 2 : i32
    %dma_wait3A_326 = arith.constant 128 : i32
    %dma_wait3A_327 = arith.constant 0 : i32
    %dma_wait3A_328 = tpu.memref_slice %arg7[%dma_wait3A_324, %dma_wait3A_326, %dma_wait3A_327] : memref<3x256x128xf32, #tpu.memory_space<vmem>> -> memref<1x128x128xf32, #tpu.memory_space<vmem>>
    %dma_wait3A_329 = tpu.memref_squeeze %dma_wait3A_328 : memref<1x128x128xf32, #tpu.memory_space<vmem>> -> memref<128x128xf32, #tpu.memory_space<vmem>>
    %dma_wait3A_330 = arith.constant 640 : i32
    %dma_wait3A_331 = tpu.memref_slice %arg6[%dma_wait3A_330] : memref<6400xi32, #tpu.memory_space<vmem>> -> memref<128xi32, #tpu.memory_space<vmem>>
    %dma_wait3A_332 = arith.constant 0 : i32
    %dma_wait3A_333 = arith.constant 0 : i32
    %dma_wait3A_334 = tpu.memref_slice %arg4[%dma_wait3A_332, %dma_wait3A_333] : memref<100000x128xf32, #tpu.memory_space<hbm>> -> memref<100000x128xf32, #tpu.memory_space<hbm>>
    %dma_wait3A_335 = tpu.memref_slice %arg9[%dma_wait3A_325] : memref<3x!tpu.dma_semaphore, #tpu.memory_space<semaphore_mem>> -> memref<1x!tpu.dma_semaphore, #tpu.memory_space<semaphore_mem>>
    %dma_wait3A_336 = tpu.memref_squeeze %dma_wait3A_335 : memref<1x!tpu.dma_semaphore, #tpu.memory_space<semaphore_mem>> -> memref<!tpu.dma_semaphore, #tpu.memory_space<semaphore_mem>>
    tpu.wait_indirect_dma semaphore(%dma_wait3A_336 : memref<!tpu.dma_semaphore, #tpu.memory_space<semaphore_mem>>) src(%dma_wait3A_334 : memref<100000x128xf32, #tpu.memory_space<hbm>>) dst(%dma_wait3A_329 : memref<128x128xf32, #tpu.memory_space<vmem>>)
    %add3A_337 = arith.constant 512 : i32
    %add3A_338 = arith.addi %mul3A_2, %add3A_337 : i32
    %dma_start3A_339 = arith.constant 2 : i32
    %dma_start3A_340 = arith.constant 2 : i32
    %dma_start3A_341 = arith.constant 0 : i32
    %dma_start3A_342 = arith.constant 0 : i32
    %dma_start3A_343 = tpu.memref_slice %arg7[%dma_start3A_339, %dma_start3A_341, %dma_start3A_342] : memref<3x256x128xf32, #tpu.memory_space<vmem>> -> memref<1x256x128xf32, #tpu.memory_space<vmem>>
    %dma_start3A_344 = tpu.memref_squeeze %dma_start3A_343 : memref<1x256x128xf32, #tpu.memory_space<vmem>> -> memref<256x128xf32, #tpu.memory_space<vmem>>
    %dma_start3A_345 = arith.constant 0 : i32
    %dma_start3A_346 = tpu.memref_slice %arg5[%add3A_338, %dma_start3A_345] : memref<204800x128xf32, #tpu.memory_space<hbm>> -> memref<256x128xf32, #tpu.memory_space<hbm>>
    %dma_start3A_347 = tpu.memref_slice %arg10[%dma_start3A_340] : memref<3x!tpu.dma_semaphore, #tpu.memory_space<semaphore_mem>> -> memref<1x!tpu.dma_semaphore, #tpu.memory_space<semaphore_mem>>
    %dma_start3A_348 = tpu.memref_squeeze %dma_start3A_347 : memref<1x!tpu.dma_semaphore, #tpu.memory_space<semaphore_mem>> -> memref<!tpu.dma_semaphore, #tpu.memory_space<semaphore_mem>>
    %dma_start3A_349 = arith.constant 0 : i32
    %dma_start3A_350 = tpu.memref_slice %arg5[%add3A_338, %dma_start3A_349] : memref<204800x128xf32, #tpu.memory_space<hbm>> -> memref<256x128xf32, #tpu.memory_space<hbm>>
    %dma_start3A_351 = arith.constant 0 : i32
    %dma_start3A_352 = arith.constant 0 : i32
    %dma_start3A_353 = tpu.memref_slice %arg7[%dma_start3A_339, %dma_start3A_351, %dma_start3A_352] : memref<3x256x128xf32, #tpu.memory_space<vmem>> -> memref<1x256x128xf32, #tpu.memory_space<vmem>>
    %dma_start3A_354 = tpu.memref_squeeze %dma_start3A_353 : memref<1x256x128xf32, #tpu.memory_space<vmem>> -> memref<256x128xf32, #tpu.memory_space<vmem>>
    tpu.enqueue_dma source(%dma_start3A_354 : memref<256x128xf32, #tpu.memory_space<vmem>>) target(%dma_start3A_350 : memref<256x128xf32, #tpu.memory_space<hbm>>) target_semaphore(%dma_start3A_348 : memref<!tpu.dma_semaphore, #tpu.memory_space<semaphore_mem>>)
    %add3A_355 = arith.constant 768 : i32
    %add3A_356 = arith.addi %mul3A_2, %add3A_355 : i32
    %dma_wait3A_357 = arith.constant 0 : i32
    %dma_wait3A_358 = arith.constant 0 : i32
    %dma_wait3A_359 = arith.constant 0 : i32
    %dma_wait3A_360 = arith.constant 0 : i32
    %dma_wait3A_361 = tpu.memref_slice %arg7[%dma_wait3A_357, %dma_wait3A_359, %dma_wait3A_360] : memref<3x256x128xf32, #tpu.memory_space<vmem>> -> memref<1x256x128xf32, #tpu.memory_space<vmem>>
    %dma_wait3A_362 = tpu.memref_squeeze %dma_wait3A_361 : memref<1x256x128xf32, #tpu.memory_space<vmem>> -> memref<256x128xf32, #tpu.memory_space<vmem>>
    %dma_wait3A_363 = arith.constant 0 : i32
    %dma_wait3A_364 = tpu.memref_slice %arg2[%add3A_356, %dma_wait3A_363] : memref<204800x128xf32, #tpu.memory_space<hbm>> -> memref<256x128xf32, #tpu.memory_space<hbm>>
    %dma_wait3A_365 = tpu.memref_slice %arg8[%dma_wait3A_358] : memref<3x!tpu.dma_semaphore, #tpu.memory_space<semaphore_mem>> -> memref<1x!tpu.dma_semaphore, #tpu.memory_space<semaphore_mem>>
    %dma_wait3A_366 = tpu.memref_squeeze %dma_wait3A_365 : memref<1x!tpu.dma_semaphore, #tpu.memory_space<semaphore_mem>> -> memref<!tpu.dma_semaphore, #tpu.memory_space<semaphore_mem>>
    %dma_wait3A_367 = arith.constant 0 : i32
    %dma_wait3A_368 = arith.constant 0 : i32
    %dma_wait3A_369 = tpu.memref_slice %arg7[%dma_wait3A_357, %dma_wait3A_367, %dma_wait3A_368] : memref<3x256x128xf32, #tpu.memory_space<vmem>> -> memref<1x256x128xf32, #tpu.memory_space<vmem>>
    %dma_wait3A_370 = tpu.memref_squeeze %dma_wait3A_369 : memref<1x256x128xf32, #tpu.memory_space<vmem>> -> memref<256x128xf32, #tpu.memory_space<vmem>>
    %dma_wait3A_371 = arith.constant 0 : i32
    %dma_wait3A_372 = tpu.memref_slice %arg2[%add3A_356, %dma_wait3A_371] : memref<204800x128xf32, #tpu.memory_space<hbm>> -> memref<256x128xf32, #tpu.memory_space<hbm>>
    tpu.wait_dma2 semaphore(%dma_wait3A_366 : memref<!tpu.dma_semaphore, #tpu.memory_space<semaphore_mem>>) src(%dma_wait3A_372 : memref<256x128xf32, #tpu.memory_space<hbm>>) dst(%dma_wait3A_370 : memref<256x128xf32, #tpu.memory_space<vmem>>)
    %dma_start3A_373 = arith.constant 0 : i32
    %dma_start3A_374 = arith.constant 0 : i32
    %dma_start3A_375 = arith.constant 0 : i32
    %dma_start3A_376 = arith.constant 0 : i32
    %dma_start3A_377 = tpu.memref_slice %arg7[%dma_start3A_373, %dma_start3A_375, %dma_start3A_376] : memref<3x256x128xf32, #tpu.memory_space<vmem>> -> memref<1x128x128xf32, #tpu.memory_space<vmem>>
    %dma_start3A_378 = tpu.memref_squeeze %dma_start3A_377 : memref<1x128x128xf32, #tpu.memory_space<vmem>> -> memref<128x128xf32, #tpu.memory_space<vmem>>
    %dma_start3A_379 = arith.constant 768 : i32
    %dma_start3A_380 = tpu.memref_slice %arg6[%dma_start3A_379] : memref<6400xi32, #tpu.memory_space<vmem>> -> memref<128xi32, #tpu.memory_space<vmem>>
    %dma_start3A_381 = arith.constant 0 : i32
    %dma_start3A_382 = arith.constant 0 : i32
    %dma_start3A_383 = tpu.memref_slice %arg4[%dma_start3A_381, %dma_start3A_382] : memref<100000x128xf32, #tpu.memory_space<hbm>> -> memref<100000x128xf32, #tpu.memory_space<hbm>>
    %dma_start3A_384 = tpu.memref_slice %arg9[%dma_start3A_374] : memref<3x!tpu.dma_semaphore, #tpu.memory_space<semaphore_mem>> -> memref<1x!tpu.dma_semaphore, #tpu.memory_space<semaphore_mem>>
    %dma_start3A_385 = tpu.memref_squeeze %dma_start3A_384 : memref<1x!tpu.dma_semaphore, #tpu.memory_space<semaphore_mem>> -> memref<!tpu.dma_semaphore, #tpu.memory_space<semaphore_mem>>
    tpu.enqueue_indirect_dma source(%dma_start3A_383 : memref<100000x128xf32, #tpu.memory_space<hbm>>) target(%dma_start3A_378 : memref<128x128xf32, #tpu.memory_space<vmem>>) offsets(%dma_start3A_380 : memref<128xi32, #tpu.memory_space<vmem>>) semaphore(%dma_start3A_385 : memref<!tpu.dma_semaphore, #tpu.memory_space<semaphore_mem>>) {add = true}
    %dma_start3A_386 = arith.constant 0 : i32
    %dma_start3A_387 = arith.constant 0 : i32
    %dma_start3A_388 = arith.constant 128 : i32
    %dma_start3A_389 = arith.constant 0 : i32
    %dma_start3A_390 = tpu.memref_slice %arg7[%dma_start3A_386, %dma_start3A_388, %dma_start3A_389] : memref<3x256x128xf32, #tpu.memory_space<vmem>> -> memref<1x128x128xf32, #tpu.memory_space<vmem>>
    %dma_start3A_391 = tpu.memref_squeeze %dma_start3A_390 : memref<1x128x128xf32, #tpu.memory_space<vmem>> -> memref<128x128xf32, #tpu.memory_space<vmem>>
    %dma_start3A_392 = arith.constant 896 : i32
    %dma_start3A_393 = tpu.memref_slice %arg6[%dma_start3A_392] : memref<6400xi32, #tpu.memory_space<vmem>> -> memref<128xi32, #tpu.memory_space<vmem>>
    %dma_start3A_394 = arith.constant 0 : i32
    %dma_start3A_395 = arith.constant 0 : i32
    %dma_start3A_396 = tpu.memref_slice %arg4[%dma_start3A_394, %dma_start3A_395] : memref<100000x128xf32, #tpu.memory_space<hbm>> -> memref<100000x128xf32, #tpu.memory_space<hbm>>
    %dma_start3A_397 = tpu.memref_slice %arg9[%dma_start3A_387] : memref<3x!tpu.dma_semaphore, #tpu.memory_space<semaphore_mem>> -> memref<1x!tpu.dma_semaphore, #tpu.memory_space<semaphore_mem>>
    %dma_start3A_398 = tpu.memref_squeeze %dma_start3A_397 : memref<1x!tpu.dma_semaphore, #tpu.memory_space<semaphore_mem>> -> memref<!tpu.dma_semaphore, #tpu.memory_space<semaphore_mem>>
    tpu.enqueue_indirect_dma source(%dma_start3A_396 : memref<100000x128xf32, #tpu.memory_space<hbm>>) target(%dma_start3A_391 : memref<128x128xf32, #tpu.memory_space<vmem>>) offsets(%dma_start3A_393 : memref<128xi32, #tpu.memory_space<vmem>>) semaphore(%dma_start3A_398 : memref<!tpu.dma_semaphore, #tpu.memory_space<semaphore_mem>>) {add = true}
    %add3A_399 = arith.constant 256 : i32
    %add3A_400 = arith.addi %mul3A_2, %add3A_399 : i32
    %dma_wait3A_401 = arith.constant 1 : i32
    %dma_wait3A_402 = arith.constant 1 : i32
    %dma_wait3A_403 = arith.constant 0 : i32
    %dma_wait3A_404 = arith.constant 0 : i32
    %dma_wait3A_405 = tpu.memref_slice %arg7[%dma_wait3A_401, %dma_wait3A_403, %dma_wait3A_404] : memref<3x256x128xf32, #tpu.memory_space<vmem>> -> memref<1x256x128xf32, #tpu.memory_space<vmem>>
    %dma_wait3A_406 = tpu.memref_squeeze %dma_wait3A_405 : memref<1x256x128xf32, #tpu.memory_space<vmem>> -> memref<256x128xf32, #tpu.memory_space<vmem>>
    %dma_wait3A_407 = arith.constant 0 : i32
    %dma_wait3A_408 = tpu.memref_slice %arg5[%add3A_400, %dma_wait3A_407] : memref<204800x128xf32, #tpu.memory_space<hbm>> -> memref<256x128xf32, #tpu.memory_space<hbm>>
    %dma_wait3A_409 = tpu.memref_slice %arg10[%dma_wait3A_402] : memref<3x!tpu.dma_semaphore, #tpu.memory_space<semaphore_mem>> -> memref<1x!tpu.dma_semaphore, #tpu.memory_space<semaphore_mem>>
    %dma_wait3A_410 = tpu.memref_squeeze %dma_wait3A_409 : memref<1x!tpu.dma_semaphore, #tpu.memory_space<semaphore_mem>> -> memref<!tpu.dma_semaphore, #tpu.memory_space<semaphore_mem>>
    %dma_wait3A_411 = arith.constant 0 : i32
    %dma_wait3A_412 = tpu.memref_slice %arg5[%add3A_400, %dma_wait3A_411] : memref<204800x128xf32, #tpu.memory_space<hbm>> -> memref<256x128xf32, #tpu.memory_space<hbm>>
    %dma_wait3A_413 = arith.constant 0 : i32
    %dma_wait3A_414 = arith.constant 0 : i32
    %dma_wait3A_415 = tpu.memref_slice %arg7[%dma_wait3A_401, %dma_wait3A_413, %dma_wait3A_414] : memref<3x256x128xf32, #tpu.memory_space<vmem>> -> memref<1x256x128xf32, #tpu.memory_space<vmem>>
    %dma_wait3A_416 = tpu.memref_squeeze %dma_wait3A_415 : memref<1x256x128xf32, #tpu.memory_space<vmem>> -> memref<256x128xf32, #tpu.memory_space<vmem>>
    tpu.wait_dma2 semaphore(%dma_wait3A_410 : memref<!tpu.dma_semaphore, #tpu.memory_space<semaphore_mem>>) src(%dma_wait3A_416 : memref<256x128xf32, #tpu.memory_space<vmem>>) dst(%dma_wait3A_412 : memref<256x128xf32, #tpu.memory_space<hbm>>)
    %add3A_417 = arith.constant 1024 : i32
    %add3A_418 = arith.addi %mul3A_2, %add3A_417 : i32
    %dma_start3A_419 = arith.constant 1 : i32
    %dma_start3A_420 = arith.constant 1 : i32
    %dma_start3A_421 = arith.constant 0 : i32
    %dma_start3A_422 = arith.constant 0 : i32
    %dma_start3A_423 = tpu.memref_slice %arg7[%dma_start3A_419, %dma_start3A_421, %dma_start3A_422] : memref<3x256x128xf32, #tpu.memory_space<vmem>> -> memref<1x256x128xf32, #tpu.memory_space<vmem>>
    %dma_start3A_424 = tpu.memref_squeeze %dma_start3A_423 : memref<1x256x128xf32, #tpu.memory_space<vmem>> -> memref<256x128xf32, #tpu.memory_space<vmem>>
    %dma_start3A_425 = arith.constant 0 : i32
    %dma_start3A_426 = tpu.memref_slice %arg2[%add3A_418, %dma_start3A_425] : memref<204800x128xf32, #tpu.memory_space<hbm>> -> memref<256x128xf32, #tpu.memory_space<hbm>>
    %dma_start3A_427 = tpu.memref_slice %arg8[%dma_start3A_420] : memref<3x!tpu.dma_semaphore, #tpu.memory_space<semaphore_mem>> -> memref<1x!tpu.dma_semaphore, #tpu.memory_space<semaphore_mem>>
    %dma_start3A_428 = tpu.memref_squeeze %dma_start3A_427 : memref<1x!tpu.dma_semaphore, #tpu.memory_space<semaphore_mem>> -> memref<!tpu.dma_semaphore, #tpu.memory_space<semaphore_mem>>
    %dma_start3A_429 = arith.constant 0 : i32
    %dma_start3A_430 = arith.constant 0 : i32
    %dma_start3A_431 = tpu.memref_slice %arg7[%dma_start3A_419, %dma_start3A_429, %dma_start3A_430] : memref<3x256x128xf32, #tpu.memory_space<vmem>> -> memref<1x256x128xf32, #tpu.memory_space<vmem>>
    %dma_start3A_432 = tpu.memref_squeeze %dma_start3A_431 : memref<1x256x128xf32, #tpu.memory_space<vmem>> -> memref<256x128xf32, #tpu.memory_space<vmem>>
    %dma_start3A_433 = arith.constant 0 : i32
    %dma_start3A_434 = tpu.memref_slice %arg2[%add3A_418, %dma_start3A_433] : memref<204800x128xf32, #tpu.memory_space<hbm>> -> memref<256x128xf32, #tpu.memory_space<hbm>>
    tpu.enqueue_dma source(%dma_start3A_434 : memref<256x128xf32, #tpu.memory_space<hbm>>) target(%dma_start3A_432 : memref<256x128xf32, #tpu.memory_space<vmem>>) target_semaphore(%dma_start3A_428 : memref<!tpu.dma_semaphore, #tpu.memory_space<semaphore_mem>>)
    %dma_wait3A_435 = arith.constant 0 : i32
    %dma_wait3A_436 = arith.constant 0 : i32
    %dma_wait3A_437 = arith.constant 0 : i32
    %dma_wait3A_438 = arith.constant 0 : i32
    %dma_wait3A_439 = tpu.memref_slice %arg7[%dma_wait3A_435, %dma_wait3A_437, %dma_wait3A_438] : memref<3x256x128xf32, #tpu.memory_space<vmem>> -> memref<1x128x128xf32, #tpu.memory_space<vmem>>
    %dma_wait3A_440 = tpu.memref_squeeze %dma_wait3A_439 : memref<1x128x128xf32, #tpu.memory_space<vmem>> -> memref<128x128xf32, #tpu.memory_space<vmem>>
    %dma_wait3A_441 = arith.constant 768 : i32
    %dma_wait3A_442 = tpu.memref_slice %arg6[%dma_wait3A_441] : memref<6400xi32, #tpu.memory_space<vmem>> -> memref<128xi32, #tpu.memory_space<vmem>>
    %dma_wait3A_443 = arith.constant 0 : i32
    %dma_wait3A_444 = arith.constant 0 : i32
    %dma_wait3A_445 = tpu.memref_slice %arg4[%dma_wait3A_443, %dma_wait3A_444] : memref<100000x128xf32, #tpu.memory_space<hbm>> -> memref<100000x128xf32, #tpu.memory_space<hbm>>
    %dma_wait3A_446 = tpu.memref_slice %arg9[%dma_wait3A_436] : memref<3x!tpu.dma_semaphore, #tpu.memory_space<semaphore_mem>> -> memref<1x!tpu.dma_semaphore, #tpu.memory_space<semaphore_mem>>
    %dma_wait3A_447 = tpu.memref_squeeze %dma_wait3A_446 : memref<1x!tpu.dma_semaphore, #tpu.memory_space<semaphore_mem>> -> memref<!tpu.dma_semaphore, #tpu.memory_space<semaphore_mem>>
    tpu.wait_indirect_dma semaphore(%dma_wait3A_447 : memref<!tpu.dma_semaphore, #tpu.memory_space<semaphore_mem>>) src(%dma_wait3A_445 : memref<100000x128xf32, #tpu.memory_space<hbm>>) dst(%dma_wait3A_440 : memref<128x128xf32, #tpu.memory_space<vmem>>)
    %dma_wait3A_448 = arith.constant 0 : i32
    %dma_wait3A_449 = arith.constant 0 : i32
    %dma_wait3A_450 = arith.constant 128 : i32
    %dma_wait3A_451 = arith.constant 0 : i32
    %dma_wait3A_452 = tpu.memref_slice %arg7[%dma_wait3A_448, %dma_wait3A_450, %dma_wait3A_451] : memref<3x256x128xf32, #tpu.memory_space<vmem>> -> memref<1x128x128xf32, #tpu.memory_space<vmem>>
    %dma_wait3A_453 = tpu.memref_squeeze %dma_wait3A_452 : memref<1x128x128xf32, #tpu.memory_space<vmem>> -> memref<128x128xf32, #tpu.memory_space<vmem>>
    %dma_wait3A_454 = arith.constant 896 : i32
    %dma_wait3A_455 = tpu.memref_slice %arg6[%dma_wait3A_454] : memref<6400xi32, #tpu.memory_space<vmem>> -> memref<128xi32, #tpu.memory_space<vmem>>
    %dma_wait3A_456 = arith.constant 0 : i32
    %dma_wait3A_457 = arith.constant 0 : i32
    %dma_wait3A_458 = tpu.memref_slice %arg4[%dma_wait3A_456, %dma_wait3A_457] : memref<100000x128xf32, #tpu.memory_space<hbm>> -> memref<100000x128xf32, #tpu.memory_space<hbm>>
    %dma_wait3A_459 = tpu.memref_slice %arg9[%dma_wait3A_449] : memref<3x!tpu.dma_semaphore, #tpu.memory_space<semaphore_mem>> -> memref<1x!tpu.dma_semaphore, #tpu.memory_space<semaphore_mem>>
    %dma_wait3A_460 = tpu.memref_squeeze %dma_wait3A_459 : memref<1x!tpu.dma_semaphore, #tpu.memory_space<semaphore_mem>> -> memref<!tpu.dma_semaphore, #tpu.memory_space<semaphore_mem>>
    tpu.wait_indirect_dma semaphore(%dma_wait3A_460 : memref<!tpu.dma_semaphore, #tpu.memory_space<semaphore_mem>>) src(%dma_wait3A_458 : memref<100000x128xf32, #tpu.memory_space<hbm>>) dst(%dma_wait3A_453 : memref<128x128xf32, #tpu.memory_space<vmem>>)
    %add3A_461 = arith.constant 768 : i32
    %add3A_462 = arith.addi %mul3A_2, %add3A_461 : i32
    %dma_start3A_463 = arith.constant 0 : i32
    %dma_start3A_464 = arith.constant 0 : i32
    %dma_start3A_465 = arith.constant 0 : i32
    %dma_start3A_466 = arith.constant 0 : i32
    %dma_start3A_467 = tpu.memref_slice %arg7[%dma_start3A_463, %dma_start3A_465, %dma_start3A_466] : memref<3x256x128xf32, #tpu.memory_space<vmem>> -> memref<1x256x128xf32, #tpu.memory_space<vmem>>
    %dma_start3A_468 = tpu.memref_squeeze %dma_start3A_467 : memref<1x256x128xf32, #tpu.memory_space<vmem>> -> memref<256x128xf32, #tpu.memory_space<vmem>>
    %dma_start3A_469 = arith.constant 0 : i32
    %dma_start3A_470 = tpu.memref_slice %arg5[%add3A_462, %dma_start3A_469] : memref<204800x128xf32, #tpu.memory_space<hbm>> -> memref<256x128xf32, #tpu.memory_space<hbm>>
    %dma_start3A_471 = tpu.memref_slice %arg10[%dma_start3A_464] : memref<3x!tpu.dma_semaphore, #tpu.memory_space<semaphore_mem>> -> memref<1x!tpu.dma_semaphore, #tpu.memory_space<semaphore_mem>>
    %dma_start3A_472 = tpu.memref_squeeze %dma_start3A_471 : memref<1x!tpu.dma_semaphore, #tpu.memory_space<semaphore_mem>> -> memref<!tpu.dma_semaphore, #tpu.memory_space<semaphore_mem>>
    %dma_start3A_473 = arith.constant 0 : i32
    %dma_start3A_474 = tpu.memref_slice %arg5[%add3A_462, %dma_start3A_473] : memref<204800x128xf32, #tpu.memory_space<hbm>> -> memref<256x128xf32, #tpu.memory_space<hbm>>
    %dma_start3A_475 = arith.constant 0 : i32
    %dma_start3A_476 = arith.constant 0 : i32
    %dma_start3A_477 = tpu.memref_slice %arg7[%dma_start3A_463, %dma_start3A_475, %dma_start3A_476] : memref<3x256x128xf32, #tpu.memory_space<vmem>> -> memref<1x256x128xf32, #tpu.memory_space<vmem>>
    %dma_start3A_478 = tpu.memref_squeeze %dma_start3A_477 : memref<1x256x128xf32, #tpu.memory_space<vmem>> -> memref<256x128xf32, #tpu.memory_space<vmem>>
    tpu.enqueue_dma source(%dma_start3A_478 : memref<256x128xf32, #tpu.memory_space<vmem>>) target(%dma_start3A_474 : memref<256x128xf32, #tpu.memory_space<hbm>>) target_semaphore(%dma_start3A_472 : memref<!tpu.dma_semaphore, #tpu.memory_space<semaphore_mem>>)
    %add3A_479 = arith.constant 1024 : i32
    %add3A_480 = arith.addi %mul3A_2, %add3A_479 : i32
    %dma_wait3A_481 = arith.constant 1 : i32
    %dma_wait3A_482 = arith.constant 1 : i32
    %dma_wait3A_483 = arith.constant 0 : i32
    %dma_wait3A_484 = arith.constant 0 : i32
    %dma_wait3A_485 = tpu.memref_slice %arg7[%dma_wait3A_481, %dma_wait3A_483, %dma_wait3A_484] : memref<3x256x128xf32, #tpu.memory_space<vmem>> -> memref<1x256x128xf32, #tpu.memory_space<vmem>>
    %dma_wait3A_486 = tpu.memref_squeeze %dma_wait3A_485 : memref<1x256x128xf32, #tpu.memory_space<vmem>> -> memref<256x128xf32, #tpu.memory_space<vmem>>
    %dma_wait3A_487 = arith.constant 0 : i32
    %dma_wait3A_488 = tpu.memref_slice %arg2[%add3A_480, %dma_wait3A_487] : memref<204800x128xf32, #tpu.memory_space<hbm>> -> memref<256x128xf32, #tpu.memory_space<hbm>>
    %dma_wait3A_489 = tpu.memref_slice %arg8[%dma_wait3A_482] : memref<3x!tpu.dma_semaphore, #tpu.memory_space<semaphore_mem>> -> memref<1x!tpu.dma_semaphore, #tpu.memory_space<semaphore_mem>>
    %dma_wait3A_490 = tpu.memref_squeeze %dma_wait3A_489 : memref<1x!tpu.dma_semaphore, #tpu.memory_space<semaphore_mem>> -> memref<!tpu.dma_semaphore, #tpu.memory_space<semaphore_mem>>
    %dma_wait3A_491 = arith.constant 0 : i32
    %dma_wait3A_492 = arith.constant 0 : i32
    %dma_wait3A_493 = tpu.memref_slice %arg7[%dma_wait3A_481, %dma_wait3A_491, %dma_wait3A_492] : memref<3x256x128xf32, #tpu.memory_space<vmem>> -> memref<1x256x128xf32, #tpu.memory_space<vmem>>
    %dma_wait3A_494 = tpu.memref_squeeze %dma_wait3A_493 : memref<1x256x128xf32, #tpu.memory_space<vmem>> -> memref<256x128xf32, #tpu.memory_space<vmem>>
    %dma_wait3A_495 = arith.constant 0 : i32
    %dma_wait3A_496 = tpu.memref_slice %arg2[%add3A_480, %dma_wait3A_495] : memref<204800x128xf32, #tpu.memory_space<hbm>> -> memref<256x128xf32, #tpu.memory_space<hbm>>
    tpu.wait_dma2 semaphore(%dma_wait3A_490 : memref<!tpu.dma_semaphore, #tpu.memory_space<semaphore_mem>>) src(%dma_wait3A_496 : memref<256x128xf32, #tpu.memory_space<hbm>>) dst(%dma_wait3A_494 : memref<256x128xf32, #tpu.memory_space<vmem>>)
    %dma_start3A_497 = arith.constant 1 : i32
    %dma_start3A_498 = arith.constant 1 : i32
    %dma_start3A_499 = arith.constant 0 : i32
    %dma_start3A_500 = arith.constant 0 : i32
    %dma_start3A_501 = tpu.memref_slice %arg7[%dma_start3A_497, %dma_start3A_499, %dma_start3A_500] : memref<3x256x128xf32, #tpu.memory_space<vmem>> -> memref<1x128x128xf32, #tpu.memory_space<vmem>>
    %dma_start3A_502 = tpu.memref_squeeze %dma_start3A_501 : memref<1x128x128xf32, #tpu.memory_space<vmem>> -> memref<128x128xf32, #tpu.memory_space<vmem>>
    %dma_start3A_503 = arith.constant 1024 : i32
    %dma_start3A_504 = tpu.memref_slice %arg6[%dma_start3A_503] : memref<6400xi32, #tpu.memory_space<vmem>> -> memref<128xi32, #tpu.memory_space<vmem>>
    %dma_start3A_505 = arith.constant 0 : i32
    %dma_start3A_506 = arith.constant 0 : i32
    %dma_start3A_507 = tpu.memref_slice %arg4[%dma_start3A_505, %dma_start3A_506] : memref<100000x128xf32, #tpu.memory_space<hbm>> -> memref<100000x128xf32, #tpu.memory_space<hbm>>
    %dma_start3A_508 = tpu.memref_slice %arg9[%dma_start3A_498] : memref<3x!tpu.dma_semaphore, #tpu.memory_space<semaphore_mem>> -> memref<1x!tpu.dma_semaphore, #tpu.memory_space<semaphore_mem>>
    %dma_start3A_509 = tpu.memref_squeeze %dma_start3A_508 : memref<1x!tpu.dma_semaphore, #tpu.memory_space<semaphore_mem>> -> memref<!tpu.dma_semaphore, #tpu.memory_space<semaphore_mem>>
    tpu.enqueue_indirect_dma source(%dma_start3A_507 : memref<100000x128xf32, #tpu.memory_space<hbm>>) target(%dma_start3A_502 : memref<128x128xf32, #tpu.memory_space<vmem>>) offsets(%dma_start3A_504 : memref<128xi32, #tpu.memory_space<vmem>>) semaphore(%dma_start3A_509 : memref<!tpu.dma_semaphore, #tpu.memory_space<semaphore_mem>>) {add = true}
    %dma_start3A_510 = arith.constant 1 : i32
    %dma_start3A_511 = arith.constant 1 : i32
    %dma_start3A_512 = arith.constant 128 : i32
    %dma_start3A_513 = arith.constant 0 : i32
    %dma_start3A_514 = tpu.memref_slice %arg7[%dma_start3A_510, %dma_start3A_512, %dma_start3A_513] : memref<3x256x128xf32, #tpu.memory_space<vmem>> -> memref<1x128x128xf32, #tpu.memory_space<vmem>>
    %dma_start3A_515 = tpu.memref_squeeze %dma_start3A_514 : memref<1x128x128xf32, #tpu.memory_space<vmem>> -> memref<128x128xf32, #tpu.memory_space<vmem>>
    %dma_start3A_516 = arith.constant 1152 : i32
    %dma_start3A_517 = tpu.memref_slice %arg6[%dma_start3A_516] : memref<6400xi32, #tpu.memory_space<vmem>> -> memref<128xi32, #tpu.memory_space<vmem>>
    %dma_start3A_518 = arith.constant 0 : i32
    %dma_start3A_519 = arith.constant 0 : i32
    %dma_start3A_520 = tpu.memref_slice %arg4[%dma_start3A_518, %dma_start3A_519] : memref<100000x128xf32, #tpu.memory_space<hbm>> -> memref<100000x128xf32, #tpu.memory_space<hbm>>
    %dma_start3A_521 = tpu.memref_slice %arg9[%dma_start3A_511] : memref<3x!tpu.dma_semaphore, #tpu.memory_space<semaphore_mem>> -> memref<1x!tpu.dma_semaphore, #tpu.memory_space<semaphore_mem>>
    %dma_start3A_522 = tpu.memref_squeeze %dma_start3A_521 : memref<1x!tpu.dma_semaphore, #tpu.memory_space<semaphore_mem>> -> memref<!tpu.dma_semaphore, #tpu.memory_space<semaphore_mem>>
    tpu.enqueue_indirect_dma source(%dma_start3A_520 : memref<100000x128xf32, #tpu.memory_space<hbm>>) target(%dma_start3A_515 : memref<128x128xf32, #tpu.memory_space<vmem>>) offsets(%dma_start3A_517 : memref<128xi32, #tpu.memory_space<vmem>>) semaphore(%dma_start3A_522 : memref<!tpu.dma_semaphore, #tpu.memory_space<semaphore_mem>>) {add = true}
    %add3A_523 = arith.constant 512 : i32
    %add3A_524 = arith.addi %mul3A_2, %add3A_523 : i32
    %dma_wait3A_525 = arith.constant 2 : i32
    %dma_wait3A_526 = arith.constant 2 : i32
    %dma_wait3A_527 = arith.constant 0 : i32
    %dma_wait3A_528 = arith.constant 0 : i32
    %dma_wait3A_529 = tpu.memref_slice %arg7[%dma_wait3A_525, %dma_wait3A_527, %dma_wait3A_528] : memref<3x256x128xf32, #tpu.memory_space<vmem>> -> memref<1x256x128xf32, #tpu.memory_space<vmem>>
    %dma_wait3A_530 = tpu.memref_squeeze %dma_wait3A_529 : memref<1x256x128xf32, #tpu.memory_space<vmem>> -> memref<256x128xf32, #tpu.memory_space<vmem>>
    %dma_wait3A_531 = arith.constant 0 : i32
    %dma_wait3A_532 = tpu.memref_slice %arg5[%add3A_524, %dma_wait3A_531] : memref<204800x128xf32, #tpu.memory_space<hbm>> -> memref<256x128xf32, #tpu.memory_space<hbm>>
    %dma_wait3A_533 = tpu.memref_slice %arg10[%dma_wait3A_526] : memref<3x!tpu.dma_semaphore, #tpu.memory_space<semaphore_mem>> -> memref<1x!tpu.dma_semaphore, #tpu.memory_space<semaphore_mem>>
    %dma_wait3A_534 = tpu.memref_squeeze %dma_wait3A_533 : memref<1x!tpu.dma_semaphore, #tpu.memory_space<semaphore_mem>> -> memref<!tpu.dma_semaphore, #tpu.memory_space<semaphore_mem>>
    %dma_wait3A_535 = arith.constant 0 : i32
    %dma_wait3A_536 = tpu.memref_slice %arg5[%add3A_524, %dma_wait3A_535] : memref<204800x128xf32, #tpu.memory_space<hbm>> -> memref<256x128xf32, #tpu.memory_space<hbm>>
    %dma_wait3A_537 = arith.constant 0 : i32
    %dma_wait3A_538 = arith.constant 0 : i32
    %dma_wait3A_539 = tpu.memref_slice %arg7[%dma_wait3A_525, %dma_wait3A_537, %dma_wait3A_538] : memref<3x256x128xf32, #tpu.memory_space<vmem>> -> memref<1x256x128xf32, #tpu.memory_space<vmem>>
    %dma_wait3A_540 = tpu.memref_squeeze %dma_wait3A_539 : memref<1x256x128xf32, #tpu.memory_space<vmem>> -> memref<256x128xf32, #tpu.memory_space<vmem>>
    tpu.wait_dma2 semaphore(%dma_wait3A_534 : memref<!tpu.dma_semaphore, #tpu.memory_space<semaphore_mem>>) src(%dma_wait3A_540 : memref<256x128xf32, #tpu.memory_space<vmem>>) dst(%dma_wait3A_536 : memref<256x128xf32, #tpu.memory_space<hbm>>)
    %add3A_541 = arith.constant 1280 : i32
    %add3A_542 = arith.addi %mul3A_2, %add3A_541 : i32
    %dma_start3A_543 = arith.constant 2 : i32
    %dma_start3A_544 = arith.constant 2 : i32
    %dma_start3A_545 = arith.constant 0 : i32
    %dma_start3A_546 = arith.constant 0 : i32
    %dma_start3A_547 = tpu.memref_slice %arg7[%dma_start3A_543, %dma_start3A_545, %dma_start3A_546] : memref<3x256x128xf32, #tpu.memory_space<vmem>> -> memref<1x256x128xf32, #tpu.memory_space<vmem>>
    %dma_start3A_548 = tpu.memref_squeeze %dma_start3A_547 : memref<1x256x128xf32, #tpu.memory_space<vmem>> -> memref<256x128xf32, #tpu.memory_space<vmem>>
    %dma_start3A_549 = arith.constant 0 : i32
    %dma_start3A_550 = tpu.memref_slice %arg2[%add3A_542, %dma_start3A_549] : memref<204800x128xf32, #tpu.memory_space<hbm>> -> memref<256x128xf32, #tpu.memory_space<hbm>>
    %dma_start3A_551 = tpu.memref_slice %arg8[%dma_start3A_544] : memref<3x!tpu.dma_semaphore, #tpu.memory_space<semaphore_mem>> -> memref<1x!tpu.dma_semaphore, #tpu.memory_space<semaphore_mem>>
    %dma_start3A_552 = tpu.memref_squeeze %dma_start3A_551 : memref<1x!tpu.dma_semaphore, #tpu.memory_space<semaphore_mem>> -> memref<!tpu.dma_semaphore, #tpu.memory_space<semaphore_mem>>
    %dma_start3A_553 = arith.constant 0 : i32
    %dma_start3A_554 = arith.constant 0 : i32
    %dma_start3A_555 = tpu.memref_slice %arg7[%dma_start3A_543, %dma_start3A_553, %dma_start3A_554] : memref<3x256x128xf32, #tpu.memory_space<vmem>> -> memref<1x256x128xf32, #tpu.memory_space<vmem>>
    %dma_start3A_556 = tpu.memref_squeeze %dma_start3A_555 : memref<1x256x128xf32, #tpu.memory_space<vmem>> -> memref<256x128xf32, #tpu.memory_space<vmem>>
    %dma_start3A_557 = arith.constant 0 : i32
    %dma_start3A_558 = tpu.memref_slice %arg2[%add3A_542, %dma_start3A_557] : memref<204800x128xf32, #tpu.memory_space<hbm>> -> memref<256x128xf32, #tpu.memory_space<hbm>>
    tpu.enqueue_dma source(%dma_start3A_558 : memref<256x128xf32, #tpu.memory_space<hbm>>) target(%dma_start3A_556 : memref<256x128xf32, #tpu.memory_space<vmem>>) target_semaphore(%dma_start3A_552 : memref<!tpu.dma_semaphore, #tpu.memory_space<semaphore_mem>>)
    %dma_wait3A_559 = arith.constant 1 : i32
    %dma_wait3A_560 = arith.constant 1 : i32
    %dma_wait3A_561 = arith.constant 0 : i32
    %dma_wait3A_562 = arith.constant 0 : i32
    %dma_wait3A_563 = tpu.memref_slice %arg7[%dma_wait3A_559, %dma_wait3A_561, %dma_wait3A_562] : memref<3x256x128xf32, #tpu.memory_space<vmem>> -> memref<1x128x128xf32, #tpu.memory_space<vmem>>
    %dma_wait3A_564 = tpu.memref_squeeze %dma_wait3A_563 : memref<1x128x128xf32, #tpu.memory_space<vmem>> -> memref<128x128xf32, #tpu.memory_space<vmem>>
    %dma_wait3A_565 = arith.constant 1024 : i32
    %dma_wait3A_566 = tpu.memref_slice %arg6[%dma_wait3A_565] : memref<6400xi32, #tpu.memory_space<vmem>> -> memref<128xi32, #tpu.memory_space<vmem>>
    %dma_wait3A_567 = arith.constant 0 : i32
    %dma_wait3A_568 = arith.constant 0 : i32
    %dma_wait3A_569 = tpu.memref_slice %arg4[%dma_wait3A_567, %dma_wait3A_568] : memref<100000x128xf32, #tpu.memory_space<hbm>> -> memref<100000x128xf32, #tpu.memory_space<hbm>>
    %dma_wait3A_570 = tpu.memref_slice %arg9[%dma_wait3A_560] : memref<3x!tpu.dma_semaphore, #tpu.memory_space<semaphore_mem>> -> memref<1x!tpu.dma_semaphore, #tpu.memory_space<semaphore_mem>>
    %dma_wait3A_571 = tpu.memref_squeeze %dma_wait3A_570 : memref<1x!tpu.dma_semaphore, #tpu.memory_space<semaphore_mem>> -> memref<!tpu.dma_semaphore, #tpu.memory_space<semaphore_mem>>
    tpu.wait_indirect_dma semaphore(%dma_wait3A_571 : memref<!tpu.dma_semaphore, #tpu.memory_space<semaphore_mem>>) src(%dma_wait3A_569 : memref<100000x128xf32, #tpu.memory_space<hbm>>) dst(%dma_wait3A_564 : memref<128x128xf32, #tpu.memory_space<vmem>>)
    %dma_wait3A_572 = arith.constant 1 : i32
    %dma_wait3A_573 = arith.constant 1 : i32
    %dma_wait3A_574 = arith.constant 128 : i32
    %dma_wait3A_575 = arith.constant 0 : i32
    %dma_wait3A_576 = tpu.memref_slice %arg7[%dma_wait3A_572, %dma_wait3A_574, %dma_wait3A_575] : memref<3x256x128xf32, #tpu.memory_space<vmem>> -> memref<1x128x128xf32, #tpu.memory_space<vmem>>
    %dma_wait3A_577 = tpu.memref_squeeze %dma_wait3A_576 : memref<1x128x128xf32, #tpu.memory_space<vmem>> -> memref<128x128xf32, #tpu.memory_space<vmem>>
    %dma_wait3A_578 = arith.constant 1152 : i32
    %dma_wait3A_579 = tpu.memref_slice %arg6[%dma_wait3A_578] : memref<6400xi32, #tpu.memory_space<vmem>> -> memref<128xi32, #tpu.memory_space<vmem>>
    %dma_wait3A_580 = arith.constant 0 : i32
    %dma_wait3A_581 = arith.constant 0 : i32
    %dma_wait3A_582 = tpu.memref_slice %arg4[%dma_wait3A_580, %dma_wait3A_581] : memref<100000x128xf32, #tpu.memory_space<hbm>> -> memref<100000x128xf32, #tpu.memory_space<hbm>>
    %dma_wait3A_583 = tpu.memref_slice %arg9[%dma_wait3A_573] : memref<3x!tpu.dma_semaphore, #tpu.memory_space<semaphore_mem>> -> memref<1x!tpu.dma_semaphore, #tpu.memory_space<semaphore_mem>>
    %dma_wait3A_584 = tpu.memref_squeeze %dma_wait3A_583 : memref<1x!tpu.dma_semaphore, #tpu.memory_space<semaphore_mem>> -> memref<!tpu.dma_semaphore, #tpu.memory_space<semaphore_mem>>
    tpu.wait_indirect_dma semaphore(%dma_wait3A_584 : memref<!tpu.dma_semaphore, #tpu.memory_space<semaphore_mem>>) src(%dma_wait3A_582 : memref<100000x128xf32, #tpu.memory_space<hbm>>) dst(%dma_wait3A_577 : memref<128x128xf32, #tpu.memory_space<vmem>>)
    %add3A_585 = arith.constant 1024 : i32
    %add3A_586 = arith.addi %mul3A_2, %add3A_585 : i32
    %dma_start3A_587 = arith.constant 1 : i32
    %dma_start3A_588 = arith.constant 1 : i32
    %dma_start3A_589 = arith.constant 0 : i32
    %dma_start3A_590 = arith.constant 0 : i32
    %dma_start3A_591 = tpu.memref_slice %arg7[%dma_start3A_587, %dma_start3A_589, %dma_start3A_590] : memref<3x256x128xf32, #tpu.memory_space<vmem>> -> memref<1x256x128xf32, #tpu.memory_space<vmem>>
    %dma_start3A_592 = tpu.memref_squeeze %dma_start3A_591 : memref<1x256x128xf32, #tpu.memory_space<vmem>> -> memref<256x128xf32, #tpu.memory_space<vmem>>
    %dma_start3A_593 = arith.constant 0 : i32
    %dma_start3A_594 = tpu.memref_slice %arg5[%add3A_586, %dma_start3A_593] : memref<204800x128xf32, #tpu.memory_space<hbm>> -> memref<256x128xf32, #tpu.memory_space<hbm>>
    %dma_start3A_595 = tpu.memref_slice %arg10[%dma_start3A_588] : memref<3x!tpu.dma_semaphore, #tpu.memory_space<semaphore_mem>> -> memref<1x!tpu.dma_semaphore, #tpu.memory_space<semaphore_mem>>
    %dma_start3A_596 = tpu.memref_squeeze %dma_start3A_595 : memref<1x!tpu.dma_semaphore, #tpu.memory_space<semaphore_mem>> -> memref<!tpu.dma_semaphore, #tpu.memory_space<semaphore_mem>>
    %dma_start3A_597 = arith.constant 0 : i32
    %dma_start3A_598 = tpu.memref_slice %arg5[%add3A_586, %dma_start3A_597] : memref<204800x128xf32, #tpu.memory_space<hbm>> -> memref<256x128xf32, #tpu.memory_space<hbm>>
    %dma_start3A_599 = arith.constant 0 : i32
    %dma_start3A_600 = arith.constant 0 : i32
    %dma_start3A_601 = tpu.memref_slice %arg7[%dma_start3A_587, %dma_start3A_599, %dma_start3A_600] : memref<3x256x128xf32, #tpu.memory_space<vmem>> -> memref<1x256x128xf32, #tpu.memory_space<vmem>>
    %dma_start3A_602 = tpu.memref_squeeze %dma_start3A_601 : memref<1x256x128xf32, #tpu.memory_space<vmem>> -> memref<256x128xf32, #tpu.memory_space<vmem>>
    tpu.enqueue_dma source(%dma_start3A_602 : memref<256x128xf32, #tpu.memory_space<vmem>>) target(%dma_start3A_598 : memref<256x128xf32, #tpu.memory_space<hbm>>) target_semaphore(%dma_start3A_596 : memref<!tpu.dma_semaphore, #tpu.memory_space<semaphore_mem>>)
    %add3A_603 = arith.constant 1280 : i32
    %add3A_604 = arith.addi %mul3A_2, %add3A_603 : i32
    %dma_wait3A_605 = arith.constant 2 : i32
    %dma_wait3A_606 = arith.constant 2 : i32
    %dma_wait3A_607 = arith.constant 0 : i32
    %dma_wait3A_608 = arith.constant 0 : i32
    %dma_wait3A_609 = tpu.memref_slice %arg7[%dma_wait3A_605, %dma_wait3A_607, %dma_wait3A_608] : memref<3x256x128xf32, #tpu.memory_space<vmem>> -> memref<1x256x128xf32, #tpu.memory_space<vmem>>
    %dma_wait3A_610 = tpu.memref_squeeze %dma_wait3A_609 : memref<1x256x128xf32, #tpu.memory_space<vmem>> -> memref<256x128xf32, #tpu.memory_space<vmem>>
    %dma_wait3A_611 = arith.constant 0 : i32
    %dma_wait3A_612 = tpu.memref_slice %arg2[%add3A_604, %dma_wait3A_611] : memref<204800x128xf32, #tpu.memory_space<hbm>> -> memref<256x128xf32, #tpu.memory_space<hbm>>
    %dma_wait3A_613 = tpu.memref_slice %arg8[%dma_wait3A_606] : memref<3x!tpu.dma_semaphore, #tpu.memory_space<semaphore_mem>> -> memref<1x!tpu.dma_semaphore, #tpu.memory_space<semaphore_mem>>
    %dma_wait3A_614 = tpu.memref_squeeze %dma_wait3A_613 : memref<1x!tpu.dma_semaphore, #tpu.memory_space<semaphore_mem>> -> memref<!tpu.dma_semaphore, #tpu.memory_space<semaphore_mem>>
    %dma_wait3A_615 = arith.constant 0 : i32
    %dma_wait3A_616 = arith.constant 0 : i32
    %dma_wait3A_617 = tpu.memref_slice %arg7[%dma_wait3A_605, %dma_wait3A_615, %dma_wait3A_616] : memref<3x256x128xf32, #tpu.memory_space<vmem>> -> memref<1x256x128xf32, #tpu.memory_space<vmem>>
    %dma_wait3A_618 = tpu.memref_squeeze %dma_wait3A_617 : memref<1x256x128xf32, #tpu.memory_space<vmem>> -> memref<256x128xf32, #tpu.memory_space<vmem>>
    %dma_wait3A_619 = arith.constant 0 : i32
    %dma_wait3A_620 = tpu.memref_slice %arg2[%add3A_604, %dma_wait3A_619] : memref<204800x128xf32, #tpu.memory_space<hbm>> -> memref<256x128xf32, #tpu.memory_space<hbm>>
    tpu.wait_dma2 semaphore(%dma_wait3A_614 : memref<!tpu.dma_semaphore, #tpu.memory_space<semaphore_mem>>) src(%dma_wait3A_620 : memref<256x128xf32, #tpu.memory_space<hbm>>) dst(%dma_wait3A_618 : memref<256x128xf32, #tpu.memory_space<vmem>>)
    %dma_start3A_621 = arith.constant 2 : i32
    %dma_start3A_622 = arith.constant 2 : i32
    %dma_start3A_623 = arith.constant 0 : i32
    %dma_start3A_624 = arith.constant 0 : i32
    %dma_start3A_625 = tpu.memref_slice %arg7[%dma_start3A_621, %dma_start3A_623, %dma_start3A_624] : memref<3x256x128xf32, #tpu.memory_space<vmem>> -> memref<1x128x128xf32, #tpu.memory_space<vmem>>
    %dma_start3A_626 = tpu.memref_squeeze %dma_start3A_625 : memref<1x128x128xf32, #tpu.memory_space<vmem>> -> memref<128x128xf32, #tpu.memory_space<vmem>>
    %dma_start3A_627 = arith.constant 1280 : i32
    %dma_start3A_628 = tpu.memref_slice %arg6[%dma_start3A_627] : memref<6400xi32, #tpu.memory_space<vmem>> -> memref<128xi32, #tpu.memory_space<vmem>>
    %dma_start3A_629 = arith.constant 0 : i32
    %dma_start3A_630 = arith.constant 0 : i32
    %dma_start3A_631 = tpu.memref_slice %arg4[%dma_start3A_629, %dma_start3A_630] : memref<100000x128xf32, #tpu.memory_space<hbm>> -> memref<100000x128xf32, #tpu.memory_space<hbm>>
    %dma_start3A_632 = tpu.memref_slice %arg9[%dma_start3A_622] : memref<3x!tpu.dma_semaphore, #tpu.memory_space<semaphore_mem>> -> memref<1x!tpu.dma_semaphore, #tpu.memory_space<semaphore_mem>>
    %dma_start3A_633 = tpu.memref_squeeze %dma_start3A_632 : memref<1x!tpu.dma_semaphore, #tpu.memory_space<semaphore_mem>> -> memref<!tpu.dma_semaphore, #tpu.memory_space<semaphore_mem>>
    tpu.enqueue_indirect_dma source(%dma_start3A_631 : memref<100000x128xf32, #tpu.memory_space<hbm>>) target(%dma_start3A_626 : memref<128x128xf32, #tpu.memory_space<vmem>>) offsets(%dma_start3A_628 : memref<128xi32, #tpu.memory_space<vmem>>) semaphore(%dma_start3A_633 : memref<!tpu.dma_semaphore, #tpu.memory_space<semaphore_mem>>) {add = true}
    %dma_start3A_634 = arith.constant 2 : i32
    %dma_start3A_635 = arith.constant 2 : i32
    %dma_start3A_636 = arith.constant 128 : i32
    %dma_start3A_637 = arith.constant 0 : i32
    %dma_start3A_638 = tpu.memref_slice %arg7[%dma_start3A_634, %dma_start3A_636, %dma_start3A_637] : memref<3x256x128xf32, #tpu.memory_space<vmem>> -> memref<1x128x128xf32, #tpu.memory_space<vmem>>
    %dma_start3A_639 = tpu.memref_squeeze %dma_start3A_638 : memref<1x128x128xf32, #tpu.memory_space<vmem>> -> memref<128x128xf32, #tpu.memory_space<vmem>>
    %dma_start3A_640 = arith.constant 1408 : i32
    %dma_start3A_641 = tpu.memref_slice %arg6[%dma_start3A_640] : memref<6400xi32, #tpu.memory_space<vmem>> -> memref<128xi32, #tpu.memory_space<vmem>>
    %dma_start3A_642 = arith.constant 0 : i32
    %dma_start3A_643 = arith.constant 0 : i32
    %dma_start3A_644 = tpu.memref_slice %arg4[%dma_start3A_642, %dma_start3A_643] : memref<100000x128xf32, #tpu.memory_space<hbm>> -> memref<100000x128xf32, #tpu.memory_space<hbm>>
    %dma_start3A_645 = tpu.memref_slice %arg9[%dma_start3A_635] : memref<3x!tpu.dma_semaphore, #tpu.memory_space<semaphore_mem>> -> memref<1x!tpu.dma_semaphore, #tpu.memory_space<semaphore_mem>>
    %dma_start3A_646 = tpu.memref_squeeze %dma_start3A_645 : memref<1x!tpu.dma_semaphore, #tpu.memory_space<semaphore_mem>> -> memref<!tpu.dma_semaphore, #tpu.memory_space<semaphore_mem>>
    tpu.enqueue_indirect_dma source(%dma_start3A_644 : memref<100000x128xf32, #tpu.memory_space<hbm>>) target(%dma_start3A_639 : memref<128x128xf32, #tpu.memory_space<vmem>>) offsets(%dma_start3A_641 : memref<128xi32, #tpu.memory_space<vmem>>) semaphore(%dma_start3A_646 : memref<!tpu.dma_semaphore, #tpu.memory_space<semaphore_mem>>) {add = true}
    %add3A_647 = arith.constant 768 : i32
    %add3A_648 = arith.addi %mul3A_2, %add3A_647 : i32
    %dma_wait3A_649 = arith.constant 0 : i32
    %dma_wait3A_650 = arith.constant 0 : i32
    %dma_wait3A_651 = arith.constant 0 : i32
    %dma_wait3A_652 = arith.constant 0 : i32
    %dma_wait3A_653 = tpu.memref_slice %arg7[%dma_wait3A_649, %dma_wait3A_651, %dma_wait3A_652] : memref<3x256x128xf32, #tpu.memory_space<vmem>> -> memref<1x256x128xf32, #tpu.memory_space<vmem>>
    %dma_wait3A_654 = tpu.memref_squeeze %dma_wait3A_653 : memref<1x256x128xf32, #tpu.memory_space<vmem>> -> memref<256x128xf32, #tpu.memory_space<vmem>>
    %dma_wait3A_655 = arith.constant 0 : i32
    %dma_wait3A_656 = tpu.memref_slice %arg5[%add3A_648, %dma_wait3A_655] : memref<204800x128xf32, #tpu.memory_space<hbm>> -> memref<256x128xf32, #tpu.memory_space<hbm>>
    %dma_wait3A_657 = tpu.memref_slice %arg10[%dma_wait3A_650] : memref<3x!tpu.dma_semaphore, #tpu.memory_space<semaphore_mem>> -> memref<1x!tpu.dma_semaphore, #tpu.memory_space<semaphore_mem>>
    %dma_wait3A_658 = tpu.memref_squeeze %dma_wait3A_657 : memref<1x!tpu.dma_semaphore, #tpu.memory_space<semaphore_mem>> -> memref<!tpu.dma_semaphore, #tpu.memory_space<semaphore_mem>>
    %dma_wait3A_659 = arith.constant 0 : i32
    %dma_wait3A_660 = tpu.memref_slice %arg5[%add3A_648, %dma_wait3A_659] : memref<204800x128xf32, #tpu.memory_space<hbm>> -> memref<256x128xf32, #tpu.memory_space<hbm>>
    %dma_wait3A_661 = arith.constant 0 : i32
    %dma_wait3A_662 = arith.constant 0 : i32
    %dma_wait3A_663 = tpu.memref_slice %arg7[%dma_wait3A_649, %dma_wait3A_661, %dma_wait3A_662] : memref<3x256x128xf32, #tpu.memory_space<vmem>> -> memref<1x256x128xf32, #tpu.memory_space<vmem>>
    %dma_wait3A_664 = tpu.memref_squeeze %dma_wait3A_663 : memref<1x256x128xf32, #tpu.memory_space<vmem>> -> memref<256x128xf32, #tpu.memory_space<vmem>>
    tpu.wait_dma2 semaphore(%dma_wait3A_658 : memref<!tpu.dma_semaphore, #tpu.memory_space<semaphore_mem>>) src(%dma_wait3A_664 : memref<256x128xf32, #tpu.memory_space<vmem>>) dst(%dma_wait3A_660 : memref<256x128xf32, #tpu.memory_space<hbm>>)
    %add3A_665 = arith.constant 1536 : i32
    %add3A_666 = arith.addi %mul3A_2, %add3A_665 : i32
    %dma_start3A_667 = arith.constant 0 : i32
    %dma_start3A_668 = arith.constant 0 : i32
    %dma_start3A_669 = arith.constant 0 : i32
    %dma_start3A_670 = arith.constant 0 : i32
    %dma_start3A_671 = tpu.memref_slice %arg7[%dma_start3A_667, %dma_start3A_669, %dma_start3A_670] : memref<3x256x128xf32, #tpu.memory_space<vmem>> -> memref<1x256x128xf32, #tpu.memory_space<vmem>>
    %dma_start3A_672 = tpu.memref_squeeze %dma_start3A_671 : memref<1x256x128xf32, #tpu.memory_space<vmem>> -> memref<256x128xf32, #tpu.memory_space<vmem>>
    %dma_start3A_673 = arith.constant 0 : i32
    %dma_start3A_674 = tpu.memref_slice %arg2[%add3A_666, %dma_start3A_673] : memref<204800x128xf32, #tpu.memory_space<hbm>> -> memref<256x128xf32, #tpu.memory_space<hbm>>
    %dma_start3A_675 = tpu.memref_slice %arg8[%dma_start3A_668] : memref<3x!tpu.dma_semaphore, #tpu.memory_space<semaphore_mem>> -> memref<1x!tpu.dma_semaphore, #tpu.memory_space<semaphore_mem>>
    %dma_start3A_676 = tpu.memref_squeeze %dma_start3A_675 : memref<1x!tpu.dma_semaphore, #tpu.memory_space<semaphore_mem>> -> memref<!tpu.dma_semaphore, #tpu.memory_space<semaphore_mem>>
    %dma_start3A_677 = arith.constant 0 : i32
    %dma_start3A_678 = arith.constant 0 : i32
    %dma_start3A_679 = tpu.memref_slice %arg7[%dma_start3A_667, %dma_start3A_677, %dma_start3A_678] : memref<3x256x128xf32, #tpu.memory_space<vmem>> -> memref<1x256x128xf32, #tpu.memory_space<vmem>>
    %dma_start3A_680 = tpu.memref_squeeze %dma_start3A_679 : memref<1x256x128xf32, #tpu.memory_space<vmem>> -> memref<256x128xf32, #tpu.memory_space<vmem>>
    %dma_start3A_681 = arith.constant 0 : i32
    %dma_start3A_682 = tpu.memref_slice %arg2[%add3A_666, %dma_start3A_681] : memref<204800x128xf32, #tpu.memory_space<hbm>> -> memref<256x128xf32, #tpu.memory_space<hbm>>
    tpu.enqueue_dma source(%dma_start3A_682 : memref<256x128xf32, #tpu.memory_space<hbm>>) target(%dma_start3A_680 : memref<256x128xf32, #tpu.memory_space<vmem>>) target_semaphore(%dma_start3A_676 : memref<!tpu.dma_semaphore, #tpu.memory_space<semaphore_mem>>)
    %dma_wait3A_683 = arith.constant 2 : i32
    %dma_wait3A_684 = arith.constant 2 : i32
    %dma_wait3A_685 = arith.constant 0 : i32
    %dma_wait3A_686 = arith.constant 0 : i32
    %dma_wait3A_687 = tpu.memref_slice %arg7[%dma_wait3A_683, %dma_wait3A_685, %dma_wait3A_686] : memref<3x256x128xf32, #tpu.memory_space<vmem>> -> memref<1x128x128xf32, #tpu.memory_space<vmem>>
    %dma_wait3A_688 = tpu.memref_squeeze %dma_wait3A_687 : memref<1x128x128xf32, #tpu.memory_space<vmem>> -> memref<128x128xf32, #tpu.memory_space<vmem>>
    %dma_wait3A_689 = arith.constant 1280 : i32
    %dma_wait3A_690 = tpu.memref_slice %arg6[%dma_wait3A_689] : memref<6400xi32, #tpu.memory_space<vmem>> -> memref<128xi32, #tpu.memory_space<vmem>>
    %dma_wait3A_691 = arith.constant 0 : i32
    %dma_wait3A_692 = arith.constant 0 : i32
    %dma_wait3A_693 = tpu.memref_slice %arg4[%dma_wait3A_691, %dma_wait3A_692] : memref<100000x128xf32, #tpu.memory_space<hbm>> -> memref<100000x128xf32, #tpu.memory_space<hbm>>
    %dma_wait3A_694 = tpu.memref_slice %arg9[%dma_wait3A_684] : memref<3x!tpu.dma_semaphore, #tpu.memory_space<semaphore_mem>> -> memref<1x!tpu.dma_semaphore, #tpu.memory_space<semaphore_mem>>
    %dma_wait3A_695 = tpu.memref_squeeze %dma_wait3A_694 : memref<1x!tpu.dma_semaphore, #tpu.memory_space<semaphore_mem>> -> memref<!tpu.dma_semaphore, #tpu.memory_space<semaphore_mem>>
    tpu.wait_indirect_dma semaphore(%dma_wait3A_695 : memref<!tpu.dma_semaphore, #tpu.memory_space<semaphore_mem>>) src(%dma_wait3A_693 : memref<100000x128xf32, #tpu.memory_space<hbm>>) dst(%dma_wait3A_688 : memref<128x128xf32, #tpu.memory_space<vmem>>)
    %dma_wait3A_696 = arith.constant 2 : i32
    %dma_wait3A_697 = arith.constant 2 : i32
    %dma_wait3A_698 = arith.constant 128 : i32
    %dma_wait3A_699 = arith.constant 0 : i32
    %dma_wait3A_700 = tpu.memref_slice %arg7[%dma_wait3A_696, %dma_wait3A_698, %dma_wait3A_699] : memref<3x256x128xf32, #tpu.memory_space<vmem>> -> memref<1x128x128xf32, #tpu.memory_space<vmem>>
    %dma_wait3A_701 = tpu.memref_squeeze %dma_wait3A_700 : memref<1x128x128xf32, #tpu.memory_space<vmem>> -> memref<128x128xf32, #tpu.memory_space<vmem>>
    %dma_wait3A_702 = arith.constant 1408 : i32
    %dma_wait3A_703 = tpu.memref_slice %arg6[%dma_wait3A_702] : memref<6400xi32, #tpu.memory_space<vmem>> -> memref<128xi32, #tpu.memory_space<vmem>>
    %dma_wait3A_704 = arith.constant 0 : i32
    %dma_wait3A_705 = arith.constant 0 : i32
    %dma_wait3A_706 = tpu.memref_slice %arg4[%dma_wait3A_704, %dma_wait3A_705] : memref<100000x128xf32, #tpu.memory_space<hbm>> -> memref<100000x128xf32, #tpu.memory_space<hbm>>
    %dma_wait3A_707 = tpu.memref_slice %arg9[%dma_wait3A_697] : memref<3x!tpu.dma_semaphore, #tpu.memory_space<semaphore_mem>> -> memref<1x!tpu.dma_semaphore, #tpu.memory_space<semaphore_mem>>
    %dma_wait3A_708 = tpu.memref_squeeze %dma_wait3A_707 : memref<1x!tpu.dma_semaphore, #tpu.memory_space<semaphore_mem>> -> memref<!tpu.dma_semaphore, #tpu.memory_space<semaphore_mem>>
    tpu.wait_indirect_dma semaphore(%dma_wait3A_708 : memref<!tpu.dma_semaphore, #tpu.memory_space<semaphore_mem>>) src(%dma_wait3A_706 : memref<100000x128xf32, #tpu.memory_space<hbm>>) dst(%dma_wait3A_701 : memref<128x128xf32, #tpu.memory_space<vmem>>)
    %add3A_709 = arith.constant 1280 : i32
    %add3A_710 = arith.addi %mul3A_2, %add3A_709 : i32
    %dma_start3A_711 = arith.constant 2 : i32
    %dma_start3A_712 = arith.constant 2 : i32
    %dma_start3A_713 = arith.constant 0 : i32
    %dma_start3A_714 = arith.constant 0 : i32
    %dma_start3A_715 = tpu.memref_slice %arg7[%dma_start3A_711, %dma_start3A_713, %dma_start3A_714] : memref<3x256x128xf32, #tpu.memory_space<vmem>> -> memref<1x256x128xf32, #tpu.memory_space<vmem>>
    %dma_start3A_716 = tpu.memref_squeeze %dma_start3A_715 : memref<1x256x128xf32, #tpu.memory_space<vmem>> -> memref<256x128xf32, #tpu.memory_space<vmem>>
    %dma_start3A_717 = arith.constant 0 : i32
    %dma_start3A_718 = tpu.memref_slice %arg5[%add3A_710, %dma_start3A_717] : memref<204800x128xf32, #tpu.memory_space<hbm>> -> memref<256x128xf32, #tpu.memory_space<hbm>>
    %dma_start3A_719 = tpu.memref_slice %arg10[%dma_start3A_712] : memref<3x!tpu.dma_semaphore, #tpu.memory_space<semaphore_mem>> -> memref<1x!tpu.dma_semaphore, #tpu.memory_space<semaphore_mem>>
    %dma_start3A_720 = tpu.memref_squeeze %dma_start3A_719 : memref<1x!tpu.dma_semaphore, #tpu.memory_space<semaphore_mem>> -> memref<!tpu.dma_semaphore, #tpu.memory_space<semaphore_mem>>
    %dma_start3A_721 = arith.constant 0 : i32
    %dma_start3A_722 = tpu.memref_slice %arg5[%add3A_710, %dma_start3A_721] : memref<204800x128xf32, #tpu.memory_space<hbm>> -> memref<256x128xf32, #tpu.memory_space<hbm>>
    %dma_start3A_723 = arith.constant 0 : i32
    %dma_start3A_724 = arith.constant 0 : i32
    %dma_start3A_725 = tpu.memref_slice %arg7[%dma_start3A_711, %dma_start3A_723, %dma_start3A_724] : memref<3x256x128xf32, #tpu.memory_space<vmem>> -> memref<1x256x128xf32, #tpu.memory_space<vmem>>
    %dma_start3A_726 = tpu.memref_squeeze %dma_start3A_725 : memref<1x256x128xf32, #tpu.memory_space<vmem>> -> memref<256x128xf32, #tpu.memory_space<vmem>>
    tpu.enqueue_dma source(%dma_start3A_726 : memref<256x128xf32, #tpu.memory_space<vmem>>) target(%dma_start3A_722 : memref<256x128xf32, #tpu.memory_space<hbm>>) target_semaphore(%dma_start3A_720 : memref<!tpu.dma_semaphore, #tpu.memory_space<semaphore_mem>>)
    %add3A_727 = arith.constant 1536 : i32
    %add3A_728 = arith.addi %mul3A_2, %add3A_727 : i32
    %dma_wait3A_729 = arith.constant 0 : i32
    %dma_wait3A_730 = arith.constant 0 : i32
    %dma_wait3A_731 = arith.constant 0 : i32
    %dma_wait3A_732 = arith.constant 0 : i32
    %dma_wait3A_733 = tpu.memref_slice %arg7[%dma_wait3A_729, %dma_wait3A_731, %dma_wait3A_732] : memref<3x256x128xf32, #tpu.memory_space<vmem>> -> memref<1x256x128xf32, #tpu.memory_space<vmem>>
    %dma_wait3A_734 = tpu.memref_squeeze %dma_wait3A_733 : memref<1x256x128xf32, #tpu.memory_space<vmem>> -> memref<256x128xf32, #tpu.memory_space<vmem>>
    %dma_wait3A_735 = arith.constant 0 : i32
    %dma_wait3A_736 = tpu.memref_slice %arg2[%add3A_728, %dma_wait3A_735] : memref<204800x128xf32, #tpu.memory_space<hbm>> -> memref<256x128xf32, #tpu.memory_space<hbm>>
    %dma_wait3A_737 = tpu.memref_slice %arg8[%dma_wait3A_730] : memref<3x!tpu.dma_semaphore, #tpu.memory_space<semaphore_mem>> -> memref<1x!tpu.dma_semaphore, #tpu.memory_space<semaphore_mem>>
    %dma_wait3A_738 = tpu.memref_squeeze %dma_wait3A_737 : memref<1x!tpu.dma_semaphore, #tpu.memory_space<semaphore_mem>> -> memref<!tpu.dma_semaphore, #tpu.memory_space<semaphore_mem>>
    %dma_wait3A_739 = arith.constant 0 : i32
    %dma_wait3A_740 = arith.constant 0 : i32
    %dma_wait3A_741 = tpu.memref_slice %arg7[%dma_wait3A_729, %dma_wait3A_739, %dma_wait3A_740] : memref<3x256x128xf32, #tpu.memory_space<vmem>> -> memref<1x256x128xf32, #tpu.memory_space<vmem>>
    %dma_wait3A_742 = tpu.memref_squeeze %dma_wait3A_741 : memref<1x256x128xf32, #tpu.memory_space<vmem>> -> memref<256x128xf32, #tpu.memory_space<vmem>>
    %dma_wait3A_743 = arith.constant 0 : i32
    %dma_wait3A_744 = tpu.memref_slice %arg2[%add3A_728, %dma_wait3A_743] : memref<204800x128xf32, #tpu.memory_space<hbm>> -> memref<256x128xf32, #tpu.memory_space<hbm>>
    tpu.wait_dma2 semaphore(%dma_wait3A_738 : memref<!tpu.dma_semaphore, #tpu.memory_space<semaphore_mem>>) src(%dma_wait3A_744 : memref<256x128xf32, #tpu.memory_space<hbm>>) dst(%dma_wait3A_742 : memref<256x128xf32, #tpu.memory_space<vmem>>)
    %dma_start3A_745 = arith.constant 0 : i32
    %dma_start3A_746 = arith.constant 0 : i32
    %dma_start3A_747 = arith.constant 0 : i32
    %dma_start3A_748 = arith.constant 0 : i32
    %dma_start3A_749 = tpu.memref_slice %arg7[%dma_start3A_745, %dma_start3A_747, %dma_start3A_748] : memref<3x256x128xf32, #tpu.memory_space<vmem>> -> memref<1x128x128xf32, #tpu.memory_space<vmem>>
    %dma_start3A_750 = tpu.memref_squeeze %dma_start3A_749 : memref<1x128x128xf32, #tpu.memory_space<vmem>> -> memref<128x128xf32, #tpu.memory_space<vmem>>
    %dma_start3A_751 = arith.constant 1536 : i32
    %dma_start3A_752 = tpu.memref_slice %arg6[%dma_start3A_751] : memref<6400xi32, #tpu.memory_space<vmem>> -> memref<128xi32, #tpu.memory_space<vmem>>
    %dma_start3A_753 = arith.constant 0 : i32
    %dma_start3A_754 = arith.constant 0 : i32
    %dma_start3A_755 = tpu.memref_slice %arg4[%dma_start3A_753, %dma_start3A_754] : memref<100000x128xf32, #tpu.memory_space<hbm>> -> memref<100000x128xf32, #tpu.memory_space<hbm>>
    %dma_start3A_756 = tpu.memref_slice %arg9[%dma_start3A_746] : memref<3x!tpu.dma_semaphore, #tpu.memory_space<semaphore_mem>> -> memref<1x!tpu.dma_semaphore, #tpu.memory_space<semaphore_mem>>
    %dma_start3A_757 = tpu.memref_squeeze %dma_start3A_756 : memref<1x!tpu.dma_semaphore, #tpu.memory_space<semaphore_mem>> -> memref<!tpu.dma_semaphore, #tpu.memory_space<semaphore_mem>>
    tpu.enqueue_indirect_dma source(%dma_start3A_755 : memref<100000x128xf32, #tpu.memory_space<hbm>>) target(%dma_start3A_750 : memref<128x128xf32, #tpu.memory_space<vmem>>) offsets(%dma_start3A_752 : memref<128xi32, #tpu.memory_space<vmem>>) semaphore(%dma_start3A_757 : memref<!tpu.dma_semaphore, #tpu.memory_space<semaphore_mem>>) {add = true}
    %dma_start3A_758 = arith.constant 0 : i32
    %dma_start3A_759 = arith.constant 0 : i32
    %dma_start3A_760 = arith.constant 128 : i32
    %dma_start3A_761 = arith.constant 0 : i32
    %dma_start3A_762 = tpu.memref_slice %arg7[%dma_start3A_758, %dma_start3A_760, %dma_start3A_761] : memref<3x256x128xf32, #tpu.memory_space<vmem>> -> memref<1x128x128xf32, #tpu.memory_space<vmem>>
    %dma_start3A_763 = tpu.memref_squeeze %dma_start3A_762 : memref<1x128x128xf32, #tpu.memory_space<vmem>> -> memref<128x128xf32, #tpu.memory_space<vmem>>
    %dma_start3A_764 = arith.constant 1664 : i32
    %dma_start3A_765 = tpu.memref_slice %arg6[%dma_start3A_764] : memref<6400xi32, #tpu.memory_space<vmem>> -> memref<128xi32, #tpu.memory_space<vmem>>
    %dma_start3A_766 = arith.constant 0 : i32
    %dma_start3A_767 = arith.constant 0 : i32
    %dma_start3A_768 = tpu.memref_slice %arg4[%dma_start3A_766, %dma_start3A_767] : memref<100000x128xf32, #tpu.memory_space<hbm>> -> memref<100000x128xf32, #tpu.memory_space<hbm>>
    %dma_start3A_769 = tpu.memref_slice %arg9[%dma_start3A_759] : memref<3x!tpu.dma_semaphore, #tpu.memory_space<semaphore_mem>> -> memref<1x!tpu.dma_semaphore, #tpu.memory_space<semaphore_mem>>
    %dma_start3A_770 = tpu.memref_squeeze %dma_start3A_769 : memref<1x!tpu.dma_semaphore, #tpu.memory_space<semaphore_mem>> -> memref<!tpu.dma_semaphore, #tpu.memory_space<semaphore_mem>>
    tpu.enqueue_indirect_dma source(%dma_start3A_768 : memref<100000x128xf32, #tpu.memory_space<hbm>>) target(%dma_start3A_763 : memref<128x128xf32, #tpu.memory_space<vmem>>) offsets(%dma_start3A_765 : memref<128xi32, #tpu.memory_space<vmem>>) semaphore(%dma_start3A_770 : memref<!tpu.dma_semaphore, #tpu.memory_space<semaphore_mem>>) {add = true}
    %add3A_771 = arith.constant 1024 : i32
    %add3A_772 = arith.addi %mul3A_2, %add3A_771 : i32
    %dma_wait3A_773 = arith.constant 1 : i32
    %dma_wait3A_774 = arith.constant 1 : i32
    %dma_wait3A_775 = arith.constant 0 : i32
    %dma_wait3A_776 = arith.constant 0 : i32
    %dma_wait3A_777 = tpu.memref_slice %arg7[%dma_wait3A_773, %dma_wait3A_775, %dma_wait3A_776] : memref<3x256x128xf32, #tpu.memory_space<vmem>> -> memref<1x256x128xf32, #tpu.memory_space<vmem>>
    %dma_wait3A_778 = tpu.memref_squeeze %dma_wait3A_777 : memref<1x256x128xf32, #tpu.memory_space<vmem>> -> memref<256x128xf32, #tpu.memory_space<vmem>>
    %dma_wait3A_779 = arith.constant 0 : i32
    %dma_wait3A_780 = tpu.memref_slice %arg5[%add3A_772, %dma_wait3A_779] : memref<204800x128xf32, #tpu.memory_space<hbm>> -> memref<256x128xf32, #tpu.memory_space<hbm>>
    %dma_wait3A_781 = tpu.memref_slice %arg10[%dma_wait3A_774] : memref<3x!tpu.dma_semaphore, #tpu.memory_space<semaphore_mem>> -> memref<1x!tpu.dma_semaphore, #tpu.memory_space<semaphore_mem>>
    %dma_wait3A_782 = tpu.memref_squeeze %dma_wait3A_781 : memref<1x!tpu.dma_semaphore, #tpu.memory_space<semaphore_mem>> -> memref<!tpu.dma_semaphore, #tpu.memory_space<semaphore_mem>>
    %dma_wait3A_783 = arith.constant 0 : i32
    %dma_wait3A_784 = tpu.memref_slice %arg5[%add3A_772, %dma_wait3A_783] : memref<204800x128xf32, #tpu.memory_space<hbm>> -> memref<256x128xf32, #tpu.memory_space<hbm>>
    %dma_wait3A_785 = arith.constant 0 : i32
    %dma_wait3A_786 = arith.constant 0 : i32
    %dma_wait3A_787 = tpu.memref_slice %arg7[%dma_wait3A_773, %dma_wait3A_785, %dma_wait3A_786] : memref<3x256x128xf32, #tpu.memory_space<vmem>> -> memref<1x256x128xf32, #tpu.memory_space<vmem>>
    %dma_wait3A_788 = tpu.memref_squeeze %dma_wait3A_787 : memref<1x256x128xf32, #tpu.memory_space<vmem>> -> memref<256x128xf32, #tpu.memory_space<vmem>>
    tpu.wait_dma2 semaphore(%dma_wait3A_782 : memref<!tpu.dma_semaphore, #tpu.memory_space<semaphore_mem>>) src(%dma_wait3A_788 : memref<256x128xf32, #tpu.memory_space<vmem>>) dst(%dma_wait3A_784 : memref<256x128xf32, #tpu.memory_space<hbm>>)
    %add3A_789 = arith.constant 1792 : i32
    %add3A_790 = arith.addi %mul3A_2, %add3A_789 : i32
    %dma_start3A_791 = arith.constant 1 : i32
    %dma_start3A_792 = arith.constant 1 : i32
    %dma_start3A_793 = arith.constant 0 : i32
    %dma_start3A_794 = arith.constant 0 : i32
    %dma_start3A_795 = tpu.memref_slice %arg7[%dma_start3A_791, %dma_start3A_793, %dma_start3A_794] : memref<3x256x128xf32, #tpu.memory_space<vmem>> -> memref<1x256x128xf32, #tpu.memory_space<vmem>>
    %dma_start3A_796 = tpu.memref_squeeze %dma_start3A_795 : memref<1x256x128xf32, #tpu.memory_space<vmem>> -> memref<256x128xf32, #tpu.memory_space<vmem>>
    %dma_start3A_797 = arith.constant 0 : i32
    %dma_start3A_798 = tpu.memref_slice %arg2[%add3A_790, %dma_start3A_797] : memref<204800x128xf32, #tpu.memory_space<hbm>> -> memref<256x128xf32, #tpu.memory_space<hbm>>
    %dma_start3A_799 = tpu.memref_slice %arg8[%dma_start3A_792] : memref<3x!tpu.dma_semaphore, #tpu.memory_space<semaphore_mem>> -> memref<1x!tpu.dma_semaphore, #tpu.memory_space<semaphore_mem>>
    %dma_start3A_800 = tpu.memref_squeeze %dma_start3A_799 : memref<1x!tpu.dma_semaphore, #tpu.memory_space<semaphore_mem>> -> memref<!tpu.dma_semaphore, #tpu.memory_space<semaphore_mem>>
    %dma_start3A_801 = arith.constant 0 : i32
    %dma_start3A_802 = arith.constant 0 : i32
    %dma_start3A_803 = tpu.memref_slice %arg7[%dma_start3A_791, %dma_start3A_801, %dma_start3A_802] : memref<3x256x128xf32, #tpu.memory_space<vmem>> -> memref<1x256x128xf32, #tpu.memory_space<vmem>>
    %dma_start3A_804 = tpu.memref_squeeze %dma_start3A_803 : memref<1x256x128xf32, #tpu.memory_space<vmem>> -> memref<256x128xf32, #tpu.memory_space<vmem>>
    %dma_start3A_805 = arith.constant 0 : i32
    %dma_start3A_806 = tpu.memref_slice %arg2[%add3A_790, %dma_start3A_805] : memref<204800x128xf32, #tpu.memory_space<hbm>> -> memref<256x128xf32, #tpu.memory_space<hbm>>
    tpu.enqueue_dma source(%dma_start3A_806 : memref<256x128xf32, #tpu.memory_space<hbm>>) target(%dma_start3A_804 : memref<256x128xf32, #tpu.memory_space<vmem>>) target_semaphore(%dma_start3A_800 : memref<!tpu.dma_semaphore, #tpu.memory_space<semaphore_mem>>)
    %dma_wait3A_807 = arith.constant 0 : i32
    %dma_wait3A_808 = arith.constant 0 : i32
    %dma_wait3A_809 = arith.constant 0 : i32
    %dma_wait3A_810 = arith.constant 0 : i32
    %dma_wait3A_811 = tpu.memref_slice %arg7[%dma_wait3A_807, %dma_wait3A_809, %dma_wait3A_810] : memref<3x256x128xf32, #tpu.memory_space<vmem>> -> memref<1x128x128xf32, #tpu.memory_space<vmem>>
    %dma_wait3A_812 = tpu.memref_squeeze %dma_wait3A_811 : memref<1x128x128xf32, #tpu.memory_space<vmem>> -> memref<128x128xf32, #tpu.memory_space<vmem>>
    %dma_wait3A_813 = arith.constant 1536 : i32
    %dma_wait3A_814 = tpu.memref_slice %arg6[%dma_wait3A_813] : memref<6400xi32, #tpu.memory_space<vmem>> -> memref<128xi32, #tpu.memory_space<vmem>>
    %dma_wait3A_815 = arith.constant 0 : i32
    %dma_wait3A_816 = arith.constant 0 : i32
    %dma_wait3A_817 = tpu.memref_slice %arg4[%dma_wait3A_815, %dma_wait3A_816] : memref<100000x128xf32, #tpu.memory_space<hbm>> -> memref<100000x128xf32, #tpu.memory_space<hbm>>
    %dma_wait3A_818 = tpu.memref_slice %arg9[%dma_wait3A_808] : memref<3x!tpu.dma_semaphore, #tpu.memory_space<semaphore_mem>> -> memref<1x!tpu.dma_semaphore, #tpu.memory_space<semaphore_mem>>
    %dma_wait3A_819 = tpu.memref_squeeze %dma_wait3A_818 : memref<1x!tpu.dma_semaphore, #tpu.memory_space<semaphore_mem>> -> memref<!tpu.dma_semaphore, #tpu.memory_space<semaphore_mem>>
    tpu.wait_indirect_dma semaphore(%dma_wait3A_819 : memref<!tpu.dma_semaphore, #tpu.memory_space<semaphore_mem>>) src(%dma_wait3A_817 : memref<100000x128xf32, #tpu.memory_space<hbm>>) dst(%dma_wait3A_812 : memref<128x128xf32, #tpu.memory_space<vmem>>)
    %dma_wait3A_820 = arith.constant 0 : i32
    %dma_wait3A_821 = arith.constant 0 : i32
    %dma_wait3A_822 = arith.constant 128 : i32
    %dma_wait3A_823 = arith.constant 0 : i32
    %dma_wait3A_824 = tpu.memref_slice %arg7[%dma_wait3A_820, %dma_wait3A_822, %dma_wait3A_823] : memref<3x256x128xf32, #tpu.memory_space<vmem>> -> memref<1x128x128xf32, #tpu.memory_space<vmem>>
    %dma_wait3A_825 = tpu.memref_squeeze %dma_wait3A_824 : memref<1x128x128xf32, #tpu.memory_space<vmem>> -> memref<128x128xf32, #tpu.memory_space<vmem>>
    %dma_wait3A_826 = arith.constant 1664 : i32
    %dma_wait3A_827 = tpu.memref_slice %arg6[%dma_wait3A_826] : memref<6400xi32, #tpu.memory_space<vmem>> -> memref<128xi32, #tpu.memory_space<vmem>>
    %dma_wait3A_828 = arith.constant 0 : i32
    %dma_wait3A_829 = arith.constant 0 : i32
    %dma_wait3A_830 = tpu.memref_slice %arg4[%dma_wait3A_828, %dma_wait3A_829] : memref<100000x128xf32, #tpu.memory_space<hbm>> -> memref<100000x128xf32, #tpu.memory_space<hbm>>
    %dma_wait3A_831 = tpu.memref_slice %arg9[%dma_wait3A_821] : memref<3x!tpu.dma_semaphore, #tpu.memory_space<semaphore_mem>> -> memref<1x!tpu.dma_semaphore, #tpu.memory_space<semaphore_mem>>
    %dma_wait3A_832 = tpu.memref_squeeze %dma_wait3A_831 : memref<1x!tpu.dma_semaphore, #tpu.memory_space<semaphore_mem>> -> memref<!tpu.dma_semaphore, #tpu.memory_space<semaphore_mem>>
    tpu.wait_indirect_dma semaphore(%dma_wait3A_832 : memref<!tpu.dma_semaphore, #tpu.memory_space<semaphore_mem>>) src(%dma_wait3A_830 : memref<100000x128xf32, #tpu.memory_space<hbm>>) dst(%dma_wait3A_825 : memref<128x128xf32, #tpu.memory_space<vmem>>)
    %add3A_833 = arith.constant 1536 : i32
    %add3A_834 = arith.addi %mul3A_2, %add3A_833 : i32
    %dma_start3A_835 = arith.constant 0 : i32
    %dma_start3A_836 = arith.constant 0 : i32
    %dma_start3A_837 = arith.constant 0 : i32
    %dma_start3A_838 = arith.constant 0 : i32
    %dma_start3A_839 = tpu.memref_slice %arg7[%dma_start3A_835, %dma_start3A_837, %dma_start3A_838] : memref<3x256x128xf32, #tpu.memory_space<vmem>> -> memref<1x256x128xf32, #tpu.memory_space<vmem>>
    %dma_start3A_840 = tpu.memref_squeeze %dma_start3A_839 : memref<1x256x128xf32, #tpu.memory_space<vmem>> -> memref<256x128xf32, #tpu.memory_space<vmem>>
    %dma_start3A_841 = arith.constant 0 : i32
    %dma_start3A_842 = tpu.memref_slice %arg5[%add3A_834, %dma_start3A_841] : memref<204800x128xf32, #tpu.memory_space<hbm>> -> memref<256x128xf32, #tpu.memory_space<hbm>>
    %dma_start3A_843 = tpu.memref_slice %arg10[%dma_start3A_836] : memref<3x!tpu.dma_semaphore, #tpu.memory_space<semaphore_mem>> -> memref<1x!tpu.dma_semaphore, #tpu.memory_space<semaphore_mem>>
    %dma_start3A_844 = tpu.memref_squeeze %dma_start3A_843 : memref<1x!tpu.dma_semaphore, #tpu.memory_space<semaphore_mem>> -> memref<!tpu.dma_semaphore, #tpu.memory_space<semaphore_mem>>
    %dma_start3A_845 = arith.constant 0 : i32
    %dma_start3A_846 = tpu.memref_slice %arg5[%add3A_834, %dma_start3A_845] : memref<204800x128xf32, #tpu.memory_space<hbm>> -> memref<256x128xf32, #tpu.memory_space<hbm>>
    %dma_start3A_847 = arith.constant 0 : i32
    %dma_start3A_848 = arith.constant 0 : i32
    %dma_start3A_849 = tpu.memref_slice %arg7[%dma_start3A_835, %dma_start3A_847, %dma_start3A_848] : memref<3x256x128xf32, #tpu.memory_space<vmem>> -> memref<1x256x128xf32, #tpu.memory_space<vmem>>
    %dma_start3A_850 = tpu.memref_squeeze %dma_start3A_849 : memref<1x256x128xf32, #tpu.memory_space<vmem>> -> memref<256x128xf32, #tpu.memory_space<vmem>>
    tpu.enqueue_dma source(%dma_start3A_850 : memref<256x128xf32, #tpu.memory_space<vmem>>) target(%dma_start3A_846 : memref<256x128xf32, #tpu.memory_space<hbm>>) target_semaphore(%dma_start3A_844 : memref<!tpu.dma_semaphore, #tpu.memory_space<semaphore_mem>>)
    %add3A_851 = arith.constant 1792 : i32
    %add3A_852 = arith.addi %mul3A_2, %add3A_851 : i32
    %dma_wait3A_853 = arith.constant 1 : i32
    %dma_wait3A_854 = arith.constant 1 : i32
    %dma_wait3A_855 = arith.constant 0 : i32
    %dma_wait3A_856 = arith.constant 0 : i32
    %dma_wait3A_857 = tpu.memref_slice %arg7[%dma_wait3A_853, %dma_wait3A_855, %dma_wait3A_856] : memref<3x256x128xf32, #tpu.memory_space<vmem>> -> memref<1x256x128xf32, #tpu.memory_space<vmem>>
    %dma_wait3A_858 = tpu.memref_squeeze %dma_wait3A_857 : memref<1x256x128xf32, #tpu.memory_space<vmem>> -> memref<256x128xf32, #tpu.memory_space<vmem>>
    %dma_wait3A_859 = arith.constant 0 : i32
    %dma_wait3A_860 = tpu.memref_slice %arg2[%add3A_852, %dma_wait3A_859] : memref<204800x128xf32, #tpu.memory_space<hbm>> -> memref<256x128xf32, #tpu.memory_space<hbm>>
    %dma_wait3A_861 = tpu.memref_slice %arg8[%dma_wait3A_854] : memref<3x!tpu.dma_semaphore, #tpu.memory_space<semaphore_mem>> -> memref<1x!tpu.dma_semaphore, #tpu.memory_space<semaphore_mem>>
    %dma_wait3A_862 = tpu.memref_squeeze %dma_wait3A_861 : memref<1x!tpu.dma_semaphore, #tpu.memory_space<semaphore_mem>> -> memref<!tpu.dma_semaphore, #tpu.memory_space<semaphore_mem>>
    %dma_wait3A_863 = arith.constant 0 : i32
    %dma_wait3A_864 = arith.constant 0 : i32
    %dma_wait3A_865 = tpu.memref_slice %arg7[%dma_wait3A_853, %dma_wait3A_863, %dma_wait3A_864] : memref<3x256x128xf32, #tpu.memory_space<vmem>> -> memref<1x256x128xf32, #tpu.memory_space<vmem>>
    %dma_wait3A_866 = tpu.memref_squeeze %dma_wait3A_865 : memref<1x256x128xf32, #tpu.memory_space<vmem>> -> memref<256x128xf32, #tpu.memory_space<vmem>>
    %dma_wait3A_867 = arith.constant 0 : i32
    %dma_wait3A_868 = tpu.memref_slice %arg2[%add3A_852, %dma_wait3A_867] : memref<204800x128xf32, #tpu.memory_space<hbm>> -> memref<256x128xf32, #tpu.memory_space<hbm>>
    tpu.wait_dma2 semaphore(%dma_wait3A_862 : memref<!tpu.dma_semaphore, #tpu.memory_space<semaphore_mem>>) src(%dma_wait3A_868 : memref<256x128xf32, #tpu.memory_space<hbm>>) dst(%dma_wait3A_866 : memref<256x128xf32, #tpu.memory_space<vmem>>)
    %dma_start3A_869 = arith.constant 1 : i32
    %dma_start3A_870 = arith.constant 1 : i32
    %dma_start3A_871 = arith.constant 0 : i32
    %dma_start3A_872 = arith.constant 0 : i32
    %dma_start3A_873 = tpu.memref_slice %arg7[%dma_start3A_869, %dma_start3A_871, %dma_start3A_872] : memref<3x256x128xf32, #tpu.memory_space<vmem>> -> memref<1x128x128xf32, #tpu.memory_space<vmem>>
    %dma_start3A_874 = tpu.memref_squeeze %dma_start3A_873 : memref<1x128x128xf32, #tpu.memory_space<vmem>> -> memref<128x128xf32, #tpu.memory_space<vmem>>
    %dma_start3A_875 = arith.constant 1792 : i32
    %dma_start3A_876 = tpu.memref_slice %arg6[%dma_start3A_875] : memref<6400xi32, #tpu.memory_space<vmem>> -> memref<128xi32, #tpu.memory_space<vmem>>
    %dma_start3A_877 = arith.constant 0 : i32
    %dma_start3A_878 = arith.constant 0 : i32
    %dma_start3A_879 = tpu.memref_slice %arg4[%dma_start3A_877, %dma_start3A_878] : memref<100000x128xf32, #tpu.memory_space<hbm>> -> memref<100000x128xf32, #tpu.memory_space<hbm>>
    %dma_start3A_880 = tpu.memref_slice %arg9[%dma_start3A_870] : memref<3x!tpu.dma_semaphore, #tpu.memory_space<semaphore_mem>> -> memref<1x!tpu.dma_semaphore, #tpu.memory_space<semaphore_mem>>
    %dma_start3A_881 = tpu.memref_squeeze %dma_start3A_880 : memref<1x!tpu.dma_semaphore, #tpu.memory_space<semaphore_mem>> -> memref<!tpu.dma_semaphore, #tpu.memory_space<semaphore_mem>>
    tpu.enqueue_indirect_dma source(%dma_start3A_879 : memref<100000x128xf32, #tpu.memory_space<hbm>>) target(%dma_start3A_874 : memref<128x128xf32, #tpu.memory_space<vmem>>) offsets(%dma_start3A_876 : memref<128xi32, #tpu.memory_space<vmem>>) semaphore(%dma_start3A_881 : memref<!tpu.dma_semaphore, #tpu.memory_space<semaphore_mem>>) {add = true}
    %dma_start3A_882 = arith.constant 1 : i32
    %dma_start3A_883 = arith.constant 1 : i32
    %dma_start3A_884 = arith.constant 128 : i32
    %dma_start3A_885 = arith.constant 0 : i32
    %dma_start3A_886 = tpu.memref_slice %arg7[%dma_start3A_882, %dma_start3A_884, %dma_start3A_885] : memref<3x256x128xf32, #tpu.memory_space<vmem>> -> memref<1x128x128xf32, #tpu.memory_space<vmem>>
    %dma_start3A_887 = tpu.memref_squeeze %dma_start3A_886 : memref<1x128x128xf32, #tpu.memory_space<vmem>> -> memref<128x128xf32, #tpu.memory_space<vmem>>
    %dma_start3A_888 = arith.constant 1920 : i32
    %dma_start3A_889 = tpu.memref_slice %arg6[%dma_start3A_888] : memref<6400xi32, #tpu.memory_space<vmem>> -> memref<128xi32, #tpu.memory_space<vmem>>
    %dma_start3A_890 = arith.constant 0 : i32
    %dma_start3A_891 = arith.constant 0 : i32
    %dma_start3A_892 = tpu.memref_slice %arg4[%dma_start3A_890, %dma_start3A_891] : memref<100000x128xf32, #tpu.memory_space<hbm>> -> memref<100000x128xf32, #tpu.memory_space<hbm>>
    %dma_start3A_893 = tpu.memref_slice %arg9[%dma_start3A_883] : memref<3x!tpu.dma_semaphore, #tpu.memory_space<semaphore_mem>> -> memref<1x!tpu.dma_semaphore, #tpu.memory_space<semaphore_mem>>
    %dma_start3A_894 = tpu.memref_squeeze %dma_start3A_893 : memref<1x!tpu.dma_semaphore, #tpu.memory_space<semaphore_mem>> -> memref<!tpu.dma_semaphore, #tpu.memory_space<semaphore_mem>>
    tpu.enqueue_indirect_dma source(%dma_start3A_892 : memref<100000x128xf32, #tpu.memory_space<hbm>>) target(%dma_start3A_887 : memref<128x128xf32, #tpu.memory_space<vmem>>) offsets(%dma_start3A_889 : memref<128xi32, #tpu.memory_space<vmem>>) semaphore(%dma_start3A_894 : memref<!tpu.dma_semaphore, #tpu.memory_space<semaphore_mem>>) {add = true}
    %add3A_895 = arith.constant 1280 : i32
    %add3A_896 = arith.addi %mul3A_2, %add3A_895 : i32
    %dma_wait3A_897 = arith.constant 2 : i32
    %dma_wait3A_898 = arith.constant 2 : i32
    %dma_wait3A_899 = arith.constant 0 : i32
    %dma_wait3A_900 = arith.constant 0 : i32
    %dma_wait3A_901 = tpu.memref_slice %arg7[%dma_wait3A_897, %dma_wait3A_899, %dma_wait3A_900] : memref<3x256x128xf32, #tpu.memory_space<vmem>> -> memref<1x256x128xf32, #tpu.memory_space<vmem>>
    %dma_wait3A_902 = tpu.memref_squeeze %dma_wait3A_901 : memref<1x256x128xf32, #tpu.memory_space<vmem>> -> memref<256x128xf32, #tpu.memory_space<vmem>>
    %dma_wait3A_903 = arith.constant 0 : i32
    %dma_wait3A_904 = tpu.memref_slice %arg5[%add3A_896, %dma_wait3A_903] : memref<204800x128xf32, #tpu.memory_space<hbm>> -> memref<256x128xf32, #tpu.memory_space<hbm>>
    %dma_wait3A_905 = tpu.memref_slice %arg10[%dma_wait3A_898] : memref<3x!tpu.dma_semaphore, #tpu.memory_space<semaphore_mem>> -> memref<1x!tpu.dma_semaphore, #tpu.memory_space<semaphore_mem>>
    %dma_wait3A_906 = tpu.memref_squeeze %dma_wait3A_905 : memref<1x!tpu.dma_semaphore, #tpu.memory_space<semaphore_mem>> -> memref<!tpu.dma_semaphore, #tpu.memory_space<semaphore_mem>>
    %dma_wait3A_907 = arith.constant 0 : i32
    %dma_wait3A_908 = tpu.memref_slice %arg5[%add3A_896, %dma_wait3A_907] : memref<204800x128xf32, #tpu.memory_space<hbm>> -> memref<256x128xf32, #tpu.memory_space<hbm>>
    %dma_wait3A_909 = arith.constant 0 : i32
    %dma_wait3A_910 = arith.constant 0 : i32
    %dma_wait3A_911 = tpu.memref_slice %arg7[%dma_wait3A_897, %dma_wait3A_909, %dma_wait3A_910] : memref<3x256x128xf32, #tpu.memory_space<vmem>> -> memref<1x256x128xf32, #tpu.memory_space<vmem>>
    %dma_wait3A_912 = tpu.memref_squeeze %dma_wait3A_911 : memref<1x256x128xf32, #tpu.memory_space<vmem>> -> memref<256x128xf32, #tpu.memory_space<vmem>>
    tpu.wait_dma2 semaphore(%dma_wait3A_906 : memref<!tpu.dma_semaphore, #tpu.memory_space<semaphore_mem>>) src(%dma_wait3A_912 : memref<256x128xf32, #tpu.memory_space<vmem>>) dst(%dma_wait3A_908 : memref<256x128xf32, #tpu.memory_space<hbm>>)
    %add3A_913 = arith.constant 2048 : i32
    %add3A_914 = arith.addi %mul3A_2, %add3A_913 : i32
    %dma_start3A_915 = arith.constant 2 : i32
    %dma_start3A_916 = arith.constant 2 : i32
    %dma_start3A_917 = arith.constant 0 : i32
    %dma_start3A_918 = arith.constant 0 : i32
    %dma_start3A_919 = tpu.memref_slice %arg7[%dma_start3A_915, %dma_start3A_917, %dma_start3A_918] : memref<3x256x128xf32, #tpu.memory_space<vmem>> -> memref<1x256x128xf32, #tpu.memory_space<vmem>>
    %dma_start3A_920 = tpu.memref_squeeze %dma_start3A_919 : memref<1x256x128xf32, #tpu.memory_space<vmem>> -> memref<256x128xf32, #tpu.memory_space<vmem>>
    %dma_start3A_921 = arith.constant 0 : i32
    %dma_start3A_922 = tpu.memref_slice %arg2[%add3A_914, %dma_start3A_921] : memref<204800x128xf32, #tpu.memory_space<hbm>> -> memref<256x128xf32, #tpu.memory_space<hbm>>
    %dma_start3A_923 = tpu.memref_slice %arg8[%dma_start3A_916] : memref<3x!tpu.dma_semaphore, #tpu.memory_space<semaphore_mem>> -> memref<1x!tpu.dma_semaphore, #tpu.memory_space<semaphore_mem>>
    %dma_start3A_924 = tpu.memref_squeeze %dma_start3A_923 : memref<1x!tpu.dma_semaphore, #tpu.memory_space<semaphore_mem>> -> memref<!tpu.dma_semaphore, #tpu.memory_space<semaphore_mem>>
    %dma_start3A_925 = arith.constant 0 : i32
    %dma_start3A_926 = arith.constant 0 : i32
    %dma_start3A_927 = tpu.memref_slice %arg7[%dma_start3A_915, %dma_start3A_925, %dma_start3A_926] : memref<3x256x128xf32, #tpu.memory_space<vmem>> -> memref<1x256x128xf32, #tpu.memory_space<vmem>>
    %dma_start3A_928 = tpu.memref_squeeze %dma_start3A_927 : memref<1x256x128xf32, #tpu.memory_space<vmem>> -> memref<256x128xf32, #tpu.memory_space<vmem>>
    %dma_start3A_929 = arith.constant 0 : i32
    %dma_start3A_930 = tpu.memref_slice %arg2[%add3A_914, %dma_start3A_929] : memref<204800x128xf32, #tpu.memory_space<hbm>> -> memref<256x128xf32, #tpu.memory_space<hbm>>
    tpu.enqueue_dma source(%dma_start3A_930 : memref<256x128xf32, #tpu.memory_space<hbm>>) target(%dma_start3A_928 : memref<256x128xf32, #tpu.memory_space<vmem>>) target_semaphore(%dma_start3A_924 : memref<!tpu.dma_semaphore, #tpu.memory_space<semaphore_mem>>)
    %dma_wait3A_931 = arith.constant 1 : i32
    %dma_wait3A_932 = arith.constant 1 : i32
    %dma_wait3A_933 = arith.constant 0 : i32
    %dma_wait3A_934 = arith.constant 0 : i32
    %dma_wait3A_935 = tpu.memref_slice %arg7[%dma_wait3A_931, %dma_wait3A_933, %dma_wait3A_934] : memref<3x256x128xf32, #tpu.memory_space<vmem>> -> memref<1x128x128xf32, #tpu.memory_space<vmem>>
    %dma_wait3A_936 = tpu.memref_squeeze %dma_wait3A_935 : memref<1x128x128xf32, #tpu.memory_space<vmem>> -> memref<128x128xf32, #tpu.memory_space<vmem>>
    %dma_wait3A_937 = arith.constant 1792 : i32
    %dma_wait3A_938 = tpu.memref_slice %arg6[%dma_wait3A_937] : memref<6400xi32, #tpu.memory_space<vmem>> -> memref<128xi32, #tpu.memory_space<vmem>>
    %dma_wait3A_939 = arith.constant 0 : i32
    %dma_wait3A_940 = arith.constant 0 : i32
    %dma_wait3A_941 = tpu.memref_slice %arg4[%dma_wait3A_939, %dma_wait3A_940] : memref<100000x128xf32, #tpu.memory_space<hbm>> -> memref<100000x128xf32, #tpu.memory_space<hbm>>
    %dma_wait3A_942 = tpu.memref_slice %arg9[%dma_wait3A_932] : memref<3x!tpu.dma_semaphore, #tpu.memory_space<semaphore_mem>> -> memref<1x!tpu.dma_semaphore, #tpu.memory_space<semaphore_mem>>
    %dma_wait3A_943 = tpu.memref_squeeze %dma_wait3A_942 : memref<1x!tpu.dma_semaphore, #tpu.memory_space<semaphore_mem>> -> memref<!tpu.dma_semaphore, #tpu.memory_space<semaphore_mem>>
    tpu.wait_indirect_dma semaphore(%dma_wait3A_943 : memref<!tpu.dma_semaphore, #tpu.memory_space<semaphore_mem>>) src(%dma_wait3A_941 : memref<100000x128xf32, #tpu.memory_space<hbm>>) dst(%dma_wait3A_936 : memref<128x128xf32, #tpu.memory_space<vmem>>)
    %dma_wait3A_944 = arith.constant 1 : i32
    %dma_wait3A_945 = arith.constant 1 : i32
    %dma_wait3A_946 = arith.constant 128 : i32
    %dma_wait3A_947 = arith.constant 0 : i32
    %dma_wait3A_948 = tpu.memref_slice %arg7[%dma_wait3A_944, %dma_wait3A_946, %dma_wait3A_947] : memref<3x256x128xf32, #tpu.memory_space<vmem>> -> memref<1x128x128xf32, #tpu.memory_space<vmem>>
    %dma_wait3A_949 = tpu.memref_squeeze %dma_wait3A_948 : memref<1x128x128xf32, #tpu.memory_space<vmem>> -> memref<128x128xf32, #tpu.memory_space<vmem>>
    %dma_wait3A_950 = arith.constant 1920 : i32
    %dma_wait3A_951 = tpu.memref_slice %arg6[%dma_wait3A_950] : memref<6400xi32, #tpu.memory_space<vmem>> -> memref<128xi32, #tpu.memory_space<vmem>>
    %dma_wait3A_952 = arith.constant 0 : i32
    %dma_wait3A_953 = arith.constant 0 : i32
    %dma_wait3A_954 = tpu.memref_slice %arg4[%dma_wait3A_952, %dma_wait3A_953] : memref<100000x128xf32, #tpu.memory_space<hbm>> -> memref<100000x128xf32, #tpu.memory_space<hbm>>
    %dma_wait3A_955 = tpu.memref_slice %arg9[%dma_wait3A_945] : memref<3x!tpu.dma_semaphore, #tpu.memory_space<semaphore_mem>> -> memref<1x!tpu.dma_semaphore, #tpu.memory_space<semaphore_mem>>
    %dma_wait3A_956 = tpu.memref_squeeze %dma_wait3A_955 : memref<1x!tpu.dma_semaphore, #tpu.memory_space<semaphore_mem>> -> memref<!tpu.dma_semaphore, #tpu.memory_space<semaphore_mem>>
    tpu.wait_indirect_dma semaphore(%dma_wait3A_956 : memref<!tpu.dma_semaphore, #tpu.memory_space<semaphore_mem>>) src(%dma_wait3A_954 : memref<100000x128xf32, #tpu.memory_space<hbm>>) dst(%dma_wait3A_949 : memref<128x128xf32, #tpu.memory_space<vmem>>)
    %add3A_957 = arith.constant 1792 : i32
    %add3A_958 = arith.addi %mul3A_2, %add3A_957 : i32
    %dma_start3A_959 = arith.constant 1 : i32
    %dma_start3A_960 = arith.constant 1 : i32
    %dma_start3A_961 = arith.constant 0 : i32
    %dma_start3A_962 = arith.constant 0 : i32
    %dma_start3A_963 = tpu.memref_slice %arg7[%dma_start3A_959, %dma_start3A_961, %dma_start3A_962] : memref<3x256x128xf32, #tpu.memory_space<vmem>> -> memref<1x256x128xf32, #tpu.memory_space<vmem>>
    %dma_start3A_964 = tpu.memref_squeeze %dma_start3A_963 : memref<1x256x128xf32, #tpu.memory_space<vmem>> -> memref<256x128xf32, #tpu.memory_space<vmem>>
    %dma_start3A_965 = arith.constant 0 : i32
    %dma_start3A_966 = tpu.memref_slice %arg5[%add3A_958, %dma_start3A_965] : memref<204800x128xf32, #tpu.memory_space<hbm>> -> memref<256x128xf32, #tpu.memory_space<hbm>>
    %dma_start3A_967 = tpu.memref_slice %arg10[%dma_start3A_960] : memref<3x!tpu.dma_semaphore, #tpu.memory_space<semaphore_mem>> -> memref<1x!tpu.dma_semaphore, #tpu.memory_space<semaphore_mem>>
    %dma_start3A_968 = tpu.memref_squeeze %dma_start3A_967 : memref<1x!tpu.dma_semaphore, #tpu.memory_space<semaphore_mem>> -> memref<!tpu.dma_semaphore, #tpu.memory_space<semaphore_mem>>
    %dma_start3A_969 = arith.constant 0 : i32
    %dma_start3A_970 = tpu.memref_slice %arg5[%add3A_958, %dma_start3A_969] : memref<204800x128xf32, #tpu.memory_space<hbm>> -> memref<256x128xf32, #tpu.memory_space<hbm>>
    %dma_start3A_971 = arith.constant 0 : i32
    %dma_start3A_972 = arith.constant 0 : i32
    %dma_start3A_973 = tpu.memref_slice %arg7[%dma_start3A_959, %dma_start3A_971, %dma_start3A_972] : memref<3x256x128xf32, #tpu.memory_space<vmem>> -> memref<1x256x128xf32, #tpu.memory_space<vmem>>
    %dma_start3A_974 = tpu.memref_squeeze %dma_start3A_973 : memref<1x256x128xf32, #tpu.memory_space<vmem>> -> memref<256x128xf32, #tpu.memory_space<vmem>>
    tpu.enqueue_dma source(%dma_start3A_974 : memref<256x128xf32, #tpu.memory_space<vmem>>) target(%dma_start3A_970 : memref<256x128xf32, #tpu.memory_space<hbm>>) target_semaphore(%dma_start3A_968 : memref<!tpu.dma_semaphore, #tpu.memory_space<semaphore_mem>>)
    %add3A_975 = arith.constant 2048 : i32
    %add3A_976 = arith.addi %mul3A_2, %add3A_975 : i32
    %dma_wait3A_977 = arith.constant 2 : i32
    %dma_wait3A_978 = arith.constant 2 : i32
    %dma_wait3A_979 = arith.constant 0 : i32
    %dma_wait3A_980 = arith.constant 0 : i32
    %dma_wait3A_981 = tpu.memref_slice %arg7[%dma_wait3A_977, %dma_wait3A_979, %dma_wait3A_980] : memref<3x256x128xf32, #tpu.memory_space<vmem>> -> memref<1x256x128xf32, #tpu.memory_space<vmem>>
    %dma_wait3A_982 = tpu.memref_squeeze %dma_wait3A_981 : memref<1x256x128xf32, #tpu.memory_space<vmem>> -> memref<256x128xf32, #tpu.memory_space<vmem>>
    %dma_wait3A_983 = arith.constant 0 : i32
    %dma_wait3A_984 = tpu.memref_slice %arg2[%add3A_976, %dma_wait3A_983] : memref<204800x128xf32, #tpu.memory_space<hbm>> -> memref<256x128xf32, #tpu.memory_space<hbm>>
    %dma_wait3A_985 = tpu.memref_slice %arg8[%dma_wait3A_978] : memref<3x!tpu.dma_semaphore, #tpu.memory_space<semaphore_mem>> -> memref<1x!tpu.dma_semaphore, #tpu.memory_space<semaphore_mem>>
    %dma_wait3A_986 = tpu.memref_squeeze %dma_wait3A_985 : memref<1x!tpu.dma_semaphore, #tpu.memory_space<semaphore_mem>> -> memref<!tpu.dma_semaphore, #tpu.memory_space<semaphore_mem>>
    %dma_wait3A_987 = arith.constant 0 : i32
    %dma_wait3A_988 = arith.constant 0 : i32
    %dma_wait3A_989 = tpu.memref_slice %arg7[%dma_wait3A_977, %dma_wait3A_987, %dma_wait3A_988] : memref<3x256x128xf32, #tpu.memory_space<vmem>> -> memref<1x256x128xf32, #tpu.memory_space<vmem>>
    %dma_wait3A_990 = tpu.memref_squeeze %dma_wait3A_989 : memref<1x256x128xf32, #tpu.memory_space<vmem>> -> memref<256x128xf32, #tpu.memory_space<vmem>>
    %dma_wait3A_991 = arith.constant 0 : i32
    %dma_wait3A_992 = tpu.memref_slice %arg2[%add3A_976, %dma_wait3A_991] : memref<204800x128xf32, #tpu.memory_space<hbm>> -> memref<256x128xf32, #tpu.memory_space<hbm>>
    tpu.wait_dma2 semaphore(%dma_wait3A_986 : memref<!tpu.dma_semaphore, #tpu.memory_space<semaphore_mem>>) src(%dma_wait3A_992 : memref<256x128xf32, #tpu.memory_space<hbm>>) dst(%dma_wait3A_990 : memref<256x128xf32, #tpu.memory_space<vmem>>)
    %dma_start3A_993 = arith.constant 2 : i32
    %dma_start3A_994 = arith.constant 2 : i32
    %dma_start3A_995 = arith.constant 0 : i32
    %dma_start3A_996 = arith.constant 0 : i32
    %dma_start3A_997 = tpu.memref_slice %arg7[%dma_start3A_993, %dma_start3A_995, %dma_start3A_996] : memref<3x256x128xf32, #tpu.memory_space<vmem>> -> memref<1x128x128xf32, #tpu.memory_space<vmem>>
    %dma_start3A_998 = tpu.memref_squeeze %dma_start3A_997 : memref<1x128x128xf32, #tpu.memory_space<vmem>> -> memref<128x128xf32, #tpu.memory_space<vmem>>
    %dma_start3A_999 = arith.constant 2048 : i32
    %dma_start3A_1000 = tpu.memref_slice %arg6[%dma_start3A_999] : memref<6400xi32, #tpu.memory_space<vmem>> -> memref<128xi32, #tpu.memory_space<vmem>>
    %dma_start3A_1001 = arith.constant 0 : i32
    %dma_start3A_1002 = arith.constant 0 : i32
    %dma_start3A_1003 = tpu.memref_slice %arg4[%dma_start3A_1001, %dma_start3A_1002] : memref<100000x128xf32, #tpu.memory_space<hbm>> -> memref<100000x128xf32, #tpu.memory_space<hbm>>
    %dma_start3A_1004 = tpu.memref_slice %arg9[%dma_start3A_994] : memref<3x!tpu.dma_semaphore, #tpu.memory_space<semaphore_mem>> -> memref<1x!tpu.dma_semaphore, #tpu.memory_space<semaphore_mem>>
    %dma_start3A_1005 = tpu.memref_squeeze %dma_start3A_1004 : memref<1x!tpu.dma_semaphore, #tpu.memory_space<semaphore_mem>> -> memref<!tpu.dma_semaphore, #tpu.memory_space<semaphore_mem>>
    tpu.enqueue_indirect_dma source(%dma_start3A_1003 : memref<100000x128xf32, #tpu.memory_space<hbm>>) target(%dma_start3A_998 : memref<128x128xf32, #tpu.memory_space<vmem>>) offsets(%dma_start3A_1000 : memref<128xi32, #tpu.memory_space<vmem>>) semaphore(%dma_start3A_1005 : memref<!tpu.dma_semaphore, #tpu.memory_space<semaphore_mem>>) {add = true}
    %dma_start3A_1006 = arith.constant 2 : i32
    %dma_start3A_1007 = arith.constant 2 : i32
    %dma_start3A_1008 = arith.constant 128 : i32
    %dma_start3A_1009 = arith.constant 0 : i32
    %dma_start3A_1010 = tpu.memref_slice %arg7[%dma_start3A_1006, %dma_start3A_1008, %dma_start3A_1009] : memref<3x256x128xf32, #tpu.memory_space<vmem>> -> memref<1x128x128xf32, #tpu.memory_space<vmem>>
    %dma_start3A_1011 = tpu.memref_squeeze %dma_start3A_1010 : memref<1x128x128xf32, #tpu.memory_space<vmem>> -> memref<128x128xf32, #tpu.memory_space<vmem>>
    %dma_start3A_1012 = arith.constant 2176 : i32
    %dma_start3A_1013 = tpu.memref_slice %arg6[%dma_start3A_1012] : memref<6400xi32, #tpu.memory_space<vmem>> -> memref<128xi32, #tpu.memory_space<vmem>>
    %dma_start3A_1014 = arith.constant 0 : i32
    %dma_start3A_1015 = arith.constant 0 : i32
    %dma_start3A_1016 = tpu.memref_slice %arg4[%dma_start3A_1014, %dma_start3A_1015] : memref<100000x128xf32, #tpu.memory_space<hbm>> -> memref<100000x128xf32, #tpu.memory_space<hbm>>
    %dma_start3A_1017 = tpu.memref_slice %arg9[%dma_start3A_1007] : memref<3x!tpu.dma_semaphore, #tpu.memory_space<semaphore_mem>> -> memref<1x!tpu.dma_semaphore, #tpu.memory_space<semaphore_mem>>
    %dma_start3A_1018 = tpu.memref_squeeze %dma_start3A_1017 : memref<1x!tpu.dma_semaphore, #tpu.memory_space<semaphore_mem>> -> memref<!tpu.dma_semaphore, #tpu.memory_space<semaphore_mem>>
    tpu.enqueue_indirect_dma source(%dma_start3A_1016 : memref<100000x128xf32, #tpu.memory_space<hbm>>) target(%dma_start3A_1011 : memref<128x128xf32, #tpu.memory_space<vmem>>) offsets(%dma_start3A_1013 : memref<128xi32, #tpu.memory_space<vmem>>) semaphore(%dma_start3A_1018 : memref<!tpu.dma_semaphore, #tpu.memory_space<semaphore_mem>>) {add = true}
    %add3A_1019 = arith.constant 1536 : i32
    %add3A_1020 = arith.addi %mul3A_2, %add3A_1019 : i32
    %dma_wait3A_1021 = arith.constant 0 : i32
    %dma_wait3A_1022 = arith.constant 0 : i32
    %dma_wait3A_1023 = arith.constant 0 : i32
    %dma_wait3A_1024 = arith.constant 0 : i32
    %dma_wait3A_1025 = tpu.memref_slice %arg7[%dma_wait3A_1021, %dma_wait3A_1023, %dma_wait3A_1024] : memref<3x256x128xf32, #tpu.memory_space<vmem>> -> memref<1x256x128xf32, #tpu.memory_space<vmem>>
    %dma_wait3A_1026 = tpu.memref_squeeze %dma_wait3A_1025 : memref<1x256x128xf32, #tpu.memory_space<vmem>> -> memref<256x128xf32, #tpu.memory_space<vmem>>
    %dma_wait3A_1027 = arith.constant 0 : i32
    %dma_wait3A_1028 = tpu.memref_slice %arg5[%add3A_1020, %dma_wait3A_1027] : memref<204800x128xf32, #tpu.memory_space<hbm>> -> memref<256x128xf32, #tpu.memory_space<hbm>>
    %dma_wait3A_1029 = tpu.memref_slice %arg10[%dma_wait3A_1022] : memref<3x!tpu.dma_semaphore, #tpu.memory_space<semaphore_mem>> -> memref<1x!tpu.dma_semaphore, #tpu.memory_space<semaphore_mem>>
    %dma_wait3A_1030 = tpu.memref_squeeze %dma_wait3A_1029 : memref<1x!tpu.dma_semaphore, #tpu.memory_space<semaphore_mem>> -> memref<!tpu.dma_semaphore, #tpu.memory_space<semaphore_mem>>
    %dma_wait3A_1031 = arith.constant 0 : i32
    %dma_wait3A_1032 = tpu.memref_slice %arg5[%add3A_1020, %dma_wait3A_1031] : memref<204800x128xf32, #tpu.memory_space<hbm>> -> memref<256x128xf32, #tpu.memory_space<hbm>>
    %dma_wait3A_1033 = arith.constant 0 : i32
    %dma_wait3A_1034 = arith.constant 0 : i32
    %dma_wait3A_1035 = tpu.memref_slice %arg7[%dma_wait3A_1021, %dma_wait3A_1033, %dma_wait3A_1034] : memref<3x256x128xf32, #tpu.memory_space<vmem>> -> memref<1x256x128xf32, #tpu.memory_space<vmem>>
    %dma_wait3A_1036 = tpu.memref_squeeze %dma_wait3A_1035 : memref<1x256x128xf32, #tpu.memory_space<vmem>> -> memref<256x128xf32, #tpu.memory_space<vmem>>
    tpu.wait_dma2 semaphore(%dma_wait3A_1030 : memref<!tpu.dma_semaphore, #tpu.memory_space<semaphore_mem>>) src(%dma_wait3A_1036 : memref<256x128xf32, #tpu.memory_space<vmem>>) dst(%dma_wait3A_1032 : memref<256x128xf32, #tpu.memory_space<hbm>>)
    %add3A_1037 = arith.constant 2304 : i32
    %add3A_1038 = arith.addi %mul3A_2, %add3A_1037 : i32
    %dma_start3A_1039 = arith.constant 0 : i32
    %dma_start3A_1040 = arith.constant 0 : i32
    %dma_start3A_1041 = arith.constant 0 : i32
    %dma_start3A_1042 = arith.constant 0 : i32
    %dma_start3A_1043 = tpu.memref_slice %arg7[%dma_start3A_1039, %dma_start3A_1041, %dma_start3A_1042] : memref<3x256x128xf32, #tpu.memory_space<vmem>> -> memref<1x256x128xf32, #tpu.memory_space<vmem>>
    %dma_start3A_1044 = tpu.memref_squeeze %dma_start3A_1043 : memref<1x256x128xf32, #tpu.memory_space<vmem>> -> memref<256x128xf32, #tpu.memory_space<vmem>>
    %dma_start3A_1045 = arith.constant 0 : i32
    %dma_start3A_1046 = tpu.memref_slice %arg2[%add3A_1038, %dma_start3A_1045] : memref<204800x128xf32, #tpu.memory_space<hbm>> -> memref<256x128xf32, #tpu.memory_space<hbm>>
    %dma_start3A_1047 = tpu.memref_slice %arg8[%dma_start3A_1040] : memref<3x!tpu.dma_semaphore, #tpu.memory_space<semaphore_mem>> -> memref<1x!tpu.dma_semaphore, #tpu.memory_space<semaphore_mem>>
    %dma_start3A_1048 = tpu.memref_squeeze %dma_start3A_1047 : memref<1x!tpu.dma_semaphore, #tpu.memory_space<semaphore_mem>> -> memref<!tpu.dma_semaphore, #tpu.memory_space<semaphore_mem>>
    %dma_start3A_1049 = arith.constant 0 : i32
    %dma_start3A_1050 = arith.constant 0 : i32
    %dma_start3A_1051 = tpu.memref_slice %arg7[%dma_start3A_1039, %dma_start3A_1049, %dma_start3A_1050] : memref<3x256x128xf32, #tpu.memory_space<vmem>> -> memref<1x256x128xf32, #tpu.memory_space<vmem>>
    %dma_start3A_1052 = tpu.memref_squeeze %dma_start3A_1051 : memref<1x256x128xf32, #tpu.memory_space<vmem>> -> memref<256x128xf32, #tpu.memory_space<vmem>>
    %dma_start3A_1053 = arith.constant 0 : i32
    %dma_start3A_1054 = tpu.memref_slice %arg2[%add3A_1038, %dma_start3A_1053] : memref<204800x128xf32, #tpu.memory_space<hbm>> -> memref<256x128xf32, #tpu.memory_space<hbm>>
    tpu.enqueue_dma source(%dma_start3A_1054 : memref<256x128xf32, #tpu.memory_space<hbm>>) target(%dma_start3A_1052 : memref<256x128xf32, #tpu.memory_space<vmem>>) target_semaphore(%dma_start3A_1048 : memref<!tpu.dma_semaphore, #tpu.memory_space<semaphore_mem>>)
    %dma_wait3A_1055 = arith.constant 2 : i32
    %dma_wait3A_1056 = arith.constant 2 : i32
    %dma_wait3A_1057 = arith.constant 0 : i32
    %dma_wait3A_1058 = arith.constant 0 : i32
    %dma_wait3A_1059 = tpu.memref_slice %arg7[%dma_wait3A_1055, %dma_wait3A_1057, %dma_wait3A_1058] : memref<3x256x128xf32, #tpu.memory_space<vmem>> -> memref<1x128x128xf32, #tpu.memory_space<vmem>>
    %dma_wait3A_1060 = tpu.memref_squeeze %dma_wait3A_1059 : memref<1x128x128xf32, #tpu.memory_space<vmem>> -> memref<128x128xf32, #tpu.memory_space<vmem>>
    %dma_wait3A_1061 = arith.constant 2048 : i32
    %dma_wait3A_1062 = tpu.memref_slice %arg6[%dma_wait3A_1061] : memref<6400xi32, #tpu.memory_space<vmem>> -> memref<128xi32, #tpu.memory_space<vmem>>
    %dma_wait3A_1063 = arith.constant 0 : i32
    %dma_wait3A_1064 = arith.constant 0 : i32
    %dma_wait3A_1065 = tpu.memref_slice %arg4[%dma_wait3A_1063, %dma_wait3A_1064] : memref<100000x128xf32, #tpu.memory_space<hbm>> -> memref<100000x128xf32, #tpu.memory_space<hbm>>
    %dma_wait3A_1066 = tpu.memref_slice %arg9[%dma_wait3A_1056] : memref<3x!tpu.dma_semaphore, #tpu.memory_space<semaphore_mem>> -> memref<1x!tpu.dma_semaphore, #tpu.memory_space<semaphore_mem>>
    %dma_wait3A_1067 = tpu.memref_squeeze %dma_wait3A_1066 : memref<1x!tpu.dma_semaphore, #tpu.memory_space<semaphore_mem>> -> memref<!tpu.dma_semaphore, #tpu.memory_space<semaphore_mem>>
    tpu.wait_indirect_dma semaphore(%dma_wait3A_1067 : memref<!tpu.dma_semaphore, #tpu.memory_space<semaphore_mem>>) src(%dma_wait3A_1065 : memref<100000x128xf32, #tpu.memory_space<hbm>>) dst(%dma_wait3A_1060 : memref<128x128xf32, #tpu.memory_space<vmem>>)
    %dma_wait3A_1068 = arith.constant 2 : i32
    %dma_wait3A_1069 = arith.constant 2 : i32
    %dma_wait3A_1070 = arith.constant 128 : i32
    %dma_wait3A_1071 = arith.constant 0 : i32
    %dma_wait3A_1072 = tpu.memref_slice %arg7[%dma_wait3A_1068, %dma_wait3A_1070, %dma_wait3A_1071] : memref<3x256x128xf32, #tpu.memory_space<vmem>> -> memref<1x128x128xf32, #tpu.memory_space<vmem>>
    %dma_wait3A_1073 = tpu.memref_squeeze %dma_wait3A_1072 : memref<1x128x128xf32, #tpu.memory_space<vmem>> -> memref<128x128xf32, #tpu.memory_space<vmem>>
    %dma_wait3A_1074 = arith.constant 2176 : i32
    %dma_wait3A_1075 = tpu.memref_slice %arg6[%dma_wait3A_1074] : memref<6400xi32, #tpu.memory_space<vmem>> -> memref<128xi32, #tpu.memory_space<vmem>>
    %dma_wait3A_1076 = arith.constant 0 : i32
    %dma_wait3A_1077 = arith.constant 0 : i32
    %dma_wait3A_1078 = tpu.memref_slice %arg4[%dma_wait3A_1076, %dma_wait3A_1077] : memref<100000x128xf32, #tpu.memory_space<hbm>> -> memref<100000x128xf32, #tpu.memory_space<hbm>>
    %dma_wait3A_1079 = tpu.memref_slice %arg9[%dma_wait3A_1069] : memref<3x!tpu.dma_semaphore, #tpu.memory_space<semaphore_mem>> -> memref<1x!tpu.dma_semaphore, #tpu.memory_space<semaphore_mem>>
    %dma_wait3A_1080 = tpu.memref_squeeze %dma_wait3A_1079 : memref<1x!tpu.dma_semaphore, #tpu.memory_space<semaphore_mem>> -> memref<!tpu.dma_semaphore, #tpu.memory_space<semaphore_mem>>
    tpu.wait_indirect_dma semaphore(%dma_wait3A_1080 : memref<!tpu.dma_semaphore, #tpu.memory_space<semaphore_mem>>) src(%dma_wait3A_1078 : memref<100000x128xf32, #tpu.memory_space<hbm>>) dst(%dma_wait3A_1073 : memref<128x128xf32, #tpu.memory_space<vmem>>)
    %add3A_1081 = arith.constant 2048 : i32
    %add3A_1082 = arith.addi %mul3A_2, %add3A_1081 : i32
    %dma_start3A_1083 = arith.constant 2 : i32
    %dma_start3A_1084 = arith.constant 2 : i32
    %dma_start3A_1085 = arith.constant 0 : i32
    %dma_start3A_1086 = arith.constant 0 : i32
    %dma_start3A_1087 = tpu.memref_slice %arg7[%dma_start3A_1083, %dma_start3A_1085, %dma_start3A_1086] : memref<3x256x128xf32, #tpu.memory_space<vmem>> -> memref<1x256x128xf32, #tpu.memory_space<vmem>>
    %dma_start3A_1088 = tpu.memref_squeeze %dma_start3A_1087 : memref<1x256x128xf32, #tpu.memory_space<vmem>> -> memref<256x128xf32, #tpu.memory_space<vmem>>
    %dma_start3A_1089 = arith.constant 0 : i32
    %dma_start3A_1090 = tpu.memref_slice %arg5[%add3A_1082, %dma_start3A_1089] : memref<204800x128xf32, #tpu.memory_space<hbm>> -> memref<256x128xf32, #tpu.memory_space<hbm>>
    %dma_start3A_1091 = tpu.memref_slice %arg10[%dma_start3A_1084] : memref<3x!tpu.dma_semaphore, #tpu.memory_space<semaphore_mem>> -> memref<1x!tpu.dma_semaphore, #tpu.memory_space<semaphore_mem>>
    %dma_start3A_1092 = tpu.memref_squeeze %dma_start3A_1091 : memref<1x!tpu.dma_semaphore, #tpu.memory_space<semaphore_mem>> -> memref<!tpu.dma_semaphore, #tpu.memory_space<semaphore_mem>>
    %dma_start3A_1093 = arith.constant 0 : i32
    %dma_start3A_1094 = tpu.memref_slice %arg5[%add3A_1082, %dma_start3A_1093] : memref<204800x128xf32, #tpu.memory_space<hbm>> -> memref<256x128xf32, #tpu.memory_space<hbm>>
    %dma_start3A_1095 = arith.constant 0 : i32
    %dma_start3A_1096 = arith.constant 0 : i32
    %dma_start3A_1097 = tpu.memref_slice %arg7[%dma_start3A_1083, %dma_start3A_1095, %dma_start3A_1096] : memref<3x256x128xf32, #tpu.memory_space<vmem>> -> memref<1x256x128xf32, #tpu.memory_space<vmem>>
    %dma_start3A_1098 = tpu.memref_squeeze %dma_start3A_1097 : memref<1x256x128xf32, #tpu.memory_space<vmem>> -> memref<256x128xf32, #tpu.memory_space<vmem>>
    tpu.enqueue_dma source(%dma_start3A_1098 : memref<256x128xf32, #tpu.memory_space<vmem>>) target(%dma_start3A_1094 : memref<256x128xf32, #tpu.memory_space<hbm>>) target_semaphore(%dma_start3A_1092 : memref<!tpu.dma_semaphore, #tpu.memory_space<semaphore_mem>>)
    %add3A_1099 = arith.constant 2304 : i32
    %add3A_1100 = arith.addi %mul3A_2, %add3A_1099 : i32
    %dma_wait3A_1101 = arith.constant 0 : i32
    %dma_wait3A_1102 = arith.constant 0 : i32
    %dma_wait3A_1103 = arith.constant 0 : i32
    %dma_wait3A_1104 = arith.constant 0 : i32
    %dma_wait3A_1105 = tpu.memref_slice %arg7[%dma_wait3A_1101, %dma_wait3A_1103, %dma_wait3A_1104] : memref<3x256x128xf32, #tpu.memory_space<vmem>> -> memref<1x256x128xf32, #tpu.memory_space<vmem>>
    %dma_wait3A_1106 = tpu.memref_squeeze %dma_wait3A_1105 : memref<1x256x128xf32, #tpu.memory_space<vmem>> -> memref<256x128xf32, #tpu.memory_space<vmem>>
    %dma_wait3A_1107 = arith.constant 0 : i32
    %dma_wait3A_1108 = tpu.memref_slice %arg2[%add3A_1100, %dma_wait3A_1107] : memref<204800x128xf32, #tpu.memory_space<hbm>> -> memref<256x128xf32, #tpu.memory_space<hbm>>
    %dma_wait3A_1109 = tpu.memref_slice %arg8[%dma_wait3A_1102] : memref<3x!tpu.dma_semaphore, #tpu.memory_space<semaphore_mem>> -> memref<1x!tpu.dma_semaphore, #tpu.memory_space<semaphore_mem>>
    %dma_wait3A_1110 = tpu.memref_squeeze %dma_wait3A_1109 : memref<1x!tpu.dma_semaphore, #tpu.memory_space<semaphore_mem>> -> memref<!tpu.dma_semaphore, #tpu.memory_space<semaphore_mem>>
    %dma_wait3A_1111 = arith.constant 0 : i32
    %dma_wait3A_1112 = arith.constant 0 : i32
    %dma_wait3A_1113 = tpu.memref_slice %arg7[%dma_wait3A_1101, %dma_wait3A_1111, %dma_wait3A_1112] : memref<3x256x128xf32, #tpu.memory_space<vmem>> -> memref<1x256x128xf32, #tpu.memory_space<vmem>>
    %dma_wait3A_1114 = tpu.memref_squeeze %dma_wait3A_1113 : memref<1x256x128xf32, #tpu.memory_space<vmem>> -> memref<256x128xf32, #tpu.memory_space<vmem>>
    %dma_wait3A_1115 = arith.constant 0 : i32
    %dma_wait3A_1116 = tpu.memref_slice %arg2[%add3A_1100, %dma_wait3A_1115] : memref<204800x128xf32, #tpu.memory_space<hbm>> -> memref<256x128xf32, #tpu.memory_space<hbm>>
    tpu.wait_dma2 semaphore(%dma_wait3A_1110 : memref<!tpu.dma_semaphore, #tpu.memory_space<semaphore_mem>>) src(%dma_wait3A_1116 : memref<256x128xf32, #tpu.memory_space<hbm>>) dst(%dma_wait3A_1114 : memref<256x128xf32, #tpu.memory_space<vmem>>)
    %dma_start3A_1117 = arith.constant 0 : i32
    %dma_start3A_1118 = arith.constant 0 : i32
    %dma_start3A_1119 = arith.constant 0 : i32
    %dma_start3A_1120 = arith.constant 0 : i32
    %dma_start3A_1121 = tpu.memref_slice %arg7[%dma_start3A_1117, %dma_start3A_1119, %dma_start3A_1120] : memref<3x256x128xf32, #tpu.memory_space<vmem>> -> memref<1x128x128xf32, #tpu.memory_space<vmem>>
    %dma_start3A_1122 = tpu.memref_squeeze %dma_start3A_1121 : memref<1x128x128xf32, #tpu.memory_space<vmem>> -> memref<128x128xf32, #tpu.memory_space<vmem>>
    %dma_start3A_1123 = arith.constant 2304 : i32
    %dma_start3A_1124 = tpu.memref_slice %arg6[%dma_start3A_1123] : memref<6400xi32, #tpu.memory_space<vmem>> -> memref<128xi32, #tpu.memory_space<vmem>>
    %dma_start3A_1125 = arith.constant 0 : i32
    %dma_start3A_1126 = arith.constant 0 : i32
    %dma_start3A_1127 = tpu.memref_slice %arg4[%dma_start3A_1125, %dma_start3A_1126] : memref<100000x128xf32, #tpu.memory_space<hbm>> -> memref<100000x128xf32, #tpu.memory_space<hbm>>
    %dma_start3A_1128 = tpu.memref_slice %arg9[%dma_start3A_1118] : memref<3x!tpu.dma_semaphore, #tpu.memory_space<semaphore_mem>> -> memref<1x!tpu.dma_semaphore, #tpu.memory_space<semaphore_mem>>
    %dma_start3A_1129 = tpu.memref_squeeze %dma_start3A_1128 : memref<1x!tpu.dma_semaphore, #tpu.memory_space<semaphore_mem>> -> memref<!tpu.dma_semaphore, #tpu.memory_space<semaphore_mem>>
    tpu.enqueue_indirect_dma source(%dma_start3A_1127 : memref<100000x128xf32, #tpu.memory_space<hbm>>) target(%dma_start3A_1122 : memref<128x128xf32, #tpu.memory_space<vmem>>) offsets(%dma_start3A_1124 : memref<128xi32, #tpu.memory_space<vmem>>) semaphore(%dma_start3A_1129 : memref<!tpu.dma_semaphore, #tpu.memory_space<semaphore_mem>>) {add = true}
    %dma_start3A_1130 = arith.constant 0 : i32
    %dma_start3A_1131 = arith.constant 0 : i32
    %dma_start3A_1132 = arith.constant 128 : i32
    %dma_start3A_1133 = arith.constant 0 : i32
    %dma_start3A_1134 = tpu.memref_slice %arg7[%dma_start3A_1130, %dma_start3A_1132, %dma_start3A_1133] : memref<3x256x128xf32, #tpu.memory_space<vmem>> -> memref<1x128x128xf32, #tpu.memory_space<vmem>>
    %dma_start3A_1135 = tpu.memref_squeeze %dma_start3A_1134 : memref<1x128x128xf32, #tpu.memory_space<vmem>> -> memref<128x128xf32, #tpu.memory_space<vmem>>
    %dma_start3A_1136 = arith.constant 2432 : i32
    %dma_start3A_1137 = tpu.memref_slice %arg6[%dma_start3A_1136] : memref<6400xi32, #tpu.memory_space<vmem>> -> memref<128xi32, #tpu.memory_space<vmem>>
    %dma_start3A_1138 = arith.constant 0 : i32
    %dma_start3A_1139 = arith.constant 0 : i32
    %dma_start3A_1140 = tpu.memref_slice %arg4[%dma_start3A_1138, %dma_start3A_1139] : memref<100000x128xf32, #tpu.memory_space<hbm>> -> memref<100000x128xf32, #tpu.memory_space<hbm>>
    %dma_start3A_1141 = tpu.memref_slice %arg9[%dma_start3A_1131] : memref<3x!tpu.dma_semaphore, #tpu.memory_space<semaphore_mem>> -> memref<1x!tpu.dma_semaphore, #tpu.memory_space<semaphore_mem>>
    %dma_start3A_1142 = tpu.memref_squeeze %dma_start3A_1141 : memref<1x!tpu.dma_semaphore, #tpu.memory_space<semaphore_mem>> -> memref<!tpu.dma_semaphore, #tpu.memory_space<semaphore_mem>>
    tpu.enqueue_indirect_dma source(%dma_start3A_1140 : memref<100000x128xf32, #tpu.memory_space<hbm>>) target(%dma_start3A_1135 : memref<128x128xf32, #tpu.memory_space<vmem>>) offsets(%dma_start3A_1137 : memref<128xi32, #tpu.memory_space<vmem>>) semaphore(%dma_start3A_1142 : memref<!tpu.dma_semaphore, #tpu.memory_space<semaphore_mem>>) {add = true}
    %add3A_1143 = arith.constant 1792 : i32
    %add3A_1144 = arith.addi %mul3A_2, %add3A_1143 : i32
    %dma_wait3A_1145 = arith.constant 1 : i32
    %dma_wait3A_1146 = arith.constant 1 : i32
    %dma_wait3A_1147 = arith.constant 0 : i32
    %dma_wait3A_1148 = arith.constant 0 : i32
    %dma_wait3A_1149 = tpu.memref_slice %arg7[%dma_wait3A_1145, %dma_wait3A_1147, %dma_wait3A_1148] : memref<3x256x128xf32, #tpu.memory_space<vmem>> -> memref<1x256x128xf32, #tpu.memory_space<vmem>>
    %dma_wait3A_1150 = tpu.memref_squeeze %dma_wait3A_1149 : memref<1x256x128xf32, #tpu.memory_space<vmem>> -> memref<256x128xf32, #tpu.memory_space<vmem>>
    %dma_wait3A_1151 = arith.constant 0 : i32
    %dma_wait3A_1152 = tpu.memref_slice %arg5[%add3A_1144, %dma_wait3A_1151] : memref<204800x128xf32, #tpu.memory_space<hbm>> -> memref<256x128xf32, #tpu.memory_space<hbm>>
    %dma_wait3A_1153 = tpu.memref_slice %arg10[%dma_wait3A_1146] : memref<3x!tpu.dma_semaphore, #tpu.memory_space<semaphore_mem>> -> memref<1x!tpu.dma_semaphore, #tpu.memory_space<semaphore_mem>>
    %dma_wait3A_1154 = tpu.memref_squeeze %dma_wait3A_1153 : memref<1x!tpu.dma_semaphore, #tpu.memory_space<semaphore_mem>> -> memref<!tpu.dma_semaphore, #tpu.memory_space<semaphore_mem>>
    %dma_wait3A_1155 = arith.constant 0 : i32
    %dma_wait3A_1156 = tpu.memref_slice %arg5[%add3A_1144, %dma_wait3A_1155] : memref<204800x128xf32, #tpu.memory_space<hbm>> -> memref<256x128xf32, #tpu.memory_space<hbm>>
    %dma_wait3A_1157 = arith.constant 0 : i32
    %dma_wait3A_1158 = arith.constant 0 : i32
    %dma_wait3A_1159 = tpu.memref_slice %arg7[%dma_wait3A_1145, %dma_wait3A_1157, %dma_wait3A_1158] : memref<3x256x128xf32, #tpu.memory_space<vmem>> -> memref<1x256x128xf32, #tpu.memory_space<vmem>>
    %dma_wait3A_1160 = tpu.memref_squeeze %dma_wait3A_1159 : memref<1x256x128xf32, #tpu.memory_space<vmem>> -> memref<256x128xf32, #tpu.memory_space<vmem>>
    tpu.wait_dma2 semaphore(%dma_wait3A_1154 : memref<!tpu.dma_semaphore, #tpu.memory_space<semaphore_mem>>) src(%dma_wait3A_1160 : memref<256x128xf32, #tpu.memory_space<vmem>>) dst(%dma_wait3A_1156 : memref<256x128xf32, #tpu.memory_space<hbm>>)
    %add3A_1161 = arith.constant 2560 : i32
    %add3A_1162 = arith.addi %mul3A_2, %add3A_1161 : i32
    %dma_start3A_1163 = arith.constant 1 : i32
    %dma_start3A_1164 = arith.constant 1 : i32
    %dma_start3A_1165 = arith.constant 0 : i32
    %dma_start3A_1166 = arith.constant 0 : i32
    %dma_start3A_1167 = tpu.memref_slice %arg7[%dma_start3A_1163, %dma_start3A_1165, %dma_start3A_1166] : memref<3x256x128xf32, #tpu.memory_space<vmem>> -> memref<1x256x128xf32, #tpu.memory_space<vmem>>
    %dma_start3A_1168 = tpu.memref_squeeze %dma_start3A_1167 : memref<1x256x128xf32, #tpu.memory_space<vmem>> -> memref<256x128xf32, #tpu.memory_space<vmem>>
    %dma_start3A_1169 = arith.constant 0 : i32
    %dma_start3A_1170 = tpu.memref_slice %arg2[%add3A_1162, %dma_start3A_1169] : memref<204800x128xf32, #tpu.memory_space<hbm>> -> memref<256x128xf32, #tpu.memory_space<hbm>>
    %dma_start3A_1171 = tpu.memref_slice %arg8[%dma_start3A_1164] : memref<3x!tpu.dma_semaphore, #tpu.memory_space<semaphore_mem>> -> memref<1x!tpu.dma_semaphore, #tpu.memory_space<semaphore_mem>>
    %dma_start3A_1172 = tpu.memref_squeeze %dma_start3A_1171 : memref<1x!tpu.dma_semaphore, #tpu.memory_space<semaphore_mem>> -> memref<!tpu.dma_semaphore, #tpu.memory_space<semaphore_mem>>
    %dma_start3A_1173 = arith.constant 0 : i32
    %dma_start3A_1174 = arith.constant 0 : i32
    %dma_start3A_1175 = tpu.memref_slice %arg7[%dma_start3A_1163, %dma_start3A_1173, %dma_start3A_1174] : memref<3x256x128xf32, #tpu.memory_space<vmem>> -> memref<1x256x128xf32, #tpu.memory_space<vmem>>
    %dma_start3A_1176 = tpu.memref_squeeze %dma_start3A_1175 : memref<1x256x128xf32, #tpu.memory_space<vmem>> -> memref<256x128xf32, #tpu.memory_space<vmem>>
    %dma_start3A_1177 = arith.constant 0 : i32
    %dma_start3A_1178 = tpu.memref_slice %arg2[%add3A_1162, %dma_start3A_1177] : memref<204800x128xf32, #tpu.memory_space<hbm>> -> memref<256x128xf32, #tpu.memory_space<hbm>>
    tpu.enqueue_dma source(%dma_start3A_1178 : memref<256x128xf32, #tpu.memory_space<hbm>>) target(%dma_start3A_1176 : memref<256x128xf32, #tpu.memory_space<vmem>>) target_semaphore(%dma_start3A_1172 : memref<!tpu.dma_semaphore, #tpu.memory_space<semaphore_mem>>)
    %dma_wait3A_1179 = arith.constant 0 : i32
    %dma_wait3A_1180 = arith.constant 0 : i32
    %dma_wait3A_1181 = arith.constant 0 : i32
    %dma_wait3A_1182 = arith.constant 0 : i32
    %dma_wait3A_1183 = tpu.memref_slice %arg7[%dma_wait3A_1179, %dma_wait3A_1181, %dma_wait3A_1182] : memref<3x256x128xf32, #tpu.memory_space<vmem>> -> memref<1x128x128xf32, #tpu.memory_space<vmem>>
    %dma_wait3A_1184 = tpu.memref_squeeze %dma_wait3A_1183 : memref<1x128x128xf32, #tpu.memory_space<vmem>> -> memref<128x128xf32, #tpu.memory_space<vmem>>
    %dma_wait3A_1185 = arith.constant 2304 : i32
    %dma_wait3A_1186 = tpu.memref_slice %arg6[%dma_wait3A_1185] : memref<6400xi32, #tpu.memory_space<vmem>> -> memref<128xi32, #tpu.memory_space<vmem>>
    %dma_wait3A_1187 = arith.constant 0 : i32
    %dma_wait3A_1188 = arith.constant 0 : i32
    %dma_wait3A_1189 = tpu.memref_slice %arg4[%dma_wait3A_1187, %dma_wait3A_1188] : memref<100000x128xf32, #tpu.memory_space<hbm>> -> memref<100000x128xf32, #tpu.memory_space<hbm>>
    %dma_wait3A_1190 = tpu.memref_slice %arg9[%dma_wait3A_1180] : memref<3x!tpu.dma_semaphore, #tpu.memory_space<semaphore_mem>> -> memref<1x!tpu.dma_semaphore, #tpu.memory_space<semaphore_mem>>
    %dma_wait3A_1191 = tpu.memref_squeeze %dma_wait3A_1190 : memref<1x!tpu.dma_semaphore, #tpu.memory_space<semaphore_mem>> -> memref<!tpu.dma_semaphore, #tpu.memory_space<semaphore_mem>>
    tpu.wait_indirect_dma semaphore(%dma_wait3A_1191 : memref<!tpu.dma_semaphore, #tpu.memory_space<semaphore_mem>>) src(%dma_wait3A_1189 : memref<100000x128xf32, #tpu.memory_space<hbm>>) dst(%dma_wait3A_1184 : memref<128x128xf32, #tpu.memory_space<vmem>>)
    %dma_wait3A_1192 = arith.constant 0 : i32
    %dma_wait3A_1193 = arith.constant 0 : i32
    %dma_wait3A_1194 = arith.constant 128 : i32
    %dma_wait3A_1195 = arith.constant 0 : i32
    %dma_wait3A_1196 = tpu.memref_slice %arg7[%dma_wait3A_1192, %dma_wait3A_1194, %dma_wait3A_1195] : memref<3x256x128xf32, #tpu.memory_space<vmem>> -> memref<1x128x128xf32, #tpu.memory_space<vmem>>
    %dma_wait3A_1197 = tpu.memref_squeeze %dma_wait3A_1196 : memref<1x128x128xf32, #tpu.memory_space<vmem>> -> memref<128x128xf32, #tpu.memory_space<vmem>>
    %dma_wait3A_1198 = arith.constant 2432 : i32
    %dma_wait3A_1199 = tpu.memref_slice %arg6[%dma_wait3A_1198] : memref<6400xi32, #tpu.memory_space<vmem>> -> memref<128xi32, #tpu.memory_space<vmem>>
    %dma_wait3A_1200 = arith.constant 0 : i32
    %dma_wait3A_1201 = arith.constant 0 : i32
    %dma_wait3A_1202 = tpu.memref_slice %arg4[%dma_wait3A_1200, %dma_wait3A_1201] : memref<100000x128xf32, #tpu.memory_space<hbm>> -> memref<100000x128xf32, #tpu.memory_space<hbm>>
    %dma_wait3A_1203 = tpu.memref_slice %arg9[%dma_wait3A_1193] : memref<3x!tpu.dma_semaphore, #tpu.memory_space<semaphore_mem>> -> memref<1x!tpu.dma_semaphore, #tpu.memory_space<semaphore_mem>>
    %dma_wait3A_1204 = tpu.memref_squeeze %dma_wait3A_1203 : memref<1x!tpu.dma_semaphore, #tpu.memory_space<semaphore_mem>> -> memref<!tpu.dma_semaphore, #tpu.memory_space<semaphore_mem>>
    tpu.wait_indirect_dma semaphore(%dma_wait3A_1204 : memref<!tpu.dma_semaphore, #tpu.memory_space<semaphore_mem>>) src(%dma_wait3A_1202 : memref<100000x128xf32, #tpu.memory_space<hbm>>) dst(%dma_wait3A_1197 : memref<128x128xf32, #tpu.memory_space<vmem>>)
    %add3A_1205 = arith.constant 2304 : i32
    %add3A_1206 = arith.addi %mul3A_2, %add3A_1205 : i32
    %dma_start3A_1207 = arith.constant 0 : i32
    %dma_start3A_1208 = arith.constant 0 : i32
    %dma_start3A_1209 = arith.constant 0 : i32
    %dma_start3A_1210 = arith.constant 0 : i32
    %dma_start3A_1211 = tpu.memref_slice %arg7[%dma_start3A_1207, %dma_start3A_1209, %dma_start3A_1210] : memref<3x256x128xf32, #tpu.memory_space<vmem>> -> memref<1x256x128xf32, #tpu.memory_space<vmem>>
    %dma_start3A_1212 = tpu.memref_squeeze %dma_start3A_1211 : memref<1x256x128xf32, #tpu.memory_space<vmem>> -> memref<256x128xf32, #tpu.memory_space<vmem>>
    %dma_start3A_1213 = arith.constant 0 : i32
    %dma_start3A_1214 = tpu.memref_slice %arg5[%add3A_1206, %dma_start3A_1213] : memref<204800x128xf32, #tpu.memory_space<hbm>> -> memref<256x128xf32, #tpu.memory_space<hbm>>
    %dma_start3A_1215 = tpu.memref_slice %arg10[%dma_start3A_1208] : memref<3x!tpu.dma_semaphore, #tpu.memory_space<semaphore_mem>> -> memref<1x!tpu.dma_semaphore, #tpu.memory_space<semaphore_mem>>
    %dma_start3A_1216 = tpu.memref_squeeze %dma_start3A_1215 : memref<1x!tpu.dma_semaphore, #tpu.memory_space<semaphore_mem>> -> memref<!tpu.dma_semaphore, #tpu.memory_space<semaphore_mem>>
    %dma_start3A_1217 = arith.constant 0 : i32
    %dma_start3A_1218 = tpu.memref_slice %arg5[%add3A_1206, %dma_start3A_1217] : memref<204800x128xf32, #tpu.memory_space<hbm>> -> memref<256x128xf32, #tpu.memory_space<hbm>>
    %dma_start3A_1219 = arith.constant 0 : i32
    %dma_start3A_1220 = arith.constant 0 : i32
    %dma_start3A_1221 = tpu.memref_slice %arg7[%dma_start3A_1207, %dma_start3A_1219, %dma_start3A_1220] : memref<3x256x128xf32, #tpu.memory_space<vmem>> -> memref<1x256x128xf32, #tpu.memory_space<vmem>>
    %dma_start3A_1222 = tpu.memref_squeeze %dma_start3A_1221 : memref<1x256x128xf32, #tpu.memory_space<vmem>> -> memref<256x128xf32, #tpu.memory_space<vmem>>
    tpu.enqueue_dma source(%dma_start3A_1222 : memref<256x128xf32, #tpu.memory_space<vmem>>) target(%dma_start3A_1218 : memref<256x128xf32, #tpu.memory_space<hbm>>) target_semaphore(%dma_start3A_1216 : memref<!tpu.dma_semaphore, #tpu.memory_space<semaphore_mem>>)
    %add3A_1223 = arith.constant 2560 : i32
    %add3A_1224 = arith.addi %mul3A_2, %add3A_1223 : i32
    %dma_wait3A_1225 = arith.constant 1 : i32
    %dma_wait3A_1226 = arith.constant 1 : i32
    %dma_wait3A_1227 = arith.constant 0 : i32
    %dma_wait3A_1228 = arith.constant 0 : i32
    %dma_wait3A_1229 = tpu.memref_slice %arg7[%dma_wait3A_1225, %dma_wait3A_1227, %dma_wait3A_1228] : memref<3x256x128xf32, #tpu.memory_space<vmem>> -> memref<1x256x128xf32, #tpu.memory_space<vmem>>
    %dma_wait3A_1230 = tpu.memref_squeeze %dma_wait3A_1229 : memref<1x256x128xf32, #tpu.memory_space<vmem>> -> memref<256x128xf32, #tpu.memory_space<vmem>>
    %dma_wait3A_1231 = arith.constant 0 : i32
    %dma_wait3A_1232 = tpu.memref_slice %arg2[%add3A_1224, %dma_wait3A_1231] : memref<204800x128xf32, #tpu.memory_space<hbm>> -> memref<256x128xf32, #tpu.memory_space<hbm>>
    %dma_wait3A_1233 = tpu.memref_slice %arg8[%dma_wait3A_1226] : memref<3x!tpu.dma_semaphore, #tpu.memory_space<semaphore_mem>> -> memref<1x!tpu.dma_semaphore, #tpu.memory_space<semaphore_mem>>
    %dma_wait3A_1234 = tpu.memref_squeeze %dma_wait3A_1233 : memref<1x!tpu.dma_semaphore, #tpu.memory_space<semaphore_mem>> -> memref<!tpu.dma_semaphore, #tpu.memory_space<semaphore_mem>>
    %dma_wait3A_1235 = arith.constant 0 : i32
    %dma_wait3A_1236 = arith.constant 0 : i32
    %dma_wait3A_1237 = tpu.memref_slice %arg7[%dma_wait3A_1225, %dma_wait3A_1235, %dma_wait3A_1236] : memref<3x256x128xf32, #tpu.memory_space<vmem>> -> memref<1x256x128xf32, #tpu.memory_space<vmem>>
    %dma_wait3A_1238 = tpu.memref_squeeze %dma_wait3A_1237 : memref<1x256x128xf32, #tpu.memory_space<vmem>> -> memref<256x128xf32, #tpu.memory_space<vmem>>
    %dma_wait3A_1239 = arith.constant 0 : i32
    %dma_wait3A_1240 = tpu.memref_slice %arg2[%add3A_1224, %dma_wait3A_1239] : memref<204800x128xf32, #tpu.memory_space<hbm>> -> memref<256x128xf32, #tpu.memory_space<hbm>>
    tpu.wait_dma2 semaphore(%dma_wait3A_1234 : memref<!tpu.dma_semaphore, #tpu.memory_space<semaphore_mem>>) src(%dma_wait3A_1240 : memref<256x128xf32, #tpu.memory_space<hbm>>) dst(%dma_wait3A_1238 : memref<256x128xf32, #tpu.memory_space<vmem>>)
    %dma_start3A_1241 = arith.constant 1 : i32
    %dma_start3A_1242 = arith.constant 1 : i32
    %dma_start3A_1243 = arith.constant 0 : i32
    %dma_start3A_1244 = arith.constant 0 : i32
    %dma_start3A_1245 = tpu.memref_slice %arg7[%dma_start3A_1241, %dma_start3A_1243, %dma_start3A_1244] : memref<3x256x128xf32, #tpu.memory_space<vmem>> -> memref<1x128x128xf32, #tpu.memory_space<vmem>>
    %dma_start3A_1246 = tpu.memref_squeeze %dma_start3A_1245 : memref<1x128x128xf32, #tpu.memory_space<vmem>> -> memref<128x128xf32, #tpu.memory_space<vmem>>
    %dma_start3A_1247 = arith.constant 2560 : i32
    %dma_start3A_1248 = tpu.memref_slice %arg6[%dma_start3A_1247] : memref<6400xi32, #tpu.memory_space<vmem>> -> memref<128xi32, #tpu.memory_space<vmem>>
    %dma_start3A_1249 = arith.constant 0 : i32
    %dma_start3A_1250 = arith.constant 0 : i32
    %dma_start3A_1251 = tpu.memref_slice %arg4[%dma_start3A_1249, %dma_start3A_1250] : memref<100000x128xf32, #tpu.memory_space<hbm>> -> memref<100000x128xf32, #tpu.memory_space<hbm>>
    %dma_start3A_1252 = tpu.memref_slice %arg9[%dma_start3A_1242] : memref<3x!tpu.dma_semaphore, #tpu.memory_space<semaphore_mem>> -> memref<1x!tpu.dma_semaphore, #tpu.memory_space<semaphore_mem>>
    %dma_start3A_1253 = tpu.memref_squeeze %dma_start3A_1252 : memref<1x!tpu.dma_semaphore, #tpu.memory_space<semaphore_mem>> -> memref<!tpu.dma_semaphore, #tpu.memory_space<semaphore_mem>>
    tpu.enqueue_indirect_dma source(%dma_start3A_1251 : memref<100000x128xf32, #tpu.memory_space<hbm>>) target(%dma_start3A_1246 : memref<128x128xf32, #tpu.memory_space<vmem>>) offsets(%dma_start3A_1248 : memref<128xi32, #tpu.memory_space<vmem>>) semaphore(%dma_start3A_1253 : memref<!tpu.dma_semaphore, #tpu.memory_space<semaphore_mem>>) {add = true}
    %dma_start3A_1254 = arith.constant 1 : i32
    %dma_start3A_1255 = arith.constant 1 : i32
    %dma_start3A_1256 = arith.constant 128 : i32
    %dma_start3A_1257 = arith.constant 0 : i32
    %dma_start3A_1258 = tpu.memref_slice %arg7[%dma_start3A_1254, %dma_start3A_1256, %dma_start3A_1257] : memref<3x256x128xf32, #tpu.memory_space<vmem>> -> memref<1x128x128xf32, #tpu.memory_space<vmem>>
    %dma_start3A_1259 = tpu.memref_squeeze %dma_start3A_1258 : memref<1x128x128xf32, #tpu.memory_space<vmem>> -> memref<128x128xf32, #tpu.memory_space<vmem>>
    %dma_start3A_1260 = arith.constant 2688 : i32
    %dma_start3A_1261 = tpu.memref_slice %arg6[%dma_start3A_1260] : memref<6400xi32, #tpu.memory_space<vmem>> -> memref<128xi32, #tpu.memory_space<vmem>>
    %dma_start3A_1262 = arith.constant 0 : i32
    %dma_start3A_1263 = arith.constant 0 : i32
    %dma_start3A_1264 = tpu.memref_slice %arg4[%dma_start3A_1262, %dma_start3A_1263] : memref<100000x128xf32, #tpu.memory_space<hbm>> -> memref<100000x128xf32, #tpu.memory_space<hbm>>
    %dma_start3A_1265 = tpu.memref_slice %arg9[%dma_start3A_1255] : memref<3x!tpu.dma_semaphore, #tpu.memory_space<semaphore_mem>> -> memref<1x!tpu.dma_semaphore, #tpu.memory_space<semaphore_mem>>
    %dma_start3A_1266 = tpu.memref_squeeze %dma_start3A_1265 : memref<1x!tpu.dma_semaphore, #tpu.memory_space<semaphore_mem>> -> memref<!tpu.dma_semaphore, #tpu.memory_space<semaphore_mem>>
    tpu.enqueue_indirect_dma source(%dma_start3A_1264 : memref<100000x128xf32, #tpu.memory_space<hbm>>) target(%dma_start3A_1259 : memref<128x128xf32, #tpu.memory_space<vmem>>) offsets(%dma_start3A_1261 : memref<128xi32, #tpu.memory_space<vmem>>) semaphore(%dma_start3A_1266 : memref<!tpu.dma_semaphore, #tpu.memory_space<semaphore_mem>>) {add = true}
    %add3A_1267 = arith.constant 2048 : i32
    %add3A_1268 = arith.addi %mul3A_2, %add3A_1267 : i32
    %dma_wait3A_1269 = arith.constant 2 : i32
    %dma_wait3A_1270 = arith.constant 2 : i32
    %dma_wait3A_1271 = arith.constant 0 : i32
    %dma_wait3A_1272 = arith.constant 0 : i32
    %dma_wait3A_1273 = tpu.memref_slice %arg7[%dma_wait3A_1269, %dma_wait3A_1271, %dma_wait3A_1272] : memref<3x256x128xf32, #tpu.memory_space<vmem>> -> memref<1x256x128xf32, #tpu.memory_space<vmem>>
    %dma_wait3A_1274 = tpu.memref_squeeze %dma_wait3A_1273 : memref<1x256x128xf32, #tpu.memory_space<vmem>> -> memref<256x128xf32, #tpu.memory_space<vmem>>
    %dma_wait3A_1275 = arith.constant 0 : i32
    %dma_wait3A_1276 = tpu.memref_slice %arg5[%add3A_1268, %dma_wait3A_1275] : memref<204800x128xf32, #tpu.memory_space<hbm>> -> memref<256x128xf32, #tpu.memory_space<hbm>>
    %dma_wait3A_1277 = tpu.memref_slice %arg10[%dma_wait3A_1270] : memref<3x!tpu.dma_semaphore, #tpu.memory_space<semaphore_mem>> -> memref<1x!tpu.dma_semaphore, #tpu.memory_space<semaphore_mem>>
    %dma_wait3A_1278 = tpu.memref_squeeze %dma_wait3A_1277 : memref<1x!tpu.dma_semaphore, #tpu.memory_space<semaphore_mem>> -> memref<!tpu.dma_semaphore, #tpu.memory_space<semaphore_mem>>
    %dma_wait3A_1279 = arith.constant 0 : i32
    %dma_wait3A_1280 = tpu.memref_slice %arg5[%add3A_1268, %dma_wait3A_1279] : memref<204800x128xf32, #tpu.memory_space<hbm>> -> memref<256x128xf32, #tpu.memory_space<hbm>>
    %dma_wait3A_1281 = arith.constant 0 : i32
    %dma_wait3A_1282 = arith.constant 0 : i32
    %dma_wait3A_1283 = tpu.memref_slice %arg7[%dma_wait3A_1269, %dma_wait3A_1281, %dma_wait3A_1282] : memref<3x256x128xf32, #tpu.memory_space<vmem>> -> memref<1x256x128xf32, #tpu.memory_space<vmem>>
    %dma_wait3A_1284 = tpu.memref_squeeze %dma_wait3A_1283 : memref<1x256x128xf32, #tpu.memory_space<vmem>> -> memref<256x128xf32, #tpu.memory_space<vmem>>
    tpu.wait_dma2 semaphore(%dma_wait3A_1278 : memref<!tpu.dma_semaphore, #tpu.memory_space<semaphore_mem>>) src(%dma_wait3A_1284 : memref<256x128xf32, #tpu.memory_space<vmem>>) dst(%dma_wait3A_1280 : memref<256x128xf32, #tpu.memory_space<hbm>>)
    %add3A_1285 = arith.constant 2816 : i32
    %add3A_1286 = arith.addi %mul3A_2, %add3A_1285 : i32
    %dma_start3A_1287 = arith.constant 2 : i32
    %dma_start3A_1288 = arith.constant 2 : i32
    %dma_start3A_1289 = arith.constant 0 : i32
    %dma_start3A_1290 = arith.constant 0 : i32
    %dma_start3A_1291 = tpu.memref_slice %arg7[%dma_start3A_1287, %dma_start3A_1289, %dma_start3A_1290] : memref<3x256x128xf32, #tpu.memory_space<vmem>> -> memref<1x256x128xf32, #tpu.memory_space<vmem>>
    %dma_start3A_1292 = tpu.memref_squeeze %dma_start3A_1291 : memref<1x256x128xf32, #tpu.memory_space<vmem>> -> memref<256x128xf32, #tpu.memory_space<vmem>>
    %dma_start3A_1293 = arith.constant 0 : i32
    %dma_start3A_1294 = tpu.memref_slice %arg2[%add3A_1286, %dma_start3A_1293] : memref<204800x128xf32, #tpu.memory_space<hbm>> -> memref<256x128xf32, #tpu.memory_space<hbm>>
    %dma_start3A_1295 = tpu.memref_slice %arg8[%dma_start3A_1288] : memref<3x!tpu.dma_semaphore, #tpu.memory_space<semaphore_mem>> -> memref<1x!tpu.dma_semaphore, #tpu.memory_space<semaphore_mem>>
    %dma_start3A_1296 = tpu.memref_squeeze %dma_start3A_1295 : memref<1x!tpu.dma_semaphore, #tpu.memory_space<semaphore_mem>> -> memref<!tpu.dma_semaphore, #tpu.memory_space<semaphore_mem>>
    %dma_start3A_1297 = arith.constant 0 : i32
    %dma_start3A_1298 = arith.constant 0 : i32
    %dma_start3A_1299 = tpu.memref_slice %arg7[%dma_start3A_1287, %dma_start3A_1297, %dma_start3A_1298] : memref<3x256x128xf32, #tpu.memory_space<vmem>> -> memref<1x256x128xf32, #tpu.memory_space<vmem>>
    %dma_start3A_1300 = tpu.memref_squeeze %dma_start3A_1299 : memref<1x256x128xf32, #tpu.memory_space<vmem>> -> memref<256x128xf32, #tpu.memory_space<vmem>>
    %dma_start3A_1301 = arith.constant 0 : i32
    %dma_start3A_1302 = tpu.memref_slice %arg2[%add3A_1286, %dma_start3A_1301] : memref<204800x128xf32, #tpu.memory_space<hbm>> -> memref<256x128xf32, #tpu.memory_space<hbm>>
    tpu.enqueue_dma source(%dma_start3A_1302 : memref<256x128xf32, #tpu.memory_space<hbm>>) target(%dma_start3A_1300 : memref<256x128xf32, #tpu.memory_space<vmem>>) target_semaphore(%dma_start3A_1296 : memref<!tpu.dma_semaphore, #tpu.memory_space<semaphore_mem>>)
    %dma_wait3A_1303 = arith.constant 1 : i32
    %dma_wait3A_1304 = arith.constant 1 : i32
    %dma_wait3A_1305 = arith.constant 0 : i32
    %dma_wait3A_1306 = arith.constant 0 : i32
    %dma_wait3A_1307 = tpu.memref_slice %arg7[%dma_wait3A_1303, %dma_wait3A_1305, %dma_wait3A_1306] : memref<3x256x128xf32, #tpu.memory_space<vmem>> -> memref<1x128x128xf32, #tpu.memory_space<vmem>>
    %dma_wait3A_1308 = tpu.memref_squeeze %dma_wait3A_1307 : memref<1x128x128xf32, #tpu.memory_space<vmem>> -> memref<128x128xf32, #tpu.memory_space<vmem>>
    %dma_wait3A_1309 = arith.constant 2560 : i32
    %dma_wait3A_1310 = tpu.memref_slice %arg6[%dma_wait3A_1309] : memref<6400xi32, #tpu.memory_space<vmem>> -> memref<128xi32, #tpu.memory_space<vmem>>
    %dma_wait3A_1311 = arith.constant 0 : i32
    %dma_wait3A_1312 = arith.constant 0 : i32
    %dma_wait3A_1313 = tpu.memref_slice %arg4[%dma_wait3A_1311, %dma_wait3A_1312] : memref<100000x128xf32, #tpu.memory_space<hbm>> -> memref<100000x128xf32, #tpu.memory_space<hbm>>
    %dma_wait3A_1314 = tpu.memref_slice %arg9[%dma_wait3A_1304] : memref<3x!tpu.dma_semaphore, #tpu.memory_space<semaphore_mem>> -> memref<1x!tpu.dma_semaphore, #tpu.memory_space<semaphore_mem>>
    %dma_wait3A_1315 = tpu.memref_squeeze %dma_wait3A_1314 : memref<1x!tpu.dma_semaphore, #tpu.memory_space<semaphore_mem>> -> memref<!tpu.dma_semaphore, #tpu.memory_space<semaphore_mem>>
    tpu.wait_indirect_dma semaphore(%dma_wait3A_1315 : memref<!tpu.dma_semaphore, #tpu.memory_space<semaphore_mem>>) src(%dma_wait3A_1313 : memref<100000x128xf32, #tpu.memory_space<hbm>>) dst(%dma_wait3A_1308 : memref<128x128xf32, #tpu.memory_space<vmem>>)
    %dma_wait3A_1316 = arith.constant 1 : i32
    %dma_wait3A_1317 = arith.constant 1 : i32
    %dma_wait3A_1318 = arith.constant 128 : i32
    %dma_wait3A_1319 = arith.constant 0 : i32
    %dma_wait3A_1320 = tpu.memref_slice %arg7[%dma_wait3A_1316, %dma_wait3A_1318, %dma_wait3A_1319] : memref<3x256x128xf32, #tpu.memory_space<vmem>> -> memref<1x128x128xf32, #tpu.memory_space<vmem>>
    %dma_wait3A_1321 = tpu.memref_squeeze %dma_wait3A_1320 : memref<1x128x128xf32, #tpu.memory_space<vmem>> -> memref<128x128xf32, #tpu.memory_space<vmem>>
    %dma_wait3A_1322 = arith.constant 2688 : i32
    %dma_wait3A_1323 = tpu.memref_slice %arg6[%dma_wait3A_1322] : memref<6400xi32, #tpu.memory_space<vmem>> -> memref<128xi32, #tpu.memory_space<vmem>>
    %dma_wait3A_1324 = arith.constant 0 : i32
    %dma_wait3A_1325 = arith.constant 0 : i32
    %dma_wait3A_1326 = tpu.memref_slice %arg4[%dma_wait3A_1324, %dma_wait3A_1325] : memref<100000x128xf32, #tpu.memory_space<hbm>> -> memref<100000x128xf32, #tpu.memory_space<hbm>>
    %dma_wait3A_1327 = tpu.memref_slice %arg9[%dma_wait3A_1317] : memref<3x!tpu.dma_semaphore, #tpu.memory_space<semaphore_mem>> -> memref<1x!tpu.dma_semaphore, #tpu.memory_space<semaphore_mem>>
    %dma_wait3A_1328 = tpu.memref_squeeze %dma_wait3A_1327 : memref<1x!tpu.dma_semaphore, #tpu.memory_space<semaphore_mem>> -> memref<!tpu.dma_semaphore, #tpu.memory_space<semaphore_mem>>
    tpu.wait_indirect_dma semaphore(%dma_wait3A_1328 : memref<!tpu.dma_semaphore, #tpu.memory_space<semaphore_mem>>) src(%dma_wait3A_1326 : memref<100000x128xf32, #tpu.memory_space<hbm>>) dst(%dma_wait3A_1321 : memref<128x128xf32, #tpu.memory_space<vmem>>)
    %add3A_1329 = arith.constant 2560 : i32
    %add3A_1330 = arith.addi %mul3A_2, %add3A_1329 : i32
    %dma_start3A_1331 = arith.constant 1 : i32
    %dma_start3A_1332 = arith.constant 1 : i32
    %dma_start3A_1333 = arith.constant 0 : i32
    %dma_start3A_1334 = arith.constant 0 : i32
    %dma_start3A_1335 = tpu.memref_slice %arg7[%dma_start3A_1331, %dma_start3A_1333, %dma_start3A_1334] : memref<3x256x128xf32, #tpu.memory_space<vmem>> -> memref<1x256x128xf32, #tpu.memory_space<vmem>>
    %dma_start3A_1336 = tpu.memref_squeeze %dma_start3A_1335 : memref<1x256x128xf32, #tpu.memory_space<vmem>> -> memref<256x128xf32, #tpu.memory_space<vmem>>
    %dma_start3A_1337 = arith.constant 0 : i32
    %dma_start3A_1338 = tpu.memref_slice %arg5[%add3A_1330, %dma_start3A_1337] : memref<204800x128xf32, #tpu.memory_space<hbm>> -> memref<256x128xf32, #tpu.memory_space<hbm>>
    %dma_start3A_1339 = tpu.memref_slice %arg10[%dma_start3A_1332] : memref<3x!tpu.dma_semaphore, #tpu.memory_space<semaphore_mem>> -> memref<1x!tpu.dma_semaphore, #tpu.memory_space<semaphore_mem>>
    %dma_start3A_1340 = tpu.memref_squeeze %dma_start3A_1339 : memref<1x!tpu.dma_semaphore, #tpu.memory_space<semaphore_mem>> -> memref<!tpu.dma_semaphore, #tpu.memory_space<semaphore_mem>>
    %dma_start3A_1341 = arith.constant 0 : i32
    %dma_start3A_1342 = tpu.memref_slice %arg5[%add3A_1330, %dma_start3A_1341] : memref<204800x128xf32, #tpu.memory_space<hbm>> -> memref<256x128xf32, #tpu.memory_space<hbm>>
    %dma_start3A_1343 = arith.constant 0 : i32
    %dma_start3A_1344 = arith.constant 0 : i32
    %dma_start3A_1345 = tpu.memref_slice %arg7[%dma_start3A_1331, %dma_start3A_1343, %dma_start3A_1344] : memref<3x256x128xf32, #tpu.memory_space<vmem>> -> memref<1x256x128xf32, #tpu.memory_space<vmem>>
    %dma_start3A_1346 = tpu.memref_squeeze %dma_start3A_1345 : memref<1x256x128xf32, #tpu.memory_space<vmem>> -> memref<256x128xf32, #tpu.memory_space<vmem>>
    tpu.enqueue_dma source(%dma_start3A_1346 : memref<256x128xf32, #tpu.memory_space<vmem>>) target(%dma_start3A_1342 : memref<256x128xf32, #tpu.memory_space<hbm>>) target_semaphore(%dma_start3A_1340 : memref<!tpu.dma_semaphore, #tpu.memory_space<semaphore_mem>>)
    %add3A_1347 = arith.constant 2816 : i32
    %add3A_1348 = arith.addi %mul3A_2, %add3A_1347 : i32
    %dma_wait3A_1349 = arith.constant 2 : i32
    %dma_wait3A_1350 = arith.constant 2 : i32
    %dma_wait3A_1351 = arith.constant 0 : i32
    %dma_wait3A_1352 = arith.constant 0 : i32
    %dma_wait3A_1353 = tpu.memref_slice %arg7[%dma_wait3A_1349, %dma_wait3A_1351, %dma_wait3A_1352] : memref<3x256x128xf32, #tpu.memory_space<vmem>> -> memref<1x256x128xf32, #tpu.memory_space<vmem>>
    %dma_wait3A_1354 = tpu.memref_squeeze %dma_wait3A_1353 : memref<1x256x128xf32, #tpu.memory_space<vmem>> -> memref<256x128xf32, #tpu.memory_space<vmem>>
    %dma_wait3A_1355 = arith.constant 0 : i32
    %dma_wait3A_1356 = tpu.memref_slice %arg2[%add3A_1348, %dma_wait3A_1355] : memref<204800x128xf32, #tpu.memory_space<hbm>> -> memref<256x128xf32, #tpu.memory_space<hbm>>
    %dma_wait3A_1357 = tpu.memref_slice %arg8[%dma_wait3A_1350] : memref<3x!tpu.dma_semaphore, #tpu.memory_space<semaphore_mem>> -> memref<1x!tpu.dma_semaphore, #tpu.memory_space<semaphore_mem>>
    %dma_wait3A_1358 = tpu.memref_squeeze %dma_wait3A_1357 : memref<1x!tpu.dma_semaphore, #tpu.memory_space<semaphore_mem>> -> memref<!tpu.dma_semaphore, #tpu.memory_space<semaphore_mem>>
    %dma_wait3A_1359 = arith.constant 0 : i32
    %dma_wait3A_1360 = arith.constant 0 : i32
    %dma_wait3A_1361 = tpu.memref_slice %arg7[%dma_wait3A_1349, %dma_wait3A_1359, %dma_wait3A_1360] : memref<3x256x128xf32, #tpu.memory_space<vmem>> -> memref<1x256x128xf32, #tpu.memory_space<vmem>>
    %dma_wait3A_1362 = tpu.memref_squeeze %dma_wait3A_1361 : memref<1x256x128xf32, #tpu.memory_space<vmem>> -> memref<256x128xf32, #tpu.memory_space<vmem>>
    %dma_wait3A_1363 = arith.constant 0 : i32
    %dma_wait3A_1364 = tpu.memref_slice %arg2[%add3A_1348, %dma_wait3A_1363] : memref<204800x128xf32, #tpu.memory_space<hbm>> -> memref<256x128xf32, #tpu.memory_space<hbm>>
    tpu.wait_dma2 semaphore(%dma_wait3A_1358 : memref<!tpu.dma_semaphore, #tpu.memory_space<semaphore_mem>>) src(%dma_wait3A_1364 : memref<256x128xf32, #tpu.memory_space<hbm>>) dst(%dma_wait3A_1362 : memref<256x128xf32, #tpu.memory_space<vmem>>)
    %dma_start3A_1365 = arith.constant 2 : i32
    %dma_start3A_1366 = arith.constant 2 : i32
    %dma_start3A_1367 = arith.constant 0 : i32
    %dma_start3A_1368 = arith.constant 0 : i32
    %dma_start3A_1369 = tpu.memref_slice %arg7[%dma_start3A_1365, %dma_start3A_1367, %dma_start3A_1368] : memref<3x256x128xf32, #tpu.memory_space<vmem>> -> memref<1x128x128xf32, #tpu.memory_space<vmem>>
    %dma_start3A_1370 = tpu.memref_squeeze %dma_start3A_1369 : memref<1x128x128xf32, #tpu.memory_space<vmem>> -> memref<128x128xf32, #tpu.memory_space<vmem>>
    %dma_start3A_1371 = arith.constant 2816 : i32
    %dma_start3A_1372 = tpu.memref_slice %arg6[%dma_start3A_1371] : memref<6400xi32, #tpu.memory_space<vmem>> -> memref<128xi32, #tpu.memory_space<vmem>>
    %dma_start3A_1373 = arith.constant 0 : i32
    %dma_start3A_1374 = arith.constant 0 : i32
    %dma_start3A_1375 = tpu.memref_slice %arg4[%dma_start3A_1373, %dma_start3A_1374] : memref<100000x128xf32, #tpu.memory_space<hbm>> -> memref<100000x128xf32, #tpu.memory_space<hbm>>
    %dma_start3A_1376 = tpu.memref_slice %arg9[%dma_start3A_1366] : memref<3x!tpu.dma_semaphore, #tpu.memory_space<semaphore_mem>> -> memref<1x!tpu.dma_semaphore, #tpu.memory_space<semaphore_mem>>
    %dma_start3A_1377 = tpu.memref_squeeze %dma_start3A_1376 : memref<1x!tpu.dma_semaphore, #tpu.memory_space<semaphore_mem>> -> memref<!tpu.dma_semaphore, #tpu.memory_space<semaphore_mem>>
    tpu.enqueue_indirect_dma source(%dma_start3A_1375 : memref<100000x128xf32, #tpu.memory_space<hbm>>) target(%dma_start3A_1370 : memref<128x128xf32, #tpu.memory_space<vmem>>) offsets(%dma_start3A_1372 : memref<128xi32, #tpu.memory_space<vmem>>) semaphore(%dma_start3A_1377 : memref<!tpu.dma_semaphore, #tpu.memory_space<semaphore_mem>>) {add = true}
    %dma_start3A_1378 = arith.constant 2 : i32
    %dma_start3A_1379 = arith.constant 2 : i32
    %dma_start3A_1380 = arith.constant 128 : i32
    %dma_start3A_1381 = arith.constant 0 : i32
    %dma_start3A_1382 = tpu.memref_slice %arg7[%dma_start3A_1378, %dma_start3A_1380, %dma_start3A_1381] : memref<3x256x128xf32, #tpu.memory_space<vmem>> -> memref<1x128x128xf32, #tpu.memory_space<vmem>>
    %dma_start3A_1383 = tpu.memref_squeeze %dma_start3A_1382 : memref<1x128x128xf32, #tpu.memory_space<vmem>> -> memref<128x128xf32, #tpu.memory_space<vmem>>
    %dma_start3A_1384 = arith.constant 2944 : i32
    %dma_start3A_1385 = tpu.memref_slice %arg6[%dma_start3A_1384] : memref<6400xi32, #tpu.memory_space<vmem>> -> memref<128xi32, #tpu.memory_space<vmem>>
    %dma_start3A_1386 = arith.constant 0 : i32
    %dma_start3A_1387 = arith.constant 0 : i32
    %dma_start3A_1388 = tpu.memref_slice %arg4[%dma_start3A_1386, %dma_start3A_1387] : memref<100000x128xf32, #tpu.memory_space<hbm>> -> memref<100000x128xf32, #tpu.memory_space<hbm>>
    %dma_start3A_1389 = tpu.memref_slice %arg9[%dma_start3A_1379] : memref<3x!tpu.dma_semaphore, #tpu.memory_space<semaphore_mem>> -> memref<1x!tpu.dma_semaphore, #tpu.memory_space<semaphore_mem>>
    %dma_start3A_1390 = tpu.memref_squeeze %dma_start3A_1389 : memref<1x!tpu.dma_semaphore, #tpu.memory_space<semaphore_mem>> -> memref<!tpu.dma_semaphore, #tpu.memory_space<semaphore_mem>>
    tpu.enqueue_indirect_dma source(%dma_start3A_1388 : memref<100000x128xf32, #tpu.memory_space<hbm>>) target(%dma_start3A_1383 : memref<128x128xf32, #tpu.memory_space<vmem>>) offsets(%dma_start3A_1385 : memref<128xi32, #tpu.memory_space<vmem>>) semaphore(%dma_start3A_1390 : memref<!tpu.dma_semaphore, #tpu.memory_space<semaphore_mem>>) {add = true}
    %add3A_1391 = arith.constant 2304 : i32
    %add3A_1392 = arith.addi %mul3A_2, %add3A_1391 : i32
    %dma_wait3A_1393 = arith.constant 0 : i32
    %dma_wait3A_1394 = arith.constant 0 : i32
    %dma_wait3A_1395 = arith.constant 0 : i32
    %dma_wait3A_1396 = arith.constant 0 : i32
    %dma_wait3A_1397 = tpu.memref_slice %arg7[%dma_wait3A_1393, %dma_wait3A_1395, %dma_wait3A_1396] : memref<3x256x128xf32, #tpu.memory_space<vmem>> -> memref<1x256x128xf32, #tpu.memory_space<vmem>>
    %dma_wait3A_1398 = tpu.memref_squeeze %dma_wait3A_1397 : memref<1x256x128xf32, #tpu.memory_space<vmem>> -> memref<256x128xf32, #tpu.memory_space<vmem>>
    %dma_wait3A_1399 = arith.constant 0 : i32
    %dma_wait3A_1400 = tpu.memref_slice %arg5[%add3A_1392, %dma_wait3A_1399] : memref<204800x128xf32, #tpu.memory_space<hbm>> -> memref<256x128xf32, #tpu.memory_space<hbm>>
    %dma_wait3A_1401 = tpu.memref_slice %arg10[%dma_wait3A_1394] : memref<3x!tpu.dma_semaphore, #tpu.memory_space<semaphore_mem>> -> memref<1x!tpu.dma_semaphore, #tpu.memory_space<semaphore_mem>>
    %dma_wait3A_1402 = tpu.memref_squeeze %dma_wait3A_1401 : memref<1x!tpu.dma_semaphore, #tpu.memory_space<semaphore_mem>> -> memref<!tpu.dma_semaphore, #tpu.memory_space<semaphore_mem>>
    %dma_wait3A_1403 = arith.constant 0 : i32
    %dma_wait3A_1404 = tpu.memref_slice %arg5[%add3A_1392, %dma_wait3A_1403] : memref<204800x128xf32, #tpu.memory_space<hbm>> -> memref<256x128xf32, #tpu.memory_space<hbm>>
    %dma_wait3A_1405 = arith.constant 0 : i32
    %dma_wait3A_1406 = arith.constant 0 : i32
    %dma_wait3A_1407 = tpu.memref_slice %arg7[%dma_wait3A_1393, %dma_wait3A_1405, %dma_wait3A_1406] : memref<3x256x128xf32, #tpu.memory_space<vmem>> -> memref<1x256x128xf32, #tpu.memory_space<vmem>>
    %dma_wait3A_1408 = tpu.memref_squeeze %dma_wait3A_1407 : memref<1x256x128xf32, #tpu.memory_space<vmem>> -> memref<256x128xf32, #tpu.memory_space<vmem>>
    tpu.wait_dma2 semaphore(%dma_wait3A_1402 : memref<!tpu.dma_semaphore, #tpu.memory_space<semaphore_mem>>) src(%dma_wait3A_1408 : memref<256x128xf32, #tpu.memory_space<vmem>>) dst(%dma_wait3A_1404 : memref<256x128xf32, #tpu.memory_space<hbm>>)
    %add3A_1409 = arith.constant 3072 : i32
    %add3A_1410 = arith.addi %mul3A_2, %add3A_1409 : i32
    %dma_start3A_1411 = arith.constant 0 : i32
    %dma_start3A_1412 = arith.constant 0 : i32
    %dma_start3A_1413 = arith.constant 0 : i32
    %dma_start3A_1414 = arith.constant 0 : i32
    %dma_start3A_1415 = tpu.memref_slice %arg7[%dma_start3A_1411, %dma_start3A_1413, %dma_start3A_1414] : memref<3x256x128xf32, #tpu.memory_space<vmem>> -> memref<1x256x128xf32, #tpu.memory_space<vmem>>
    %dma_start3A_1416 = tpu.memref_squeeze %dma_start3A_1415 : memref<1x256x128xf32, #tpu.memory_space<vmem>> -> memref<256x128xf32, #tpu.memory_space<vmem>>
    %dma_start3A_1417 = arith.constant 0 : i32
    %dma_start3A_1418 = tpu.memref_slice %arg2[%add3A_1410, %dma_start3A_1417] : memref<204800x128xf32, #tpu.memory_space<hbm>> -> memref<256x128xf32, #tpu.memory_space<hbm>>
    %dma_start3A_1419 = tpu.memref_slice %arg8[%dma_start3A_1412] : memref<3x!tpu.dma_semaphore, #tpu.memory_space<semaphore_mem>> -> memref<1x!tpu.dma_semaphore, #tpu.memory_space<semaphore_mem>>
    %dma_start3A_1420 = tpu.memref_squeeze %dma_start3A_1419 : memref<1x!tpu.dma_semaphore, #tpu.memory_space<semaphore_mem>> -> memref<!tpu.dma_semaphore, #tpu.memory_space<semaphore_mem>>
    %dma_start3A_1421 = arith.constant 0 : i32
    %dma_start3A_1422 = arith.constant 0 : i32
    %dma_start3A_1423 = tpu.memref_slice %arg7[%dma_start3A_1411, %dma_start3A_1421, %dma_start3A_1422] : memref<3x256x128xf32, #tpu.memory_space<vmem>> -> memref<1x256x128xf32, #tpu.memory_space<vmem>>
    %dma_start3A_1424 = tpu.memref_squeeze %dma_start3A_1423 : memref<1x256x128xf32, #tpu.memory_space<vmem>> -> memref<256x128xf32, #tpu.memory_space<vmem>>
    %dma_start3A_1425 = arith.constant 0 : i32
    %dma_start3A_1426 = tpu.memref_slice %arg2[%add3A_1410, %dma_start3A_1425] : memref<204800x128xf32, #tpu.memory_space<hbm>> -> memref<256x128xf32, #tpu.memory_space<hbm>>
    tpu.enqueue_dma source(%dma_start3A_1426 : memref<256x128xf32, #tpu.memory_space<hbm>>) target(%dma_start3A_1424 : memref<256x128xf32, #tpu.memory_space<vmem>>) target_semaphore(%dma_start3A_1420 : memref<!tpu.dma_semaphore, #tpu.memory_space<semaphore_mem>>)
    %dma_wait3A_1427 = arith.constant 2 : i32
    %dma_wait3A_1428 = arith.constant 2 : i32
    %dma_wait3A_1429 = arith.constant 0 : i32
    %dma_wait3A_1430 = arith.constant 0 : i32
    %dma_wait3A_1431 = tpu.memref_slice %arg7[%dma_wait3A_1427, %dma_wait3A_1429, %dma_wait3A_1430] : memref<3x256x128xf32, #tpu.memory_space<vmem>> -> memref<1x128x128xf32, #tpu.memory_space<vmem>>
    %dma_wait3A_1432 = tpu.memref_squeeze %dma_wait3A_1431 : memref<1x128x128xf32, #tpu.memory_space<vmem>> -> memref<128x128xf32, #tpu.memory_space<vmem>>
    %dma_wait3A_1433 = arith.constant 2816 : i32
    %dma_wait3A_1434 = tpu.memref_slice %arg6[%dma_wait3A_1433] : memref<6400xi32, #tpu.memory_space<vmem>> -> memref<128xi32, #tpu.memory_space<vmem>>
    %dma_wait3A_1435 = arith.constant 0 : i32
    %dma_wait3A_1436 = arith.constant 0 : i32
    %dma_wait3A_1437 = tpu.memref_slice %arg4[%dma_wait3A_1435, %dma_wait3A_1436] : memref<100000x128xf32, #tpu.memory_space<hbm>> -> memref<100000x128xf32, #tpu.memory_space<hbm>>
    %dma_wait3A_1438 = tpu.memref_slice %arg9[%dma_wait3A_1428] : memref<3x!tpu.dma_semaphore, #tpu.memory_space<semaphore_mem>> -> memref<1x!tpu.dma_semaphore, #tpu.memory_space<semaphore_mem>>
    %dma_wait3A_1439 = tpu.memref_squeeze %dma_wait3A_1438 : memref<1x!tpu.dma_semaphore, #tpu.memory_space<semaphore_mem>> -> memref<!tpu.dma_semaphore, #tpu.memory_space<semaphore_mem>>
    tpu.wait_indirect_dma semaphore(%dma_wait3A_1439 : memref<!tpu.dma_semaphore, #tpu.memory_space<semaphore_mem>>) src(%dma_wait3A_1437 : memref<100000x128xf32, #tpu.memory_space<hbm>>) dst(%dma_wait3A_1432 : memref<128x128xf32, #tpu.memory_space<vmem>>)
    %dma_wait3A_1440 = arith.constant 2 : i32
    %dma_wait3A_1441 = arith.constant 2 : i32
    %dma_wait3A_1442 = arith.constant 128 : i32
    %dma_wait3A_1443 = arith.constant 0 : i32
    %dma_wait3A_1444 = tpu.memref_slice %arg7[%dma_wait3A_1440, %dma_wait3A_1442, %dma_wait3A_1443] : memref<3x256x128xf32, #tpu.memory_space<vmem>> -> memref<1x128x128xf32, #tpu.memory_space<vmem>>
    %dma_wait3A_1445 = tpu.memref_squeeze %dma_wait3A_1444 : memref<1x128x128xf32, #tpu.memory_space<vmem>> -> memref<128x128xf32, #tpu.memory_space<vmem>>
    %dma_wait3A_1446 = arith.constant 2944 : i32
    %dma_wait3A_1447 = tpu.memref_slice %arg6[%dma_wait3A_1446] : memref<6400xi32, #tpu.memory_space<vmem>> -> memref<128xi32, #tpu.memory_space<vmem>>
    %dma_wait3A_1448 = arith.constant 0 : i32
    %dma_wait3A_1449 = arith.constant 0 : i32
    %dma_wait3A_1450 = tpu.memref_slice %arg4[%dma_wait3A_1448, %dma_wait3A_1449] : memref<100000x128xf32, #tpu.memory_space<hbm>> -> memref<100000x128xf32, #tpu.memory_space<hbm>>
    %dma_wait3A_1451 = tpu.memref_slice %arg9[%dma_wait3A_1441] : memref<3x!tpu.dma_semaphore, #tpu.memory_space<semaphore_mem>> -> memref<1x!tpu.dma_semaphore, #tpu.memory_space<semaphore_mem>>
    %dma_wait3A_1452 = tpu.memref_squeeze %dma_wait3A_1451 : memref<1x!tpu.dma_semaphore, #tpu.memory_space<semaphore_mem>> -> memref<!tpu.dma_semaphore, #tpu.memory_space<semaphore_mem>>
    tpu.wait_indirect_dma semaphore(%dma_wait3A_1452 : memref<!tpu.dma_semaphore, #tpu.memory_space<semaphore_mem>>) src(%dma_wait3A_1450 : memref<100000x128xf32, #tpu.memory_space<hbm>>) dst(%dma_wait3A_1445 : memref<128x128xf32, #tpu.memory_space<vmem>>)
    %add3A_1453 = arith.constant 2816 : i32
    %add3A_1454 = arith.addi %mul3A_2, %add3A_1453 : i32
    %dma_start3A_1455 = arith.constant 2 : i32
    %dma_start3A_1456 = arith.constant 2 : i32
    %dma_start3A_1457 = arith.constant 0 : i32
    %dma_start3A_1458 = arith.constant 0 : i32
    %dma_start3A_1459 = tpu.memref_slice %arg7[%dma_start3A_1455, %dma_start3A_1457, %dma_start3A_1458] : memref<3x256x128xf32, #tpu.memory_space<vmem>> -> memref<1x256x128xf32, #tpu.memory_space<vmem>>
    %dma_start3A_1460 = tpu.memref_squeeze %dma_start3A_1459 : memref<1x256x128xf32, #tpu.memory_space<vmem>> -> memref<256x128xf32, #tpu.memory_space<vmem>>
    %dma_start3A_1461 = arith.constant 0 : i32
    %dma_start3A_1462 = tpu.memref_slice %arg5[%add3A_1454, %dma_start3A_1461] : memref<204800x128xf32, #tpu.memory_space<hbm>> -> memref<256x128xf32, #tpu.memory_space<hbm>>
    %dma_start3A_1463 = tpu.memref_slice %arg10[%dma_start3A_1456] : memref<3x!tpu.dma_semaphore, #tpu.memory_space<semaphore_mem>> -> memref<1x!tpu.dma_semaphore, #tpu.memory_space<semaphore_mem>>
    %dma_start3A_1464 = tpu.memref_squeeze %dma_start3A_1463 : memref<1x!tpu.dma_semaphore, #tpu.memory_space<semaphore_mem>> -> memref<!tpu.dma_semaphore, #tpu.memory_space<semaphore_mem>>
    %dma_start3A_1465 = arith.constant 0 : i32
    %dma_start3A_1466 = tpu.memref_slice %arg5[%add3A_1454, %dma_start3A_1465] : memref<204800x128xf32, #tpu.memory_space<hbm>> -> memref<256x128xf32, #tpu.memory_space<hbm>>
    %dma_start3A_1467 = arith.constant 0 : i32
    %dma_start3A_1468 = arith.constant 0 : i32
    %dma_start3A_1469 = tpu.memref_slice %arg7[%dma_start3A_1455, %dma_start3A_1467, %dma_start3A_1468] : memref<3x256x128xf32, #tpu.memory_space<vmem>> -> memref<1x256x128xf32, #tpu.memory_space<vmem>>
    %dma_start3A_1470 = tpu.memref_squeeze %dma_start3A_1469 : memref<1x256x128xf32, #tpu.memory_space<vmem>> -> memref<256x128xf32, #tpu.memory_space<vmem>>
    tpu.enqueue_dma source(%dma_start3A_1470 : memref<256x128xf32, #tpu.memory_space<vmem>>) target(%dma_start3A_1466 : memref<256x128xf32, #tpu.memory_space<hbm>>) target_semaphore(%dma_start3A_1464 : memref<!tpu.dma_semaphore, #tpu.memory_space<semaphore_mem>>)
    %add3A_1471 = arith.constant 3072 : i32
    %add3A_1472 = arith.addi %mul3A_2, %add3A_1471 : i32
    %dma_wait3A_1473 = arith.constant 0 : i32
    %dma_wait3A_1474 = arith.constant 0 : i32
    %dma_wait3A_1475 = arith.constant 0 : i32
    %dma_wait3A_1476 = arith.constant 0 : i32
    %dma_wait3A_1477 = tpu.memref_slice %arg7[%dma_wait3A_1473, %dma_wait3A_1475, %dma_wait3A_1476] : memref<3x256x128xf32, #tpu.memory_space<vmem>> -> memref<1x256x128xf32, #tpu.memory_space<vmem>>
    %dma_wait3A_1478 = tpu.memref_squeeze %dma_wait3A_1477 : memref<1x256x128xf32, #tpu.memory_space<vmem>> -> memref<256x128xf32, #tpu.memory_space<vmem>>
    %dma_wait3A_1479 = arith.constant 0 : i32
    %dma_wait3A_1480 = tpu.memref_slice %arg2[%add3A_1472, %dma_wait3A_1479] : memref<204800x128xf32, #tpu.memory_space<hbm>> -> memref<256x128xf32, #tpu.memory_space<hbm>>
    %dma_wait3A_1481 = tpu.memref_slice %arg8[%dma_wait3A_1474] : memref<3x!tpu.dma_semaphore, #tpu.memory_space<semaphore_mem>> -> memref<1x!tpu.dma_semaphore, #tpu.memory_space<semaphore_mem>>
    %dma_wait3A_1482 = tpu.memref_squeeze %dma_wait3A_1481 : memref<1x!tpu.dma_semaphore, #tpu.memory_space<semaphore_mem>> -> memref<!tpu.dma_semaphore, #tpu.memory_space<semaphore_mem>>
    %dma_wait3A_1483 = arith.constant 0 : i32
    %dma_wait3A_1484 = arith.constant 0 : i32
    %dma_wait3A_1485 = tpu.memref_slice %arg7[%dma_wait3A_1473, %dma_wait3A_1483, %dma_wait3A_1484] : memref<3x256x128xf32, #tpu.memory_space<vmem>> -> memref<1x256x128xf32, #tpu.memory_space<vmem>>
    %dma_wait3A_1486 = tpu.memref_squeeze %dma_wait3A_1485 : memref<1x256x128xf32, #tpu.memory_space<vmem>> -> memref<256x128xf32, #tpu.memory_space<vmem>>
    %dma_wait3A_1487 = arith.constant 0 : i32
    %dma_wait3A_1488 = tpu.memref_slice %arg2[%add3A_1472, %dma_wait3A_1487] : memref<204800x128xf32, #tpu.memory_space<hbm>> -> memref<256x128xf32, #tpu.memory_space<hbm>>
    tpu.wait_dma2 semaphore(%dma_wait3A_1482 : memref<!tpu.dma_semaphore, #tpu.memory_space<semaphore_mem>>) src(%dma_wait3A_1488 : memref<256x128xf32, #tpu.memory_space<hbm>>) dst(%dma_wait3A_1486 : memref<256x128xf32, #tpu.memory_space<vmem>>)
    %dma_start3A_1489 = arith.constant 0 : i32
    %dma_start3A_1490 = arith.constant 0 : i32
    %dma_start3A_1491 = arith.constant 0 : i32
    %dma_start3A_1492 = arith.constant 0 : i32
    %dma_start3A_1493 = tpu.memref_slice %arg7[%dma_start3A_1489, %dma_start3A_1491, %dma_start3A_1492] : memref<3x256x128xf32, #tpu.memory_space<vmem>> -> memref<1x128x128xf32, #tpu.memory_space<vmem>>
    %dma_start3A_1494 = tpu.memref_squeeze %dma_start3A_1493 : memref<1x128x128xf32, #tpu.memory_space<vmem>> -> memref<128x128xf32, #tpu.memory_space<vmem>>
    %dma_start3A_1495 = arith.constant 3072 : i32
    %dma_start3A_1496 = tpu.memref_slice %arg6[%dma_start3A_1495] : memref<6400xi32, #tpu.memory_space<vmem>> -> memref<128xi32, #tpu.memory_space<vmem>>
    %dma_start3A_1497 = arith.constant 0 : i32
    %dma_start3A_1498 = arith.constant 0 : i32
    %dma_start3A_1499 = tpu.memref_slice %arg4[%dma_start3A_1497, %dma_start3A_1498] : memref<100000x128xf32, #tpu.memory_space<hbm>> -> memref<100000x128xf32, #tpu.memory_space<hbm>>
    %dma_start3A_1500 = tpu.memref_slice %arg9[%dma_start3A_1490] : memref<3x!tpu.dma_semaphore, #tpu.memory_space<semaphore_mem>> -> memref<1x!tpu.dma_semaphore, #tpu.memory_space<semaphore_mem>>
    %dma_start3A_1501 = tpu.memref_squeeze %dma_start3A_1500 : memref<1x!tpu.dma_semaphore, #tpu.memory_space<semaphore_mem>> -> memref<!tpu.dma_semaphore, #tpu.memory_space<semaphore_mem>>
    tpu.enqueue_indirect_dma source(%dma_start3A_1499 : memref<100000x128xf32, #tpu.memory_space<hbm>>) target(%dma_start3A_1494 : memref<128x128xf32, #tpu.memory_space<vmem>>) offsets(%dma_start3A_1496 : memref<128xi32, #tpu.memory_space<vmem>>) semaphore(%dma_start3A_1501 : memref<!tpu.dma_semaphore, #tpu.memory_space<semaphore_mem>>) {add = true}
    %dma_start3A_1502 = arith.constant 0 : i32
    %dma_start3A_1503 = arith.constant 0 : i32
    %dma_start3A_1504 = arith.constant 128 : i32
    %dma_start3A_1505 = arith.constant 0 : i32
    %dma_start3A_1506 = tpu.memref_slice %arg7[%dma_start3A_1502, %dma_start3A_1504, %dma_start3A_1505] : memref<3x256x128xf32, #tpu.memory_space<vmem>> -> memref<1x128x128xf32, #tpu.memory_space<vmem>>
    %dma_start3A_1507 = tpu.memref_squeeze %dma_start3A_1506 : memref<1x128x128xf32, #tpu.memory_space<vmem>> -> memref<128x128xf32, #tpu.memory_space<vmem>>
    %dma_start3A_1508 = arith.constant 3200 : i32
    %dma_start3A_1509 = tpu.memref_slice %arg6[%dma_start3A_1508] : memref<6400xi32, #tpu.memory_space<vmem>> -> memref<128xi32, #tpu.memory_space<vmem>>
    %dma_start3A_1510 = arith.constant 0 : i32
    %dma_start3A_1511 = arith.constant 0 : i32
    %dma_start3A_1512 = tpu.memref_slice %arg4[%dma_start3A_1510, %dma_start3A_1511] : memref<100000x128xf32, #tpu.memory_space<hbm>> -> memref<100000x128xf32, #tpu.memory_space<hbm>>
    %dma_start3A_1513 = tpu.memref_slice %arg9[%dma_start3A_1503] : memref<3x!tpu.dma_semaphore, #tpu.memory_space<semaphore_mem>> -> memref<1x!tpu.dma_semaphore, #tpu.memory_space<semaphore_mem>>
    %dma_start3A_1514 = tpu.memref_squeeze %dma_start3A_1513 : memref<1x!tpu.dma_semaphore, #tpu.memory_space<semaphore_mem>> -> memref<!tpu.dma_semaphore, #tpu.memory_space<semaphore_mem>>
    tpu.enqueue_indirect_dma source(%dma_start3A_1512 : memref<100000x128xf32, #tpu.memory_space<hbm>>) target(%dma_start3A_1507 : memref<128x128xf32, #tpu.memory_space<vmem>>) offsets(%dma_start3A_1509 : memref<128xi32, #tpu.memory_space<vmem>>) semaphore(%dma_start3A_1514 : memref<!tpu.dma_semaphore, #tpu.memory_space<semaphore_mem>>) {add = true}
    %add3A_1515 = arith.constant 2560 : i32
    %add3A_1516 = arith.addi %mul3A_2, %add3A_1515 : i32
    %dma_wait3A_1517 = arith.constant 1 : i32
    %dma_wait3A_1518 = arith.constant 1 : i32
    %dma_wait3A_1519 = arith.constant 0 : i32
    %dma_wait3A_1520 = arith.constant 0 : i32
    %dma_wait3A_1521 = tpu.memref_slice %arg7[%dma_wait3A_1517, %dma_wait3A_1519, %dma_wait3A_1520] : memref<3x256x128xf32, #tpu.memory_space<vmem>> -> memref<1x256x128xf32, #tpu.memory_space<vmem>>
    %dma_wait3A_1522 = tpu.memref_squeeze %dma_wait3A_1521 : memref<1x256x128xf32, #tpu.memory_space<vmem>> -> memref<256x128xf32, #tpu.memory_space<vmem>>
    %dma_wait3A_1523 = arith.constant 0 : i32
    %dma_wait3A_1524 = tpu.memref_slice %arg5[%add3A_1516, %dma_wait3A_1523] : memref<204800x128xf32, #tpu.memory_space<hbm>> -> memref<256x128xf32, #tpu.memory_space<hbm>>
    %dma_wait3A_1525 = tpu.memref_slice %arg10[%dma_wait3A_1518] : memref<3x!tpu.dma_semaphore, #tpu.memory_space<semaphore_mem>> -> memref<1x!tpu.dma_semaphore, #tpu.memory_space<semaphore_mem>>
    %dma_wait3A_1526 = tpu.memref_squeeze %dma_wait3A_1525 : memref<1x!tpu.dma_semaphore, #tpu.memory_space<semaphore_mem>> -> memref<!tpu.dma_semaphore, #tpu.memory_space<semaphore_mem>>
    %dma_wait3A_1527 = arith.constant 0 : i32
    %dma_wait3A_1528 = tpu.memref_slice %arg5[%add3A_1516, %dma_wait3A_1527] : memref<204800x128xf32, #tpu.memory_space<hbm>> -> memref<256x128xf32, #tpu.memory_space<hbm>>
    %dma_wait3A_1529 = arith.constant 0 : i32
    %dma_wait3A_1530 = arith.constant 0 : i32
    %dma_wait3A_1531 = tpu.memref_slice %arg7[%dma_wait3A_1517, %dma_wait3A_1529, %dma_wait3A_1530] : memref<3x256x128xf32, #tpu.memory_space<vmem>> -> memref<1x256x128xf32, #tpu.memory_space<vmem>>
    %dma_wait3A_1532 = tpu.memref_squeeze %dma_wait3A_1531 : memref<1x256x128xf32, #tpu.memory_space<vmem>> -> memref<256x128xf32, #tpu.memory_space<vmem>>
    tpu.wait_dma2 semaphore(%dma_wait3A_1526 : memref<!tpu.dma_semaphore, #tpu.memory_space<semaphore_mem>>) src(%dma_wait3A_1532 : memref<256x128xf32, #tpu.memory_space<vmem>>) dst(%dma_wait3A_1528 : memref<256x128xf32, #tpu.memory_space<hbm>>)
    %add3A_1533 = arith.constant 3328 : i32
    %add3A_1534 = arith.addi %mul3A_2, %add3A_1533 : i32
    %dma_start3A_1535 = arith.constant 1 : i32
    %dma_start3A_1536 = arith.constant 1 : i32
    %dma_start3A_1537 = arith.constant 0 : i32
    %dma_start3A_1538 = arith.constant 0 : i32
    %dma_start3A_1539 = tpu.memref_slice %arg7[%dma_start3A_1535, %dma_start3A_1537, %dma_start3A_1538] : memref<3x256x128xf32, #tpu.memory_space<vmem>> -> memref<1x256x128xf32, #tpu.memory_space<vmem>>
    %dma_start3A_1540 = tpu.memref_squeeze %dma_start3A_1539 : memref<1x256x128xf32, #tpu.memory_space<vmem>> -> memref<256x128xf32, #tpu.memory_space<vmem>>
    %dma_start3A_1541 = arith.constant 0 : i32
    %dma_start3A_1542 = tpu.memref_slice %arg2[%add3A_1534, %dma_start3A_1541] : memref<204800x128xf32, #tpu.memory_space<hbm>> -> memref<256x128xf32, #tpu.memory_space<hbm>>
    %dma_start3A_1543 = tpu.memref_slice %arg8[%dma_start3A_1536] : memref<3x!tpu.dma_semaphore, #tpu.memory_space<semaphore_mem>> -> memref<1x!tpu.dma_semaphore, #tpu.memory_space<semaphore_mem>>
    %dma_start3A_1544 = tpu.memref_squeeze %dma_start3A_1543 : memref<1x!tpu.dma_semaphore, #tpu.memory_space<semaphore_mem>> -> memref<!tpu.dma_semaphore, #tpu.memory_space<semaphore_mem>>
    %dma_start3A_1545 = arith.constant 0 : i32
    %dma_start3A_1546 = arith.constant 0 : i32
    %dma_start3A_1547 = tpu.memref_slice %arg7[%dma_start3A_1535, %dma_start3A_1545, %dma_start3A_1546] : memref<3x256x128xf32, #tpu.memory_space<vmem>> -> memref<1x256x128xf32, #tpu.memory_space<vmem>>
    %dma_start3A_1548 = tpu.memref_squeeze %dma_start3A_1547 : memref<1x256x128xf32, #tpu.memory_space<vmem>> -> memref<256x128xf32, #tpu.memory_space<vmem>>
    %dma_start3A_1549 = arith.constant 0 : i32
    %dma_start3A_1550 = tpu.memref_slice %arg2[%add3A_1534, %dma_start3A_1549] : memref<204800x128xf32, #tpu.memory_space<hbm>> -> memref<256x128xf32, #tpu.memory_space<hbm>>
    tpu.enqueue_dma source(%dma_start3A_1550 : memref<256x128xf32, #tpu.memory_space<hbm>>) target(%dma_start3A_1548 : memref<256x128xf32, #tpu.memory_space<vmem>>) target_semaphore(%dma_start3A_1544 : memref<!tpu.dma_semaphore, #tpu.memory_space<semaphore_mem>>)
    %dma_wait3A_1551 = arith.constant 0 : i32
    %dma_wait3A_1552 = arith.constant 0 : i32
    %dma_wait3A_1553 = arith.constant 0 : i32
    %dma_wait3A_1554 = arith.constant 0 : i32
    %dma_wait3A_1555 = tpu.memref_slice %arg7[%dma_wait3A_1551, %dma_wait3A_1553, %dma_wait3A_1554] : memref<3x256x128xf32, #tpu.memory_space<vmem>> -> memref<1x128x128xf32, #tpu.memory_space<vmem>>
    %dma_wait3A_1556 = tpu.memref_squeeze %dma_wait3A_1555 : memref<1x128x128xf32, #tpu.memory_space<vmem>> -> memref<128x128xf32, #tpu.memory_space<vmem>>
    %dma_wait3A_1557 = arith.constant 3072 : i32
    %dma_wait3A_1558 = tpu.memref_slice %arg6[%dma_wait3A_1557] : memref<6400xi32, #tpu.memory_space<vmem>> -> memref<128xi32, #tpu.memory_space<vmem>>
    %dma_wait3A_1559 = arith.constant 0 : i32
    %dma_wait3A_1560 = arith.constant 0 : i32
    %dma_wait3A_1561 = tpu.memref_slice %arg4[%dma_wait3A_1559, %dma_wait3A_1560] : memref<100000x128xf32, #tpu.memory_space<hbm>> -> memref<100000x128xf32, #tpu.memory_space<hbm>>
    %dma_wait3A_1562 = tpu.memref_slice %arg9[%dma_wait3A_1552] : memref<3x!tpu.dma_semaphore, #tpu.memory_space<semaphore_mem>> -> memref<1x!tpu.dma_semaphore, #tpu.memory_space<semaphore_mem>>
    %dma_wait3A_1563 = tpu.memref_squeeze %dma_wait3A_1562 : memref<1x!tpu.dma_semaphore, #tpu.memory_space<semaphore_mem>> -> memref<!tpu.dma_semaphore, #tpu.memory_space<semaphore_mem>>
    tpu.wait_indirect_dma semaphore(%dma_wait3A_1563 : memref<!tpu.dma_semaphore, #tpu.memory_space<semaphore_mem>>) src(%dma_wait3A_1561 : memref<100000x128xf32, #tpu.memory_space<hbm>>) dst(%dma_wait3A_1556 : memref<128x128xf32, #tpu.memory_space<vmem>>)
    %dma_wait3A_1564 = arith.constant 0 : i32
    %dma_wait3A_1565 = arith.constant 0 : i32
    %dma_wait3A_1566 = arith.constant 128 : i32
    %dma_wait3A_1567 = arith.constant 0 : i32
    %dma_wait3A_1568 = tpu.memref_slice %arg7[%dma_wait3A_1564, %dma_wait3A_1566, %dma_wait3A_1567] : memref<3x256x128xf32, #tpu.memory_space<vmem>> -> memref<1x128x128xf32, #tpu.memory_space<vmem>>
    %dma_wait3A_1569 = tpu.memref_squeeze %dma_wait3A_1568 : memref<1x128x128xf32, #tpu.memory_space<vmem>> -> memref<128x128xf32, #tpu.memory_space<vmem>>
    %dma_wait3A_1570 = arith.constant 3200 : i32
    %dma_wait3A_1571 = tpu.memref_slice %arg6[%dma_wait3A_1570] : memref<6400xi32, #tpu.memory_space<vmem>> -> memref<128xi32, #tpu.memory_space<vmem>>
    %dma_wait3A_1572 = arith.constant 0 : i32
    %dma_wait3A_1573 = arith.constant 0 : i32
    %dma_wait3A_1574 = tpu.memref_slice %arg4[%dma_wait3A_1572, %dma_wait3A_1573] : memref<100000x128xf32, #tpu.memory_space<hbm>> -> memref<100000x128xf32, #tpu.memory_space<hbm>>
    %dma_wait3A_1575 = tpu.memref_slice %arg9[%dma_wait3A_1565] : memref<3x!tpu.dma_semaphore, #tpu.memory_space<semaphore_mem>> -> memref<1x!tpu.dma_semaphore, #tpu.memory_space<semaphore_mem>>
    %dma_wait3A_1576 = tpu.memref_squeeze %dma_wait3A_1575 : memref<1x!tpu.dma_semaphore, #tpu.memory_space<semaphore_mem>> -> memref<!tpu.dma_semaphore, #tpu.memory_space<semaphore_mem>>
    tpu.wait_indirect_dma semaphore(%dma_wait3A_1576 : memref<!tpu.dma_semaphore, #tpu.memory_space<semaphore_mem>>) src(%dma_wait3A_1574 : memref<100000x128xf32, #tpu.memory_space<hbm>>) dst(%dma_wait3A_1569 : memref<128x128xf32, #tpu.memory_space<vmem>>)
    %add3A_1577 = arith.constant 3072 : i32
    %add3A_1578 = arith.addi %mul3A_2, %add3A_1577 : i32
    %dma_start3A_1579 = arith.constant 0 : i32
    %dma_start3A_1580 = arith.constant 0 : i32
    %dma_start3A_1581 = arith.constant 0 : i32
    %dma_start3A_1582 = arith.constant 0 : i32
    %dma_start3A_1583 = tpu.memref_slice %arg7[%dma_start3A_1579, %dma_start3A_1581, %dma_start3A_1582] : memref<3x256x128xf32, #tpu.memory_space<vmem>> -> memref<1x256x128xf32, #tpu.memory_space<vmem>>
    %dma_start3A_1584 = tpu.memref_squeeze %dma_start3A_1583 : memref<1x256x128xf32, #tpu.memory_space<vmem>> -> memref<256x128xf32, #tpu.memory_space<vmem>>
    %dma_start3A_1585 = arith.constant 0 : i32
    %dma_start3A_1586 = tpu.memref_slice %arg5[%add3A_1578, %dma_start3A_1585] : memref<204800x128xf32, #tpu.memory_space<hbm>> -> memref<256x128xf32, #tpu.memory_space<hbm>>
    %dma_start3A_1587 = tpu.memref_slice %arg10[%dma_start3A_1580] : memref<3x!tpu.dma_semaphore, #tpu.memory_space<semaphore_mem>> -> memref<1x!tpu.dma_semaphore, #tpu.memory_space<semaphore_mem>>
    %dma_start3A_1588 = tpu.memref_squeeze %dma_start3A_1587 : memref<1x!tpu.dma_semaphore, #tpu.memory_space<semaphore_mem>> -> memref<!tpu.dma_semaphore, #tpu.memory_space<semaphore_mem>>
    %dma_start3A_1589 = arith.constant 0 : i32
    %dma_start3A_1590 = tpu.memref_slice %arg5[%add3A_1578, %dma_start3A_1589] : memref<204800x128xf32, #tpu.memory_space<hbm>> -> memref<256x128xf32, #tpu.memory_space<hbm>>
    %dma_start3A_1591 = arith.constant 0 : i32
    %dma_start3A_1592 = arith.constant 0 : i32
    %dma_start3A_1593 = tpu.memref_slice %arg7[%dma_start3A_1579, %dma_start3A_1591, %dma_start3A_1592] : memref<3x256x128xf32, #tpu.memory_space<vmem>> -> memref<1x256x128xf32, #tpu.memory_space<vmem>>
    %dma_start3A_1594 = tpu.memref_squeeze %dma_start3A_1593 : memref<1x256x128xf32, #tpu.memory_space<vmem>> -> memref<256x128xf32, #tpu.memory_space<vmem>>
    tpu.enqueue_dma source(%dma_start3A_1594 : memref<256x128xf32, #tpu.memory_space<vmem>>) target(%dma_start3A_1590 : memref<256x128xf32, #tpu.memory_space<hbm>>) target_semaphore(%dma_start3A_1588 : memref<!tpu.dma_semaphore, #tpu.memory_space<semaphore_mem>>)
    %add3A_1595 = arith.constant 3328 : i32
    %add3A_1596 = arith.addi %mul3A_2, %add3A_1595 : i32
    %dma_wait3A_1597 = arith.constant 1 : i32
    %dma_wait3A_1598 = arith.constant 1 : i32
    %dma_wait3A_1599 = arith.constant 0 : i32
    %dma_wait3A_1600 = arith.constant 0 : i32
    %dma_wait3A_1601 = tpu.memref_slice %arg7[%dma_wait3A_1597, %dma_wait3A_1599, %dma_wait3A_1600] : memref<3x256x128xf32, #tpu.memory_space<vmem>> -> memref<1x256x128xf32, #tpu.memory_space<vmem>>
    %dma_wait3A_1602 = tpu.memref_squeeze %dma_wait3A_1601 : memref<1x256x128xf32, #tpu.memory_space<vmem>> -> memref<256x128xf32, #tpu.memory_space<vmem>>
    %dma_wait3A_1603 = arith.constant 0 : i32
    %dma_wait3A_1604 = tpu.memref_slice %arg2[%add3A_1596, %dma_wait3A_1603] : memref<204800x128xf32, #tpu.memory_space<hbm>> -> memref<256x128xf32, #tpu.memory_space<hbm>>
    %dma_wait3A_1605 = tpu.memref_slice %arg8[%dma_wait3A_1598] : memref<3x!tpu.dma_semaphore, #tpu.memory_space<semaphore_mem>> -> memref<1x!tpu.dma_semaphore, #tpu.memory_space<semaphore_mem>>
    %dma_wait3A_1606 = tpu.memref_squeeze %dma_wait3A_1605 : memref<1x!tpu.dma_semaphore, #tpu.memory_space<semaphore_mem>> -> memref<!tpu.dma_semaphore, #tpu.memory_space<semaphore_mem>>
    %dma_wait3A_1607 = arith.constant 0 : i32
    %dma_wait3A_1608 = arith.constant 0 : i32
    %dma_wait3A_1609 = tpu.memref_slice %arg7[%dma_wait3A_1597, %dma_wait3A_1607, %dma_wait3A_1608] : memref<3x256x128xf32, #tpu.memory_space<vmem>> -> memref<1x256x128xf32, #tpu.memory_space<vmem>>
    %dma_wait3A_1610 = tpu.memref_squeeze %dma_wait3A_1609 : memref<1x256x128xf32, #tpu.memory_space<vmem>> -> memref<256x128xf32, #tpu.memory_space<vmem>>
    %dma_wait3A_1611 = arith.constant 0 : i32
    %dma_wait3A_1612 = tpu.memref_slice %arg2[%add3A_1596, %dma_wait3A_1611] : memref<204800x128xf32, #tpu.memory_space<hbm>> -> memref<256x128xf32, #tpu.memory_space<hbm>>
    tpu.wait_dma2 semaphore(%dma_wait3A_1606 : memref<!tpu.dma_semaphore, #tpu.memory_space<semaphore_mem>>) src(%dma_wait3A_1612 : memref<256x128xf32, #tpu.memory_space<hbm>>) dst(%dma_wait3A_1610 : memref<256x128xf32, #tpu.memory_space<vmem>>)
    %dma_start3A_1613 = arith.constant 1 : i32
    %dma_start3A_1614 = arith.constant 1 : i32
    %dma_start3A_1615 = arith.constant 0 : i32
    %dma_start3A_1616 = arith.constant 0 : i32
    %dma_start3A_1617 = tpu.memref_slice %arg7[%dma_start3A_1613, %dma_start3A_1615, %dma_start3A_1616] : memref<3x256x128xf32, #tpu.memory_space<vmem>> -> memref<1x128x128xf32, #tpu.memory_space<vmem>>
    %dma_start3A_1618 = tpu.memref_squeeze %dma_start3A_1617 : memref<1x128x128xf32, #tpu.memory_space<vmem>> -> memref<128x128xf32, #tpu.memory_space<vmem>>
    %dma_start3A_1619 = arith.constant 3328 : i32
    %dma_start3A_1620 = tpu.memref_slice %arg6[%dma_start3A_1619] : memref<6400xi32, #tpu.memory_space<vmem>> -> memref<128xi32, #tpu.memory_space<vmem>>
    %dma_start3A_1621 = arith.constant 0 : i32
    %dma_start3A_1622 = arith.constant 0 : i32
    %dma_start3A_1623 = tpu.memref_slice %arg4[%dma_start3A_1621, %dma_start3A_1622] : memref<100000x128xf32, #tpu.memory_space<hbm>> -> memref<100000x128xf32, #tpu.memory_space<hbm>>
    %dma_start3A_1624 = tpu.memref_slice %arg9[%dma_start3A_1614] : memref<3x!tpu.dma_semaphore, #tpu.memory_space<semaphore_mem>> -> memref<1x!tpu.dma_semaphore, #tpu.memory_space<semaphore_mem>>
    %dma_start3A_1625 = tpu.memref_squeeze %dma_start3A_1624 : memref<1x!tpu.dma_semaphore, #tpu.memory_space<semaphore_mem>> -> memref<!tpu.dma_semaphore, #tpu.memory_space<semaphore_mem>>
    tpu.enqueue_indirect_dma source(%dma_start3A_1623 : memref<100000x128xf32, #tpu.memory_space<hbm>>) target(%dma_start3A_1618 : memref<128x128xf32, #tpu.memory_space<vmem>>) offsets(%dma_start3A_1620 : memref<128xi32, #tpu.memory_space<vmem>>) semaphore(%dma_start3A_1625 : memref<!tpu.dma_semaphore, #tpu.memory_space<semaphore_mem>>) {add = true}
    %dma_start3A_1626 = arith.constant 1 : i32
    %dma_start3A_1627 = arith.constant 1 : i32
    %dma_start3A_1628 = arith.constant 128 : i32
    %dma_start3A_1629 = arith.constant 0 : i32
    %dma_start3A_1630 = tpu.memref_slice %arg7[%dma_start3A_1626, %dma_start3A_1628, %dma_start3A_1629] : memref<3x256x128xf32, #tpu.memory_space<vmem>> -> memref<1x128x128xf32, #tpu.memory_space<vmem>>
    %dma_start3A_1631 = tpu.memref_squeeze %dma_start3A_1630 : memref<1x128x128xf32, #tpu.memory_space<vmem>> -> memref<128x128xf32, #tpu.memory_space<vmem>>
    %dma_start3A_1632 = arith.constant 3456 : i32
    %dma_start3A_1633 = tpu.memref_slice %arg6[%dma_start3A_1632] : memref<6400xi32, #tpu.memory_space<vmem>> -> memref<128xi32, #tpu.memory_space<vmem>>
    %dma_start3A_1634 = arith.constant 0 : i32
    %dma_start3A_1635 = arith.constant 0 : i32
    %dma_start3A_1636 = tpu.memref_slice %arg4[%dma_start3A_1634, %dma_start3A_1635] : memref<100000x128xf32, #tpu.memory_space<hbm>> -> memref<100000x128xf32, #tpu.memory_space<hbm>>
    %dma_start3A_1637 = tpu.memref_slice %arg9[%dma_start3A_1627] : memref<3x!tpu.dma_semaphore, #tpu.memory_space<semaphore_mem>> -> memref<1x!tpu.dma_semaphore, #tpu.memory_space<semaphore_mem>>
    %dma_start3A_1638 = tpu.memref_squeeze %dma_start3A_1637 : memref<1x!tpu.dma_semaphore, #tpu.memory_space<semaphore_mem>> -> memref<!tpu.dma_semaphore, #tpu.memory_space<semaphore_mem>>
    tpu.enqueue_indirect_dma source(%dma_start3A_1636 : memref<100000x128xf32, #tpu.memory_space<hbm>>) target(%dma_start3A_1631 : memref<128x128xf32, #tpu.memory_space<vmem>>) offsets(%dma_start3A_1633 : memref<128xi32, #tpu.memory_space<vmem>>) semaphore(%dma_start3A_1638 : memref<!tpu.dma_semaphore, #tpu.memory_space<semaphore_mem>>) {add = true}
    %add3A_1639 = arith.constant 2816 : i32
    %add3A_1640 = arith.addi %mul3A_2, %add3A_1639 : i32
    %dma_wait3A_1641 = arith.constant 2 : i32
    %dma_wait3A_1642 = arith.constant 2 : i32
    %dma_wait3A_1643 = arith.constant 0 : i32
    %dma_wait3A_1644 = arith.constant 0 : i32
    %dma_wait3A_1645 = tpu.memref_slice %arg7[%dma_wait3A_1641, %dma_wait3A_1643, %dma_wait3A_1644] : memref<3x256x128xf32, #tpu.memory_space<vmem>> -> memref<1x256x128xf32, #tpu.memory_space<vmem>>
    %dma_wait3A_1646 = tpu.memref_squeeze %dma_wait3A_1645 : memref<1x256x128xf32, #tpu.memory_space<vmem>> -> memref<256x128xf32, #tpu.memory_space<vmem>>
    %dma_wait3A_1647 = arith.constant 0 : i32
    %dma_wait3A_1648 = tpu.memref_slice %arg5[%add3A_1640, %dma_wait3A_1647] : memref<204800x128xf32, #tpu.memory_space<hbm>> -> memref<256x128xf32, #tpu.memory_space<hbm>>
    %dma_wait3A_1649 = tpu.memref_slice %arg10[%dma_wait3A_1642] : memref<3x!tpu.dma_semaphore, #tpu.memory_space<semaphore_mem>> -> memref<1x!tpu.dma_semaphore, #tpu.memory_space<semaphore_mem>>
    %dma_wait3A_1650 = tpu.memref_squeeze %dma_wait3A_1649 : memref<1x!tpu.dma_semaphore, #tpu.memory_space<semaphore_mem>> -> memref<!tpu.dma_semaphore, #tpu.memory_space<semaphore_mem>>
    %dma_wait3A_1651 = arith.constant 0 : i32
    %dma_wait3A_1652 = tpu.memref_slice %arg5[%add3A_1640, %dma_wait3A_1651] : memref<204800x128xf32, #tpu.memory_space<hbm>> -> memref<256x128xf32, #tpu.memory_space<hbm>>
    %dma_wait3A_1653 = arith.constant 0 : i32
    %dma_wait3A_1654 = arith.constant 0 : i32
    %dma_wait3A_1655 = tpu.memref_slice %arg7[%dma_wait3A_1641, %dma_wait3A_1653, %dma_wait3A_1654] : memref<3x256x128xf32, #tpu.memory_space<vmem>> -> memref<1x256x128xf32, #tpu.memory_space<vmem>>
    %dma_wait3A_1656 = tpu.memref_squeeze %dma_wait3A_1655 : memref<1x256x128xf32, #tpu.memory_space<vmem>> -> memref<256x128xf32, #tpu.memory_space<vmem>>
    tpu.wait_dma2 semaphore(%dma_wait3A_1650 : memref<!tpu.dma_semaphore, #tpu.memory_space<semaphore_mem>>) src(%dma_wait3A_1656 : memref<256x128xf32, #tpu.memory_space<vmem>>) dst(%dma_wait3A_1652 : memref<256x128xf32, #tpu.memory_space<hbm>>)
    %add3A_1657 = arith.constant 3584 : i32
    %add3A_1658 = arith.addi %mul3A_2, %add3A_1657 : i32
    %dma_start3A_1659 = arith.constant 2 : i32
    %dma_start3A_1660 = arith.constant 2 : i32
    %dma_start3A_1661 = arith.constant 0 : i32
    %dma_start3A_1662 = arith.constant 0 : i32
    %dma_start3A_1663 = tpu.memref_slice %arg7[%dma_start3A_1659, %dma_start3A_1661, %dma_start3A_1662] : memref<3x256x128xf32, #tpu.memory_space<vmem>> -> memref<1x256x128xf32, #tpu.memory_space<vmem>>
    %dma_start3A_1664 = tpu.memref_squeeze %dma_start3A_1663 : memref<1x256x128xf32, #tpu.memory_space<vmem>> -> memref<256x128xf32, #tpu.memory_space<vmem>>
    %dma_start3A_1665 = arith.constant 0 : i32
    %dma_start3A_1666 = tpu.memref_slice %arg2[%add3A_1658, %dma_start3A_1665] : memref<204800x128xf32, #tpu.memory_space<hbm>> -> memref<256x128xf32, #tpu.memory_space<hbm>>
    %dma_start3A_1667 = tpu.memref_slice %arg8[%dma_start3A_1660] : memref<3x!tpu.dma_semaphore, #tpu.memory_space<semaphore_mem>> -> memref<1x!tpu.dma_semaphore, #tpu.memory_space<semaphore_mem>>
    %dma_start3A_1668 = tpu.memref_squeeze %dma_start3A_1667 : memref<1x!tpu.dma_semaphore, #tpu.memory_space<semaphore_mem>> -> memref<!tpu.dma_semaphore, #tpu.memory_space<semaphore_mem>>
    %dma_start3A_1669 = arith.constant 0 : i32
    %dma_start3A_1670 = arith.constant 0 : i32
    %dma_start3A_1671 = tpu.memref_slice %arg7[%dma_start3A_1659, %dma_start3A_1669, %dma_start3A_1670] : memref<3x256x128xf32, #tpu.memory_space<vmem>> -> memref<1x256x128xf32, #tpu.memory_space<vmem>>
    %dma_start3A_1672 = tpu.memref_squeeze %dma_start3A_1671 : memref<1x256x128xf32, #tpu.memory_space<vmem>> -> memref<256x128xf32, #tpu.memory_space<vmem>>
    %dma_start3A_1673 = arith.constant 0 : i32
    %dma_start3A_1674 = tpu.memref_slice %arg2[%add3A_1658, %dma_start3A_1673] : memref<204800x128xf32, #tpu.memory_space<hbm>> -> memref<256x128xf32, #tpu.memory_space<hbm>>
    tpu.enqueue_dma source(%dma_start3A_1674 : memref<256x128xf32, #tpu.memory_space<hbm>>) target(%dma_start3A_1672 : memref<256x128xf32, #tpu.memory_space<vmem>>) target_semaphore(%dma_start3A_1668 : memref<!tpu.dma_semaphore, #tpu.memory_space<semaphore_mem>>)
    %dma_wait3A_1675 = arith.constant 1 : i32
    %dma_wait3A_1676 = arith.constant 1 : i32
    %dma_wait3A_1677 = arith.constant 0 : i32
    %dma_wait3A_1678 = arith.constant 0 : i32
    %dma_wait3A_1679 = tpu.memref_slice %arg7[%dma_wait3A_1675, %dma_wait3A_1677, %dma_wait3A_1678] : memref<3x256x128xf32, #tpu.memory_space<vmem>> -> memref<1x128x128xf32, #tpu.memory_space<vmem>>
    %dma_wait3A_1680 = tpu.memref_squeeze %dma_wait3A_1679 : memref<1x128x128xf32, #tpu.memory_space<vmem>> -> memref<128x128xf32, #tpu.memory_space<vmem>>
    %dma_wait3A_1681 = arith.constant 3328 : i32
    %dma_wait3A_1682 = tpu.memref_slice %arg6[%dma_wait3A_1681] : memref<6400xi32, #tpu.memory_space<vmem>> -> memref<128xi32, #tpu.memory_space<vmem>>
    %dma_wait3A_1683 = arith.constant 0 : i32
    %dma_wait3A_1684 = arith.constant 0 : i32
    %dma_wait3A_1685 = tpu.memref_slice %arg4[%dma_wait3A_1683, %dma_wait3A_1684] : memref<100000x128xf32, #tpu.memory_space<hbm>> -> memref<100000x128xf32, #tpu.memory_space<hbm>>
    %dma_wait3A_1686 = tpu.memref_slice %arg9[%dma_wait3A_1676] : memref<3x!tpu.dma_semaphore, #tpu.memory_space<semaphore_mem>> -> memref<1x!tpu.dma_semaphore, #tpu.memory_space<semaphore_mem>>
    %dma_wait3A_1687 = tpu.memref_squeeze %dma_wait3A_1686 : memref<1x!tpu.dma_semaphore, #tpu.memory_space<semaphore_mem>> -> memref<!tpu.dma_semaphore, #tpu.memory_space<semaphore_mem>>
    tpu.wait_indirect_dma semaphore(%dma_wait3A_1687 : memref<!tpu.dma_semaphore, #tpu.memory_space<semaphore_mem>>) src(%dma_wait3A_1685 : memref<100000x128xf32, #tpu.memory_space<hbm>>) dst(%dma_wait3A_1680 : memref<128x128xf32, #tpu.memory_space<vmem>>)
    %dma_wait3A_1688 = arith.constant 1 : i32
    %dma_wait3A_1689 = arith.constant 1 : i32
    %dma_wait3A_1690 = arith.constant 128 : i32
    %dma_wait3A_1691 = arith.constant 0 : i32
    %dma_wait3A_1692 = tpu.memref_slice %arg7[%dma_wait3A_1688, %dma_wait3A_1690, %dma_wait3A_1691] : memref<3x256x128xf32, #tpu.memory_space<vmem>> -> memref<1x128x128xf32, #tpu.memory_space<vmem>>
    %dma_wait3A_1693 = tpu.memref_squeeze %dma_wait3A_1692 : memref<1x128x128xf32, #tpu.memory_space<vmem>> -> memref<128x128xf32, #tpu.memory_space<vmem>>
    %dma_wait3A_1694 = arith.constant 3456 : i32
    %dma_wait3A_1695 = tpu.memref_slice %arg6[%dma_wait3A_1694] : memref<6400xi32, #tpu.memory_space<vmem>> -> memref<128xi32, #tpu.memory_space<vmem>>
    %dma_wait3A_1696 = arith.constant 0 : i32
    %dma_wait3A_1697 = arith.constant 0 : i32
    %dma_wait3A_1698 = tpu.memref_slice %arg4[%dma_wait3A_1696, %dma_wait3A_1697] : memref<100000x128xf32, #tpu.memory_space<hbm>> -> memref<100000x128xf32, #tpu.memory_space<hbm>>
    %dma_wait3A_1699 = tpu.memref_slice %arg9[%dma_wait3A_1689] : memref<3x!tpu.dma_semaphore, #tpu.memory_space<semaphore_mem>> -> memref<1x!tpu.dma_semaphore, #tpu.memory_space<semaphore_mem>>
    %dma_wait3A_1700 = tpu.memref_squeeze %dma_wait3A_1699 : memref<1x!tpu.dma_semaphore, #tpu.memory_space<semaphore_mem>> -> memref<!tpu.dma_semaphore, #tpu.memory_space<semaphore_mem>>
    tpu.wait_indirect_dma semaphore(%dma_wait3A_1700 : memref<!tpu.dma_semaphore, #tpu.memory_space<semaphore_mem>>) src(%dma_wait3A_1698 : memref<100000x128xf32, #tpu.memory_space<hbm>>) dst(%dma_wait3A_1693 : memref<128x128xf32, #tpu.memory_space<vmem>>)
    %add3A_1701 = arith.constant 3328 : i32
    %add3A_1702 = arith.addi %mul3A_2, %add3A_1701 : i32
    %dma_start3A_1703 = arith.constant 1 : i32
    %dma_start3A_1704 = arith.constant 1 : i32
    %dma_start3A_1705 = arith.constant 0 : i32
    %dma_start3A_1706 = arith.constant 0 : i32
    %dma_start3A_1707 = tpu.memref_slice %arg7[%dma_start3A_1703, %dma_start3A_1705, %dma_start3A_1706] : memref<3x256x128xf32, #tpu.memory_space<vmem>> -> memref<1x256x128xf32, #tpu.memory_space<vmem>>
    %dma_start3A_1708 = tpu.memref_squeeze %dma_start3A_1707 : memref<1x256x128xf32, #tpu.memory_space<vmem>> -> memref<256x128xf32, #tpu.memory_space<vmem>>
    %dma_start3A_1709 = arith.constant 0 : i32
    %dma_start3A_1710 = tpu.memref_slice %arg5[%add3A_1702, %dma_start3A_1709] : memref<204800x128xf32, #tpu.memory_space<hbm>> -> memref<256x128xf32, #tpu.memory_space<hbm>>
    %dma_start3A_1711 = tpu.memref_slice %arg10[%dma_start3A_1704] : memref<3x!tpu.dma_semaphore, #tpu.memory_space<semaphore_mem>> -> memref<1x!tpu.dma_semaphore, #tpu.memory_space<semaphore_mem>>
    %dma_start3A_1712 = tpu.memref_squeeze %dma_start3A_1711 : memref<1x!tpu.dma_semaphore, #tpu.memory_space<semaphore_mem>> -> memref<!tpu.dma_semaphore, #tpu.memory_space<semaphore_mem>>
    %dma_start3A_1713 = arith.constant 0 : i32
    %dma_start3A_1714 = tpu.memref_slice %arg5[%add3A_1702, %dma_start3A_1713] : memref<204800x128xf32, #tpu.memory_space<hbm>> -> memref<256x128xf32, #tpu.memory_space<hbm>>
    %dma_start3A_1715 = arith.constant 0 : i32
    %dma_start3A_1716 = arith.constant 0 : i32
    %dma_start3A_1717 = tpu.memref_slice %arg7[%dma_start3A_1703, %dma_start3A_1715, %dma_start3A_1716] : memref<3x256x128xf32, #tpu.memory_space<vmem>> -> memref<1x256x128xf32, #tpu.memory_space<vmem>>
    %dma_start3A_1718 = tpu.memref_squeeze %dma_start3A_1717 : memref<1x256x128xf32, #tpu.memory_space<vmem>> -> memref<256x128xf32, #tpu.memory_space<vmem>>
    tpu.enqueue_dma source(%dma_start3A_1718 : memref<256x128xf32, #tpu.memory_space<vmem>>) target(%dma_start3A_1714 : memref<256x128xf32, #tpu.memory_space<hbm>>) target_semaphore(%dma_start3A_1712 : memref<!tpu.dma_semaphore, #tpu.memory_space<semaphore_mem>>)
    %add3A_1719 = arith.constant 3584 : i32
    %add3A_1720 = arith.addi %mul3A_2, %add3A_1719 : i32
    %dma_wait3A_1721 = arith.constant 2 : i32
    %dma_wait3A_1722 = arith.constant 2 : i32
    %dma_wait3A_1723 = arith.constant 0 : i32
    %dma_wait3A_1724 = arith.constant 0 : i32
    %dma_wait3A_1725 = tpu.memref_slice %arg7[%dma_wait3A_1721, %dma_wait3A_1723, %dma_wait3A_1724] : memref<3x256x128xf32, #tpu.memory_space<vmem>> -> memref<1x256x128xf32, #tpu.memory_space<vmem>>
    %dma_wait3A_1726 = tpu.memref_squeeze %dma_wait3A_1725 : memref<1x256x128xf32, #tpu.memory_space<vmem>> -> memref<256x128xf32, #tpu.memory_space<vmem>>
    %dma_wait3A_1727 = arith.constant 0 : i32
    %dma_wait3A_1728 = tpu.memref_slice %arg2[%add3A_1720, %dma_wait3A_1727] : memref<204800x128xf32, #tpu.memory_space<hbm>> -> memref<256x128xf32, #tpu.memory_space<hbm>>
    %dma_wait3A_1729 = tpu.memref_slice %arg8[%dma_wait3A_1722] : memref<3x!tpu.dma_semaphore, #tpu.memory_space<semaphore_mem>> -> memref<1x!tpu.dma_semaphore, #tpu.memory_space<semaphore_mem>>
    %dma_wait3A_1730 = tpu.memref_squeeze %dma_wait3A_1729 : memref<1x!tpu.dma_semaphore, #tpu.memory_space<semaphore_mem>> -> memref<!tpu.dma_semaphore, #tpu.memory_space<semaphore_mem>>
    %dma_wait3A_1731 = arith.constant 0 : i32
    %dma_wait3A_1732 = arith.constant 0 : i32
    %dma_wait3A_1733 = tpu.memref_slice %arg7[%dma_wait3A_1721, %dma_wait3A_1731, %dma_wait3A_1732] : memref<3x256x128xf32, #tpu.memory_space<vmem>> -> memref<1x256x128xf32, #tpu.memory_space<vmem>>
    %dma_wait3A_1734 = tpu.memref_squeeze %dma_wait3A_1733 : memref<1x256x128xf32, #tpu.memory_space<vmem>> -> memref<256x128xf32, #tpu.memory_space<vmem>>
    %dma_wait3A_1735 = arith.constant 0 : i32
    %dma_wait3A_1736 = tpu.memref_slice %arg2[%add3A_1720, %dma_wait3A_1735] : memref<204800x128xf32, #tpu.memory_space<hbm>> -> memref<256x128xf32, #tpu.memory_space<hbm>>
    tpu.wait_dma2 semaphore(%dma_wait3A_1730 : memref<!tpu.dma_semaphore, #tpu.memory_space<semaphore_mem>>) src(%dma_wait3A_1736 : memref<256x128xf32, #tpu.memory_space<hbm>>) dst(%dma_wait3A_1734 : memref<256x128xf32, #tpu.memory_space<vmem>>)
    %dma_start3A_1737 = arith.constant 2 : i32
    %dma_start3A_1738 = arith.constant 2 : i32
    %dma_start3A_1739 = arith.constant 0 : i32
    %dma_start3A_1740 = arith.constant 0 : i32
    %dma_start3A_1741 = tpu.memref_slice %arg7[%dma_start3A_1737, %dma_start3A_1739, %dma_start3A_1740] : memref<3x256x128xf32, #tpu.memory_space<vmem>> -> memref<1x128x128xf32, #tpu.memory_space<vmem>>
    %dma_start3A_1742 = tpu.memref_squeeze %dma_start3A_1741 : memref<1x128x128xf32, #tpu.memory_space<vmem>> -> memref<128x128xf32, #tpu.memory_space<vmem>>
    %dma_start3A_1743 = arith.constant 3584 : i32
    %dma_start3A_1744 = tpu.memref_slice %arg6[%dma_start3A_1743] : memref<6400xi32, #tpu.memory_space<vmem>> -> memref<128xi32, #tpu.memory_space<vmem>>
    %dma_start3A_1745 = arith.constant 0 : i32
    %dma_start3A_1746 = arith.constant 0 : i32
    %dma_start3A_1747 = tpu.memref_slice %arg4[%dma_start3A_1745, %dma_start3A_1746] : memref<100000x128xf32, #tpu.memory_space<hbm>> -> memref<100000x128xf32, #tpu.memory_space<hbm>>
    %dma_start3A_1748 = tpu.memref_slice %arg9[%dma_start3A_1738] : memref<3x!tpu.dma_semaphore, #tpu.memory_space<semaphore_mem>> -> memref<1x!tpu.dma_semaphore, #tpu.memory_space<semaphore_mem>>
    %dma_start3A_1749 = tpu.memref_squeeze %dma_start3A_1748 : memref<1x!tpu.dma_semaphore, #tpu.memory_space<semaphore_mem>> -> memref<!tpu.dma_semaphore, #tpu.memory_space<semaphore_mem>>
    tpu.enqueue_indirect_dma source(%dma_start3A_1747 : memref<100000x128xf32, #tpu.memory_space<hbm>>) target(%dma_start3A_1742 : memref<128x128xf32, #tpu.memory_space<vmem>>) offsets(%dma_start3A_1744 : memref<128xi32, #tpu.memory_space<vmem>>) semaphore(%dma_start3A_1749 : memref<!tpu.dma_semaphore, #tpu.memory_space<semaphore_mem>>) {add = true}
    %dma_start3A_1750 = arith.constant 2 : i32
    %dma_start3A_1751 = arith.constant 2 : i32
    %dma_start3A_1752 = arith.constant 128 : i32
    %dma_start3A_1753 = arith.constant 0 : i32
    %dma_start3A_1754 = tpu.memref_slice %arg7[%dma_start3A_1750, %dma_start3A_1752, %dma_start3A_1753] : memref<3x256x128xf32, #tpu.memory_space<vmem>> -> memref<1x128x128xf32, #tpu.memory_space<vmem>>
    %dma_start3A_1755 = tpu.memref_squeeze %dma_start3A_1754 : memref<1x128x128xf32, #tpu.memory_space<vmem>> -> memref<128x128xf32, #tpu.memory_space<vmem>>
    %dma_start3A_1756 = arith.constant 3712 : i32
    %dma_start3A_1757 = tpu.memref_slice %arg6[%dma_start3A_1756] : memref<6400xi32, #tpu.memory_space<vmem>> -> memref<128xi32, #tpu.memory_space<vmem>>
    %dma_start3A_1758 = arith.constant 0 : i32
    %dma_start3A_1759 = arith.constant 0 : i32
    %dma_start3A_1760 = tpu.memref_slice %arg4[%dma_start3A_1758, %dma_start3A_1759] : memref<100000x128xf32, #tpu.memory_space<hbm>> -> memref<100000x128xf32, #tpu.memory_space<hbm>>
    %dma_start3A_1761 = tpu.memref_slice %arg9[%dma_start3A_1751] : memref<3x!tpu.dma_semaphore, #tpu.memory_space<semaphore_mem>> -> memref<1x!tpu.dma_semaphore, #tpu.memory_space<semaphore_mem>>
    %dma_start3A_1762 = tpu.memref_squeeze %dma_start3A_1761 : memref<1x!tpu.dma_semaphore, #tpu.memory_space<semaphore_mem>> -> memref<!tpu.dma_semaphore, #tpu.memory_space<semaphore_mem>>
    tpu.enqueue_indirect_dma source(%dma_start3A_1760 : memref<100000x128xf32, #tpu.memory_space<hbm>>) target(%dma_start3A_1755 : memref<128x128xf32, #tpu.memory_space<vmem>>) offsets(%dma_start3A_1757 : memref<128xi32, #tpu.memory_space<vmem>>) semaphore(%dma_start3A_1762 : memref<!tpu.dma_semaphore, #tpu.memory_space<semaphore_mem>>) {add = true}
    %add3A_1763 = arith.constant 3072 : i32
    %add3A_1764 = arith.addi %mul3A_2, %add3A_1763 : i32
    %dma_wait3A_1765 = arith.constant 0 : i32
    %dma_wait3A_1766 = arith.constant 0 : i32
    %dma_wait3A_1767 = arith.constant 0 : i32
    %dma_wait3A_1768 = arith.constant 0 : i32
    %dma_wait3A_1769 = tpu.memref_slice %arg7[%dma_wait3A_1765, %dma_wait3A_1767, %dma_wait3A_1768] : memref<3x256x128xf32, #tpu.memory_space<vmem>> -> memref<1x256x128xf32, #tpu.memory_space<vmem>>
    %dma_wait3A_1770 = tpu.memref_squeeze %dma_wait3A_1769 : memref<1x256x128xf32, #tpu.memory_space<vmem>> -> memref<256x128xf32, #tpu.memory_space<vmem>>
    %dma_wait3A_1771 = arith.constant 0 : i32
    %dma_wait3A_1772 = tpu.memref_slice %arg5[%add3A_1764, %dma_wait3A_1771] : memref<204800x128xf32, #tpu.memory_space<hbm>> -> memref<256x128xf32, #tpu.memory_space<hbm>>
    %dma_wait3A_1773 = tpu.memref_slice %arg10[%dma_wait3A_1766] : memref<3x!tpu.dma_semaphore, #tpu.memory_space<semaphore_mem>> -> memref<1x!tpu.dma_semaphore, #tpu.memory_space<semaphore_mem>>
    %dma_wait3A_1774 = tpu.memref_squeeze %dma_wait3A_1773 : memref<1x!tpu.dma_semaphore, #tpu.memory_space<semaphore_mem>> -> memref<!tpu.dma_semaphore, #tpu.memory_space<semaphore_mem>>
    %dma_wait3A_1775 = arith.constant 0 : i32
    %dma_wait3A_1776 = tpu.memref_slice %arg5[%add3A_1764, %dma_wait3A_1775] : memref<204800x128xf32, #tpu.memory_space<hbm>> -> memref<256x128xf32, #tpu.memory_space<hbm>>
    %dma_wait3A_1777 = arith.constant 0 : i32
    %dma_wait3A_1778 = arith.constant 0 : i32
    %dma_wait3A_1779 = tpu.memref_slice %arg7[%dma_wait3A_1765, %dma_wait3A_1777, %dma_wait3A_1778] : memref<3x256x128xf32, #tpu.memory_space<vmem>> -> memref<1x256x128xf32, #tpu.memory_space<vmem>>
    %dma_wait3A_1780 = tpu.memref_squeeze %dma_wait3A_1779 : memref<1x256x128xf32, #tpu.memory_space<vmem>> -> memref<256x128xf32, #tpu.memory_space<vmem>>
    tpu.wait_dma2 semaphore(%dma_wait3A_1774 : memref<!tpu.dma_semaphore, #tpu.memory_space<semaphore_mem>>) src(%dma_wait3A_1780 : memref<256x128xf32, #tpu.memory_space<vmem>>) dst(%dma_wait3A_1776 : memref<256x128xf32, #tpu.memory_space<hbm>>)
    %add3A_1781 = arith.constant 3840 : i32
    %add3A_1782 = arith.addi %mul3A_2, %add3A_1781 : i32
    %dma_start3A_1783 = arith.constant 0 : i32
    %dma_start3A_1784 = arith.constant 0 : i32
    %dma_start3A_1785 = arith.constant 0 : i32
    %dma_start3A_1786 = arith.constant 0 : i32
    %dma_start3A_1787 = tpu.memref_slice %arg7[%dma_start3A_1783, %dma_start3A_1785, %dma_start3A_1786] : memref<3x256x128xf32, #tpu.memory_space<vmem>> -> memref<1x256x128xf32, #tpu.memory_space<vmem>>
    %dma_start3A_1788 = tpu.memref_squeeze %dma_start3A_1787 : memref<1x256x128xf32, #tpu.memory_space<vmem>> -> memref<256x128xf32, #tpu.memory_space<vmem>>
    %dma_start3A_1789 = arith.constant 0 : i32
    %dma_start3A_1790 = tpu.memref_slice %arg2[%add3A_1782, %dma_start3A_1789] : memref<204800x128xf32, #tpu.memory_space<hbm>> -> memref<256x128xf32, #tpu.memory_space<hbm>>
    %dma_start3A_1791 = tpu.memref_slice %arg8[%dma_start3A_1784] : memref<3x!tpu.dma_semaphore, #tpu.memory_space<semaphore_mem>> -> memref<1x!tpu.dma_semaphore, #tpu.memory_space<semaphore_mem>>
    %dma_start3A_1792 = tpu.memref_squeeze %dma_start3A_1791 : memref<1x!tpu.dma_semaphore, #tpu.memory_space<semaphore_mem>> -> memref<!tpu.dma_semaphore, #tpu.memory_space<semaphore_mem>>
    %dma_start3A_1793 = arith.constant 0 : i32
    %dma_start3A_1794 = arith.constant 0 : i32
    %dma_start3A_1795 = tpu.memref_slice %arg7[%dma_start3A_1783, %dma_start3A_1793, %dma_start3A_1794] : memref<3x256x128xf32, #tpu.memory_space<vmem>> -> memref<1x256x128xf32, #tpu.memory_space<vmem>>
    %dma_start3A_1796 = tpu.memref_squeeze %dma_start3A_1795 : memref<1x256x128xf32, #tpu.memory_space<vmem>> -> memref<256x128xf32, #tpu.memory_space<vmem>>
    %dma_start3A_1797 = arith.constant 0 : i32
    %dma_start3A_1798 = tpu.memref_slice %arg2[%add3A_1782, %dma_start3A_1797] : memref<204800x128xf32, #tpu.memory_space<hbm>> -> memref<256x128xf32, #tpu.memory_space<hbm>>
    tpu.enqueue_dma source(%dma_start3A_1798 : memref<256x128xf32, #tpu.memory_space<hbm>>) target(%dma_start3A_1796 : memref<256x128xf32, #tpu.memory_space<vmem>>) target_semaphore(%dma_start3A_1792 : memref<!tpu.dma_semaphore, #tpu.memory_space<semaphore_mem>>)
    %dma_wait3A_1799 = arith.constant 2 : i32
    %dma_wait3A_1800 = arith.constant 2 : i32
    %dma_wait3A_1801 = arith.constant 0 : i32
    %dma_wait3A_1802 = arith.constant 0 : i32
    %dma_wait3A_1803 = tpu.memref_slice %arg7[%dma_wait3A_1799, %dma_wait3A_1801, %dma_wait3A_1802] : memref<3x256x128xf32, #tpu.memory_space<vmem>> -> memref<1x128x128xf32, #tpu.memory_space<vmem>>
    %dma_wait3A_1804 = tpu.memref_squeeze %dma_wait3A_1803 : memref<1x128x128xf32, #tpu.memory_space<vmem>> -> memref<128x128xf32, #tpu.memory_space<vmem>>
    %dma_wait3A_1805 = arith.constant 3584 : i32
    %dma_wait3A_1806 = tpu.memref_slice %arg6[%dma_wait3A_1805] : memref<6400xi32, #tpu.memory_space<vmem>> -> memref<128xi32, #tpu.memory_space<vmem>>
    %dma_wait3A_1807 = arith.constant 0 : i32
    %dma_wait3A_1808 = arith.constant 0 : i32
    %dma_wait3A_1809 = tpu.memref_slice %arg4[%dma_wait3A_1807, %dma_wait3A_1808] : memref<100000x128xf32, #tpu.memory_space<hbm>> -> memref<100000x128xf32, #tpu.memory_space<hbm>>
    %dma_wait3A_1810 = tpu.memref_slice %arg9[%dma_wait3A_1800] : memref<3x!tpu.dma_semaphore, #tpu.memory_space<semaphore_mem>> -> memref<1x!tpu.dma_semaphore, #tpu.memory_space<semaphore_mem>>
    %dma_wait3A_1811 = tpu.memref_squeeze %dma_wait3A_1810 : memref<1x!tpu.dma_semaphore, #tpu.memory_space<semaphore_mem>> -> memref<!tpu.dma_semaphore, #tpu.memory_space<semaphore_mem>>
    tpu.wait_indirect_dma semaphore(%dma_wait3A_1811 : memref<!tpu.dma_semaphore, #tpu.memory_space<semaphore_mem>>) src(%dma_wait3A_1809 : memref<100000x128xf32, #tpu.memory_space<hbm>>) dst(%dma_wait3A_1804 : memref<128x128xf32, #tpu.memory_space<vmem>>)
    %dma_wait3A_1812 = arith.constant 2 : i32
    %dma_wait3A_1813 = arith.constant 2 : i32
    %dma_wait3A_1814 = arith.constant 128 : i32
    %dma_wait3A_1815 = arith.constant 0 : i32
    %dma_wait3A_1816 = tpu.memref_slice %arg7[%dma_wait3A_1812, %dma_wait3A_1814, %dma_wait3A_1815] : memref<3x256x128xf32, #tpu.memory_space<vmem>> -> memref<1x128x128xf32, #tpu.memory_space<vmem>>
    %dma_wait3A_1817 = tpu.memref_squeeze %dma_wait3A_1816 : memref<1x128x128xf32, #tpu.memory_space<vmem>> -> memref<128x128xf32, #tpu.memory_space<vmem>>
    %dma_wait3A_1818 = arith.constant 3712 : i32
    %dma_wait3A_1819 = tpu.memref_slice %arg6[%dma_wait3A_1818] : memref<6400xi32, #tpu.memory_space<vmem>> -> memref<128xi32, #tpu.memory_space<vmem>>
    %dma_wait3A_1820 = arith.constant 0 : i32
    %dma_wait3A_1821 = arith.constant 0 : i32
    %dma_wait3A_1822 = tpu.memref_slice %arg4[%dma_wait3A_1820, %dma_wait3A_1821] : memref<100000x128xf32, #tpu.memory_space<hbm>> -> memref<100000x128xf32, #tpu.memory_space<hbm>>
    %dma_wait3A_1823 = tpu.memref_slice %arg9[%dma_wait3A_1813] : memref<3x!tpu.dma_semaphore, #tpu.memory_space<semaphore_mem>> -> memref<1x!tpu.dma_semaphore, #tpu.memory_space<semaphore_mem>>
    %dma_wait3A_1824 = tpu.memref_squeeze %dma_wait3A_1823 : memref<1x!tpu.dma_semaphore, #tpu.memory_space<semaphore_mem>> -> memref<!tpu.dma_semaphore, #tpu.memory_space<semaphore_mem>>
    tpu.wait_indirect_dma semaphore(%dma_wait3A_1824 : memref<!tpu.dma_semaphore, #tpu.memory_space<semaphore_mem>>) src(%dma_wait3A_1822 : memref<100000x128xf32, #tpu.memory_space<hbm>>) dst(%dma_wait3A_1817 : memref<128x128xf32, #tpu.memory_space<vmem>>)
    %add3A_1825 = arith.constant 3584 : i32
    %add3A_1826 = arith.addi %mul3A_2, %add3A_1825 : i32
    %dma_start3A_1827 = arith.constant 2 : i32
    %dma_start3A_1828 = arith.constant 2 : i32
    %dma_start3A_1829 = arith.constant 0 : i32
    %dma_start3A_1830 = arith.constant 0 : i32
    %dma_start3A_1831 = tpu.memref_slice %arg7[%dma_start3A_1827, %dma_start3A_1829, %dma_start3A_1830] : memref<3x256x128xf32, #tpu.memory_space<vmem>> -> memref<1x256x128xf32, #tpu.memory_space<vmem>>
    %dma_start3A_1832 = tpu.memref_squeeze %dma_start3A_1831 : memref<1x256x128xf32, #tpu.memory_space<vmem>> -> memref<256x128xf32, #tpu.memory_space<vmem>>
    %dma_start3A_1833 = arith.constant 0 : i32
    %dma_start3A_1834 = tpu.memref_slice %arg5[%add3A_1826, %dma_start3A_1833] : memref<204800x128xf32, #tpu.memory_space<hbm>> -> memref<256x128xf32, #tpu.memory_space<hbm>>
    %dma_start3A_1835 = tpu.memref_slice %arg10[%dma_start3A_1828] : memref<3x!tpu.dma_semaphore, #tpu.memory_space<semaphore_mem>> -> memref<1x!tpu.dma_semaphore, #tpu.memory_space<semaphore_mem>>
    %dma_start3A_1836 = tpu.memref_squeeze %dma_start3A_1835 : memref<1x!tpu.dma_semaphore, #tpu.memory_space<semaphore_mem>> -> memref<!tpu.dma_semaphore, #tpu.memory_space<semaphore_mem>>
    %dma_start3A_1837 = arith.constant 0 : i32
    %dma_start3A_1838 = tpu.memref_slice %arg5[%add3A_1826, %dma_start3A_1837] : memref<204800x128xf32, #tpu.memory_space<hbm>> -> memref<256x128xf32, #tpu.memory_space<hbm>>
    %dma_start3A_1839 = arith.constant 0 : i32
    %dma_start3A_1840 = arith.constant 0 : i32
    %dma_start3A_1841 = tpu.memref_slice %arg7[%dma_start3A_1827, %dma_start3A_1839, %dma_start3A_1840] : memref<3x256x128xf32, #tpu.memory_space<vmem>> -> memref<1x256x128xf32, #tpu.memory_space<vmem>>
    %dma_start3A_1842 = tpu.memref_squeeze %dma_start3A_1841 : memref<1x256x128xf32, #tpu.memory_space<vmem>> -> memref<256x128xf32, #tpu.memory_space<vmem>>
    tpu.enqueue_dma source(%dma_start3A_1842 : memref<256x128xf32, #tpu.memory_space<vmem>>) target(%dma_start3A_1838 : memref<256x128xf32, #tpu.memory_space<hbm>>) target_semaphore(%dma_start3A_1836 : memref<!tpu.dma_semaphore, #tpu.memory_space<semaphore_mem>>)
    %add3A_1843 = arith.constant 3840 : i32
    %add3A_1844 = arith.addi %mul3A_2, %add3A_1843 : i32
    %dma_wait3A_1845 = arith.constant 0 : i32
    %dma_wait3A_1846 = arith.constant 0 : i32
    %dma_wait3A_1847 = arith.constant 0 : i32
    %dma_wait3A_1848 = arith.constant 0 : i32
    %dma_wait3A_1849 = tpu.memref_slice %arg7[%dma_wait3A_1845, %dma_wait3A_1847, %dma_wait3A_1848] : memref<3x256x128xf32, #tpu.memory_space<vmem>> -> memref<1x256x128xf32, #tpu.memory_space<vmem>>
    %dma_wait3A_1850 = tpu.memref_squeeze %dma_wait3A_1849 : memref<1x256x128xf32, #tpu.memory_space<vmem>> -> memref<256x128xf32, #tpu.memory_space<vmem>>
    %dma_wait3A_1851 = arith.constant 0 : i32
    %dma_wait3A_1852 = tpu.memref_slice %arg2[%add3A_1844, %dma_wait3A_1851] : memref<204800x128xf32, #tpu.memory_space<hbm>> -> memref<256x128xf32, #tpu.memory_space<hbm>>
    %dma_wait3A_1853 = tpu.memref_slice %arg8[%dma_wait3A_1846] : memref<3x!tpu.dma_semaphore, #tpu.memory_space<semaphore_mem>> -> memref<1x!tpu.dma_semaphore, #tpu.memory_space<semaphore_mem>>
    %dma_wait3A_1854 = tpu.memref_squeeze %dma_wait3A_1853 : memref<1x!tpu.dma_semaphore, #tpu.memory_space<semaphore_mem>> -> memref<!tpu.dma_semaphore, #tpu.memory_space<semaphore_mem>>
    %dma_wait3A_1855 = arith.constant 0 : i32
    %dma_wait3A_1856 = arith.constant 0 : i32
    %dma_wait3A_1857 = tpu.memref_slice %arg7[%dma_wait3A_1845, %dma_wait3A_1855, %dma_wait3A_1856] : memref<3x256x128xf32, #tpu.memory_space<vmem>> -> memref<1x256x128xf32, #tpu.memory_space<vmem>>
    %dma_wait3A_1858 = tpu.memref_squeeze %dma_wait3A_1857 : memref<1x256x128xf32, #tpu.memory_space<vmem>> -> memref<256x128xf32, #tpu.memory_space<vmem>>
    %dma_wait3A_1859 = arith.constant 0 : i32
    %dma_wait3A_1860 = tpu.memref_slice %arg2[%add3A_1844, %dma_wait3A_1859] : memref<204800x128xf32, #tpu.memory_space<hbm>> -> memref<256x128xf32, #tpu.memory_space<hbm>>
    tpu.wait_dma2 semaphore(%dma_wait3A_1854 : memref<!tpu.dma_semaphore, #tpu.memory_space<semaphore_mem>>) src(%dma_wait3A_1860 : memref<256x128xf32, #tpu.memory_space<hbm>>) dst(%dma_wait3A_1858 : memref<256x128xf32, #tpu.memory_space<vmem>>)
    %dma_start3A_1861 = arith.constant 0 : i32
    %dma_start3A_1862 = arith.constant 0 : i32
    %dma_start3A_1863 = arith.constant 0 : i32
    %dma_start3A_1864 = arith.constant 0 : i32
    %dma_start3A_1865 = tpu.memref_slice %arg7[%dma_start3A_1861, %dma_start3A_1863, %dma_start3A_1864] : memref<3x256x128xf32, #tpu.memory_space<vmem>> -> memref<1x128x128xf32, #tpu.memory_space<vmem>>
    %dma_start3A_1866 = tpu.memref_squeeze %dma_start3A_1865 : memref<1x128x128xf32, #tpu.memory_space<vmem>> -> memref<128x128xf32, #tpu.memory_space<vmem>>
    %dma_start3A_1867 = arith.constant 3840 : i32
    %dma_start3A_1868 = tpu.memref_slice %arg6[%dma_start3A_1867] : memref<6400xi32, #tpu.memory_space<vmem>> -> memref<128xi32, #tpu.memory_space<vmem>>
    %dma_start3A_1869 = arith.constant 0 : i32
    %dma_start3A_1870 = arith.constant 0 : i32
    %dma_start3A_1871 = tpu.memref_slice %arg4[%dma_start3A_1869, %dma_start3A_1870] : memref<100000x128xf32, #tpu.memory_space<hbm>> -> memref<100000x128xf32, #tpu.memory_space<hbm>>
    %dma_start3A_1872 = tpu.memref_slice %arg9[%dma_start3A_1862] : memref<3x!tpu.dma_semaphore, #tpu.memory_space<semaphore_mem>> -> memref<1x!tpu.dma_semaphore, #tpu.memory_space<semaphore_mem>>
    %dma_start3A_1873 = tpu.memref_squeeze %dma_start3A_1872 : memref<1x!tpu.dma_semaphore, #tpu.memory_space<semaphore_mem>> -> memref<!tpu.dma_semaphore, #tpu.memory_space<semaphore_mem>>
    tpu.enqueue_indirect_dma source(%dma_start3A_1871 : memref<100000x128xf32, #tpu.memory_space<hbm>>) target(%dma_start3A_1866 : memref<128x128xf32, #tpu.memory_space<vmem>>) offsets(%dma_start3A_1868 : memref<128xi32, #tpu.memory_space<vmem>>) semaphore(%dma_start3A_1873 : memref<!tpu.dma_semaphore, #tpu.memory_space<semaphore_mem>>) {add = true}
    %dma_start3A_1874 = arith.constant 0 : i32
    %dma_start3A_1875 = arith.constant 0 : i32
    %dma_start3A_1876 = arith.constant 128 : i32
    %dma_start3A_1877 = arith.constant 0 : i32
    %dma_start3A_1878 = tpu.memref_slice %arg7[%dma_start3A_1874, %dma_start3A_1876, %dma_start3A_1877] : memref<3x256x128xf32, #tpu.memory_space<vmem>> -> memref<1x128x128xf32, #tpu.memory_space<vmem>>
    %dma_start3A_1879 = tpu.memref_squeeze %dma_start3A_1878 : memref<1x128x128xf32, #tpu.memory_space<vmem>> -> memref<128x128xf32, #tpu.memory_space<vmem>>
    %dma_start3A_1880 = arith.constant 3968 : i32
    %dma_start3A_1881 = tpu.memref_slice %arg6[%dma_start3A_1880] : memref<6400xi32, #tpu.memory_space<vmem>> -> memref<128xi32, #tpu.memory_space<vmem>>
    %dma_start3A_1882 = arith.constant 0 : i32
    %dma_start3A_1883 = arith.constant 0 : i32
    %dma_start3A_1884 = tpu.memref_slice %arg4[%dma_start3A_1882, %dma_start3A_1883] : memref<100000x128xf32, #tpu.memory_space<hbm>> -> memref<100000x128xf32, #tpu.memory_space<hbm>>
    %dma_start3A_1885 = tpu.memref_slice %arg9[%dma_start3A_1875] : memref<3x!tpu.dma_semaphore, #tpu.memory_space<semaphore_mem>> -> memref<1x!tpu.dma_semaphore, #tpu.memory_space<semaphore_mem>>
    %dma_start3A_1886 = tpu.memref_squeeze %dma_start3A_1885 : memref<1x!tpu.dma_semaphore, #tpu.memory_space<semaphore_mem>> -> memref<!tpu.dma_semaphore, #tpu.memory_space<semaphore_mem>>
    tpu.enqueue_indirect_dma source(%dma_start3A_1884 : memref<100000x128xf32, #tpu.memory_space<hbm>>) target(%dma_start3A_1879 : memref<128x128xf32, #tpu.memory_space<vmem>>) offsets(%dma_start3A_1881 : memref<128xi32, #tpu.memory_space<vmem>>) semaphore(%dma_start3A_1886 : memref<!tpu.dma_semaphore, #tpu.memory_space<semaphore_mem>>) {add = true}
    %add3A_1887 = arith.constant 3328 : i32
    %add3A_1888 = arith.addi %mul3A_2, %add3A_1887 : i32
    %dma_wait3A_1889 = arith.constant 1 : i32
    %dma_wait3A_1890 = arith.constant 1 : i32
    %dma_wait3A_1891 = arith.constant 0 : i32
    %dma_wait3A_1892 = arith.constant 0 : i32
    %dma_wait3A_1893 = tpu.memref_slice %arg7[%dma_wait3A_1889, %dma_wait3A_1891, %dma_wait3A_1892] : memref<3x256x128xf32, #tpu.memory_space<vmem>> -> memref<1x256x128xf32, #tpu.memory_space<vmem>>
    %dma_wait3A_1894 = tpu.memref_squeeze %dma_wait3A_1893 : memref<1x256x128xf32, #tpu.memory_space<vmem>> -> memref<256x128xf32, #tpu.memory_space<vmem>>
    %dma_wait3A_1895 = arith.constant 0 : i32
    %dma_wait3A_1896 = tpu.memref_slice %arg5[%add3A_1888, %dma_wait3A_1895] : memref<204800x128xf32, #tpu.memory_space<hbm>> -> memref<256x128xf32, #tpu.memory_space<hbm>>
    %dma_wait3A_1897 = tpu.memref_slice %arg10[%dma_wait3A_1890] : memref<3x!tpu.dma_semaphore, #tpu.memory_space<semaphore_mem>> -> memref<1x!tpu.dma_semaphore, #tpu.memory_space<semaphore_mem>>
    %dma_wait3A_1898 = tpu.memref_squeeze %dma_wait3A_1897 : memref<1x!tpu.dma_semaphore, #tpu.memory_space<semaphore_mem>> -> memref<!tpu.dma_semaphore, #tpu.memory_space<semaphore_mem>>
    %dma_wait3A_1899 = arith.constant 0 : i32
    %dma_wait3A_1900 = tpu.memref_slice %arg5[%add3A_1888, %dma_wait3A_1899] : memref<204800x128xf32, #tpu.memory_space<hbm>> -> memref<256x128xf32, #tpu.memory_space<hbm>>
    %dma_wait3A_1901 = arith.constant 0 : i32
    %dma_wait3A_1902 = arith.constant 0 : i32
    %dma_wait3A_1903 = tpu.memref_slice %arg7[%dma_wait3A_1889, %dma_wait3A_1901, %dma_wait3A_1902] : memref<3x256x128xf32, #tpu.memory_space<vmem>> -> memref<1x256x128xf32, #tpu.memory_space<vmem>>
    %dma_wait3A_1904 = tpu.memref_squeeze %dma_wait3A_1903 : memref<1x256x128xf32, #tpu.memory_space<vmem>> -> memref<256x128xf32, #tpu.memory_space<vmem>>
    tpu.wait_dma2 semaphore(%dma_wait3A_1898 : memref<!tpu.dma_semaphore, #tpu.memory_space<semaphore_mem>>) src(%dma_wait3A_1904 : memref<256x128xf32, #tpu.memory_space<vmem>>) dst(%dma_wait3A_1900 : memref<256x128xf32, #tpu.memory_space<hbm>>)
    %add3A_1905 = arith.constant 4096 : i32
    %add3A_1906 = arith.addi %mul3A_2, %add3A_1905 : i32
    %dma_start3A_1907 = arith.constant 1 : i32
    %dma_start3A_1908 = arith.constant 1 : i32
    %dma_start3A_1909 = arith.constant 0 : i32
    %dma_start3A_1910 = arith.constant 0 : i32
    %dma_start3A_1911 = tpu.memref_slice %arg7[%dma_start3A_1907, %dma_start3A_1909, %dma_start3A_1910] : memref<3x256x128xf32, #tpu.memory_space<vmem>> -> memref<1x256x128xf32, #tpu.memory_space<vmem>>
    %dma_start3A_1912 = tpu.memref_squeeze %dma_start3A_1911 : memref<1x256x128xf32, #tpu.memory_space<vmem>> -> memref<256x128xf32, #tpu.memory_space<vmem>>
    %dma_start3A_1913 = arith.constant 0 : i32
    %dma_start3A_1914 = tpu.memref_slice %arg2[%add3A_1906, %dma_start3A_1913] : memref<204800x128xf32, #tpu.memory_space<hbm>> -> memref<256x128xf32, #tpu.memory_space<hbm>>
    %dma_start3A_1915 = tpu.memref_slice %arg8[%dma_start3A_1908] : memref<3x!tpu.dma_semaphore, #tpu.memory_space<semaphore_mem>> -> memref<1x!tpu.dma_semaphore, #tpu.memory_space<semaphore_mem>>
    %dma_start3A_1916 = tpu.memref_squeeze %dma_start3A_1915 : memref<1x!tpu.dma_semaphore, #tpu.memory_space<semaphore_mem>> -> memref<!tpu.dma_semaphore, #tpu.memory_space<semaphore_mem>>
    %dma_start3A_1917 = arith.constant 0 : i32
    %dma_start3A_1918 = arith.constant 0 : i32
    %dma_start3A_1919 = tpu.memref_slice %arg7[%dma_start3A_1907, %dma_start3A_1917, %dma_start3A_1918] : memref<3x256x128xf32, #tpu.memory_space<vmem>> -> memref<1x256x128xf32, #tpu.memory_space<vmem>>
    %dma_start3A_1920 = tpu.memref_squeeze %dma_start3A_1919 : memref<1x256x128xf32, #tpu.memory_space<vmem>> -> memref<256x128xf32, #tpu.memory_space<vmem>>
    %dma_start3A_1921 = arith.constant 0 : i32
    %dma_start3A_1922 = tpu.memref_slice %arg2[%add3A_1906, %dma_start3A_1921] : memref<204800x128xf32, #tpu.memory_space<hbm>> -> memref<256x128xf32, #tpu.memory_space<hbm>>
    tpu.enqueue_dma source(%dma_start3A_1922 : memref<256x128xf32, #tpu.memory_space<hbm>>) target(%dma_start3A_1920 : memref<256x128xf32, #tpu.memory_space<vmem>>) target_semaphore(%dma_start3A_1916 : memref<!tpu.dma_semaphore, #tpu.memory_space<semaphore_mem>>)
    %dma_wait3A_1923 = arith.constant 0 : i32
    %dma_wait3A_1924 = arith.constant 0 : i32
    %dma_wait3A_1925 = arith.constant 0 : i32
    %dma_wait3A_1926 = arith.constant 0 : i32
    %dma_wait3A_1927 = tpu.memref_slice %arg7[%dma_wait3A_1923, %dma_wait3A_1925, %dma_wait3A_1926] : memref<3x256x128xf32, #tpu.memory_space<vmem>> -> memref<1x128x128xf32, #tpu.memory_space<vmem>>
    %dma_wait3A_1928 = tpu.memref_squeeze %dma_wait3A_1927 : memref<1x128x128xf32, #tpu.memory_space<vmem>> -> memref<128x128xf32, #tpu.memory_space<vmem>>
    %dma_wait3A_1929 = arith.constant 3840 : i32
    %dma_wait3A_1930 = tpu.memref_slice %arg6[%dma_wait3A_1929] : memref<6400xi32, #tpu.memory_space<vmem>> -> memref<128xi32, #tpu.memory_space<vmem>>
    %dma_wait3A_1931 = arith.constant 0 : i32
    %dma_wait3A_1932 = arith.constant 0 : i32
    %dma_wait3A_1933 = tpu.memref_slice %arg4[%dma_wait3A_1931, %dma_wait3A_1932] : memref<100000x128xf32, #tpu.memory_space<hbm>> -> memref<100000x128xf32, #tpu.memory_space<hbm>>
    %dma_wait3A_1934 = tpu.memref_slice %arg9[%dma_wait3A_1924] : memref<3x!tpu.dma_semaphore, #tpu.memory_space<semaphore_mem>> -> memref<1x!tpu.dma_semaphore, #tpu.memory_space<semaphore_mem>>
    %dma_wait3A_1935 = tpu.memref_squeeze %dma_wait3A_1934 : memref<1x!tpu.dma_semaphore, #tpu.memory_space<semaphore_mem>> -> memref<!tpu.dma_semaphore, #tpu.memory_space<semaphore_mem>>
    tpu.wait_indirect_dma semaphore(%dma_wait3A_1935 : memref<!tpu.dma_semaphore, #tpu.memory_space<semaphore_mem>>) src(%dma_wait3A_1933 : memref<100000x128xf32, #tpu.memory_space<hbm>>) dst(%dma_wait3A_1928 : memref<128x128xf32, #tpu.memory_space<vmem>>)
    %dma_wait3A_1936 = arith.constant 0 : i32
    %dma_wait3A_1937 = arith.constant 0 : i32
    %dma_wait3A_1938 = arith.constant 128 : i32
    %dma_wait3A_1939 = arith.constant 0 : i32
    %dma_wait3A_1940 = tpu.memref_slice %arg7[%dma_wait3A_1936, %dma_wait3A_1938, %dma_wait3A_1939] : memref<3x256x128xf32, #tpu.memory_space<vmem>> -> memref<1x128x128xf32, #tpu.memory_space<vmem>>
    %dma_wait3A_1941 = tpu.memref_squeeze %dma_wait3A_1940 : memref<1x128x128xf32, #tpu.memory_space<vmem>> -> memref<128x128xf32, #tpu.memory_space<vmem>>
    %dma_wait3A_1942 = arith.constant 3968 : i32
    %dma_wait3A_1943 = tpu.memref_slice %arg6[%dma_wait3A_1942] : memref<6400xi32, #tpu.memory_space<vmem>> -> memref<128xi32, #tpu.memory_space<vmem>>
    %dma_wait3A_1944 = arith.constant 0 : i32
    %dma_wait3A_1945 = arith.constant 0 : i32
    %dma_wait3A_1946 = tpu.memref_slice %arg4[%dma_wait3A_1944, %dma_wait3A_1945] : memref<100000x128xf32, #tpu.memory_space<hbm>> -> memref<100000x128xf32, #tpu.memory_space<hbm>>
    %dma_wait3A_1947 = tpu.memref_slice %arg9[%dma_wait3A_1937] : memref<3x!tpu.dma_semaphore, #tpu.memory_space<semaphore_mem>> -> memref<1x!tpu.dma_semaphore, #tpu.memory_space<semaphore_mem>>
    %dma_wait3A_1948 = tpu.memref_squeeze %dma_wait3A_1947 : memref<1x!tpu.dma_semaphore, #tpu.memory_space<semaphore_mem>> -> memref<!tpu.dma_semaphore, #tpu.memory_space<semaphore_mem>>
    tpu.wait_indirect_dma semaphore(%dma_wait3A_1948 : memref<!tpu.dma_semaphore, #tpu.memory_space<semaphore_mem>>) src(%dma_wait3A_1946 : memref<100000x128xf32, #tpu.memory_space<hbm>>) dst(%dma_wait3A_1941 : memref<128x128xf32, #tpu.memory_space<vmem>>)
    %add3A_1949 = arith.constant 3840 : i32
    %add3A_1950 = arith.addi %mul3A_2, %add3A_1949 : i32
    %dma_start3A_1951 = arith.constant 0 : i32
    %dma_start3A_1952 = arith.constant 0 : i32
    %dma_start3A_1953 = arith.constant 0 : i32
    %dma_start3A_1954 = arith.constant 0 : i32
    %dma_start3A_1955 = tpu.memref_slice %arg7[%dma_start3A_1951, %dma_start3A_1953, %dma_start3A_1954] : memref<3x256x128xf32, #tpu.memory_space<vmem>> -> memref<1x256x128xf32, #tpu.memory_space<vmem>>
    %dma_start3A_1956 = tpu.memref_squeeze %dma_start3A_1955 : memref<1x256x128xf32, #tpu.memory_space<vmem>> -> memref<256x128xf32, #tpu.memory_space<vmem>>
    %dma_start3A_1957 = arith.constant 0 : i32
    %dma_start3A_1958 = tpu.memref_slice %arg5[%add3A_1950, %dma_start3A_1957] : memref<204800x128xf32, #tpu.memory_space<hbm>> -> memref<256x128xf32, #tpu.memory_space<hbm>>
    %dma_start3A_1959 = tpu.memref_slice %arg10[%dma_start3A_1952] : memref<3x!tpu.dma_semaphore, #tpu.memory_space<semaphore_mem>> -> memref<1x!tpu.dma_semaphore, #tpu.memory_space<semaphore_mem>>
    %dma_start3A_1960 = tpu.memref_squeeze %dma_start3A_1959 : memref<1x!tpu.dma_semaphore, #tpu.memory_space<semaphore_mem>> -> memref<!tpu.dma_semaphore, #tpu.memory_space<semaphore_mem>>
    %dma_start3A_1961 = arith.constant 0 : i32
    %dma_start3A_1962 = tpu.memref_slice %arg5[%add3A_1950, %dma_start3A_1961] : memref<204800x128xf32, #tpu.memory_space<hbm>> -> memref<256x128xf32, #tpu.memory_space<hbm>>
    %dma_start3A_1963 = arith.constant 0 : i32
    %dma_start3A_1964 = arith.constant 0 : i32
    %dma_start3A_1965 = tpu.memref_slice %arg7[%dma_start3A_1951, %dma_start3A_1963, %dma_start3A_1964] : memref<3x256x128xf32, #tpu.memory_space<vmem>> -> memref<1x256x128xf32, #tpu.memory_space<vmem>>
    %dma_start3A_1966 = tpu.memref_squeeze %dma_start3A_1965 : memref<1x256x128xf32, #tpu.memory_space<vmem>> -> memref<256x128xf32, #tpu.memory_space<vmem>>
    tpu.enqueue_dma source(%dma_start3A_1966 : memref<256x128xf32, #tpu.memory_space<vmem>>) target(%dma_start3A_1962 : memref<256x128xf32, #tpu.memory_space<hbm>>) target_semaphore(%dma_start3A_1960 : memref<!tpu.dma_semaphore, #tpu.memory_space<semaphore_mem>>)
    %add3A_1967 = arith.constant 4096 : i32
    %add3A_1968 = arith.addi %mul3A_2, %add3A_1967 : i32
    %dma_wait3A_1969 = arith.constant 1 : i32
    %dma_wait3A_1970 = arith.constant 1 : i32
    %dma_wait3A_1971 = arith.constant 0 : i32
    %dma_wait3A_1972 = arith.constant 0 : i32
    %dma_wait3A_1973 = tpu.memref_slice %arg7[%dma_wait3A_1969, %dma_wait3A_1971, %dma_wait3A_1972] : memref<3x256x128xf32, #tpu.memory_space<vmem>> -> memref<1x256x128xf32, #tpu.memory_space<vmem>>
    %dma_wait3A_1974 = tpu.memref_squeeze %dma_wait3A_1973 : memref<1x256x128xf32, #tpu.memory_space<vmem>> -> memref<256x128xf32, #tpu.memory_space<vmem>>
    %dma_wait3A_1975 = arith.constant 0 : i32
    %dma_wait3A_1976 = tpu.memref_slice %arg2[%add3A_1968, %dma_wait3A_1975] : memref<204800x128xf32, #tpu.memory_space<hbm>> -> memref<256x128xf32, #tpu.memory_space<hbm>>
    %dma_wait3A_1977 = tpu.memref_slice %arg8[%dma_wait3A_1970] : memref<3x!tpu.dma_semaphore, #tpu.memory_space<semaphore_mem>> -> memref<1x!tpu.dma_semaphore, #tpu.memory_space<semaphore_mem>>
    %dma_wait3A_1978 = tpu.memref_squeeze %dma_wait3A_1977 : memref<1x!tpu.dma_semaphore, #tpu.memory_space<semaphore_mem>> -> memref<!tpu.dma_semaphore, #tpu.memory_space<semaphore_mem>>
    %dma_wait3A_1979 = arith.constant 0 : i32
    %dma_wait3A_1980 = arith.constant 0 : i32
    %dma_wait3A_1981 = tpu.memref_slice %arg7[%dma_wait3A_1969, %dma_wait3A_1979, %dma_wait3A_1980] : memref<3x256x128xf32, #tpu.memory_space<vmem>> -> memref<1x256x128xf32, #tpu.memory_space<vmem>>
    %dma_wait3A_1982 = tpu.memref_squeeze %dma_wait3A_1981 : memref<1x256x128xf32, #tpu.memory_space<vmem>> -> memref<256x128xf32, #tpu.memory_space<vmem>>
    %dma_wait3A_1983 = arith.constant 0 : i32
    %dma_wait3A_1984 = tpu.memref_slice %arg2[%add3A_1968, %dma_wait3A_1983] : memref<204800x128xf32, #tpu.memory_space<hbm>> -> memref<256x128xf32, #tpu.memory_space<hbm>>
    tpu.wait_dma2 semaphore(%dma_wait3A_1978 : memref<!tpu.dma_semaphore, #tpu.memory_space<semaphore_mem>>) src(%dma_wait3A_1984 : memref<256x128xf32, #tpu.memory_space<hbm>>) dst(%dma_wait3A_1982 : memref<256x128xf32, #tpu.memory_space<vmem>>)
    %dma_start3A_1985 = arith.constant 1 : i32
    %dma_start3A_1986 = arith.constant 1 : i32
    %dma_start3A_1987 = arith.constant 0 : i32
    %dma_start3A_1988 = arith.constant 0 : i32
    %dma_start3A_1989 = tpu.memref_slice %arg7[%dma_start3A_1985, %dma_start3A_1987, %dma_start3A_1988] : memref<3x256x128xf32, #tpu.memory_space<vmem>> -> memref<1x128x128xf32, #tpu.memory_space<vmem>>
    %dma_start3A_1990 = tpu.memref_squeeze %dma_start3A_1989 : memref<1x128x128xf32, #tpu.memory_space<vmem>> -> memref<128x128xf32, #tpu.memory_space<vmem>>
    %dma_start3A_1991 = arith.constant 4096 : i32
    %dma_start3A_1992 = tpu.memref_slice %arg6[%dma_start3A_1991] : memref<6400xi32, #tpu.memory_space<vmem>> -> memref<128xi32, #tpu.memory_space<vmem>>
    %dma_start3A_1993 = arith.constant 0 : i32
    %dma_start3A_1994 = arith.constant 0 : i32
    %dma_start3A_1995 = tpu.memref_slice %arg4[%dma_start3A_1993, %dma_start3A_1994] : memref<100000x128xf32, #tpu.memory_space<hbm>> -> memref<100000x128xf32, #tpu.memory_space<hbm>>
    %dma_start3A_1996 = tpu.memref_slice %arg9[%dma_start3A_1986] : memref<3x!tpu.dma_semaphore, #tpu.memory_space<semaphore_mem>> -> memref<1x!tpu.dma_semaphore, #tpu.memory_space<semaphore_mem>>
    %dma_start3A_1997 = tpu.memref_squeeze %dma_start3A_1996 : memref<1x!tpu.dma_semaphore, #tpu.memory_space<semaphore_mem>> -> memref<!tpu.dma_semaphore, #tpu.memory_space<semaphore_mem>>
    tpu.enqueue_indirect_dma source(%dma_start3A_1995 : memref<100000x128xf32, #tpu.memory_space<hbm>>) target(%dma_start3A_1990 : memref<128x128xf32, #tpu.memory_space<vmem>>) offsets(%dma_start3A_1992 : memref<128xi32, #tpu.memory_space<vmem>>) semaphore(%dma_start3A_1997 : memref<!tpu.dma_semaphore, #tpu.memory_space<semaphore_mem>>) {add = true}
    %dma_start3A_1998 = arith.constant 1 : i32
    %dma_start3A_1999 = arith.constant 1 : i32
    %dma_start3A_2000 = arith.constant 128 : i32
    %dma_start3A_2001 = arith.constant 0 : i32
    %dma_start3A_2002 = tpu.memref_slice %arg7[%dma_start3A_1998, %dma_start3A_2000, %dma_start3A_2001] : memref<3x256x128xf32, #tpu.memory_space<vmem>> -> memref<1x128x128xf32, #tpu.memory_space<vmem>>
    %dma_start3A_2003 = tpu.memref_squeeze %dma_start3A_2002 : memref<1x128x128xf32, #tpu.memory_space<vmem>> -> memref<128x128xf32, #tpu.memory_space<vmem>>
    %dma_start3A_2004 = arith.constant 4224 : i32
    %dma_start3A_2005 = tpu.memref_slice %arg6[%dma_start3A_2004] : memref<6400xi32, #tpu.memory_space<vmem>> -> memref<128xi32, #tpu.memory_space<vmem>>
    %dma_start3A_2006 = arith.constant 0 : i32
    %dma_start3A_2007 = arith.constant 0 : i32
    %dma_start3A_2008 = tpu.memref_slice %arg4[%dma_start3A_2006, %dma_start3A_2007] : memref<100000x128xf32, #tpu.memory_space<hbm>> -> memref<100000x128xf32, #tpu.memory_space<hbm>>
    %dma_start3A_2009 = tpu.memref_slice %arg9[%dma_start3A_1999] : memref<3x!tpu.dma_semaphore, #tpu.memory_space<semaphore_mem>> -> memref<1x!tpu.dma_semaphore, #tpu.memory_space<semaphore_mem>>
    %dma_start3A_2010 = tpu.memref_squeeze %dma_start3A_2009 : memref<1x!tpu.dma_semaphore, #tpu.memory_space<semaphore_mem>> -> memref<!tpu.dma_semaphore, #tpu.memory_space<semaphore_mem>>
    tpu.enqueue_indirect_dma source(%dma_start3A_2008 : memref<100000x128xf32, #tpu.memory_space<hbm>>) target(%dma_start3A_2003 : memref<128x128xf32, #tpu.memory_space<vmem>>) offsets(%dma_start3A_2005 : memref<128xi32, #tpu.memory_space<vmem>>) semaphore(%dma_start3A_2010 : memref<!tpu.dma_semaphore, #tpu.memory_space<semaphore_mem>>) {add = true}
    %add3A_2011 = arith.constant 3584 : i32
    %add3A_2012 = arith.addi %mul3A_2, %add3A_2011 : i32
    %dma_wait3A_2013 = arith.constant 2 : i32
    %dma_wait3A_2014 = arith.constant 2 : i32
    %dma_wait3A_2015 = arith.constant 0 : i32
    %dma_wait3A_2016 = arith.constant 0 : i32
    %dma_wait3A_2017 = tpu.memref_slice %arg7[%dma_wait3A_2013, %dma_wait3A_2015, %dma_wait3A_2016] : memref<3x256x128xf32, #tpu.memory_space<vmem>> -> memref<1x256x128xf32, #tpu.memory_space<vmem>>
    %dma_wait3A_2018 = tpu.memref_squeeze %dma_wait3A_2017 : memref<1x256x128xf32, #tpu.memory_space<vmem>> -> memref<256x128xf32, #tpu.memory_space<vmem>>
    %dma_wait3A_2019 = arith.constant 0 : i32
    %dma_wait3A_2020 = tpu.memref_slice %arg5[%add3A_2012, %dma_wait3A_2019] : memref<204800x128xf32, #tpu.memory_space<hbm>> -> memref<256x128xf32, #tpu.memory_space<hbm>>
    %dma_wait3A_2021 = tpu.memref_slice %arg10[%dma_wait3A_2014] : memref<3x!tpu.dma_semaphore, #tpu.memory_space<semaphore_mem>> -> memref<1x!tpu.dma_semaphore, #tpu.memory_space<semaphore_mem>>
    %dma_wait3A_2022 = tpu.memref_squeeze %dma_wait3A_2021 : memref<1x!tpu.dma_semaphore, #tpu.memory_space<semaphore_mem>> -> memref<!tpu.dma_semaphore, #tpu.memory_space<semaphore_mem>>
    %dma_wait3A_2023 = arith.constant 0 : i32
    %dma_wait3A_2024 = tpu.memref_slice %arg5[%add3A_2012, %dma_wait3A_2023] : memref<204800x128xf32, #tpu.memory_space<hbm>> -> memref<256x128xf32, #tpu.memory_space<hbm>>
    %dma_wait3A_2025 = arith.constant 0 : i32
    %dma_wait3A_2026 = arith.constant 0 : i32
    %dma_wait3A_2027 = tpu.memref_slice %arg7[%dma_wait3A_2013, %dma_wait3A_2025, %dma_wait3A_2026] : memref<3x256x128xf32, #tpu.memory_space<vmem>> -> memref<1x256x128xf32, #tpu.memory_space<vmem>>
    %dma_wait3A_2028 = tpu.memref_squeeze %dma_wait3A_2027 : memref<1x256x128xf32, #tpu.memory_space<vmem>> -> memref<256x128xf32, #tpu.memory_space<vmem>>
    tpu.wait_dma2 semaphore(%dma_wait3A_2022 : memref<!tpu.dma_semaphore, #tpu.memory_space<semaphore_mem>>) src(%dma_wait3A_2028 : memref<256x128xf32, #tpu.memory_space<vmem>>) dst(%dma_wait3A_2024 : memref<256x128xf32, #tpu.memory_space<hbm>>)
    %add3A_2029 = arith.constant 4352 : i32
    %add3A_2030 = arith.addi %mul3A_2, %add3A_2029 : i32
    %dma_start3A_2031 = arith.constant 2 : i32
    %dma_start3A_2032 = arith.constant 2 : i32
    %dma_start3A_2033 = arith.constant 0 : i32
    %dma_start3A_2034 = arith.constant 0 : i32
    %dma_start3A_2035 = tpu.memref_slice %arg7[%dma_start3A_2031, %dma_start3A_2033, %dma_start3A_2034] : memref<3x256x128xf32, #tpu.memory_space<vmem>> -> memref<1x256x128xf32, #tpu.memory_space<vmem>>
    %dma_start3A_2036 = tpu.memref_squeeze %dma_start3A_2035 : memref<1x256x128xf32, #tpu.memory_space<vmem>> -> memref<256x128xf32, #tpu.memory_space<vmem>>
    %dma_start3A_2037 = arith.constant 0 : i32
    %dma_start3A_2038 = tpu.memref_slice %arg2[%add3A_2030, %dma_start3A_2037] : memref<204800x128xf32, #tpu.memory_space<hbm>> -> memref<256x128xf32, #tpu.memory_space<hbm>>
    %dma_start3A_2039 = tpu.memref_slice %arg8[%dma_start3A_2032] : memref<3x!tpu.dma_semaphore, #tpu.memory_space<semaphore_mem>> -> memref<1x!tpu.dma_semaphore, #tpu.memory_space<semaphore_mem>>
    %dma_start3A_2040 = tpu.memref_squeeze %dma_start3A_2039 : memref<1x!tpu.dma_semaphore, #tpu.memory_space<semaphore_mem>> -> memref<!tpu.dma_semaphore, #tpu.memory_space<semaphore_mem>>
    %dma_start3A_2041 = arith.constant 0 : i32
    %dma_start3A_2042 = arith.constant 0 : i32
    %dma_start3A_2043 = tpu.memref_slice %arg7[%dma_start3A_2031, %dma_start3A_2041, %dma_start3A_2042] : memref<3x256x128xf32, #tpu.memory_space<vmem>> -> memref<1x256x128xf32, #tpu.memory_space<vmem>>
    %dma_start3A_2044 = tpu.memref_squeeze %dma_start3A_2043 : memref<1x256x128xf32, #tpu.memory_space<vmem>> -> memref<256x128xf32, #tpu.memory_space<vmem>>
    %dma_start3A_2045 = arith.constant 0 : i32
    %dma_start3A_2046 = tpu.memref_slice %arg2[%add3A_2030, %dma_start3A_2045] : memref<204800x128xf32, #tpu.memory_space<hbm>> -> memref<256x128xf32, #tpu.memory_space<hbm>>
    tpu.enqueue_dma source(%dma_start3A_2046 : memref<256x128xf32, #tpu.memory_space<hbm>>) target(%dma_start3A_2044 : memref<256x128xf32, #tpu.memory_space<vmem>>) target_semaphore(%dma_start3A_2040 : memref<!tpu.dma_semaphore, #tpu.memory_space<semaphore_mem>>)
    %dma_wait3A_2047 = arith.constant 1 : i32
    %dma_wait3A_2048 = arith.constant 1 : i32
    %dma_wait3A_2049 = arith.constant 0 : i32
    %dma_wait3A_2050 = arith.constant 0 : i32
    %dma_wait3A_2051 = tpu.memref_slice %arg7[%dma_wait3A_2047, %dma_wait3A_2049, %dma_wait3A_2050] : memref<3x256x128xf32, #tpu.memory_space<vmem>> -> memref<1x128x128xf32, #tpu.memory_space<vmem>>
    %dma_wait3A_2052 = tpu.memref_squeeze %dma_wait3A_2051 : memref<1x128x128xf32, #tpu.memory_space<vmem>> -> memref<128x128xf32, #tpu.memory_space<vmem>>
    %dma_wait3A_2053 = arith.constant 4096 : i32
    %dma_wait3A_2054 = tpu.memref_slice %arg6[%dma_wait3A_2053] : memref<6400xi32, #tpu.memory_space<vmem>> -> memref<128xi32, #tpu.memory_space<vmem>>
    %dma_wait3A_2055 = arith.constant 0 : i32
    %dma_wait3A_2056 = arith.constant 0 : i32
    %dma_wait3A_2057 = tpu.memref_slice %arg4[%dma_wait3A_2055, %dma_wait3A_2056] : memref<100000x128xf32, #tpu.memory_space<hbm>> -> memref<100000x128xf32, #tpu.memory_space<hbm>>
    %dma_wait3A_2058 = tpu.memref_slice %arg9[%dma_wait3A_2048] : memref<3x!tpu.dma_semaphore, #tpu.memory_space<semaphore_mem>> -> memref<1x!tpu.dma_semaphore, #tpu.memory_space<semaphore_mem>>
    %dma_wait3A_2059 = tpu.memref_squeeze %dma_wait3A_2058 : memref<1x!tpu.dma_semaphore, #tpu.memory_space<semaphore_mem>> -> memref<!tpu.dma_semaphore, #tpu.memory_space<semaphore_mem>>
    tpu.wait_indirect_dma semaphore(%dma_wait3A_2059 : memref<!tpu.dma_semaphore, #tpu.memory_space<semaphore_mem>>) src(%dma_wait3A_2057 : memref<100000x128xf32, #tpu.memory_space<hbm>>) dst(%dma_wait3A_2052 : memref<128x128xf32, #tpu.memory_space<vmem>>)
    %dma_wait3A_2060 = arith.constant 1 : i32
    %dma_wait3A_2061 = arith.constant 1 : i32
    %dma_wait3A_2062 = arith.constant 128 : i32
    %dma_wait3A_2063 = arith.constant 0 : i32
    %dma_wait3A_2064 = tpu.memref_slice %arg7[%dma_wait3A_2060, %dma_wait3A_2062, %dma_wait3A_2063] : memref<3x256x128xf32, #tpu.memory_space<vmem>> -> memref<1x128x128xf32, #tpu.memory_space<vmem>>
    %dma_wait3A_2065 = tpu.memref_squeeze %dma_wait3A_2064 : memref<1x128x128xf32, #tpu.memory_space<vmem>> -> memref<128x128xf32, #tpu.memory_space<vmem>>
    %dma_wait3A_2066 = arith.constant 4224 : i32
    %dma_wait3A_2067 = tpu.memref_slice %arg6[%dma_wait3A_2066] : memref<6400xi32, #tpu.memory_space<vmem>> -> memref<128xi32, #tpu.memory_space<vmem>>
    %dma_wait3A_2068 = arith.constant 0 : i32
    %dma_wait3A_2069 = arith.constant 0 : i32
    %dma_wait3A_2070 = tpu.memref_slice %arg4[%dma_wait3A_2068, %dma_wait3A_2069] : memref<100000x128xf32, #tpu.memory_space<hbm>> -> memref<100000x128xf32, #tpu.memory_space<hbm>>
    %dma_wait3A_2071 = tpu.memref_slice %arg9[%dma_wait3A_2061] : memref<3x!tpu.dma_semaphore, #tpu.memory_space<semaphore_mem>> -> memref<1x!tpu.dma_semaphore, #tpu.memory_space<semaphore_mem>>
    %dma_wait3A_2072 = tpu.memref_squeeze %dma_wait3A_2071 : memref<1x!tpu.dma_semaphore, #tpu.memory_space<semaphore_mem>> -> memref<!tpu.dma_semaphore, #tpu.memory_space<semaphore_mem>>
    tpu.wait_indirect_dma semaphore(%dma_wait3A_2072 : memref<!tpu.dma_semaphore, #tpu.memory_space<semaphore_mem>>) src(%dma_wait3A_2070 : memref<100000x128xf32, #tpu.memory_space<hbm>>) dst(%dma_wait3A_2065 : memref<128x128xf32, #tpu.memory_space<vmem>>)
    %add3A_2073 = arith.constant 4096 : i32
    %add3A_2074 = arith.addi %mul3A_2, %add3A_2073 : i32
    %dma_start3A_2075 = arith.constant 1 : i32
    %dma_start3A_2076 = arith.constant 1 : i32
    %dma_start3A_2077 = arith.constant 0 : i32
    %dma_start3A_2078 = arith.constant 0 : i32
    %dma_start3A_2079 = tpu.memref_slice %arg7[%dma_start3A_2075, %dma_start3A_2077, %dma_start3A_2078] : memref<3x256x128xf32, #tpu.memory_space<vmem>> -> memref<1x256x128xf32, #tpu.memory_space<vmem>>
    %dma_start3A_2080 = tpu.memref_squeeze %dma_start3A_2079 : memref<1x256x128xf32, #tpu.memory_space<vmem>> -> memref<256x128xf32, #tpu.memory_space<vmem>>
    %dma_start3A_2081 = arith.constant 0 : i32
    %dma_start3A_2082 = tpu.memref_slice %arg5[%add3A_2074, %dma_start3A_2081] : memref<204800x128xf32, #tpu.memory_space<hbm>> -> memref<256x128xf32, #tpu.memory_space<hbm>>
    %dma_start3A_2083 = tpu.memref_slice %arg10[%dma_start3A_2076] : memref<3x!tpu.dma_semaphore, #tpu.memory_space<semaphore_mem>> -> memref<1x!tpu.dma_semaphore, #tpu.memory_space<semaphore_mem>>
    %dma_start3A_2084 = tpu.memref_squeeze %dma_start3A_2083 : memref<1x!tpu.dma_semaphore, #tpu.memory_space<semaphore_mem>> -> memref<!tpu.dma_semaphore, #tpu.memory_space<semaphore_mem>>
    %dma_start3A_2085 = arith.constant 0 : i32
    %dma_start3A_2086 = tpu.memref_slice %arg5[%add3A_2074, %dma_start3A_2085] : memref<204800x128xf32, #tpu.memory_space<hbm>> -> memref<256x128xf32, #tpu.memory_space<hbm>>
    %dma_start3A_2087 = arith.constant 0 : i32
    %dma_start3A_2088 = arith.constant 0 : i32
    %dma_start3A_2089 = tpu.memref_slice %arg7[%dma_start3A_2075, %dma_start3A_2087, %dma_start3A_2088] : memref<3x256x128xf32, #tpu.memory_space<vmem>> -> memref<1x256x128xf32, #tpu.memory_space<vmem>>
    %dma_start3A_2090 = tpu.memref_squeeze %dma_start3A_2089 : memref<1x256x128xf32, #tpu.memory_space<vmem>> -> memref<256x128xf32, #tpu.memory_space<vmem>>
    tpu.enqueue_dma source(%dma_start3A_2090 : memref<256x128xf32, #tpu.memory_space<vmem>>) target(%dma_start3A_2086 : memref<256x128xf32, #tpu.memory_space<hbm>>) target_semaphore(%dma_start3A_2084 : memref<!tpu.dma_semaphore, #tpu.memory_space<semaphore_mem>>)
    %add3A_2091 = arith.constant 4352 : i32
    %add3A_2092 = arith.addi %mul3A_2, %add3A_2091 : i32
    %dma_wait3A_2093 = arith.constant 2 : i32
    %dma_wait3A_2094 = arith.constant 2 : i32
    %dma_wait3A_2095 = arith.constant 0 : i32
    %dma_wait3A_2096 = arith.constant 0 : i32
    %dma_wait3A_2097 = tpu.memref_slice %arg7[%dma_wait3A_2093, %dma_wait3A_2095, %dma_wait3A_2096] : memref<3x256x128xf32, #tpu.memory_space<vmem>> -> memref<1x256x128xf32, #tpu.memory_space<vmem>>
    %dma_wait3A_2098 = tpu.memref_squeeze %dma_wait3A_2097 : memref<1x256x128xf32, #tpu.memory_space<vmem>> -> memref<256x128xf32, #tpu.memory_space<vmem>>
    %dma_wait3A_2099 = arith.constant 0 : i32
    %dma_wait3A_2100 = tpu.memref_slice %arg2[%add3A_2092, %dma_wait3A_2099] : memref<204800x128xf32, #tpu.memory_space<hbm>> -> memref<256x128xf32, #tpu.memory_space<hbm>>
    %dma_wait3A_2101 = tpu.memref_slice %arg8[%dma_wait3A_2094] : memref<3x!tpu.dma_semaphore, #tpu.memory_space<semaphore_mem>> -> memref<1x!tpu.dma_semaphore, #tpu.memory_space<semaphore_mem>>
    %dma_wait3A_2102 = tpu.memref_squeeze %dma_wait3A_2101 : memref<1x!tpu.dma_semaphore, #tpu.memory_space<semaphore_mem>> -> memref<!tpu.dma_semaphore, #tpu.memory_space<semaphore_mem>>
    %dma_wait3A_2103 = arith.constant 0 : i32
    %dma_wait3A_2104 = arith.constant 0 : i32
    %dma_wait3A_2105 = tpu.memref_slice %arg7[%dma_wait3A_2093, %dma_wait3A_2103, %dma_wait3A_2104] : memref<3x256x128xf32, #tpu.memory_space<vmem>> -> memref<1x256x128xf32, #tpu.memory_space<vmem>>
    %dma_wait3A_2106 = tpu.memref_squeeze %dma_wait3A_2105 : memref<1x256x128xf32, #tpu.memory_space<vmem>> -> memref<256x128xf32, #tpu.memory_space<vmem>>
    %dma_wait3A_2107 = arith.constant 0 : i32
    %dma_wait3A_2108 = tpu.memref_slice %arg2[%add3A_2092, %dma_wait3A_2107] : memref<204800x128xf32, #tpu.memory_space<hbm>> -> memref<256x128xf32, #tpu.memory_space<hbm>>
    tpu.wait_dma2 semaphore(%dma_wait3A_2102 : memref<!tpu.dma_semaphore, #tpu.memory_space<semaphore_mem>>) src(%dma_wait3A_2108 : memref<256x128xf32, #tpu.memory_space<hbm>>) dst(%dma_wait3A_2106 : memref<256x128xf32, #tpu.memory_space<vmem>>)
    %dma_start3A_2109 = arith.constant 2 : i32
    %dma_start3A_2110 = arith.constant 2 : i32
    %dma_start3A_2111 = arith.constant 0 : i32
    %dma_start3A_2112 = arith.constant 0 : i32
    %dma_start3A_2113 = tpu.memref_slice %arg7[%dma_start3A_2109, %dma_start3A_2111, %dma_start3A_2112] : memref<3x256x128xf32, #tpu.memory_space<vmem>> -> memref<1x128x128xf32, #tpu.memory_space<vmem>>
    %dma_start3A_2114 = tpu.memref_squeeze %dma_start3A_2113 : memref<1x128x128xf32, #tpu.memory_space<vmem>> -> memref<128x128xf32, #tpu.memory_space<vmem>>
    %dma_start3A_2115 = arith.constant 4352 : i32
    %dma_start3A_2116 = tpu.memref_slice %arg6[%dma_start3A_2115] : memref<6400xi32, #tpu.memory_space<vmem>> -> memref<128xi32, #tpu.memory_space<vmem>>
    %dma_start3A_2117 = arith.constant 0 : i32
    %dma_start3A_2118 = arith.constant 0 : i32
    %dma_start3A_2119 = tpu.memref_slice %arg4[%dma_start3A_2117, %dma_start3A_2118] : memref<100000x128xf32, #tpu.memory_space<hbm>> -> memref<100000x128xf32, #tpu.memory_space<hbm>>
    %dma_start3A_2120 = tpu.memref_slice %arg9[%dma_start3A_2110] : memref<3x!tpu.dma_semaphore, #tpu.memory_space<semaphore_mem>> -> memref<1x!tpu.dma_semaphore, #tpu.memory_space<semaphore_mem>>
    %dma_start3A_2121 = tpu.memref_squeeze %dma_start3A_2120 : memref<1x!tpu.dma_semaphore, #tpu.memory_space<semaphore_mem>> -> memref<!tpu.dma_semaphore, #tpu.memory_space<semaphore_mem>>
    tpu.enqueue_indirect_dma source(%dma_start3A_2119 : memref<100000x128xf32, #tpu.memory_space<hbm>>) target(%dma_start3A_2114 : memref<128x128xf32, #tpu.memory_space<vmem>>) offsets(%dma_start3A_2116 : memref<128xi32, #tpu.memory_space<vmem>>) semaphore(%dma_start3A_2121 : memref<!tpu.dma_semaphore, #tpu.memory_space<semaphore_mem>>) {add = true}
    %dma_start3A_2122 = arith.constant 2 : i32
    %dma_start3A_2123 = arith.constant 2 : i32
    %dma_start3A_2124 = arith.constant 128 : i32
    %dma_start3A_2125 = arith.constant 0 : i32
    %dma_start3A_2126 = tpu.memref_slice %arg7[%dma_start3A_2122, %dma_start3A_2124, %dma_start3A_2125] : memref<3x256x128xf32, #tpu.memory_space<vmem>> -> memref<1x128x128xf32, #tpu.memory_space<vmem>>
    %dma_start3A_2127 = tpu.memref_squeeze %dma_start3A_2126 : memref<1x128x128xf32, #tpu.memory_space<vmem>> -> memref<128x128xf32, #tpu.memory_space<vmem>>
    %dma_start3A_2128 = arith.constant 4480 : i32
    %dma_start3A_2129 = tpu.memref_slice %arg6[%dma_start3A_2128] : memref<6400xi32, #tpu.memory_space<vmem>> -> memref<128xi32, #tpu.memory_space<vmem>>
    %dma_start3A_2130 = arith.constant 0 : i32
    %dma_start3A_2131 = arith.constant 0 : i32
    %dma_start3A_2132 = tpu.memref_slice %arg4[%dma_start3A_2130, %dma_start3A_2131] : memref<100000x128xf32, #tpu.memory_space<hbm>> -> memref<100000x128xf32, #tpu.memory_space<hbm>>
    %dma_start3A_2133 = tpu.memref_slice %arg9[%dma_start3A_2123] : memref<3x!tpu.dma_semaphore, #tpu.memory_space<semaphore_mem>> -> memref<1x!tpu.dma_semaphore, #tpu.memory_space<semaphore_mem>>
    %dma_start3A_2134 = tpu.memref_squeeze %dma_start3A_2133 : memref<1x!tpu.dma_semaphore, #tpu.memory_space<semaphore_mem>> -> memref<!tpu.dma_semaphore, #tpu.memory_space<semaphore_mem>>
    tpu.enqueue_indirect_dma source(%dma_start3A_2132 : memref<100000x128xf32, #tpu.memory_space<hbm>>) target(%dma_start3A_2127 : memref<128x128xf32, #tpu.memory_space<vmem>>) offsets(%dma_start3A_2129 : memref<128xi32, #tpu.memory_space<vmem>>) semaphore(%dma_start3A_2134 : memref<!tpu.dma_semaphore, #tpu.memory_space<semaphore_mem>>) {add = true}
    %add3A_2135 = arith.constant 3840 : i32
    %add3A_2136 = arith.addi %mul3A_2, %add3A_2135 : i32
    %dma_wait3A_2137 = arith.constant 0 : i32
    %dma_wait3A_2138 = arith.constant 0 : i32
    %dma_wait3A_2139 = arith.constant 0 : i32
    %dma_wait3A_2140 = arith.constant 0 : i32
    %dma_wait3A_2141 = tpu.memref_slice %arg7[%dma_wait3A_2137, %dma_wait3A_2139, %dma_wait3A_2140] : memref<3x256x128xf32, #tpu.memory_space<vmem>> -> memref<1x256x128xf32, #tpu.memory_space<vmem>>
    %dma_wait3A_2142 = tpu.memref_squeeze %dma_wait3A_2141 : memref<1x256x128xf32, #tpu.memory_space<vmem>> -> memref<256x128xf32, #tpu.memory_space<vmem>>
    %dma_wait3A_2143 = arith.constant 0 : i32
    %dma_wait3A_2144 = tpu.memref_slice %arg5[%add3A_2136, %dma_wait3A_2143] : memref<204800x128xf32, #tpu.memory_space<hbm>> -> memref<256x128xf32, #tpu.memory_space<hbm>>
    %dma_wait3A_2145 = tpu.memref_slice %arg10[%dma_wait3A_2138] : memref<3x!tpu.dma_semaphore, #tpu.memory_space<semaphore_mem>> -> memref<1x!tpu.dma_semaphore, #tpu.memory_space<semaphore_mem>>
    %dma_wait3A_2146 = tpu.memref_squeeze %dma_wait3A_2145 : memref<1x!tpu.dma_semaphore, #tpu.memory_space<semaphore_mem>> -> memref<!tpu.dma_semaphore, #tpu.memory_space<semaphore_mem>>
    %dma_wait3A_2147 = arith.constant 0 : i32
    %dma_wait3A_2148 = tpu.memref_slice %arg5[%add3A_2136, %dma_wait3A_2147] : memref<204800x128xf32, #tpu.memory_space<hbm>> -> memref<256x128xf32, #tpu.memory_space<hbm>>
    %dma_wait3A_2149 = arith.constant 0 : i32
    %dma_wait3A_2150 = arith.constant 0 : i32
    %dma_wait3A_2151 = tpu.memref_slice %arg7[%dma_wait3A_2137, %dma_wait3A_2149, %dma_wait3A_2150] : memref<3x256x128xf32, #tpu.memory_space<vmem>> -> memref<1x256x128xf32, #tpu.memory_space<vmem>>
    %dma_wait3A_2152 = tpu.memref_squeeze %dma_wait3A_2151 : memref<1x256x128xf32, #tpu.memory_space<vmem>> -> memref<256x128xf32, #tpu.memory_space<vmem>>
    tpu.wait_dma2 semaphore(%dma_wait3A_2146 : memref<!tpu.dma_semaphore, #tpu.memory_space<semaphore_mem>>) src(%dma_wait3A_2152 : memref<256x128xf32, #tpu.memory_space<vmem>>) dst(%dma_wait3A_2148 : memref<256x128xf32, #tpu.memory_space<hbm>>)
    %add3A_2153 = arith.constant 4608 : i32
    %add3A_2154 = arith.addi %mul3A_2, %add3A_2153 : i32
    %dma_start3A_2155 = arith.constant 0 : i32
    %dma_start3A_2156 = arith.constant 0 : i32
    %dma_start3A_2157 = arith.constant 0 : i32
    %dma_start3A_2158 = arith.constant 0 : i32
    %dma_start3A_2159 = tpu.memref_slice %arg7[%dma_start3A_2155, %dma_start3A_2157, %dma_start3A_2158] : memref<3x256x128xf32, #tpu.memory_space<vmem>> -> memref<1x256x128xf32, #tpu.memory_space<vmem>>
    %dma_start3A_2160 = tpu.memref_squeeze %dma_start3A_2159 : memref<1x256x128xf32, #tpu.memory_space<vmem>> -> memref<256x128xf32, #tpu.memory_space<vmem>>
    %dma_start3A_2161 = arith.constant 0 : i32
    %dma_start3A_2162 = tpu.memref_slice %arg2[%add3A_2154, %dma_start3A_2161] : memref<204800x128xf32, #tpu.memory_space<hbm>> -> memref<256x128xf32, #tpu.memory_space<hbm>>
    %dma_start3A_2163 = tpu.memref_slice %arg8[%dma_start3A_2156] : memref<3x!tpu.dma_semaphore, #tpu.memory_space<semaphore_mem>> -> memref<1x!tpu.dma_semaphore, #tpu.memory_space<semaphore_mem>>
    %dma_start3A_2164 = tpu.memref_squeeze %dma_start3A_2163 : memref<1x!tpu.dma_semaphore, #tpu.memory_space<semaphore_mem>> -> memref<!tpu.dma_semaphore, #tpu.memory_space<semaphore_mem>>
    %dma_start3A_2165 = arith.constant 0 : i32
    %dma_start3A_2166 = arith.constant 0 : i32
    %dma_start3A_2167 = tpu.memref_slice %arg7[%dma_start3A_2155, %dma_start3A_2165, %dma_start3A_2166] : memref<3x256x128xf32, #tpu.memory_space<vmem>> -> memref<1x256x128xf32, #tpu.memory_space<vmem>>
    %dma_start3A_2168 = tpu.memref_squeeze %dma_start3A_2167 : memref<1x256x128xf32, #tpu.memory_space<vmem>> -> memref<256x128xf32, #tpu.memory_space<vmem>>
    %dma_start3A_2169 = arith.constant 0 : i32
    %dma_start3A_2170 = tpu.memref_slice %arg2[%add3A_2154, %dma_start3A_2169] : memref<204800x128xf32, #tpu.memory_space<hbm>> -> memref<256x128xf32, #tpu.memory_space<hbm>>
    tpu.enqueue_dma source(%dma_start3A_2170 : memref<256x128xf32, #tpu.memory_space<hbm>>) target(%dma_start3A_2168 : memref<256x128xf32, #tpu.memory_space<vmem>>) target_semaphore(%dma_start3A_2164 : memref<!tpu.dma_semaphore, #tpu.memory_space<semaphore_mem>>)
    %dma_wait3A_2171 = arith.constant 2 : i32
    %dma_wait3A_2172 = arith.constant 2 : i32
    %dma_wait3A_2173 = arith.constant 0 : i32
    %dma_wait3A_2174 = arith.constant 0 : i32
    %dma_wait3A_2175 = tpu.memref_slice %arg7[%dma_wait3A_2171, %dma_wait3A_2173, %dma_wait3A_2174] : memref<3x256x128xf32, #tpu.memory_space<vmem>> -> memref<1x128x128xf32, #tpu.memory_space<vmem>>
    %dma_wait3A_2176 = tpu.memref_squeeze %dma_wait3A_2175 : memref<1x128x128xf32, #tpu.memory_space<vmem>> -> memref<128x128xf32, #tpu.memory_space<vmem>>
    %dma_wait3A_2177 = arith.constant 4352 : i32
    %dma_wait3A_2178 = tpu.memref_slice %arg6[%dma_wait3A_2177] : memref<6400xi32, #tpu.memory_space<vmem>> -> memref<128xi32, #tpu.memory_space<vmem>>
    %dma_wait3A_2179 = arith.constant 0 : i32
    %dma_wait3A_2180 = arith.constant 0 : i32
    %dma_wait3A_2181 = tpu.memref_slice %arg4[%dma_wait3A_2179, %dma_wait3A_2180] : memref<100000x128xf32, #tpu.memory_space<hbm>> -> memref<100000x128xf32, #tpu.memory_space<hbm>>
    %dma_wait3A_2182 = tpu.memref_slice %arg9[%dma_wait3A_2172] : memref<3x!tpu.dma_semaphore, #tpu.memory_space<semaphore_mem>> -> memref<1x!tpu.dma_semaphore, #tpu.memory_space<semaphore_mem>>
    %dma_wait3A_2183 = tpu.memref_squeeze %dma_wait3A_2182 : memref<1x!tpu.dma_semaphore, #tpu.memory_space<semaphore_mem>> -> memref<!tpu.dma_semaphore, #tpu.memory_space<semaphore_mem>>
    tpu.wait_indirect_dma semaphore(%dma_wait3A_2183 : memref<!tpu.dma_semaphore, #tpu.memory_space<semaphore_mem>>) src(%dma_wait3A_2181 : memref<100000x128xf32, #tpu.memory_space<hbm>>) dst(%dma_wait3A_2176 : memref<128x128xf32, #tpu.memory_space<vmem>>)
    %dma_wait3A_2184 = arith.constant 2 : i32
    %dma_wait3A_2185 = arith.constant 2 : i32
    %dma_wait3A_2186 = arith.constant 128 : i32
    %dma_wait3A_2187 = arith.constant 0 : i32
    %dma_wait3A_2188 = tpu.memref_slice %arg7[%dma_wait3A_2184, %dma_wait3A_2186, %dma_wait3A_2187] : memref<3x256x128xf32, #tpu.memory_space<vmem>> -> memref<1x128x128xf32, #tpu.memory_space<vmem>>
    %dma_wait3A_2189 = tpu.memref_squeeze %dma_wait3A_2188 : memref<1x128x128xf32, #tpu.memory_space<vmem>> -> memref<128x128xf32, #tpu.memory_space<vmem>>
    %dma_wait3A_2190 = arith.constant 4480 : i32
    %dma_wait3A_2191 = tpu.memref_slice %arg6[%dma_wait3A_2190] : memref<6400xi32, #tpu.memory_space<vmem>> -> memref<128xi32, #tpu.memory_space<vmem>>
    %dma_wait3A_2192 = arith.constant 0 : i32
    %dma_wait3A_2193 = arith.constant 0 : i32
    %dma_wait3A_2194 = tpu.memref_slice %arg4[%dma_wait3A_2192, %dma_wait3A_2193] : memref<100000x128xf32, #tpu.memory_space<hbm>> -> memref<100000x128xf32, #tpu.memory_space<hbm>>
    %dma_wait3A_2195 = tpu.memref_slice %arg9[%dma_wait3A_2185] : memref<3x!tpu.dma_semaphore, #tpu.memory_space<semaphore_mem>> -> memref<1x!tpu.dma_semaphore, #tpu.memory_space<semaphore_mem>>
    %dma_wait3A_2196 = tpu.memref_squeeze %dma_wait3A_2195 : memref<1x!tpu.dma_semaphore, #tpu.memory_space<semaphore_mem>> -> memref<!tpu.dma_semaphore, #tpu.memory_space<semaphore_mem>>
    tpu.wait_indirect_dma semaphore(%dma_wait3A_2196 : memref<!tpu.dma_semaphore, #tpu.memory_space<semaphore_mem>>) src(%dma_wait3A_2194 : memref<100000x128xf32, #tpu.memory_space<hbm>>) dst(%dma_wait3A_2189 : memref<128x128xf32, #tpu.memory_space<vmem>>)
    %add3A_2197 = arith.constant 4352 : i32
    %add3A_2198 = arith.addi %mul3A_2, %add3A_2197 : i32
    %dma_start3A_2199 = arith.constant 2 : i32
    %dma_start3A_2200 = arith.constant 2 : i32
    %dma_start3A_2201 = arith.constant 0 : i32
    %dma_start3A_2202 = arith.constant 0 : i32
    %dma_start3A_2203 = tpu.memref_slice %arg7[%dma_start3A_2199, %dma_start3A_2201, %dma_start3A_2202] : memref<3x256x128xf32, #tpu.memory_space<vmem>> -> memref<1x256x128xf32, #tpu.memory_space<vmem>>
    %dma_start3A_2204 = tpu.memref_squeeze %dma_start3A_2203 : memref<1x256x128xf32, #tpu.memory_space<vmem>> -> memref<256x128xf32, #tpu.memory_space<vmem>>
    %dma_start3A_2205 = arith.constant 0 : i32
    %dma_start3A_2206 = tpu.memref_slice %arg5[%add3A_2198, %dma_start3A_2205] : memref<204800x128xf32, #tpu.memory_space<hbm>> -> memref<256x128xf32, #tpu.memory_space<hbm>>
    %dma_start3A_2207 = tpu.memref_slice %arg10[%dma_start3A_2200] : memref<3x!tpu.dma_semaphore, #tpu.memory_space<semaphore_mem>> -> memref<1x!tpu.dma_semaphore, #tpu.memory_space<semaphore_mem>>
    %dma_start3A_2208 = tpu.memref_squeeze %dma_start3A_2207 : memref<1x!tpu.dma_semaphore, #tpu.memory_space<semaphore_mem>> -> memref<!tpu.dma_semaphore, #tpu.memory_space<semaphore_mem>>
    %dma_start3A_2209 = arith.constant 0 : i32
    %dma_start3A_2210 = tpu.memref_slice %arg5[%add3A_2198, %dma_start3A_2209] : memref<204800x128xf32, #tpu.memory_space<hbm>> -> memref<256x128xf32, #tpu.memory_space<hbm>>
    %dma_start3A_2211 = arith.constant 0 : i32
    %dma_start3A_2212 = arith.constant 0 : i32
    %dma_start3A_2213 = tpu.memref_slice %arg7[%dma_start3A_2199, %dma_start3A_2211, %dma_start3A_2212] : memref<3x256x128xf32, #tpu.memory_space<vmem>> -> memref<1x256x128xf32, #tpu.memory_space<vmem>>
    %dma_start3A_2214 = tpu.memref_squeeze %dma_start3A_2213 : memref<1x256x128xf32, #tpu.memory_space<vmem>> -> memref<256x128xf32, #tpu.memory_space<vmem>>
    tpu.enqueue_dma source(%dma_start3A_2214 : memref<256x128xf32, #tpu.memory_space<vmem>>) target(%dma_start3A_2210 : memref<256x128xf32, #tpu.memory_space<hbm>>) target_semaphore(%dma_start3A_2208 : memref<!tpu.dma_semaphore, #tpu.memory_space<semaphore_mem>>)
    %add3A_2215 = arith.constant 4608 : i32
    %add3A_2216 = arith.addi %mul3A_2, %add3A_2215 : i32
    %dma_wait3A_2217 = arith.constant 0 : i32
    %dma_wait3A_2218 = arith.constant 0 : i32
    %dma_wait3A_2219 = arith.constant 0 : i32
    %dma_wait3A_2220 = arith.constant 0 : i32
    %dma_wait3A_2221 = tpu.memref_slice %arg7[%dma_wait3A_2217, %dma_wait3A_2219, %dma_wait3A_2220] : memref<3x256x128xf32, #tpu.memory_space<vmem>> -> memref<1x256x128xf32, #tpu.memory_space<vmem>>
    %dma_wait3A_2222 = tpu.memref_squeeze %dma_wait3A_2221 : memref<1x256x128xf32, #tpu.memory_space<vmem>> -> memref<256x128xf32, #tpu.memory_space<vmem>>
    %dma_wait3A_2223 = arith.constant 0 : i32
    %dma_wait3A_2224 = tpu.memref_slice %arg2[%add3A_2216, %dma_wait3A_2223] : memref<204800x128xf32, #tpu.memory_space<hbm>> -> memref<256x128xf32, #tpu.memory_space<hbm>>
    %dma_wait3A_2225 = tpu.memref_slice %arg8[%dma_wait3A_2218] : memref<3x!tpu.dma_semaphore, #tpu.memory_space<semaphore_mem>> -> memref<1x!tpu.dma_semaphore, #tpu.memory_space<semaphore_mem>>
    %dma_wait3A_2226 = tpu.memref_squeeze %dma_wait3A_2225 : memref<1x!tpu.dma_semaphore, #tpu.memory_space<semaphore_mem>> -> memref<!tpu.dma_semaphore, #tpu.memory_space<semaphore_mem>>
    %dma_wait3A_2227 = arith.constant 0 : i32
    %dma_wait3A_2228 = arith.constant 0 : i32
    %dma_wait3A_2229 = tpu.memref_slice %arg7[%dma_wait3A_2217, %dma_wait3A_2227, %dma_wait3A_2228] : memref<3x256x128xf32, #tpu.memory_space<vmem>> -> memref<1x256x128xf32, #tpu.memory_space<vmem>>
    %dma_wait3A_2230 = tpu.memref_squeeze %dma_wait3A_2229 : memref<1x256x128xf32, #tpu.memory_space<vmem>> -> memref<256x128xf32, #tpu.memory_space<vmem>>
    %dma_wait3A_2231 = arith.constant 0 : i32
    %dma_wait3A_2232 = tpu.memref_slice %arg2[%add3A_2216, %dma_wait3A_2231] : memref<204800x128xf32, #tpu.memory_space<hbm>> -> memref<256x128xf32, #tpu.memory_space<hbm>>
    tpu.wait_dma2 semaphore(%dma_wait3A_2226 : memref<!tpu.dma_semaphore, #tpu.memory_space<semaphore_mem>>) src(%dma_wait3A_2232 : memref<256x128xf32, #tpu.memory_space<hbm>>) dst(%dma_wait3A_2230 : memref<256x128xf32, #tpu.memory_space<vmem>>)
    %dma_start3A_2233 = arith.constant 0 : i32
    %dma_start3A_2234 = arith.constant 0 : i32
    %dma_start3A_2235 = arith.constant 0 : i32
    %dma_start3A_2236 = arith.constant 0 : i32
    %dma_start3A_2237 = tpu.memref_slice %arg7[%dma_start3A_2233, %dma_start3A_2235, %dma_start3A_2236] : memref<3x256x128xf32, #tpu.memory_space<vmem>> -> memref<1x128x128xf32, #tpu.memory_space<vmem>>
    %dma_start3A_2238 = tpu.memref_squeeze %dma_start3A_2237 : memref<1x128x128xf32, #tpu.memory_space<vmem>> -> memref<128x128xf32, #tpu.memory_space<vmem>>
    %dma_start3A_2239 = arith.constant 4608 : i32
    %dma_start3A_2240 = tpu.memref_slice %arg6[%dma_start3A_2239] : memref<6400xi32, #tpu.memory_space<vmem>> -> memref<128xi32, #tpu.memory_space<vmem>>
    %dma_start3A_2241 = arith.constant 0 : i32
    %dma_start3A_2242 = arith.constant 0 : i32
    %dma_start3A_2243 = tpu.memref_slice %arg4[%dma_start3A_2241, %dma_start3A_2242] : memref<100000x128xf32, #tpu.memory_space<hbm>> -> memref<100000x128xf32, #tpu.memory_space<hbm>>
    %dma_start3A_2244 = tpu.memref_slice %arg9[%dma_start3A_2234] : memref<3x!tpu.dma_semaphore, #tpu.memory_space<semaphore_mem>> -> memref<1x!tpu.dma_semaphore, #tpu.memory_space<semaphore_mem>>
    %dma_start3A_2245 = tpu.memref_squeeze %dma_start3A_2244 : memref<1x!tpu.dma_semaphore, #tpu.memory_space<semaphore_mem>> -> memref<!tpu.dma_semaphore, #tpu.memory_space<semaphore_mem>>
    tpu.enqueue_indirect_dma source(%dma_start3A_2243 : memref<100000x128xf32, #tpu.memory_space<hbm>>) target(%dma_start3A_2238 : memref<128x128xf32, #tpu.memory_space<vmem>>) offsets(%dma_start3A_2240 : memref<128xi32, #tpu.memory_space<vmem>>) semaphore(%dma_start3A_2245 : memref<!tpu.dma_semaphore, #tpu.memory_space<semaphore_mem>>) {add = true}
    %dma_start3A_2246 = arith.constant 0 : i32
    %dma_start3A_2247 = arith.constant 0 : i32
    %dma_start3A_2248 = arith.constant 128 : i32
    %dma_start3A_2249 = arith.constant 0 : i32
    %dma_start3A_2250 = tpu.memref_slice %arg7[%dma_start3A_2246, %dma_start3A_2248, %dma_start3A_2249] : memref<3x256x128xf32, #tpu.memory_space<vmem>> -> memref<1x128x128xf32, #tpu.memory_space<vmem>>
    %dma_start3A_2251 = tpu.memref_squeeze %dma_start3A_2250 : memref<1x128x128xf32, #tpu.memory_space<vmem>> -> memref<128x128xf32, #tpu.memory_space<vmem>>
    %dma_start3A_2252 = arith.constant 4736 : i32
    %dma_start3A_2253 = tpu.memref_slice %arg6[%dma_start3A_2252] : memref<6400xi32, #tpu.memory_space<vmem>> -> memref<128xi32, #tpu.memory_space<vmem>>
    %dma_start3A_2254 = arith.constant 0 : i32
    %dma_start3A_2255 = arith.constant 0 : i32
    %dma_start3A_2256 = tpu.memref_slice %arg4[%dma_start3A_2254, %dma_start3A_2255] : memref<100000x128xf32, #tpu.memory_space<hbm>> -> memref<100000x128xf32, #tpu.memory_space<hbm>>
    %dma_start3A_2257 = tpu.memref_slice %arg9[%dma_start3A_2247] : memref<3x!tpu.dma_semaphore, #tpu.memory_space<semaphore_mem>> -> memref<1x!tpu.dma_semaphore, #tpu.memory_space<semaphore_mem>>
    %dma_start3A_2258 = tpu.memref_squeeze %dma_start3A_2257 : memref<1x!tpu.dma_semaphore, #tpu.memory_space<semaphore_mem>> -> memref<!tpu.dma_semaphore, #tpu.memory_space<semaphore_mem>>
    tpu.enqueue_indirect_dma source(%dma_start3A_2256 : memref<100000x128xf32, #tpu.memory_space<hbm>>) target(%dma_start3A_2251 : memref<128x128xf32, #tpu.memory_space<vmem>>) offsets(%dma_start3A_2253 : memref<128xi32, #tpu.memory_space<vmem>>) semaphore(%dma_start3A_2258 : memref<!tpu.dma_semaphore, #tpu.memory_space<semaphore_mem>>) {add = true}
    %add3A_2259 = arith.constant 4096 : i32
    %add3A_2260 = arith.addi %mul3A_2, %add3A_2259 : i32
    %dma_wait3A_2261 = arith.constant 1 : i32
    %dma_wait3A_2262 = arith.constant 1 : i32
    %dma_wait3A_2263 = arith.constant 0 : i32
    %dma_wait3A_2264 = arith.constant 0 : i32
    %dma_wait3A_2265 = tpu.memref_slice %arg7[%dma_wait3A_2261, %dma_wait3A_2263, %dma_wait3A_2264] : memref<3x256x128xf32, #tpu.memory_space<vmem>> -> memref<1x256x128xf32, #tpu.memory_space<vmem>>
    %dma_wait3A_2266 = tpu.memref_squeeze %dma_wait3A_2265 : memref<1x256x128xf32, #tpu.memory_space<vmem>> -> memref<256x128xf32, #tpu.memory_space<vmem>>
    %dma_wait3A_2267 = arith.constant 0 : i32
    %dma_wait3A_2268 = tpu.memref_slice %arg5[%add3A_2260, %dma_wait3A_2267] : memref<204800x128xf32, #tpu.memory_space<hbm>> -> memref<256x128xf32, #tpu.memory_space<hbm>>
    %dma_wait3A_2269 = tpu.memref_slice %arg10[%dma_wait3A_2262] : memref<3x!tpu.dma_semaphore, #tpu.memory_space<semaphore_mem>> -> memref<1x!tpu.dma_semaphore, #tpu.memory_space<semaphore_mem>>
    %dma_wait3A_2270 = tpu.memref_squeeze %dma_wait3A_2269 : memref<1x!tpu.dma_semaphore, #tpu.memory_space<semaphore_mem>> -> memref<!tpu.dma_semaphore, #tpu.memory_space<semaphore_mem>>
    %dma_wait3A_2271 = arith.constant 0 : i32
    %dma_wait3A_2272 = tpu.memref_slice %arg5[%add3A_2260, %dma_wait3A_2271] : memref<204800x128xf32, #tpu.memory_space<hbm>> -> memref<256x128xf32, #tpu.memory_space<hbm>>
    %dma_wait3A_2273 = arith.constant 0 : i32
    %dma_wait3A_2274 = arith.constant 0 : i32
    %dma_wait3A_2275 = tpu.memref_slice %arg7[%dma_wait3A_2261, %dma_wait3A_2273, %dma_wait3A_2274] : memref<3x256x128xf32, #tpu.memory_space<vmem>> -> memref<1x256x128xf32, #tpu.memory_space<vmem>>
    %dma_wait3A_2276 = tpu.memref_squeeze %dma_wait3A_2275 : memref<1x256x128xf32, #tpu.memory_space<vmem>> -> memref<256x128xf32, #tpu.memory_space<vmem>>
    tpu.wait_dma2 semaphore(%dma_wait3A_2270 : memref<!tpu.dma_semaphore, #tpu.memory_space<semaphore_mem>>) src(%dma_wait3A_2276 : memref<256x128xf32, #tpu.memory_space<vmem>>) dst(%dma_wait3A_2272 : memref<256x128xf32, #tpu.memory_space<hbm>>)
    %add3A_2277 = arith.constant 4864 : i32
    %add3A_2278 = arith.addi %mul3A_2, %add3A_2277 : i32
    %dma_start3A_2279 = arith.constant 1 : i32
    %dma_start3A_2280 = arith.constant 1 : i32
    %dma_start3A_2281 = arith.constant 0 : i32
    %dma_start3A_2282 = arith.constant 0 : i32
    %dma_start3A_2283 = tpu.memref_slice %arg7[%dma_start3A_2279, %dma_start3A_2281, %dma_start3A_2282] : memref<3x256x128xf32, #tpu.memory_space<vmem>> -> memref<1x256x128xf32, #tpu.memory_space<vmem>>
    %dma_start3A_2284 = tpu.memref_squeeze %dma_start3A_2283 : memref<1x256x128xf32, #tpu.memory_space<vmem>> -> memref<256x128xf32, #tpu.memory_space<vmem>>
    %dma_start3A_2285 = arith.constant 0 : i32
    %dma_start3A_2286 = tpu.memref_slice %arg2[%add3A_2278, %dma_start3A_2285] : memref<204800x128xf32, #tpu.memory_space<hbm>> -> memref<256x128xf32, #tpu.memory_space<hbm>>
    %dma_start3A_2287 = tpu.memref_slice %arg8[%dma_start3A_2280] : memref<3x!tpu.dma_semaphore, #tpu.memory_space<semaphore_mem>> -> memref<1x!tpu.dma_semaphore, #tpu.memory_space<semaphore_mem>>
    %dma_start3A_2288 = tpu.memref_squeeze %dma_start3A_2287 : memref<1x!tpu.dma_semaphore, #tpu.memory_space<semaphore_mem>> -> memref<!tpu.dma_semaphore, #tpu.memory_space<semaphore_mem>>
    %dma_start3A_2289 = arith.constant 0 : i32
    %dma_start3A_2290 = arith.constant 0 : i32
    %dma_start3A_2291 = tpu.memref_slice %arg7[%dma_start3A_2279, %dma_start3A_2289, %dma_start3A_2290] : memref<3x256x128xf32, #tpu.memory_space<vmem>> -> memref<1x256x128xf32, #tpu.memory_space<vmem>>
    %dma_start3A_2292 = tpu.memref_squeeze %dma_start3A_2291 : memref<1x256x128xf32, #tpu.memory_space<vmem>> -> memref<256x128xf32, #tpu.memory_space<vmem>>
    %dma_start3A_2293 = arith.constant 0 : i32
    %dma_start3A_2294 = tpu.memref_slice %arg2[%add3A_2278, %dma_start3A_2293] : memref<204800x128xf32, #tpu.memory_space<hbm>> -> memref<256x128xf32, #tpu.memory_space<hbm>>
    tpu.enqueue_dma source(%dma_start3A_2294 : memref<256x128xf32, #tpu.memory_space<hbm>>) target(%dma_start3A_2292 : memref<256x128xf32, #tpu.memory_space<vmem>>) target_semaphore(%dma_start3A_2288 : memref<!tpu.dma_semaphore, #tpu.memory_space<semaphore_mem>>)
    %dma_wait3A_2295 = arith.constant 0 : i32
    %dma_wait3A_2296 = arith.constant 0 : i32
    %dma_wait3A_2297 = arith.constant 0 : i32
    %dma_wait3A_2298 = arith.constant 0 : i32
    %dma_wait3A_2299 = tpu.memref_slice %arg7[%dma_wait3A_2295, %dma_wait3A_2297, %dma_wait3A_2298] : memref<3x256x128xf32, #tpu.memory_space<vmem>> -> memref<1x128x128xf32, #tpu.memory_space<vmem>>
    %dma_wait3A_2300 = tpu.memref_squeeze %dma_wait3A_2299 : memref<1x128x128xf32, #tpu.memory_space<vmem>> -> memref<128x128xf32, #tpu.memory_space<vmem>>
    %dma_wait3A_2301 = arith.constant 4608 : i32
    %dma_wait3A_2302 = tpu.memref_slice %arg6[%dma_wait3A_2301] : memref<6400xi32, #tpu.memory_space<vmem>> -> memref<128xi32, #tpu.memory_space<vmem>>
    %dma_wait3A_2303 = arith.constant 0 : i32
    %dma_wait3A_2304 = arith.constant 0 : i32
    %dma_wait3A_2305 = tpu.memref_slice %arg4[%dma_wait3A_2303, %dma_wait3A_2304] : memref<100000x128xf32, #tpu.memory_space<hbm>> -> memref<100000x128xf32, #tpu.memory_space<hbm>>
    %dma_wait3A_2306 = tpu.memref_slice %arg9[%dma_wait3A_2296] : memref<3x!tpu.dma_semaphore, #tpu.memory_space<semaphore_mem>> -> memref<1x!tpu.dma_semaphore, #tpu.memory_space<semaphore_mem>>
    %dma_wait3A_2307 = tpu.memref_squeeze %dma_wait3A_2306 : memref<1x!tpu.dma_semaphore, #tpu.memory_space<semaphore_mem>> -> memref<!tpu.dma_semaphore, #tpu.memory_space<semaphore_mem>>
    tpu.wait_indirect_dma semaphore(%dma_wait3A_2307 : memref<!tpu.dma_semaphore, #tpu.memory_space<semaphore_mem>>) src(%dma_wait3A_2305 : memref<100000x128xf32, #tpu.memory_space<hbm>>) dst(%dma_wait3A_2300 : memref<128x128xf32, #tpu.memory_space<vmem>>)
    %dma_wait3A_2308 = arith.constant 0 : i32
    %dma_wait3A_2309 = arith.constant 0 : i32
    %dma_wait3A_2310 = arith.constant 128 : i32
    %dma_wait3A_2311 = arith.constant 0 : i32
    %dma_wait3A_2312 = tpu.memref_slice %arg7[%dma_wait3A_2308, %dma_wait3A_2310, %dma_wait3A_2311] : memref<3x256x128xf32, #tpu.memory_space<vmem>> -> memref<1x128x128xf32, #tpu.memory_space<vmem>>
    %dma_wait3A_2313 = tpu.memref_squeeze %dma_wait3A_2312 : memref<1x128x128xf32, #tpu.memory_space<vmem>> -> memref<128x128xf32, #tpu.memory_space<vmem>>
    %dma_wait3A_2314 = arith.constant 4736 : i32
    %dma_wait3A_2315 = tpu.memref_slice %arg6[%dma_wait3A_2314] : memref<6400xi32, #tpu.memory_space<vmem>> -> memref<128xi32, #tpu.memory_space<vmem>>
    %dma_wait3A_2316 = arith.constant 0 : i32
    %dma_wait3A_2317 = arith.constant 0 : i32
    %dma_wait3A_2318 = tpu.memref_slice %arg4[%dma_wait3A_2316, %dma_wait3A_2317] : memref<100000x128xf32, #tpu.memory_space<hbm>> -> memref<100000x128xf32, #tpu.memory_space<hbm>>
    %dma_wait3A_2319 = tpu.memref_slice %arg9[%dma_wait3A_2309] : memref<3x!tpu.dma_semaphore, #tpu.memory_space<semaphore_mem>> -> memref<1x!tpu.dma_semaphore, #tpu.memory_space<semaphore_mem>>
    %dma_wait3A_2320 = tpu.memref_squeeze %dma_wait3A_2319 : memref<1x!tpu.dma_semaphore, #tpu.memory_space<semaphore_mem>> -> memref<!tpu.dma_semaphore, #tpu.memory_space<semaphore_mem>>
    tpu.wait_indirect_dma semaphore(%dma_wait3A_2320 : memref<!tpu.dma_semaphore, #tpu.memory_space<semaphore_mem>>) src(%dma_wait3A_2318 : memref<100000x128xf32, #tpu.memory_space<hbm>>) dst(%dma_wait3A_2313 : memref<128x128xf32, #tpu.memory_space<vmem>>)
    %add3A_2321 = arith.constant 4608 : i32
    %add3A_2322 = arith.addi %mul3A_2, %add3A_2321 : i32
    %dma_start3A_2323 = arith.constant 0 : i32
    %dma_start3A_2324 = arith.constant 0 : i32
    %dma_start3A_2325 = arith.constant 0 : i32
    %dma_start3A_2326 = arith.constant 0 : i32
    %dma_start3A_2327 = tpu.memref_slice %arg7[%dma_start3A_2323, %dma_start3A_2325, %dma_start3A_2326] : memref<3x256x128xf32, #tpu.memory_space<vmem>> -> memref<1x256x128xf32, #tpu.memory_space<vmem>>
    %dma_start3A_2328 = tpu.memref_squeeze %dma_start3A_2327 : memref<1x256x128xf32, #tpu.memory_space<vmem>> -> memref<256x128xf32, #tpu.memory_space<vmem>>
    %dma_start3A_2329 = arith.constant 0 : i32
    %dma_start3A_2330 = tpu.memref_slice %arg5[%add3A_2322, %dma_start3A_2329] : memref<204800x128xf32, #tpu.memory_space<hbm>> -> memref<256x128xf32, #tpu.memory_space<hbm>>
    %dma_start3A_2331 = tpu.memref_slice %arg10[%dma_start3A_2324] : memref<3x!tpu.dma_semaphore, #tpu.memory_space<semaphore_mem>> -> memref<1x!tpu.dma_semaphore, #tpu.memory_space<semaphore_mem>>
    %dma_start3A_2332 = tpu.memref_squeeze %dma_start3A_2331 : memref<1x!tpu.dma_semaphore, #tpu.memory_space<semaphore_mem>> -> memref<!tpu.dma_semaphore, #tpu.memory_space<semaphore_mem>>
    %dma_start3A_2333 = arith.constant 0 : i32
    %dma_start3A_2334 = tpu.memref_slice %arg5[%add3A_2322, %dma_start3A_2333] : memref<204800x128xf32, #tpu.memory_space<hbm>> -> memref<256x128xf32, #tpu.memory_space<hbm>>
    %dma_start3A_2335 = arith.constant 0 : i32
    %dma_start3A_2336 = arith.constant 0 : i32
    %dma_start3A_2337 = tpu.memref_slice %arg7[%dma_start3A_2323, %dma_start3A_2335, %dma_start3A_2336] : memref<3x256x128xf32, #tpu.memory_space<vmem>> -> memref<1x256x128xf32, #tpu.memory_space<vmem>>
    %dma_start3A_2338 = tpu.memref_squeeze %dma_start3A_2337 : memref<1x256x128xf32, #tpu.memory_space<vmem>> -> memref<256x128xf32, #tpu.memory_space<vmem>>
    tpu.enqueue_dma source(%dma_start3A_2338 : memref<256x128xf32, #tpu.memory_space<vmem>>) target(%dma_start3A_2334 : memref<256x128xf32, #tpu.memory_space<hbm>>) target_semaphore(%dma_start3A_2332 : memref<!tpu.dma_semaphore, #tpu.memory_space<semaphore_mem>>)
    %add3A_2339 = arith.constant 4864 : i32
    %add3A_2340 = arith.addi %mul3A_2, %add3A_2339 : i32
    %dma_wait3A_2341 = arith.constant 1 : i32
    %dma_wait3A_2342 = arith.constant 1 : i32
    %dma_wait3A_2343 = arith.constant 0 : i32
    %dma_wait3A_2344 = arith.constant 0 : i32
    %dma_wait3A_2345 = tpu.memref_slice %arg7[%dma_wait3A_2341, %dma_wait3A_2343, %dma_wait3A_2344] : memref<3x256x128xf32, #tpu.memory_space<vmem>> -> memref<1x256x128xf32, #tpu.memory_space<vmem>>
    %dma_wait3A_2346 = tpu.memref_squeeze %dma_wait3A_2345 : memref<1x256x128xf32, #tpu.memory_space<vmem>> -> memref<256x128xf32, #tpu.memory_space<vmem>>
    %dma_wait3A_2347 = arith.constant 0 : i32
    %dma_wait3A_2348 = tpu.memref_slice %arg2[%add3A_2340, %dma_wait3A_2347] : memref<204800x128xf32, #tpu.memory_space<hbm>> -> memref<256x128xf32, #tpu.memory_space<hbm>>
    %dma_wait3A_2349 = tpu.memref_slice %arg8[%dma_wait3A_2342] : memref<3x!tpu.dma_semaphore, #tpu.memory_space<semaphore_mem>> -> memref<1x!tpu.dma_semaphore, #tpu.memory_space<semaphore_mem>>
    %dma_wait3A_2350 = tpu.memref_squeeze %dma_wait3A_2349 : memref<1x!tpu.dma_semaphore, #tpu.memory_space<semaphore_mem>> -> memref<!tpu.dma_semaphore, #tpu.memory_space<semaphore_mem>>
    %dma_wait3A_2351 = arith.constant 0 : i32
    %dma_wait3A_2352 = arith.constant 0 : i32
    %dma_wait3A_2353 = tpu.memref_slice %arg7[%dma_wait3A_2341, %dma_wait3A_2351, %dma_wait3A_2352] : memref<3x256x128xf32, #tpu.memory_space<vmem>> -> memref<1x256x128xf32, #tpu.memory_space<vmem>>
    %dma_wait3A_2354 = tpu.memref_squeeze %dma_wait3A_2353 : memref<1x256x128xf32, #tpu.memory_space<vmem>> -> memref<256x128xf32, #tpu.memory_space<vmem>>
    %dma_wait3A_2355 = arith.constant 0 : i32
    %dma_wait3A_2356 = tpu.memref_slice %arg2[%add3A_2340, %dma_wait3A_2355] : memref<204800x128xf32, #tpu.memory_space<hbm>> -> memref<256x128xf32, #tpu.memory_space<hbm>>
    tpu.wait_dma2 semaphore(%dma_wait3A_2350 : memref<!tpu.dma_semaphore, #tpu.memory_space<semaphore_mem>>) src(%dma_wait3A_2356 : memref<256x128xf32, #tpu.memory_space<hbm>>) dst(%dma_wait3A_2354 : memref<256x128xf32, #tpu.memory_space<vmem>>)
    %dma_start3A_2357 = arith.constant 1 : i32
    %dma_start3A_2358 = arith.constant 1 : i32
    %dma_start3A_2359 = arith.constant 0 : i32
    %dma_start3A_2360 = arith.constant 0 : i32
    %dma_start3A_2361 = tpu.memref_slice %arg7[%dma_start3A_2357, %dma_start3A_2359, %dma_start3A_2360] : memref<3x256x128xf32, #tpu.memory_space<vmem>> -> memref<1x128x128xf32, #tpu.memory_space<vmem>>
    %dma_start3A_2362 = tpu.memref_squeeze %dma_start3A_2361 : memref<1x128x128xf32, #tpu.memory_space<vmem>> -> memref<128x128xf32, #tpu.memory_space<vmem>>
    %dma_start3A_2363 = arith.constant 4864 : i32
    %dma_start3A_2364 = tpu.memref_slice %arg6[%dma_start3A_2363] : memref<6400xi32, #tpu.memory_space<vmem>> -> memref<128xi32, #tpu.memory_space<vmem>>
    %dma_start3A_2365 = arith.constant 0 : i32
    %dma_start3A_2366 = arith.constant 0 : i32
    %dma_start3A_2367 = tpu.memref_slice %arg4[%dma_start3A_2365, %dma_start3A_2366] : memref<100000x128xf32, #tpu.memory_space<hbm>> -> memref<100000x128xf32, #tpu.memory_space<hbm>>
    %dma_start3A_2368 = tpu.memref_slice %arg9[%dma_start3A_2358] : memref<3x!tpu.dma_semaphore, #tpu.memory_space<semaphore_mem>> -> memref<1x!tpu.dma_semaphore, #tpu.memory_space<semaphore_mem>>
    %dma_start3A_2369 = tpu.memref_squeeze %dma_start3A_2368 : memref<1x!tpu.dma_semaphore, #tpu.memory_space<semaphore_mem>> -> memref<!tpu.dma_semaphore, #tpu.memory_space<semaphore_mem>>
    tpu.enqueue_indirect_dma source(%dma_start3A_2367 : memref<100000x128xf32, #tpu.memory_space<hbm>>) target(%dma_start3A_2362 : memref<128x128xf32, #tpu.memory_space<vmem>>) offsets(%dma_start3A_2364 : memref<128xi32, #tpu.memory_space<vmem>>) semaphore(%dma_start3A_2369 : memref<!tpu.dma_semaphore, #tpu.memory_space<semaphore_mem>>) {add = true}
    %dma_start3A_2370 = arith.constant 1 : i32
    %dma_start3A_2371 = arith.constant 1 : i32
    %dma_start3A_2372 = arith.constant 128 : i32
    %dma_start3A_2373 = arith.constant 0 : i32
    %dma_start3A_2374 = tpu.memref_slice %arg7[%dma_start3A_2370, %dma_start3A_2372, %dma_start3A_2373] : memref<3x256x128xf32, #tpu.memory_space<vmem>> -> memref<1x128x128xf32, #tpu.memory_space<vmem>>
    %dma_start3A_2375 = tpu.memref_squeeze %dma_start3A_2374 : memref<1x128x128xf32, #tpu.memory_space<vmem>> -> memref<128x128xf32, #tpu.memory_space<vmem>>
    %dma_start3A_2376 = arith.constant 4992 : i32
    %dma_start3A_2377 = tpu.memref_slice %arg6[%dma_start3A_2376] : memref<6400xi32, #tpu.memory_space<vmem>> -> memref<128xi32, #tpu.memory_space<vmem>>
    %dma_start3A_2378 = arith.constant 0 : i32
    %dma_start3A_2379 = arith.constant 0 : i32
    %dma_start3A_2380 = tpu.memref_slice %arg4[%dma_start3A_2378, %dma_start3A_2379] : memref<100000x128xf32, #tpu.memory_space<hbm>> -> memref<100000x128xf32, #tpu.memory_space<hbm>>
    %dma_start3A_2381 = tpu.memref_slice %arg9[%dma_start3A_2371] : memref<3x!tpu.dma_semaphore, #tpu.memory_space<semaphore_mem>> -> memref<1x!tpu.dma_semaphore, #tpu.memory_space<semaphore_mem>>
    %dma_start3A_2382 = tpu.memref_squeeze %dma_start3A_2381 : memref<1x!tpu.dma_semaphore, #tpu.memory_space<semaphore_mem>> -> memref<!tpu.dma_semaphore, #tpu.memory_space<semaphore_mem>>
    tpu.enqueue_indirect_dma source(%dma_start3A_2380 : memref<100000x128xf32, #tpu.memory_space<hbm>>) target(%dma_start3A_2375 : memref<128x128xf32, #tpu.memory_space<vmem>>) offsets(%dma_start3A_2377 : memref<128xi32, #tpu.memory_space<vmem>>) semaphore(%dma_start3A_2382 : memref<!tpu.dma_semaphore, #tpu.memory_space<semaphore_mem>>) {add = true}
    %add3A_2383 = arith.constant 4352 : i32
    %add3A_2384 = arith.addi %mul3A_2, %add3A_2383 : i32
    %dma_wait3A_2385 = arith.constant 2 : i32
    %dma_wait3A_2386 = arith.constant 2 : i32
    %dma_wait3A_2387 = arith.constant 0 : i32
    %dma_wait3A_2388 = arith.constant 0 : i32
    %dma_wait3A_2389 = tpu.memref_slice %arg7[%dma_wait3A_2385, %dma_wait3A_2387, %dma_wait3A_2388] : memref<3x256x128xf32, #tpu.memory_space<vmem>> -> memref<1x256x128xf32, #tpu.memory_space<vmem>>
    %dma_wait3A_2390 = tpu.memref_squeeze %dma_wait3A_2389 : memref<1x256x128xf32, #tpu.memory_space<vmem>> -> memref<256x128xf32, #tpu.memory_space<vmem>>
    %dma_wait3A_2391 = arith.constant 0 : i32
    %dma_wait3A_2392 = tpu.memref_slice %arg5[%add3A_2384, %dma_wait3A_2391] : memref<204800x128xf32, #tpu.memory_space<hbm>> -> memref<256x128xf32, #tpu.memory_space<hbm>>
    %dma_wait3A_2393 = tpu.memref_slice %arg10[%dma_wait3A_2386] : memref<3x!tpu.dma_semaphore, #tpu.memory_space<semaphore_mem>> -> memref<1x!tpu.dma_semaphore, #tpu.memory_space<semaphore_mem>>
    %dma_wait3A_2394 = tpu.memref_squeeze %dma_wait3A_2393 : memref<1x!tpu.dma_semaphore, #tpu.memory_space<semaphore_mem>> -> memref<!tpu.dma_semaphore, #tpu.memory_space<semaphore_mem>>
    %dma_wait3A_2395 = arith.constant 0 : i32
    %dma_wait3A_2396 = tpu.memref_slice %arg5[%add3A_2384, %dma_wait3A_2395] : memref<204800x128xf32, #tpu.memory_space<hbm>> -> memref<256x128xf32, #tpu.memory_space<hbm>>
    %dma_wait3A_2397 = arith.constant 0 : i32
    %dma_wait3A_2398 = arith.constant 0 : i32
    %dma_wait3A_2399 = tpu.memref_slice %arg7[%dma_wait3A_2385, %dma_wait3A_2397, %dma_wait3A_2398] : memref<3x256x128xf32, #tpu.memory_space<vmem>> -> memref<1x256x128xf32, #tpu.memory_space<vmem>>
    %dma_wait3A_2400 = tpu.memref_squeeze %dma_wait3A_2399 : memref<1x256x128xf32, #tpu.memory_space<vmem>> -> memref<256x128xf32, #tpu.memory_space<vmem>>
    tpu.wait_dma2 semaphore(%dma_wait3A_2394 : memref<!tpu.dma_semaphore, #tpu.memory_space<semaphore_mem>>) src(%dma_wait3A_2400 : memref<256x128xf32, #tpu.memory_space<vmem>>) dst(%dma_wait3A_2396 : memref<256x128xf32, #tpu.memory_space<hbm>>)
    %add3A_2401 = arith.constant 5120 : i32
    %add3A_2402 = arith.addi %mul3A_2, %add3A_2401 : i32
    %dma_start3A_2403 = arith.constant 2 : i32
    %dma_start3A_2404 = arith.constant 2 : i32
    %dma_start3A_2405 = arith.constant 0 : i32
    %dma_start3A_2406 = arith.constant 0 : i32
    %dma_start3A_2407 = tpu.memref_slice %arg7[%dma_start3A_2403, %dma_start3A_2405, %dma_start3A_2406] : memref<3x256x128xf32, #tpu.memory_space<vmem>> -> memref<1x256x128xf32, #tpu.memory_space<vmem>>
    %dma_start3A_2408 = tpu.memref_squeeze %dma_start3A_2407 : memref<1x256x128xf32, #tpu.memory_space<vmem>> -> memref<256x128xf32, #tpu.memory_space<vmem>>
    %dma_start3A_2409 = arith.constant 0 : i32
    %dma_start3A_2410 = tpu.memref_slice %arg2[%add3A_2402, %dma_start3A_2409] : memref<204800x128xf32, #tpu.memory_space<hbm>> -> memref<256x128xf32, #tpu.memory_space<hbm>>
    %dma_start3A_2411 = tpu.memref_slice %arg8[%dma_start3A_2404] : memref<3x!tpu.dma_semaphore, #tpu.memory_space<semaphore_mem>> -> memref<1x!tpu.dma_semaphore, #tpu.memory_space<semaphore_mem>>
    %dma_start3A_2412 = tpu.memref_squeeze %dma_start3A_2411 : memref<1x!tpu.dma_semaphore, #tpu.memory_space<semaphore_mem>> -> memref<!tpu.dma_semaphore, #tpu.memory_space<semaphore_mem>>
    %dma_start3A_2413 = arith.constant 0 : i32
    %dma_start3A_2414 = arith.constant 0 : i32
    %dma_start3A_2415 = tpu.memref_slice %arg7[%dma_start3A_2403, %dma_start3A_2413, %dma_start3A_2414] : memref<3x256x128xf32, #tpu.memory_space<vmem>> -> memref<1x256x128xf32, #tpu.memory_space<vmem>>
    %dma_start3A_2416 = tpu.memref_squeeze %dma_start3A_2415 : memref<1x256x128xf32, #tpu.memory_space<vmem>> -> memref<256x128xf32, #tpu.memory_space<vmem>>
    %dma_start3A_2417 = arith.constant 0 : i32
    %dma_start3A_2418 = tpu.memref_slice %arg2[%add3A_2402, %dma_start3A_2417] : memref<204800x128xf32, #tpu.memory_space<hbm>> -> memref<256x128xf32, #tpu.memory_space<hbm>>
    tpu.enqueue_dma source(%dma_start3A_2418 : memref<256x128xf32, #tpu.memory_space<hbm>>) target(%dma_start3A_2416 : memref<256x128xf32, #tpu.memory_space<vmem>>) target_semaphore(%dma_start3A_2412 : memref<!tpu.dma_semaphore, #tpu.memory_space<semaphore_mem>>)
    %dma_wait3A_2419 = arith.constant 1 : i32
    %dma_wait3A_2420 = arith.constant 1 : i32
    %dma_wait3A_2421 = arith.constant 0 : i32
    %dma_wait3A_2422 = arith.constant 0 : i32
    %dma_wait3A_2423 = tpu.memref_slice %arg7[%dma_wait3A_2419, %dma_wait3A_2421, %dma_wait3A_2422] : memref<3x256x128xf32, #tpu.memory_space<vmem>> -> memref<1x128x128xf32, #tpu.memory_space<vmem>>
    %dma_wait3A_2424 = tpu.memref_squeeze %dma_wait3A_2423 : memref<1x128x128xf32, #tpu.memory_space<vmem>> -> memref<128x128xf32, #tpu.memory_space<vmem>>
    %dma_wait3A_2425 = arith.constant 4864 : i32
    %dma_wait3A_2426 = tpu.memref_slice %arg6[%dma_wait3A_2425] : memref<6400xi32, #tpu.memory_space<vmem>> -> memref<128xi32, #tpu.memory_space<vmem>>
    %dma_wait3A_2427 = arith.constant 0 : i32
    %dma_wait3A_2428 = arith.constant 0 : i32
    %dma_wait3A_2429 = tpu.memref_slice %arg4[%dma_wait3A_2427, %dma_wait3A_2428] : memref<100000x128xf32, #tpu.memory_space<hbm>> -> memref<100000x128xf32, #tpu.memory_space<hbm>>
    %dma_wait3A_2430 = tpu.memref_slice %arg9[%dma_wait3A_2420] : memref<3x!tpu.dma_semaphore, #tpu.memory_space<semaphore_mem>> -> memref<1x!tpu.dma_semaphore, #tpu.memory_space<semaphore_mem>>
    %dma_wait3A_2431 = tpu.memref_squeeze %dma_wait3A_2430 : memref<1x!tpu.dma_semaphore, #tpu.memory_space<semaphore_mem>> -> memref<!tpu.dma_semaphore, #tpu.memory_space<semaphore_mem>>
    tpu.wait_indirect_dma semaphore(%dma_wait3A_2431 : memref<!tpu.dma_semaphore, #tpu.memory_space<semaphore_mem>>) src(%dma_wait3A_2429 : memref<100000x128xf32, #tpu.memory_space<hbm>>) dst(%dma_wait3A_2424 : memref<128x128xf32, #tpu.memory_space<vmem>>)
    %dma_wait3A_2432 = arith.constant 1 : i32
    %dma_wait3A_2433 = arith.constant 1 : i32
    %dma_wait3A_2434 = arith.constant 128 : i32
    %dma_wait3A_2435 = arith.constant 0 : i32
    %dma_wait3A_2436 = tpu.memref_slice %arg7[%dma_wait3A_2432, %dma_wait3A_2434, %dma_wait3A_2435] : memref<3x256x128xf32, #tpu.memory_space<vmem>> -> memref<1x128x128xf32, #tpu.memory_space<vmem>>
    %dma_wait3A_2437 = tpu.memref_squeeze %dma_wait3A_2436 : memref<1x128x128xf32, #tpu.memory_space<vmem>> -> memref<128x128xf32, #tpu.memory_space<vmem>>
    %dma_wait3A_2438 = arith.constant 4992 : i32
    %dma_wait3A_2439 = tpu.memref_slice %arg6[%dma_wait3A_2438] : memref<6400xi32, #tpu.memory_space<vmem>> -> memref<128xi32, #tpu.memory_space<vmem>>
    %dma_wait3A_2440 = arith.constant 0 : i32
    %dma_wait3A_2441 = arith.constant 0 : i32
    %dma_wait3A_2442 = tpu.memref_slice %arg4[%dma_wait3A_2440, %dma_wait3A_2441] : memref<100000x128xf32, #tpu.memory_space<hbm>> -> memref<100000x128xf32, #tpu.memory_space<hbm>>
    %dma_wait3A_2443 = tpu.memref_slice %arg9[%dma_wait3A_2433] : memref<3x!tpu.dma_semaphore, #tpu.memory_space<semaphore_mem>> -> memref<1x!tpu.dma_semaphore, #tpu.memory_space<semaphore_mem>>
    %dma_wait3A_2444 = tpu.memref_squeeze %dma_wait3A_2443 : memref<1x!tpu.dma_semaphore, #tpu.memory_space<semaphore_mem>> -> memref<!tpu.dma_semaphore, #tpu.memory_space<semaphore_mem>>
    tpu.wait_indirect_dma semaphore(%dma_wait3A_2444 : memref<!tpu.dma_semaphore, #tpu.memory_space<semaphore_mem>>) src(%dma_wait3A_2442 : memref<100000x128xf32, #tpu.memory_space<hbm>>) dst(%dma_wait3A_2437 : memref<128x128xf32, #tpu.memory_space<vmem>>)
    %add3A_2445 = arith.constant 4864 : i32
    %add3A_2446 = arith.addi %mul3A_2, %add3A_2445 : i32
    %dma_start3A_2447 = arith.constant 1 : i32
    %dma_start3A_2448 = arith.constant 1 : i32
    %dma_start3A_2449 = arith.constant 0 : i32
    %dma_start3A_2450 = arith.constant 0 : i32
    %dma_start3A_2451 = tpu.memref_slice %arg7[%dma_start3A_2447, %dma_start3A_2449, %dma_start3A_2450] : memref<3x256x128xf32, #tpu.memory_space<vmem>> -> memref<1x256x128xf32, #tpu.memory_space<vmem>>
    %dma_start3A_2452 = tpu.memref_squeeze %dma_start3A_2451 : memref<1x256x128xf32, #tpu.memory_space<vmem>> -> memref<256x128xf32, #tpu.memory_space<vmem>>
    %dma_start3A_2453 = arith.constant 0 : i32
    %dma_start3A_2454 = tpu.memref_slice %arg5[%add3A_2446, %dma_start3A_2453] : memref<204800x128xf32, #tpu.memory_space<hbm>> -> memref<256x128xf32, #tpu.memory_space<hbm>>
    %dma_start3A_2455 = tpu.memref_slice %arg10[%dma_start3A_2448] : memref<3x!tpu.dma_semaphore, #tpu.memory_space<semaphore_mem>> -> memref<1x!tpu.dma_semaphore, #tpu.memory_space<semaphore_mem>>
    %dma_start3A_2456 = tpu.memref_squeeze %dma_start3A_2455 : memref<1x!tpu.dma_semaphore, #tpu.memory_space<semaphore_mem>> -> memref<!tpu.dma_semaphore, #tpu.memory_space<semaphore_mem>>
    %dma_start3A_2457 = arith.constant 0 : i32
    %dma_start3A_2458 = tpu.memref_slice %arg5[%add3A_2446, %dma_start3A_2457] : memref<204800x128xf32, #tpu.memory_space<hbm>> -> memref<256x128xf32, #tpu.memory_space<hbm>>
    %dma_start3A_2459 = arith.constant 0 : i32
    %dma_start3A_2460 = arith.constant 0 : i32
    %dma_start3A_2461 = tpu.memref_slice %arg7[%dma_start3A_2447, %dma_start3A_2459, %dma_start3A_2460] : memref<3x256x128xf32, #tpu.memory_space<vmem>> -> memref<1x256x128xf32, #tpu.memory_space<vmem>>
    %dma_start3A_2462 = tpu.memref_squeeze %dma_start3A_2461 : memref<1x256x128xf32, #tpu.memory_space<vmem>> -> memref<256x128xf32, #tpu.memory_space<vmem>>
    tpu.enqueue_dma source(%dma_start3A_2462 : memref<256x128xf32, #tpu.memory_space<vmem>>) target(%dma_start3A_2458 : memref<256x128xf32, #tpu.memory_space<hbm>>) target_semaphore(%dma_start3A_2456 : memref<!tpu.dma_semaphore, #tpu.memory_space<semaphore_mem>>)
    %add3A_2463 = arith.constant 5120 : i32
    %add3A_2464 = arith.addi %mul3A_2, %add3A_2463 : i32
    %dma_wait3A_2465 = arith.constant 2 : i32
    %dma_wait3A_2466 = arith.constant 2 : i32
    %dma_wait3A_2467 = arith.constant 0 : i32
    %dma_wait3A_2468 = arith.constant 0 : i32
    %dma_wait3A_2469 = tpu.memref_slice %arg7[%dma_wait3A_2465, %dma_wait3A_2467, %dma_wait3A_2468] : memref<3x256x128xf32, #tpu.memory_space<vmem>> -> memref<1x256x128xf32, #tpu.memory_space<vmem>>
    %dma_wait3A_2470 = tpu.memref_squeeze %dma_wait3A_2469 : memref<1x256x128xf32, #tpu.memory_space<vmem>> -> memref<256x128xf32, #tpu.memory_space<vmem>>
    %dma_wait3A_2471 = arith.constant 0 : i32
    %dma_wait3A_2472 = tpu.memref_slice %arg2[%add3A_2464, %dma_wait3A_2471] : memref<204800x128xf32, #tpu.memory_space<hbm>> -> memref<256x128xf32, #tpu.memory_space<hbm>>
    %dma_wait3A_2473 = tpu.memref_slice %arg8[%dma_wait3A_2466] : memref<3x!tpu.dma_semaphore, #tpu.memory_space<semaphore_mem>> -> memref<1x!tpu.dma_semaphore, #tpu.memory_space<semaphore_mem>>
    %dma_wait3A_2474 = tpu.memref_squeeze %dma_wait3A_2473 : memref<1x!tpu.dma_semaphore, #tpu.memory_space<semaphore_mem>> -> memref<!tpu.dma_semaphore, #tpu.memory_space<semaphore_mem>>
    %dma_wait3A_2475 = arith.constant 0 : i32
    %dma_wait3A_2476 = arith.constant 0 : i32
    %dma_wait3A_2477 = tpu.memref_slice %arg7[%dma_wait3A_2465, %dma_wait3A_2475, %dma_wait3A_2476] : memref<3x256x128xf32, #tpu.memory_space<vmem>> -> memref<1x256x128xf32, #tpu.memory_space<vmem>>
    %dma_wait3A_2478 = tpu.memref_squeeze %dma_wait3A_2477 : memref<1x256x128xf32, #tpu.memory_space<vmem>> -> memref<256x128xf32, #tpu.memory_space<vmem>>
    %dma_wait3A_2479 = arith.constant 0 : i32
    %dma_wait3A_2480 = tpu.memref_slice %arg2[%add3A_2464, %dma_wait3A_2479] : memref<204800x128xf32, #tpu.memory_space<hbm>> -> memref<256x128xf32, #tpu.memory_space<hbm>>
    tpu.wait_dma2 semaphore(%dma_wait3A_2474 : memref<!tpu.dma_semaphore, #tpu.memory_space<semaphore_mem>>) src(%dma_wait3A_2480 : memref<256x128xf32, #tpu.memory_space<hbm>>) dst(%dma_wait3A_2478 : memref<256x128xf32, #tpu.memory_space<vmem>>)
    %dma_start3A_2481 = arith.constant 2 : i32
    %dma_start3A_2482 = arith.constant 2 : i32
    %dma_start3A_2483 = arith.constant 0 : i32
    %dma_start3A_2484 = arith.constant 0 : i32
    %dma_start3A_2485 = tpu.memref_slice %arg7[%dma_start3A_2481, %dma_start3A_2483, %dma_start3A_2484] : memref<3x256x128xf32, #tpu.memory_space<vmem>> -> memref<1x128x128xf32, #tpu.memory_space<vmem>>
    %dma_start3A_2486 = tpu.memref_squeeze %dma_start3A_2485 : memref<1x128x128xf32, #tpu.memory_space<vmem>> -> memref<128x128xf32, #tpu.memory_space<vmem>>
    %dma_start3A_2487 = arith.constant 5120 : i32
    %dma_start3A_2488 = tpu.memref_slice %arg6[%dma_start3A_2487] : memref<6400xi32, #tpu.memory_space<vmem>> -> memref<128xi32, #tpu.memory_space<vmem>>
    %dma_start3A_2489 = arith.constant 0 : i32
    %dma_start3A_2490 = arith.constant 0 : i32
    %dma_start3A_2491 = tpu.memref_slice %arg4[%dma_start3A_2489, %dma_start3A_2490] : memref<100000x128xf32, #tpu.memory_space<hbm>> -> memref<100000x128xf32, #tpu.memory_space<hbm>>
    %dma_start3A_2492 = tpu.memref_slice %arg9[%dma_start3A_2482] : memref<3x!tpu.dma_semaphore, #tpu.memory_space<semaphore_mem>> -> memref<1x!tpu.dma_semaphore, #tpu.memory_space<semaphore_mem>>
    %dma_start3A_2493 = tpu.memref_squeeze %dma_start3A_2492 : memref<1x!tpu.dma_semaphore, #tpu.memory_space<semaphore_mem>> -> memref<!tpu.dma_semaphore, #tpu.memory_space<semaphore_mem>>
    tpu.enqueue_indirect_dma source(%dma_start3A_2491 : memref<100000x128xf32, #tpu.memory_space<hbm>>) target(%dma_start3A_2486 : memref<128x128xf32, #tpu.memory_space<vmem>>) offsets(%dma_start3A_2488 : memref<128xi32, #tpu.memory_space<vmem>>) semaphore(%dma_start3A_2493 : memref<!tpu.dma_semaphore, #tpu.memory_space<semaphore_mem>>) {add = true}
    %dma_start3A_2494 = arith.constant 2 : i32
    %dma_start3A_2495 = arith.constant 2 : i32
    %dma_start3A_2496 = arith.constant 128 : i32
    %dma_start3A_2497 = arith.constant 0 : i32
    %dma_start3A_2498 = tpu.memref_slice %arg7[%dma_start3A_2494, %dma_start3A_2496, %dma_start3A_2497] : memref<3x256x128xf32, #tpu.memory_space<vmem>> -> memref<1x128x128xf32, #tpu.memory_space<vmem>>
    %dma_start3A_2499 = tpu.memref_squeeze %dma_start3A_2498 : memref<1x128x128xf32, #tpu.memory_space<vmem>> -> memref<128x128xf32, #tpu.memory_space<vmem>>
    %dma_start3A_2500 = arith.constant 5248 : i32
    %dma_start3A_2501 = tpu.memref_slice %arg6[%dma_start3A_2500] : memref<6400xi32, #tpu.memory_space<vmem>> -> memref<128xi32, #tpu.memory_space<vmem>>
    %dma_start3A_2502 = arith.constant 0 : i32
    %dma_start3A_2503 = arith.constant 0 : i32
    %dma_start3A_2504 = tpu.memref_slice %arg4[%dma_start3A_2502, %dma_start3A_2503] : memref<100000x128xf32, #tpu.memory_space<hbm>> -> memref<100000x128xf32, #tpu.memory_space<hbm>>
    %dma_start3A_2505 = tpu.memref_slice %arg9[%dma_start3A_2495] : memref<3x!tpu.dma_semaphore, #tpu.memory_space<semaphore_mem>> -> memref<1x!tpu.dma_semaphore, #tpu.memory_space<semaphore_mem>>
    %dma_start3A_2506 = tpu.memref_squeeze %dma_start3A_2505 : memref<1x!tpu.dma_semaphore, #tpu.memory_space<semaphore_mem>> -> memref<!tpu.dma_semaphore, #tpu.memory_space<semaphore_mem>>
    tpu.enqueue_indirect_dma source(%dma_start3A_2504 : memref<100000x128xf32, #tpu.memory_space<hbm>>) target(%dma_start3A_2499 : memref<128x128xf32, #tpu.memory_space<vmem>>) offsets(%dma_start3A_2501 : memref<128xi32, #tpu.memory_space<vmem>>) semaphore(%dma_start3A_2506 : memref<!tpu.dma_semaphore, #tpu.memory_space<semaphore_mem>>) {add = true}
    %add3A_2507 = arith.constant 4608 : i32
    %add3A_2508 = arith.addi %mul3A_2, %add3A_2507 : i32
    %dma_wait3A_2509 = arith.constant 0 : i32
    %dma_wait3A_2510 = arith.constant 0 : i32
    %dma_wait3A_2511 = arith.constant 0 : i32
    %dma_wait3A_2512 = arith.constant 0 : i32
    %dma_wait3A_2513 = tpu.memref_slice %arg7[%dma_wait3A_2509, %dma_wait3A_2511, %dma_wait3A_2512] : memref<3x256x128xf32, #tpu.memory_space<vmem>> -> memref<1x256x128xf32, #tpu.memory_space<vmem>>
    %dma_wait3A_2514 = tpu.memref_squeeze %dma_wait3A_2513 : memref<1x256x128xf32, #tpu.memory_space<vmem>> -> memref<256x128xf32, #tpu.memory_space<vmem>>
    %dma_wait3A_2515 = arith.constant 0 : i32
    %dma_wait3A_2516 = tpu.memref_slice %arg5[%add3A_2508, %dma_wait3A_2515] : memref<204800x128xf32, #tpu.memory_space<hbm>> -> memref<256x128xf32, #tpu.memory_space<hbm>>
    %dma_wait3A_2517 = tpu.memref_slice %arg10[%dma_wait3A_2510] : memref<3x!tpu.dma_semaphore, #tpu.memory_space<semaphore_mem>> -> memref<1x!tpu.dma_semaphore, #tpu.memory_space<semaphore_mem>>
    %dma_wait3A_2518 = tpu.memref_squeeze %dma_wait3A_2517 : memref<1x!tpu.dma_semaphore, #tpu.memory_space<semaphore_mem>> -> memref<!tpu.dma_semaphore, #tpu.memory_space<semaphore_mem>>
    %dma_wait3A_2519 = arith.constant 0 : i32
    %dma_wait3A_2520 = tpu.memref_slice %arg5[%add3A_2508, %dma_wait3A_2519] : memref<204800x128xf32, #tpu.memory_space<hbm>> -> memref<256x128xf32, #tpu.memory_space<hbm>>
    %dma_wait3A_2521 = arith.constant 0 : i32
    %dma_wait3A_2522 = arith.constant 0 : i32
    %dma_wait3A_2523 = tpu.memref_slice %arg7[%dma_wait3A_2509, %dma_wait3A_2521, %dma_wait3A_2522] : memref<3x256x128xf32, #tpu.memory_space<vmem>> -> memref<1x256x128xf32, #tpu.memory_space<vmem>>
    %dma_wait3A_2524 = tpu.memref_squeeze %dma_wait3A_2523 : memref<1x256x128xf32, #tpu.memory_space<vmem>> -> memref<256x128xf32, #tpu.memory_space<vmem>>
    tpu.wait_dma2 semaphore(%dma_wait3A_2518 : memref<!tpu.dma_semaphore, #tpu.memory_space<semaphore_mem>>) src(%dma_wait3A_2524 : memref<256x128xf32, #tpu.memory_space<vmem>>) dst(%dma_wait3A_2520 : memref<256x128xf32, #tpu.memory_space<hbm>>)
    %add3A_2525 = arith.constant 5376 : i32
    %add3A_2526 = arith.addi %mul3A_2, %add3A_2525 : i32
    %dma_start3A_2527 = arith.constant 0 : i32
    %dma_start3A_2528 = arith.constant 0 : i32
    %dma_start3A_2529 = arith.constant 0 : i32
    %dma_start3A_2530 = arith.constant 0 : i32
    %dma_start3A_2531 = tpu.memref_slice %arg7[%dma_start3A_2527, %dma_start3A_2529, %dma_start3A_2530] : memref<3x256x128xf32, #tpu.memory_space<vmem>> -> memref<1x256x128xf32, #tpu.memory_space<vmem>>
    %dma_start3A_2532 = tpu.memref_squeeze %dma_start3A_2531 : memref<1x256x128xf32, #tpu.memory_space<vmem>> -> memref<256x128xf32, #tpu.memory_space<vmem>>
    %dma_start3A_2533 = arith.constant 0 : i32
    %dma_start3A_2534 = tpu.memref_slice %arg2[%add3A_2526, %dma_start3A_2533] : memref<204800x128xf32, #tpu.memory_space<hbm>> -> memref<256x128xf32, #tpu.memory_space<hbm>>
    %dma_start3A_2535 = tpu.memref_slice %arg8[%dma_start3A_2528] : memref<3x!tpu.dma_semaphore, #tpu.memory_space<semaphore_mem>> -> memref<1x!tpu.dma_semaphore, #tpu.memory_space<semaphore_mem>>
    %dma_start3A_2536 = tpu.memref_squeeze %dma_start3A_2535 : memref<1x!tpu.dma_semaphore, #tpu.memory_space<semaphore_mem>> -> memref<!tpu.dma_semaphore, #tpu.memory_space<semaphore_mem>>
    %dma_start3A_2537 = arith.constant 0 : i32
    %dma_start3A_2538 = arith.constant 0 : i32
    %dma_start3A_2539 = tpu.memref_slice %arg7[%dma_start3A_2527, %dma_start3A_2537, %dma_start3A_2538] : memref<3x256x128xf32, #tpu.memory_space<vmem>> -> memref<1x256x128xf32, #tpu.memory_space<vmem>>
    %dma_start3A_2540 = tpu.memref_squeeze %dma_start3A_2539 : memref<1x256x128xf32, #tpu.memory_space<vmem>> -> memref<256x128xf32, #tpu.memory_space<vmem>>
    %dma_start3A_2541 = arith.constant 0 : i32
    %dma_start3A_2542 = tpu.memref_slice %arg2[%add3A_2526, %dma_start3A_2541] : memref<204800x128xf32, #tpu.memory_space<hbm>> -> memref<256x128xf32, #tpu.memory_space<hbm>>
    tpu.enqueue_dma source(%dma_start3A_2542 : memref<256x128xf32, #tpu.memory_space<hbm>>) target(%dma_start3A_2540 : memref<256x128xf32, #tpu.memory_space<vmem>>) target_semaphore(%dma_start3A_2536 : memref<!tpu.dma_semaphore, #tpu.memory_space<semaphore_mem>>)
    %dma_wait3A_2543 = arith.constant 2 : i32
    %dma_wait3A_2544 = arith.constant 2 : i32
    %dma_wait3A_2545 = arith.constant 0 : i32
    %dma_wait3A_2546 = arith.constant 0 : i32
    %dma_wait3A_2547 = tpu.memref_slice %arg7[%dma_wait3A_2543, %dma_wait3A_2545, %dma_wait3A_2546] : memref<3x256x128xf32, #tpu.memory_space<vmem>> -> memref<1x128x128xf32, #tpu.memory_space<vmem>>
    %dma_wait3A_2548 = tpu.memref_squeeze %dma_wait3A_2547 : memref<1x128x128xf32, #tpu.memory_space<vmem>> -> memref<128x128xf32, #tpu.memory_space<vmem>>
    %dma_wait3A_2549 = arith.constant 5120 : i32
    %dma_wait3A_2550 = tpu.memref_slice %arg6[%dma_wait3A_2549] : memref<6400xi32, #tpu.memory_space<vmem>> -> memref<128xi32, #tpu.memory_space<vmem>>
    %dma_wait3A_2551 = arith.constant 0 : i32
    %dma_wait3A_2552 = arith.constant 0 : i32
    %dma_wait3A_2553 = tpu.memref_slice %arg4[%dma_wait3A_2551, %dma_wait3A_2552] : memref<100000x128xf32, #tpu.memory_space<hbm>> -> memref<100000x128xf32, #tpu.memory_space<hbm>>
    %dma_wait3A_2554 = tpu.memref_slice %arg9[%dma_wait3A_2544] : memref<3x!tpu.dma_semaphore, #tpu.memory_space<semaphore_mem>> -> memref<1x!tpu.dma_semaphore, #tpu.memory_space<semaphore_mem>>
    %dma_wait3A_2555 = tpu.memref_squeeze %dma_wait3A_2554 : memref<1x!tpu.dma_semaphore, #tpu.memory_space<semaphore_mem>> -> memref<!tpu.dma_semaphore, #tpu.memory_space<semaphore_mem>>
    tpu.wait_indirect_dma semaphore(%dma_wait3A_2555 : memref<!tpu.dma_semaphore, #tpu.memory_space<semaphore_mem>>) src(%dma_wait3A_2553 : memref<100000x128xf32, #tpu.memory_space<hbm>>) dst(%dma_wait3A_2548 : memref<128x128xf32, #tpu.memory_space<vmem>>)
    %dma_wait3A_2556 = arith.constant 2 : i32
    %dma_wait3A_2557 = arith.constant 2 : i32
    %dma_wait3A_2558 = arith.constant 128 : i32
    %dma_wait3A_2559 = arith.constant 0 : i32
    %dma_wait3A_2560 = tpu.memref_slice %arg7[%dma_wait3A_2556, %dma_wait3A_2558, %dma_wait3A_2559] : memref<3x256x128xf32, #tpu.memory_space<vmem>> -> memref<1x128x128xf32, #tpu.memory_space<vmem>>
    %dma_wait3A_2561 = tpu.memref_squeeze %dma_wait3A_2560 : memref<1x128x128xf32, #tpu.memory_space<vmem>> -> memref<128x128xf32, #tpu.memory_space<vmem>>
    %dma_wait3A_2562 = arith.constant 5248 : i32
    %dma_wait3A_2563 = tpu.memref_slice %arg6[%dma_wait3A_2562] : memref<6400xi32, #tpu.memory_space<vmem>> -> memref<128xi32, #tpu.memory_space<vmem>>
    %dma_wait3A_2564 = arith.constant 0 : i32
    %dma_wait3A_2565 = arith.constant 0 : i32
    %dma_wait3A_2566 = tpu.memref_slice %arg4[%dma_wait3A_2564, %dma_wait3A_2565] : memref<100000x128xf32, #tpu.memory_space<hbm>> -> memref<100000x128xf32, #tpu.memory_space<hbm>>
    %dma_wait3A_2567 = tpu.memref_slice %arg9[%dma_wait3A_2557] : memref<3x!tpu.dma_semaphore, #tpu.memory_space<semaphore_mem>> -> memref<1x!tpu.dma_semaphore, #tpu.memory_space<semaphore_mem>>
    %dma_wait3A_2568 = tpu.memref_squeeze %dma_wait3A_2567 : memref<1x!tpu.dma_semaphore, #tpu.memory_space<semaphore_mem>> -> memref<!tpu.dma_semaphore, #tpu.memory_space<semaphore_mem>>
    tpu.wait_indirect_dma semaphore(%dma_wait3A_2568 : memref<!tpu.dma_semaphore, #tpu.memory_space<semaphore_mem>>) src(%dma_wait3A_2566 : memref<100000x128xf32, #tpu.memory_space<hbm>>) dst(%dma_wait3A_2561 : memref<128x128xf32, #tpu.memory_space<vmem>>)
    %add3A_2569 = arith.constant 5120 : i32
    %add3A_2570 = arith.addi %mul3A_2, %add3A_2569 : i32
    %dma_start3A_2571 = arith.constant 2 : i32
    %dma_start3A_2572 = arith.constant 2 : i32
    %dma_start3A_2573 = arith.constant 0 : i32
    %dma_start3A_2574 = arith.constant 0 : i32
    %dma_start3A_2575 = tpu.memref_slice %arg7[%dma_start3A_2571, %dma_start3A_2573, %dma_start3A_2574] : memref<3x256x128xf32, #tpu.memory_space<vmem>> -> memref<1x256x128xf32, #tpu.memory_space<vmem>>
    %dma_start3A_2576 = tpu.memref_squeeze %dma_start3A_2575 : memref<1x256x128xf32, #tpu.memory_space<vmem>> -> memref<256x128xf32, #tpu.memory_space<vmem>>
    %dma_start3A_2577 = arith.constant 0 : i32
    %dma_start3A_2578 = tpu.memref_slice %arg5[%add3A_2570, %dma_start3A_2577] : memref<204800x128xf32, #tpu.memory_space<hbm>> -> memref<256x128xf32, #tpu.memory_space<hbm>>
    %dma_start3A_2579 = tpu.memref_slice %arg10[%dma_start3A_2572] : memref<3x!tpu.dma_semaphore, #tpu.memory_space<semaphore_mem>> -> memref<1x!tpu.dma_semaphore, #tpu.memory_space<semaphore_mem>>
    %dma_start3A_2580 = tpu.memref_squeeze %dma_start3A_2579 : memref<1x!tpu.dma_semaphore, #tpu.memory_space<semaphore_mem>> -> memref<!tpu.dma_semaphore, #tpu.memory_space<semaphore_mem>>
    %dma_start3A_2581 = arith.constant 0 : i32
    %dma_start3A_2582 = tpu.memref_slice %arg5[%add3A_2570, %dma_start3A_2581] : memref<204800x128xf32, #tpu.memory_space<hbm>> -> memref<256x128xf32, #tpu.memory_space<hbm>>
    %dma_start3A_2583 = arith.constant 0 : i32
    %dma_start3A_2584 = arith.constant 0 : i32
    %dma_start3A_2585 = tpu.memref_slice %arg7[%dma_start3A_2571, %dma_start3A_2583, %dma_start3A_2584] : memref<3x256x128xf32, #tpu.memory_space<vmem>> -> memref<1x256x128xf32, #tpu.memory_space<vmem>>
    %dma_start3A_2586 = tpu.memref_squeeze %dma_start3A_2585 : memref<1x256x128xf32, #tpu.memory_space<vmem>> -> memref<256x128xf32, #tpu.memory_space<vmem>>
    tpu.enqueue_dma source(%dma_start3A_2586 : memref<256x128xf32, #tpu.memory_space<vmem>>) target(%dma_start3A_2582 : memref<256x128xf32, #tpu.memory_space<hbm>>) target_semaphore(%dma_start3A_2580 : memref<!tpu.dma_semaphore, #tpu.memory_space<semaphore_mem>>)
    %add3A_2587 = arith.constant 5376 : i32
    %add3A_2588 = arith.addi %mul3A_2, %add3A_2587 : i32
    %dma_wait3A_2589 = arith.constant 0 : i32
    %dma_wait3A_2590 = arith.constant 0 : i32
    %dma_wait3A_2591 = arith.constant 0 : i32
    %dma_wait3A_2592 = arith.constant 0 : i32
    %dma_wait3A_2593 = tpu.memref_slice %arg7[%dma_wait3A_2589, %dma_wait3A_2591, %dma_wait3A_2592] : memref<3x256x128xf32, #tpu.memory_space<vmem>> -> memref<1x256x128xf32, #tpu.memory_space<vmem>>
    %dma_wait3A_2594 = tpu.memref_squeeze %dma_wait3A_2593 : memref<1x256x128xf32, #tpu.memory_space<vmem>> -> memref<256x128xf32, #tpu.memory_space<vmem>>
    %dma_wait3A_2595 = arith.constant 0 : i32
    %dma_wait3A_2596 = tpu.memref_slice %arg2[%add3A_2588, %dma_wait3A_2595] : memref<204800x128xf32, #tpu.memory_space<hbm>> -> memref<256x128xf32, #tpu.memory_space<hbm>>
    %dma_wait3A_2597 = tpu.memref_slice %arg8[%dma_wait3A_2590] : memref<3x!tpu.dma_semaphore, #tpu.memory_space<semaphore_mem>> -> memref<1x!tpu.dma_semaphore, #tpu.memory_space<semaphore_mem>>
    %dma_wait3A_2598 = tpu.memref_squeeze %dma_wait3A_2597 : memref<1x!tpu.dma_semaphore, #tpu.memory_space<semaphore_mem>> -> memref<!tpu.dma_semaphore, #tpu.memory_space<semaphore_mem>>
    %dma_wait3A_2599 = arith.constant 0 : i32
    %dma_wait3A_2600 = arith.constant 0 : i32
    %dma_wait3A_2601 = tpu.memref_slice %arg7[%dma_wait3A_2589, %dma_wait3A_2599, %dma_wait3A_2600] : memref<3x256x128xf32, #tpu.memory_space<vmem>> -> memref<1x256x128xf32, #tpu.memory_space<vmem>>
    %dma_wait3A_2602 = tpu.memref_squeeze %dma_wait3A_2601 : memref<1x256x128xf32, #tpu.memory_space<vmem>> -> memref<256x128xf32, #tpu.memory_space<vmem>>
    %dma_wait3A_2603 = arith.constant 0 : i32
    %dma_wait3A_2604 = tpu.memref_slice %arg2[%add3A_2588, %dma_wait3A_2603] : memref<204800x128xf32, #tpu.memory_space<hbm>> -> memref<256x128xf32, #tpu.memory_space<hbm>>
    tpu.wait_dma2 semaphore(%dma_wait3A_2598 : memref<!tpu.dma_semaphore, #tpu.memory_space<semaphore_mem>>) src(%dma_wait3A_2604 : memref<256x128xf32, #tpu.memory_space<hbm>>) dst(%dma_wait3A_2602 : memref<256x128xf32, #tpu.memory_space<vmem>>)
    %dma_start3A_2605 = arith.constant 0 : i32
    %dma_start3A_2606 = arith.constant 0 : i32
    %dma_start3A_2607 = arith.constant 0 : i32
    %dma_start3A_2608 = arith.constant 0 : i32
    %dma_start3A_2609 = tpu.memref_slice %arg7[%dma_start3A_2605, %dma_start3A_2607, %dma_start3A_2608] : memref<3x256x128xf32, #tpu.memory_space<vmem>> -> memref<1x128x128xf32, #tpu.memory_space<vmem>>
    %dma_start3A_2610 = tpu.memref_squeeze %dma_start3A_2609 : memref<1x128x128xf32, #tpu.memory_space<vmem>> -> memref<128x128xf32, #tpu.memory_space<vmem>>
    %dma_start3A_2611 = arith.constant 5376 : i32
    %dma_start3A_2612 = tpu.memref_slice %arg6[%dma_start3A_2611] : memref<6400xi32, #tpu.memory_space<vmem>> -> memref<128xi32, #tpu.memory_space<vmem>>
    %dma_start3A_2613 = arith.constant 0 : i32
    %dma_start3A_2614 = arith.constant 0 : i32
    %dma_start3A_2615 = tpu.memref_slice %arg4[%dma_start3A_2613, %dma_start3A_2614] : memref<100000x128xf32, #tpu.memory_space<hbm>> -> memref<100000x128xf32, #tpu.memory_space<hbm>>
    %dma_start3A_2616 = tpu.memref_slice %arg9[%dma_start3A_2606] : memref<3x!tpu.dma_semaphore, #tpu.memory_space<semaphore_mem>> -> memref<1x!tpu.dma_semaphore, #tpu.memory_space<semaphore_mem>>
    %dma_start3A_2617 = tpu.memref_squeeze %dma_start3A_2616 : memref<1x!tpu.dma_semaphore, #tpu.memory_space<semaphore_mem>> -> memref<!tpu.dma_semaphore, #tpu.memory_space<semaphore_mem>>
    tpu.enqueue_indirect_dma source(%dma_start3A_2615 : memref<100000x128xf32, #tpu.memory_space<hbm>>) target(%dma_start3A_2610 : memref<128x128xf32, #tpu.memory_space<vmem>>) offsets(%dma_start3A_2612 : memref<128xi32, #tpu.memory_space<vmem>>) semaphore(%dma_start3A_2617 : memref<!tpu.dma_semaphore, #tpu.memory_space<semaphore_mem>>) {add = true}
    %dma_start3A_2618 = arith.constant 0 : i32
    %dma_start3A_2619 = arith.constant 0 : i32
    %dma_start3A_2620 = arith.constant 128 : i32
    %dma_start3A_2621 = arith.constant 0 : i32
    %dma_start3A_2622 = tpu.memref_slice %arg7[%dma_start3A_2618, %dma_start3A_2620, %dma_start3A_2621] : memref<3x256x128xf32, #tpu.memory_space<vmem>> -> memref<1x128x128xf32, #tpu.memory_space<vmem>>
    %dma_start3A_2623 = tpu.memref_squeeze %dma_start3A_2622 : memref<1x128x128xf32, #tpu.memory_space<vmem>> -> memref<128x128xf32, #tpu.memory_space<vmem>>
    %dma_start3A_2624 = arith.constant 5504 : i32
    %dma_start3A_2625 = tpu.memref_slice %arg6[%dma_start3A_2624] : memref<6400xi32, #tpu.memory_space<vmem>> -> memref<128xi32, #tpu.memory_space<vmem>>
    %dma_start3A_2626 = arith.constant 0 : i32
    %dma_start3A_2627 = arith.constant 0 : i32
    %dma_start3A_2628 = tpu.memref_slice %arg4[%dma_start3A_2626, %dma_start3A_2627] : memref<100000x128xf32, #tpu.memory_space<hbm>> -> memref<100000x128xf32, #tpu.memory_space<hbm>>
    %dma_start3A_2629 = tpu.memref_slice %arg9[%dma_start3A_2619] : memref<3x!tpu.dma_semaphore, #tpu.memory_space<semaphore_mem>> -> memref<1x!tpu.dma_semaphore, #tpu.memory_space<semaphore_mem>>
    %dma_start3A_2630 = tpu.memref_squeeze %dma_start3A_2629 : memref<1x!tpu.dma_semaphore, #tpu.memory_space<semaphore_mem>> -> memref<!tpu.dma_semaphore, #tpu.memory_space<semaphore_mem>>
    tpu.enqueue_indirect_dma source(%dma_start3A_2628 : memref<100000x128xf32, #tpu.memory_space<hbm>>) target(%dma_start3A_2623 : memref<128x128xf32, #tpu.memory_space<vmem>>) offsets(%dma_start3A_2625 : memref<128xi32, #tpu.memory_space<vmem>>) semaphore(%dma_start3A_2630 : memref<!tpu.dma_semaphore, #tpu.memory_space<semaphore_mem>>) {add = true}
    %add3A_2631 = arith.constant 4864 : i32
    %add3A_2632 = arith.addi %mul3A_2, %add3A_2631 : i32
    %dma_wait3A_2633 = arith.constant 1 : i32
    %dma_wait3A_2634 = arith.constant 1 : i32
    %dma_wait3A_2635 = arith.constant 0 : i32
    %dma_wait3A_2636 = arith.constant 0 : i32
    %dma_wait3A_2637 = tpu.memref_slice %arg7[%dma_wait3A_2633, %dma_wait3A_2635, %dma_wait3A_2636] : memref<3x256x128xf32, #tpu.memory_space<vmem>> -> memref<1x256x128xf32, #tpu.memory_space<vmem>>
    %dma_wait3A_2638 = tpu.memref_squeeze %dma_wait3A_2637 : memref<1x256x128xf32, #tpu.memory_space<vmem>> -> memref<256x128xf32, #tpu.memory_space<vmem>>
    %dma_wait3A_2639 = arith.constant 0 : i32
    %dma_wait3A_2640 = tpu.memref_slice %arg5[%add3A_2632, %dma_wait3A_2639] : memref<204800x128xf32, #tpu.memory_space<hbm>> -> memref<256x128xf32, #tpu.memory_space<hbm>>
    %dma_wait3A_2641 = tpu.memref_slice %arg10[%dma_wait3A_2634] : memref<3x!tpu.dma_semaphore, #tpu.memory_space<semaphore_mem>> -> memref<1x!tpu.dma_semaphore, #tpu.memory_space<semaphore_mem>>
    %dma_wait3A_2642 = tpu.memref_squeeze %dma_wait3A_2641 : memref<1x!tpu.dma_semaphore, #tpu.memory_space<semaphore_mem>> -> memref<!tpu.dma_semaphore, #tpu.memory_space<semaphore_mem>>
    %dma_wait3A_2643 = arith.constant 0 : i32
    %dma_wait3A_2644 = tpu.memref_slice %arg5[%add3A_2632, %dma_wait3A_2643] : memref<204800x128xf32, #tpu.memory_space<hbm>> -> memref<256x128xf32, #tpu.memory_space<hbm>>
    %dma_wait3A_2645 = arith.constant 0 : i32
    %dma_wait3A_2646 = arith.constant 0 : i32
    %dma_wait3A_2647 = tpu.memref_slice %arg7[%dma_wait3A_2633, %dma_wait3A_2645, %dma_wait3A_2646] : memref<3x256x128xf32, #tpu.memory_space<vmem>> -> memref<1x256x128xf32, #tpu.memory_space<vmem>>
    %dma_wait3A_2648 = tpu.memref_squeeze %dma_wait3A_2647 : memref<1x256x128xf32, #tpu.memory_space<vmem>> -> memref<256x128xf32, #tpu.memory_space<vmem>>
    tpu.wait_dma2 semaphore(%dma_wait3A_2642 : memref<!tpu.dma_semaphore, #tpu.memory_space<semaphore_mem>>) src(%dma_wait3A_2648 : memref<256x128xf32, #tpu.memory_space<vmem>>) dst(%dma_wait3A_2644 : memref<256x128xf32, #tpu.memory_space<hbm>>)
    %add3A_2649 = arith.constant 5632 : i32
    %add3A_2650 = arith.addi %mul3A_2, %add3A_2649 : i32
    %dma_start3A_2651 = arith.constant 1 : i32
    %dma_start3A_2652 = arith.constant 1 : i32
    %dma_start3A_2653 = arith.constant 0 : i32
    %dma_start3A_2654 = arith.constant 0 : i32
    %dma_start3A_2655 = tpu.memref_slice %arg7[%dma_start3A_2651, %dma_start3A_2653, %dma_start3A_2654] : memref<3x256x128xf32, #tpu.memory_space<vmem>> -> memref<1x256x128xf32, #tpu.memory_space<vmem>>
    %dma_start3A_2656 = tpu.memref_squeeze %dma_start3A_2655 : memref<1x256x128xf32, #tpu.memory_space<vmem>> -> memref<256x128xf32, #tpu.memory_space<vmem>>
    %dma_start3A_2657 = arith.constant 0 : i32
    %dma_start3A_2658 = tpu.memref_slice %arg2[%add3A_2650, %dma_start3A_2657] : memref<204800x128xf32, #tpu.memory_space<hbm>> -> memref<256x128xf32, #tpu.memory_space<hbm>>
    %dma_start3A_2659 = tpu.memref_slice %arg8[%dma_start3A_2652] : memref<3x!tpu.dma_semaphore, #tpu.memory_space<semaphore_mem>> -> memref<1x!tpu.dma_semaphore, #tpu.memory_space<semaphore_mem>>
    %dma_start3A_2660 = tpu.memref_squeeze %dma_start3A_2659 : memref<1x!tpu.dma_semaphore, #tpu.memory_space<semaphore_mem>> -> memref<!tpu.dma_semaphore, #tpu.memory_space<semaphore_mem>>
    %dma_start3A_2661 = arith.constant 0 : i32
    %dma_start3A_2662 = arith.constant 0 : i32
    %dma_start3A_2663 = tpu.memref_slice %arg7[%dma_start3A_2651, %dma_start3A_2661, %dma_start3A_2662] : memref<3x256x128xf32, #tpu.memory_space<vmem>> -> memref<1x256x128xf32, #tpu.memory_space<vmem>>
    %dma_start3A_2664 = tpu.memref_squeeze %dma_start3A_2663 : memref<1x256x128xf32, #tpu.memory_space<vmem>> -> memref<256x128xf32, #tpu.memory_space<vmem>>
    %dma_start3A_2665 = arith.constant 0 : i32
    %dma_start3A_2666 = tpu.memref_slice %arg2[%add3A_2650, %dma_start3A_2665] : memref<204800x128xf32, #tpu.memory_space<hbm>> -> memref<256x128xf32, #tpu.memory_space<hbm>>
    tpu.enqueue_dma source(%dma_start3A_2666 : memref<256x128xf32, #tpu.memory_space<hbm>>) target(%dma_start3A_2664 : memref<256x128xf32, #tpu.memory_space<vmem>>) target_semaphore(%dma_start3A_2660 : memref<!tpu.dma_semaphore, #tpu.memory_space<semaphore_mem>>)
    %dma_wait3A_2667 = arith.constant 0 : i32
    %dma_wait3A_2668 = arith.constant 0 : i32
    %dma_wait3A_2669 = arith.constant 0 : i32
    %dma_wait3A_2670 = arith.constant 0 : i32
    %dma_wait3A_2671 = tpu.memref_slice %arg7[%dma_wait3A_2667, %dma_wait3A_2669, %dma_wait3A_2670] : memref<3x256x128xf32, #tpu.memory_space<vmem>> -> memref<1x128x128xf32, #tpu.memory_space<vmem>>
    %dma_wait3A_2672 = tpu.memref_squeeze %dma_wait3A_2671 : memref<1x128x128xf32, #tpu.memory_space<vmem>> -> memref<128x128xf32, #tpu.memory_space<vmem>>
    %dma_wait3A_2673 = arith.constant 5376 : i32
    %dma_wait3A_2674 = tpu.memref_slice %arg6[%dma_wait3A_2673] : memref<6400xi32, #tpu.memory_space<vmem>> -> memref<128xi32, #tpu.memory_space<vmem>>
    %dma_wait3A_2675 = arith.constant 0 : i32
    %dma_wait3A_2676 = arith.constant 0 : i32
    %dma_wait3A_2677 = tpu.memref_slice %arg4[%dma_wait3A_2675, %dma_wait3A_2676] : memref<100000x128xf32, #tpu.memory_space<hbm>> -> memref<100000x128xf32, #tpu.memory_space<hbm>>
    %dma_wait3A_2678 = tpu.memref_slice %arg9[%dma_wait3A_2668] : memref<3x!tpu.dma_semaphore, #tpu.memory_space<semaphore_mem>> -> memref<1x!tpu.dma_semaphore, #tpu.memory_space<semaphore_mem>>
    %dma_wait3A_2679 = tpu.memref_squeeze %dma_wait3A_2678 : memref<1x!tpu.dma_semaphore, #tpu.memory_space<semaphore_mem>> -> memref<!tpu.dma_semaphore, #tpu.memory_space<semaphore_mem>>
    tpu.wait_indirect_dma semaphore(%dma_wait3A_2679 : memref<!tpu.dma_semaphore, #tpu.memory_space<semaphore_mem>>) src(%dma_wait3A_2677 : memref<100000x128xf32, #tpu.memory_space<hbm>>) dst(%dma_wait3A_2672 : memref<128x128xf32, #tpu.memory_space<vmem>>)
    %dma_wait3A_2680 = arith.constant 0 : i32
    %dma_wait3A_2681 = arith.constant 0 : i32
    %dma_wait3A_2682 = arith.constant 128 : i32
    %dma_wait3A_2683 = arith.constant 0 : i32
    %dma_wait3A_2684 = tpu.memref_slice %arg7[%dma_wait3A_2680, %dma_wait3A_2682, %dma_wait3A_2683] : memref<3x256x128xf32, #tpu.memory_space<vmem>> -> memref<1x128x128xf32, #tpu.memory_space<vmem>>
    %dma_wait3A_2685 = tpu.memref_squeeze %dma_wait3A_2684 : memref<1x128x128xf32, #tpu.memory_space<vmem>> -> memref<128x128xf32, #tpu.memory_space<vmem>>
    %dma_wait3A_2686 = arith.constant 5504 : i32
    %dma_wait3A_2687 = tpu.memref_slice %arg6[%dma_wait3A_2686] : memref<6400xi32, #tpu.memory_space<vmem>> -> memref<128xi32, #tpu.memory_space<vmem>>
    %dma_wait3A_2688 = arith.constant 0 : i32
    %dma_wait3A_2689 = arith.constant 0 : i32
    %dma_wait3A_2690 = tpu.memref_slice %arg4[%dma_wait3A_2688, %dma_wait3A_2689] : memref<100000x128xf32, #tpu.memory_space<hbm>> -> memref<100000x128xf32, #tpu.memory_space<hbm>>
    %dma_wait3A_2691 = tpu.memref_slice %arg9[%dma_wait3A_2681] : memref<3x!tpu.dma_semaphore, #tpu.memory_space<semaphore_mem>> -> memref<1x!tpu.dma_semaphore, #tpu.memory_space<semaphore_mem>>
    %dma_wait3A_2692 = tpu.memref_squeeze %dma_wait3A_2691 : memref<1x!tpu.dma_semaphore, #tpu.memory_space<semaphore_mem>> -> memref<!tpu.dma_semaphore, #tpu.memory_space<semaphore_mem>>
    tpu.wait_indirect_dma semaphore(%dma_wait3A_2692 : memref<!tpu.dma_semaphore, #tpu.memory_space<semaphore_mem>>) src(%dma_wait3A_2690 : memref<100000x128xf32, #tpu.memory_space<hbm>>) dst(%dma_wait3A_2685 : memref<128x128xf32, #tpu.memory_space<vmem>>)
    %add3A_2693 = arith.constant 5376 : i32
    %add3A_2694 = arith.addi %mul3A_2, %add3A_2693 : i32
    %dma_start3A_2695 = arith.constant 0 : i32
    %dma_start3A_2696 = arith.constant 0 : i32
    %dma_start3A_2697 = arith.constant 0 : i32
    %dma_start3A_2698 = arith.constant 0 : i32
    %dma_start3A_2699 = tpu.memref_slice %arg7[%dma_start3A_2695, %dma_start3A_2697, %dma_start3A_2698] : memref<3x256x128xf32, #tpu.memory_space<vmem>> -> memref<1x256x128xf32, #tpu.memory_space<vmem>>
    %dma_start3A_2700 = tpu.memref_squeeze %dma_start3A_2699 : memref<1x256x128xf32, #tpu.memory_space<vmem>> -> memref<256x128xf32, #tpu.memory_space<vmem>>
    %dma_start3A_2701 = arith.constant 0 : i32
    %dma_start3A_2702 = tpu.memref_slice %arg5[%add3A_2694, %dma_start3A_2701] : memref<204800x128xf32, #tpu.memory_space<hbm>> -> memref<256x128xf32, #tpu.memory_space<hbm>>
    %dma_start3A_2703 = tpu.memref_slice %arg10[%dma_start3A_2696] : memref<3x!tpu.dma_semaphore, #tpu.memory_space<semaphore_mem>> -> memref<1x!tpu.dma_semaphore, #tpu.memory_space<semaphore_mem>>
    %dma_start3A_2704 = tpu.memref_squeeze %dma_start3A_2703 : memref<1x!tpu.dma_semaphore, #tpu.memory_space<semaphore_mem>> -> memref<!tpu.dma_semaphore, #tpu.memory_space<semaphore_mem>>
    %dma_start3A_2705 = arith.constant 0 : i32
    %dma_start3A_2706 = tpu.memref_slice %arg5[%add3A_2694, %dma_start3A_2705] : memref<204800x128xf32, #tpu.memory_space<hbm>> -> memref<256x128xf32, #tpu.memory_space<hbm>>
    %dma_start3A_2707 = arith.constant 0 : i32
    %dma_start3A_2708 = arith.constant 0 : i32
    %dma_start3A_2709 = tpu.memref_slice %arg7[%dma_start3A_2695, %dma_start3A_2707, %dma_start3A_2708] : memref<3x256x128xf32, #tpu.memory_space<vmem>> -> memref<1x256x128xf32, #tpu.memory_space<vmem>>
    %dma_start3A_2710 = tpu.memref_squeeze %dma_start3A_2709 : memref<1x256x128xf32, #tpu.memory_space<vmem>> -> memref<256x128xf32, #tpu.memory_space<vmem>>
    tpu.enqueue_dma source(%dma_start3A_2710 : memref<256x128xf32, #tpu.memory_space<vmem>>) target(%dma_start3A_2706 : memref<256x128xf32, #tpu.memory_space<hbm>>) target_semaphore(%dma_start3A_2704 : memref<!tpu.dma_semaphore, #tpu.memory_space<semaphore_mem>>)
    %add3A_2711 = arith.constant 5632 : i32
    %add3A_2712 = arith.addi %mul3A_2, %add3A_2711 : i32
    %dma_wait3A_2713 = arith.constant 1 : i32
    %dma_wait3A_2714 = arith.constant 1 : i32
    %dma_wait3A_2715 = arith.constant 0 : i32
    %dma_wait3A_2716 = arith.constant 0 : i32
    %dma_wait3A_2717 = tpu.memref_slice %arg7[%dma_wait3A_2713, %dma_wait3A_2715, %dma_wait3A_2716] : memref<3x256x128xf32, #tpu.memory_space<vmem>> -> memref<1x256x128xf32, #tpu.memory_space<vmem>>
    %dma_wait3A_2718 = tpu.memref_squeeze %dma_wait3A_2717 : memref<1x256x128xf32, #tpu.memory_space<vmem>> -> memref<256x128xf32, #tpu.memory_space<vmem>>
    %dma_wait3A_2719 = arith.constant 0 : i32
    %dma_wait3A_2720 = tpu.memref_slice %arg2[%add3A_2712, %dma_wait3A_2719] : memref<204800x128xf32, #tpu.memory_space<hbm>> -> memref<256x128xf32, #tpu.memory_space<hbm>>
    %dma_wait3A_2721 = tpu.memref_slice %arg8[%dma_wait3A_2714] : memref<3x!tpu.dma_semaphore, #tpu.memory_space<semaphore_mem>> -> memref<1x!tpu.dma_semaphore, #tpu.memory_space<semaphore_mem>>
    %dma_wait3A_2722 = tpu.memref_squeeze %dma_wait3A_2721 : memref<1x!tpu.dma_semaphore, #tpu.memory_space<semaphore_mem>> -> memref<!tpu.dma_semaphore, #tpu.memory_space<semaphore_mem>>
    %dma_wait3A_2723 = arith.constant 0 : i32
    %dma_wait3A_2724 = arith.constant 0 : i32
    %dma_wait3A_2725 = tpu.memref_slice %arg7[%dma_wait3A_2713, %dma_wait3A_2723, %dma_wait3A_2724] : memref<3x256x128xf32, #tpu.memory_space<vmem>> -> memref<1x256x128xf32, #tpu.memory_space<vmem>>
    %dma_wait3A_2726 = tpu.memref_squeeze %dma_wait3A_2725 : memref<1x256x128xf32, #tpu.memory_space<vmem>> -> memref<256x128xf32, #tpu.memory_space<vmem>>
    %dma_wait3A_2727 = arith.constant 0 : i32
    %dma_wait3A_2728 = tpu.memref_slice %arg2[%add3A_2712, %dma_wait3A_2727] : memref<204800x128xf32, #tpu.memory_space<hbm>> -> memref<256x128xf32, #tpu.memory_space<hbm>>
    tpu.wait_dma2 semaphore(%dma_wait3A_2722 : memref<!tpu.dma_semaphore, #tpu.memory_space<semaphore_mem>>) src(%dma_wait3A_2728 : memref<256x128xf32, #tpu.memory_space<hbm>>) dst(%dma_wait3A_2726 : memref<256x128xf32, #tpu.memory_space<vmem>>)
    %dma_start3A_2729 = arith.constant 1 : i32
    %dma_start3A_2730 = arith.constant 1 : i32
    %dma_start3A_2731 = arith.constant 0 : i32
    %dma_start3A_2732 = arith.constant 0 : i32
    %dma_start3A_2733 = tpu.memref_slice %arg7[%dma_start3A_2729, %dma_start3A_2731, %dma_start3A_2732] : memref<3x256x128xf32, #tpu.memory_space<vmem>> -> memref<1x128x128xf32, #tpu.memory_space<vmem>>
    %dma_start3A_2734 = tpu.memref_squeeze %dma_start3A_2733 : memref<1x128x128xf32, #tpu.memory_space<vmem>> -> memref<128x128xf32, #tpu.memory_space<vmem>>
    %dma_start3A_2735 = arith.constant 5632 : i32
    %dma_start3A_2736 = tpu.memref_slice %arg6[%dma_start3A_2735] : memref<6400xi32, #tpu.memory_space<vmem>> -> memref<128xi32, #tpu.memory_space<vmem>>
    %dma_start3A_2737 = arith.constant 0 : i32
    %dma_start3A_2738 = arith.constant 0 : i32
    %dma_start3A_2739 = tpu.memref_slice %arg4[%dma_start3A_2737, %dma_start3A_2738] : memref<100000x128xf32, #tpu.memory_space<hbm>> -> memref<100000x128xf32, #tpu.memory_space<hbm>>
    %dma_start3A_2740 = tpu.memref_slice %arg9[%dma_start3A_2730] : memref<3x!tpu.dma_semaphore, #tpu.memory_space<semaphore_mem>> -> memref<1x!tpu.dma_semaphore, #tpu.memory_space<semaphore_mem>>
    %dma_start3A_2741 = tpu.memref_squeeze %dma_start3A_2740 : memref<1x!tpu.dma_semaphore, #tpu.memory_space<semaphore_mem>> -> memref<!tpu.dma_semaphore, #tpu.memory_space<semaphore_mem>>
    tpu.enqueue_indirect_dma source(%dma_start3A_2739 : memref<100000x128xf32, #tpu.memory_space<hbm>>) target(%dma_start3A_2734 : memref<128x128xf32, #tpu.memory_space<vmem>>) offsets(%dma_start3A_2736 : memref<128xi32, #tpu.memory_space<vmem>>) semaphore(%dma_start3A_2741 : memref<!tpu.dma_semaphore, #tpu.memory_space<semaphore_mem>>) {add = true}
    %dma_start3A_2742 = arith.constant 1 : i32
    %dma_start3A_2743 = arith.constant 1 : i32
    %dma_start3A_2744 = arith.constant 128 : i32
    %dma_start3A_2745 = arith.constant 0 : i32
    %dma_start3A_2746 = tpu.memref_slice %arg7[%dma_start3A_2742, %dma_start3A_2744, %dma_start3A_2745] : memref<3x256x128xf32, #tpu.memory_space<vmem>> -> memref<1x128x128xf32, #tpu.memory_space<vmem>>
    %dma_start3A_2747 = tpu.memref_squeeze %dma_start3A_2746 : memref<1x128x128xf32, #tpu.memory_space<vmem>> -> memref<128x128xf32, #tpu.memory_space<vmem>>
    %dma_start3A_2748 = arith.constant 5760 : i32
    %dma_start3A_2749 = tpu.memref_slice %arg6[%dma_start3A_2748] : memref<6400xi32, #tpu.memory_space<vmem>> -> memref<128xi32, #tpu.memory_space<vmem>>
    %dma_start3A_2750 = arith.constant 0 : i32
    %dma_start3A_2751 = arith.constant 0 : i32
    %dma_start3A_2752 = tpu.memref_slice %arg4[%dma_start3A_2750, %dma_start3A_2751] : memref<100000x128xf32, #tpu.memory_space<hbm>> -> memref<100000x128xf32, #tpu.memory_space<hbm>>
    %dma_start3A_2753 = tpu.memref_slice %arg9[%dma_start3A_2743] : memref<3x!tpu.dma_semaphore, #tpu.memory_space<semaphore_mem>> -> memref<1x!tpu.dma_semaphore, #tpu.memory_space<semaphore_mem>>
    %dma_start3A_2754 = tpu.memref_squeeze %dma_start3A_2753 : memref<1x!tpu.dma_semaphore, #tpu.memory_space<semaphore_mem>> -> memref<!tpu.dma_semaphore, #tpu.memory_space<semaphore_mem>>
    tpu.enqueue_indirect_dma source(%dma_start3A_2752 : memref<100000x128xf32, #tpu.memory_space<hbm>>) target(%dma_start3A_2747 : memref<128x128xf32, #tpu.memory_space<vmem>>) offsets(%dma_start3A_2749 : memref<128xi32, #tpu.memory_space<vmem>>) semaphore(%dma_start3A_2754 : memref<!tpu.dma_semaphore, #tpu.memory_space<semaphore_mem>>) {add = true}
    %add3A_2755 = arith.constant 5120 : i32
    %add3A_2756 = arith.addi %mul3A_2, %add3A_2755 : i32
    %dma_wait3A_2757 = arith.constant 2 : i32
    %dma_wait3A_2758 = arith.constant 2 : i32
    %dma_wait3A_2759 = arith.constant 0 : i32
    %dma_wait3A_2760 = arith.constant 0 : i32
    %dma_wait3A_2761 = tpu.memref_slice %arg7[%dma_wait3A_2757, %dma_wait3A_2759, %dma_wait3A_2760] : memref<3x256x128xf32, #tpu.memory_space<vmem>> -> memref<1x256x128xf32, #tpu.memory_space<vmem>>
    %dma_wait3A_2762 = tpu.memref_squeeze %dma_wait3A_2761 : memref<1x256x128xf32, #tpu.memory_space<vmem>> -> memref<256x128xf32, #tpu.memory_space<vmem>>
    %dma_wait3A_2763 = arith.constant 0 : i32
    %dma_wait3A_2764 = tpu.memref_slice %arg5[%add3A_2756, %dma_wait3A_2763] : memref<204800x128xf32, #tpu.memory_space<hbm>> -> memref<256x128xf32, #tpu.memory_space<hbm>>
    %dma_wait3A_2765 = tpu.memref_slice %arg10[%dma_wait3A_2758] : memref<3x!tpu.dma_semaphore, #tpu.memory_space<semaphore_mem>> -> memref<1x!tpu.dma_semaphore, #tpu.memory_space<semaphore_mem>>
    %dma_wait3A_2766 = tpu.memref_squeeze %dma_wait3A_2765 : memref<1x!tpu.dma_semaphore, #tpu.memory_space<semaphore_mem>> -> memref<!tpu.dma_semaphore, #tpu.memory_space<semaphore_mem>>
    %dma_wait3A_2767 = arith.constant 0 : i32
    %dma_wait3A_2768 = tpu.memref_slice %arg5[%add3A_2756, %dma_wait3A_2767] : memref<204800x128xf32, #tpu.memory_space<hbm>> -> memref<256x128xf32, #tpu.memory_space<hbm>>
    %dma_wait3A_2769 = arith.constant 0 : i32
    %dma_wait3A_2770 = arith.constant 0 : i32
    %dma_wait3A_2771 = tpu.memref_slice %arg7[%dma_wait3A_2757, %dma_wait3A_2769, %dma_wait3A_2770] : memref<3x256x128xf32, #tpu.memory_space<vmem>> -> memref<1x256x128xf32, #tpu.memory_space<vmem>>
    %dma_wait3A_2772 = tpu.memref_squeeze %dma_wait3A_2771 : memref<1x256x128xf32, #tpu.memory_space<vmem>> -> memref<256x128xf32, #tpu.memory_space<vmem>>
    tpu.wait_dma2 semaphore(%dma_wait3A_2766 : memref<!tpu.dma_semaphore, #tpu.memory_space<semaphore_mem>>) src(%dma_wait3A_2772 : memref<256x128xf32, #tpu.memory_space<vmem>>) dst(%dma_wait3A_2768 : memref<256x128xf32, #tpu.memory_space<hbm>>)
    %add3A_2773 = arith.constant 5888 : i32
    %add3A_2774 = arith.addi %mul3A_2, %add3A_2773 : i32
    %dma_start3A_2775 = arith.constant 2 : i32
    %dma_start3A_2776 = arith.constant 2 : i32
    %dma_start3A_2777 = arith.constant 0 : i32
    %dma_start3A_2778 = arith.constant 0 : i32
    %dma_start3A_2779 = tpu.memref_slice %arg7[%dma_start3A_2775, %dma_start3A_2777, %dma_start3A_2778] : memref<3x256x128xf32, #tpu.memory_space<vmem>> -> memref<1x256x128xf32, #tpu.memory_space<vmem>>
    %dma_start3A_2780 = tpu.memref_squeeze %dma_start3A_2779 : memref<1x256x128xf32, #tpu.memory_space<vmem>> -> memref<256x128xf32, #tpu.memory_space<vmem>>
    %dma_start3A_2781 = arith.constant 0 : i32
    %dma_start3A_2782 = tpu.memref_slice %arg2[%add3A_2774, %dma_start3A_2781] : memref<204800x128xf32, #tpu.memory_space<hbm>> -> memref<256x128xf32, #tpu.memory_space<hbm>>
    %dma_start3A_2783 = tpu.memref_slice %arg8[%dma_start3A_2776] : memref<3x!tpu.dma_semaphore, #tpu.memory_space<semaphore_mem>> -> memref<1x!tpu.dma_semaphore, #tpu.memory_space<semaphore_mem>>
    %dma_start3A_2784 = tpu.memref_squeeze %dma_start3A_2783 : memref<1x!tpu.dma_semaphore, #tpu.memory_space<semaphore_mem>> -> memref<!tpu.dma_semaphore, #tpu.memory_space<semaphore_mem>>
    %dma_start3A_2785 = arith.constant 0 : i32
    %dma_start3A_2786 = arith.constant 0 : i32
    %dma_start3A_2787 = tpu.memref_slice %arg7[%dma_start3A_2775, %dma_start3A_2785, %dma_start3A_2786] : memref<3x256x128xf32, #tpu.memory_space<vmem>> -> memref<1x256x128xf32, #tpu.memory_space<vmem>>
    %dma_start3A_2788 = tpu.memref_squeeze %dma_start3A_2787 : memref<1x256x128xf32, #tpu.memory_space<vmem>> -> memref<256x128xf32, #tpu.memory_space<vmem>>
    %dma_start3A_2789 = arith.constant 0 : i32
    %dma_start3A_2790 = tpu.memref_slice %arg2[%add3A_2774, %dma_start3A_2789] : memref<204800x128xf32, #tpu.memory_space<hbm>> -> memref<256x128xf32, #tpu.memory_space<hbm>>
    tpu.enqueue_dma source(%dma_start3A_2790 : memref<256x128xf32, #tpu.memory_space<hbm>>) target(%dma_start3A_2788 : memref<256x128xf32, #tpu.memory_space<vmem>>) target_semaphore(%dma_start3A_2784 : memref<!tpu.dma_semaphore, #tpu.memory_space<semaphore_mem>>)
    %dma_wait3A_2791 = arith.constant 1 : i32
    %dma_wait3A_2792 = arith.constant 1 : i32
    %dma_wait3A_2793 = arith.constant 0 : i32
    %dma_wait3A_2794 = arith.constant 0 : i32
    %dma_wait3A_2795 = tpu.memref_slice %arg7[%dma_wait3A_2791, %dma_wait3A_2793, %dma_wait3A_2794] : memref<3x256x128xf32, #tpu.memory_space<vmem>> -> memref<1x128x128xf32, #tpu.memory_space<vmem>>
    %dma_wait3A_2796 = tpu.memref_squeeze %dma_wait3A_2795 : memref<1x128x128xf32, #tpu.memory_space<vmem>> -> memref<128x128xf32, #tpu.memory_space<vmem>>
    %dma_wait3A_2797 = arith.constant 5632 : i32
    %dma_wait3A_2798 = tpu.memref_slice %arg6[%dma_wait3A_2797] : memref<6400xi32, #tpu.memory_space<vmem>> -> memref<128xi32, #tpu.memory_space<vmem>>
    %dma_wait3A_2799 = arith.constant 0 : i32
    %dma_wait3A_2800 = arith.constant 0 : i32
    %dma_wait3A_2801 = tpu.memref_slice %arg4[%dma_wait3A_2799, %dma_wait3A_2800] : memref<100000x128xf32, #tpu.memory_space<hbm>> -> memref<100000x128xf32, #tpu.memory_space<hbm>>
    %dma_wait3A_2802 = tpu.memref_slice %arg9[%dma_wait3A_2792] : memref<3x!tpu.dma_semaphore, #tpu.memory_space<semaphore_mem>> -> memref<1x!tpu.dma_semaphore, #tpu.memory_space<semaphore_mem>>
    %dma_wait3A_2803 = tpu.memref_squeeze %dma_wait3A_2802 : memref<1x!tpu.dma_semaphore, #tpu.memory_space<semaphore_mem>> -> memref<!tpu.dma_semaphore, #tpu.memory_space<semaphore_mem>>
    tpu.wait_indirect_dma semaphore(%dma_wait3A_2803 : memref<!tpu.dma_semaphore, #tpu.memory_space<semaphore_mem>>) src(%dma_wait3A_2801 : memref<100000x128xf32, #tpu.memory_space<hbm>>) dst(%dma_wait3A_2796 : memref<128x128xf32, #tpu.memory_space<vmem>>)
    %dma_wait3A_2804 = arith.constant 1 : i32
    %dma_wait3A_2805 = arith.constant 1 : i32
    %dma_wait3A_2806 = arith.constant 128 : i32
    %dma_wait3A_2807 = arith.constant 0 : i32
    %dma_wait3A_2808 = tpu.memref_slice %arg7[%dma_wait3A_2804, %dma_wait3A_2806, %dma_wait3A_2807] : memref<3x256x128xf32, #tpu.memory_space<vmem>> -> memref<1x128x128xf32, #tpu.memory_space<vmem>>
    %dma_wait3A_2809 = tpu.memref_squeeze %dma_wait3A_2808 : memref<1x128x128xf32, #tpu.memory_space<vmem>> -> memref<128x128xf32, #tpu.memory_space<vmem>>
    %dma_wait3A_2810 = arith.constant 5760 : i32
    %dma_wait3A_2811 = tpu.memref_slice %arg6[%dma_wait3A_2810] : memref<6400xi32, #tpu.memory_space<vmem>> -> memref<128xi32, #tpu.memory_space<vmem>>
    %dma_wait3A_2812 = arith.constant 0 : i32
    %dma_wait3A_2813 = arith.constant 0 : i32
    %dma_wait3A_2814 = tpu.memref_slice %arg4[%dma_wait3A_2812, %dma_wait3A_2813] : memref<100000x128xf32, #tpu.memory_space<hbm>> -> memref<100000x128xf32, #tpu.memory_space<hbm>>
    %dma_wait3A_2815 = tpu.memref_slice %arg9[%dma_wait3A_2805] : memref<3x!tpu.dma_semaphore, #tpu.memory_space<semaphore_mem>> -> memref<1x!tpu.dma_semaphore, #tpu.memory_space<semaphore_mem>>
    %dma_wait3A_2816 = tpu.memref_squeeze %dma_wait3A_2815 : memref<1x!tpu.dma_semaphore, #tpu.memory_space<semaphore_mem>> -> memref<!tpu.dma_semaphore, #tpu.memory_space<semaphore_mem>>
    tpu.wait_indirect_dma semaphore(%dma_wait3A_2816 : memref<!tpu.dma_semaphore, #tpu.memory_space<semaphore_mem>>) src(%dma_wait3A_2814 : memref<100000x128xf32, #tpu.memory_space<hbm>>) dst(%dma_wait3A_2809 : memref<128x128xf32, #tpu.memory_space<vmem>>)
    %add3A_2817 = arith.constant 5632 : i32
    %add3A_2818 = arith.addi %mul3A_2, %add3A_2817 : i32
    %dma_start3A_2819 = arith.constant 1 : i32
    %dma_start3A_2820 = arith.constant 1 : i32
    %dma_start3A_2821 = arith.constant 0 : i32
    %dma_start3A_2822 = arith.constant 0 : i32
    %dma_start3A_2823 = tpu.memref_slice %arg7[%dma_start3A_2819, %dma_start3A_2821, %dma_start3A_2822] : memref<3x256x128xf32, #tpu.memory_space<vmem>> -> memref<1x256x128xf32, #tpu.memory_space<vmem>>
    %dma_start3A_2824 = tpu.memref_squeeze %dma_start3A_2823 : memref<1x256x128xf32, #tpu.memory_space<vmem>> -> memref<256x128xf32, #tpu.memory_space<vmem>>
    %dma_start3A_2825 = arith.constant 0 : i32
    %dma_start3A_2826 = tpu.memref_slice %arg5[%add3A_2818, %dma_start3A_2825] : memref<204800x128xf32, #tpu.memory_space<hbm>> -> memref<256x128xf32, #tpu.memory_space<hbm>>
    %dma_start3A_2827 = tpu.memref_slice %arg10[%dma_start3A_2820] : memref<3x!tpu.dma_semaphore, #tpu.memory_space<semaphore_mem>> -> memref<1x!tpu.dma_semaphore, #tpu.memory_space<semaphore_mem>>
    %dma_start3A_2828 = tpu.memref_squeeze %dma_start3A_2827 : memref<1x!tpu.dma_semaphore, #tpu.memory_space<semaphore_mem>> -> memref<!tpu.dma_semaphore, #tpu.memory_space<semaphore_mem>>
    %dma_start3A_2829 = arith.constant 0 : i32
    %dma_start3A_2830 = tpu.memref_slice %arg5[%add3A_2818, %dma_start3A_2829] : memref<204800x128xf32, #tpu.memory_space<hbm>> -> memref<256x128xf32, #tpu.memory_space<hbm>>
    %dma_start3A_2831 = arith.constant 0 : i32
    %dma_start3A_2832 = arith.constant 0 : i32
    %dma_start3A_2833 = tpu.memref_slice %arg7[%dma_start3A_2819, %dma_start3A_2831, %dma_start3A_2832] : memref<3x256x128xf32, #tpu.memory_space<vmem>> -> memref<1x256x128xf32, #tpu.memory_space<vmem>>
    %dma_start3A_2834 = tpu.memref_squeeze %dma_start3A_2833 : memref<1x256x128xf32, #tpu.memory_space<vmem>> -> memref<256x128xf32, #tpu.memory_space<vmem>>
    tpu.enqueue_dma source(%dma_start3A_2834 : memref<256x128xf32, #tpu.memory_space<vmem>>) target(%dma_start3A_2830 : memref<256x128xf32, #tpu.memory_space<hbm>>) target_semaphore(%dma_start3A_2828 : memref<!tpu.dma_semaphore, #tpu.memory_space<semaphore_mem>>)
    %add3A_2835 = arith.constant 5888 : i32
    %add3A_2836 = arith.addi %mul3A_2, %add3A_2835 : i32
    %dma_wait3A_2837 = arith.constant 2 : i32
    %dma_wait3A_2838 = arith.constant 2 : i32
    %dma_wait3A_2839 = arith.constant 0 : i32
    %dma_wait3A_2840 = arith.constant 0 : i32
    %dma_wait3A_2841 = tpu.memref_slice %arg7[%dma_wait3A_2837, %dma_wait3A_2839, %dma_wait3A_2840] : memref<3x256x128xf32, #tpu.memory_space<vmem>> -> memref<1x256x128xf32, #tpu.memory_space<vmem>>
    %dma_wait3A_2842 = tpu.memref_squeeze %dma_wait3A_2841 : memref<1x256x128xf32, #tpu.memory_space<vmem>> -> memref<256x128xf32, #tpu.memory_space<vmem>>
    %dma_wait3A_2843 = arith.constant 0 : i32
    %dma_wait3A_2844 = tpu.memref_slice %arg2[%add3A_2836, %dma_wait3A_2843] : memref<204800x128xf32, #tpu.memory_space<hbm>> -> memref<256x128xf32, #tpu.memory_space<hbm>>
    %dma_wait3A_2845 = tpu.memref_slice %arg8[%dma_wait3A_2838] : memref<3x!tpu.dma_semaphore, #tpu.memory_space<semaphore_mem>> -> memref<1x!tpu.dma_semaphore, #tpu.memory_space<semaphore_mem>>
    %dma_wait3A_2846 = tpu.memref_squeeze %dma_wait3A_2845 : memref<1x!tpu.dma_semaphore, #tpu.memory_space<semaphore_mem>> -> memref<!tpu.dma_semaphore, #tpu.memory_space<semaphore_mem>>
    %dma_wait3A_2847 = arith.constant 0 : i32
    %dma_wait3A_2848 = arith.constant 0 : i32
    %dma_wait3A_2849 = tpu.memref_slice %arg7[%dma_wait3A_2837, %dma_wait3A_2847, %dma_wait3A_2848] : memref<3x256x128xf32, #tpu.memory_space<vmem>> -> memref<1x256x128xf32, #tpu.memory_space<vmem>>
    %dma_wait3A_2850 = tpu.memref_squeeze %dma_wait3A_2849 : memref<1x256x128xf32, #tpu.memory_space<vmem>> -> memref<256x128xf32, #tpu.memory_space<vmem>>
    %dma_wait3A_2851 = arith.constant 0 : i32
    %dma_wait3A_2852 = tpu.memref_slice %arg2[%add3A_2836, %dma_wait3A_2851] : memref<204800x128xf32, #tpu.memory_space<hbm>> -> memref<256x128xf32, #tpu.memory_space<hbm>>
    tpu.wait_dma2 semaphore(%dma_wait3A_2846 : memref<!tpu.dma_semaphore, #tpu.memory_space<semaphore_mem>>) src(%dma_wait3A_2852 : memref<256x128xf32, #tpu.memory_space<hbm>>) dst(%dma_wait3A_2850 : memref<256x128xf32, #tpu.memory_space<vmem>>)
    %dma_start3A_2853 = arith.constant 2 : i32
    %dma_start3A_2854 = arith.constant 2 : i32
    %dma_start3A_2855 = arith.constant 0 : i32
    %dma_start3A_2856 = arith.constant 0 : i32
    %dma_start3A_2857 = tpu.memref_slice %arg7[%dma_start3A_2853, %dma_start3A_2855, %dma_start3A_2856] : memref<3x256x128xf32, #tpu.memory_space<vmem>> -> memref<1x128x128xf32, #tpu.memory_space<vmem>>
    %dma_start3A_2858 = tpu.memref_squeeze %dma_start3A_2857 : memref<1x128x128xf32, #tpu.memory_space<vmem>> -> memref<128x128xf32, #tpu.memory_space<vmem>>
    %dma_start3A_2859 = arith.constant 5888 : i32
    %dma_start3A_2860 = tpu.memref_slice %arg6[%dma_start3A_2859] : memref<6400xi32, #tpu.memory_space<vmem>> -> memref<128xi32, #tpu.memory_space<vmem>>
    %dma_start3A_2861 = arith.constant 0 : i32
    %dma_start3A_2862 = arith.constant 0 : i32
    %dma_start3A_2863 = tpu.memref_slice %arg4[%dma_start3A_2861, %dma_start3A_2862] : memref<100000x128xf32, #tpu.memory_space<hbm>> -> memref<100000x128xf32, #tpu.memory_space<hbm>>
    %dma_start3A_2864 = tpu.memref_slice %arg9[%dma_start3A_2854] : memref<3x!tpu.dma_semaphore, #tpu.memory_space<semaphore_mem>> -> memref<1x!tpu.dma_semaphore, #tpu.memory_space<semaphore_mem>>
    %dma_start3A_2865 = tpu.memref_squeeze %dma_start3A_2864 : memref<1x!tpu.dma_semaphore, #tpu.memory_space<semaphore_mem>> -> memref<!tpu.dma_semaphore, #tpu.memory_space<semaphore_mem>>
    tpu.enqueue_indirect_dma source(%dma_start3A_2863 : memref<100000x128xf32, #tpu.memory_space<hbm>>) target(%dma_start3A_2858 : memref<128x128xf32, #tpu.memory_space<vmem>>) offsets(%dma_start3A_2860 : memref<128xi32, #tpu.memory_space<vmem>>) semaphore(%dma_start3A_2865 : memref<!tpu.dma_semaphore, #tpu.memory_space<semaphore_mem>>) {add = true}
    %dma_start3A_2866 = arith.constant 2 : i32
    %dma_start3A_2867 = arith.constant 2 : i32
    %dma_start3A_2868 = arith.constant 128 : i32
    %dma_start3A_2869 = arith.constant 0 : i32
    %dma_start3A_2870 = tpu.memref_slice %arg7[%dma_start3A_2866, %dma_start3A_2868, %dma_start3A_2869] : memref<3x256x128xf32, #tpu.memory_space<vmem>> -> memref<1x128x128xf32, #tpu.memory_space<vmem>>
    %dma_start3A_2871 = tpu.memref_squeeze %dma_start3A_2870 : memref<1x128x128xf32, #tpu.memory_space<vmem>> -> memref<128x128xf32, #tpu.memory_space<vmem>>
    %dma_start3A_2872 = arith.constant 6016 : i32
    %dma_start3A_2873 = tpu.memref_slice %arg6[%dma_start3A_2872] : memref<6400xi32, #tpu.memory_space<vmem>> -> memref<128xi32, #tpu.memory_space<vmem>>
    %dma_start3A_2874 = arith.constant 0 : i32
    %dma_start3A_2875 = arith.constant 0 : i32
    %dma_start3A_2876 = tpu.memref_slice %arg4[%dma_start3A_2874, %dma_start3A_2875] : memref<100000x128xf32, #tpu.memory_space<hbm>> -> memref<100000x128xf32, #tpu.memory_space<hbm>>
    %dma_start3A_2877 = tpu.memref_slice %arg9[%dma_start3A_2867] : memref<3x!tpu.dma_semaphore, #tpu.memory_space<semaphore_mem>> -> memref<1x!tpu.dma_semaphore, #tpu.memory_space<semaphore_mem>>
    %dma_start3A_2878 = tpu.memref_squeeze %dma_start3A_2877 : memref<1x!tpu.dma_semaphore, #tpu.memory_space<semaphore_mem>> -> memref<!tpu.dma_semaphore, #tpu.memory_space<semaphore_mem>>
    tpu.enqueue_indirect_dma source(%dma_start3A_2876 : memref<100000x128xf32, #tpu.memory_space<hbm>>) target(%dma_start3A_2871 : memref<128x128xf32, #tpu.memory_space<vmem>>) offsets(%dma_start3A_2873 : memref<128xi32, #tpu.memory_space<vmem>>) semaphore(%dma_start3A_2878 : memref<!tpu.dma_semaphore, #tpu.memory_space<semaphore_mem>>) {add = true}
    %add3A_2879 = arith.constant 5376 : i32
    %add3A_2880 = arith.addi %mul3A_2, %add3A_2879 : i32
    %dma_wait3A_2881 = arith.constant 0 : i32
    %dma_wait3A_2882 = arith.constant 0 : i32
    %dma_wait3A_2883 = arith.constant 0 : i32
    %dma_wait3A_2884 = arith.constant 0 : i32
    %dma_wait3A_2885 = tpu.memref_slice %arg7[%dma_wait3A_2881, %dma_wait3A_2883, %dma_wait3A_2884] : memref<3x256x128xf32, #tpu.memory_space<vmem>> -> memref<1x256x128xf32, #tpu.memory_space<vmem>>
    %dma_wait3A_2886 = tpu.memref_squeeze %dma_wait3A_2885 : memref<1x256x128xf32, #tpu.memory_space<vmem>> -> memref<256x128xf32, #tpu.memory_space<vmem>>
    %dma_wait3A_2887 = arith.constant 0 : i32
    %dma_wait3A_2888 = tpu.memref_slice %arg5[%add3A_2880, %dma_wait3A_2887] : memref<204800x128xf32, #tpu.memory_space<hbm>> -> memref<256x128xf32, #tpu.memory_space<hbm>>
    %dma_wait3A_2889 = tpu.memref_slice %arg10[%dma_wait3A_2882] : memref<3x!tpu.dma_semaphore, #tpu.memory_space<semaphore_mem>> -> memref<1x!tpu.dma_semaphore, #tpu.memory_space<semaphore_mem>>
    %dma_wait3A_2890 = tpu.memref_squeeze %dma_wait3A_2889 : memref<1x!tpu.dma_semaphore, #tpu.memory_space<semaphore_mem>> -> memref<!tpu.dma_semaphore, #tpu.memory_space<semaphore_mem>>
    %dma_wait3A_2891 = arith.constant 0 : i32
    %dma_wait3A_2892 = tpu.memref_slice %arg5[%add3A_2880, %dma_wait3A_2891] : memref<204800x128xf32, #tpu.memory_space<hbm>> -> memref<256x128xf32, #tpu.memory_space<hbm>>
    %dma_wait3A_2893 = arith.constant 0 : i32
    %dma_wait3A_2894 = arith.constant 0 : i32
    %dma_wait3A_2895 = tpu.memref_slice %arg7[%dma_wait3A_2881, %dma_wait3A_2893, %dma_wait3A_2894] : memref<3x256x128xf32, #tpu.memory_space<vmem>> -> memref<1x256x128xf32, #tpu.memory_space<vmem>>
    %dma_wait3A_2896 = tpu.memref_squeeze %dma_wait3A_2895 : memref<1x256x128xf32, #tpu.memory_space<vmem>> -> memref<256x128xf32, #tpu.memory_space<vmem>>
    tpu.wait_dma2 semaphore(%dma_wait3A_2890 : memref<!tpu.dma_semaphore, #tpu.memory_space<semaphore_mem>>) src(%dma_wait3A_2896 : memref<256x128xf32, #tpu.memory_space<vmem>>) dst(%dma_wait3A_2892 : memref<256x128xf32, #tpu.memory_space<hbm>>)
    %add3A_2897 = arith.constant 6144 : i32
    %add3A_2898 = arith.addi %mul3A_2, %add3A_2897 : i32
    %dma_start3A_2899 = arith.constant 0 : i32
    %dma_start3A_2900 = arith.constant 0 : i32
    %dma_start3A_2901 = arith.constant 0 : i32
    %dma_start3A_2902 = arith.constant 0 : i32
    %dma_start3A_2903 = tpu.memref_slice %arg7[%dma_start3A_2899, %dma_start3A_2901, %dma_start3A_2902] : memref<3x256x128xf32, #tpu.memory_space<vmem>> -> memref<1x256x128xf32, #tpu.memory_space<vmem>>
    %dma_start3A_2904 = tpu.memref_squeeze %dma_start3A_2903 : memref<1x256x128xf32, #tpu.memory_space<vmem>> -> memref<256x128xf32, #tpu.memory_space<vmem>>
    %dma_start3A_2905 = arith.constant 0 : i32
    %dma_start3A_2906 = tpu.memref_slice %arg2[%add3A_2898, %dma_start3A_2905] : memref<204800x128xf32, #tpu.memory_space<hbm>> -> memref<256x128xf32, #tpu.memory_space<hbm>>
    %dma_start3A_2907 = tpu.memref_slice %arg8[%dma_start3A_2900] : memref<3x!tpu.dma_semaphore, #tpu.memory_space<semaphore_mem>> -> memref<1x!tpu.dma_semaphore, #tpu.memory_space<semaphore_mem>>
    %dma_start3A_2908 = tpu.memref_squeeze %dma_start3A_2907 : memref<1x!tpu.dma_semaphore, #tpu.memory_space<semaphore_mem>> -> memref<!tpu.dma_semaphore, #tpu.memory_space<semaphore_mem>>
    %dma_start3A_2909 = arith.constant 0 : i32
    %dma_start3A_2910 = arith.constant 0 : i32
    %dma_start3A_2911 = tpu.memref_slice %arg7[%dma_start3A_2899, %dma_start3A_2909, %dma_start3A_2910] : memref<3x256x128xf32, #tpu.memory_space<vmem>> -> memref<1x256x128xf32, #tpu.memory_space<vmem>>
    %dma_start3A_2912 = tpu.memref_squeeze %dma_start3A_2911 : memref<1x256x128xf32, #tpu.memory_space<vmem>> -> memref<256x128xf32, #tpu.memory_space<vmem>>
    %dma_start3A_2913 = arith.constant 0 : i32
    %dma_start3A_2914 = tpu.memref_slice %arg2[%add3A_2898, %dma_start3A_2913] : memref<204800x128xf32, #tpu.memory_space<hbm>> -> memref<256x128xf32, #tpu.memory_space<hbm>>
    tpu.enqueue_dma source(%dma_start3A_2914 : memref<256x128xf32, #tpu.memory_space<hbm>>) target(%dma_start3A_2912 : memref<256x128xf32, #tpu.memory_space<vmem>>) target_semaphore(%dma_start3A_2908 : memref<!tpu.dma_semaphore, #tpu.memory_space<semaphore_mem>>)
    %dma_wait3A_2915 = arith.constant 2 : i32
    %dma_wait3A_2916 = arith.constant 2 : i32
    %dma_wait3A_2917 = arith.constant 0 : i32
    %dma_wait3A_2918 = arith.constant 0 : i32
    %dma_wait3A_2919 = tpu.memref_slice %arg7[%dma_wait3A_2915, %dma_wait3A_2917, %dma_wait3A_2918] : memref<3x256x128xf32, #tpu.memory_space<vmem>> -> memref<1x128x128xf32, #tpu.memory_space<vmem>>
    %dma_wait3A_2920 = tpu.memref_squeeze %dma_wait3A_2919 : memref<1x128x128xf32, #tpu.memory_space<vmem>> -> memref<128x128xf32, #tpu.memory_space<vmem>>
    %dma_wait3A_2921 = arith.constant 5888 : i32
    %dma_wait3A_2922 = tpu.memref_slice %arg6[%dma_wait3A_2921] : memref<6400xi32, #tpu.memory_space<vmem>> -> memref<128xi32, #tpu.memory_space<vmem>>
    %dma_wait3A_2923 = arith.constant 0 : i32
    %dma_wait3A_2924 = arith.constant 0 : i32
    %dma_wait3A_2925 = tpu.memref_slice %arg4[%dma_wait3A_2923, %dma_wait3A_2924] : memref<100000x128xf32, #tpu.memory_space<hbm>> -> memref<100000x128xf32, #tpu.memory_space<hbm>>
    %dma_wait3A_2926 = tpu.memref_slice %arg9[%dma_wait3A_2916] : memref<3x!tpu.dma_semaphore, #tpu.memory_space<semaphore_mem>> -> memref<1x!tpu.dma_semaphore, #tpu.memory_space<semaphore_mem>>
    %dma_wait3A_2927 = tpu.memref_squeeze %dma_wait3A_2926 : memref<1x!tpu.dma_semaphore, #tpu.memory_space<semaphore_mem>> -> memref<!tpu.dma_semaphore, #tpu.memory_space<semaphore_mem>>
    tpu.wait_indirect_dma semaphore(%dma_wait3A_2927 : memref<!tpu.dma_semaphore, #tpu.memory_space<semaphore_mem>>) src(%dma_wait3A_2925 : memref<100000x128xf32, #tpu.memory_space<hbm>>) dst(%dma_wait3A_2920 : memref<128x128xf32, #tpu.memory_space<vmem>>)
    %dma_wait3A_2928 = arith.constant 2 : i32
    %dma_wait3A_2929 = arith.constant 2 : i32
    %dma_wait3A_2930 = arith.constant 128 : i32
    %dma_wait3A_2931 = arith.constant 0 : i32
    %dma_wait3A_2932 = tpu.memref_slice %arg7[%dma_wait3A_2928, %dma_wait3A_2930, %dma_wait3A_2931] : memref<3x256x128xf32, #tpu.memory_space<vmem>> -> memref<1x128x128xf32, #tpu.memory_space<vmem>>
    %dma_wait3A_2933 = tpu.memref_squeeze %dma_wait3A_2932 : memref<1x128x128xf32, #tpu.memory_space<vmem>> -> memref<128x128xf32, #tpu.memory_space<vmem>>
    %dma_wait3A_2934 = arith.constant 6016 : i32
    %dma_wait3A_2935 = tpu.memref_slice %arg6[%dma_wait3A_2934] : memref<6400xi32, #tpu.memory_space<vmem>> -> memref<128xi32, #tpu.memory_space<vmem>>
    %dma_wait3A_2936 = arith.constant 0 : i32
    %dma_wait3A_2937 = arith.constant 0 : i32
    %dma_wait3A_2938 = tpu.memref_slice %arg4[%dma_wait3A_2936, %dma_wait3A_2937] : memref<100000x128xf32, #tpu.memory_space<hbm>> -> memref<100000x128xf32, #tpu.memory_space<hbm>>
    %dma_wait3A_2939 = tpu.memref_slice %arg9[%dma_wait3A_2929] : memref<3x!tpu.dma_semaphore, #tpu.memory_space<semaphore_mem>> -> memref<1x!tpu.dma_semaphore, #tpu.memory_space<semaphore_mem>>
    %dma_wait3A_2940 = tpu.memref_squeeze %dma_wait3A_2939 : memref<1x!tpu.dma_semaphore, #tpu.memory_space<semaphore_mem>> -> memref<!tpu.dma_semaphore, #tpu.memory_space<semaphore_mem>>
    tpu.wait_indirect_dma semaphore(%dma_wait3A_2940 : memref<!tpu.dma_semaphore, #tpu.memory_space<semaphore_mem>>) src(%dma_wait3A_2938 : memref<100000x128xf32, #tpu.memory_space<hbm>>) dst(%dma_wait3A_2933 : memref<128x128xf32, #tpu.memory_space<vmem>>)
    %add3A_2941 = arith.constant 5888 : i32
    %add3A_2942 = arith.addi %mul3A_2, %add3A_2941 : i32
    %dma_start3A_2943 = arith.constant 2 : i32
    %dma_start3A_2944 = arith.constant 2 : i32
    %dma_start3A_2945 = arith.constant 0 : i32
    %dma_start3A_2946 = arith.constant 0 : i32
    %dma_start3A_2947 = tpu.memref_slice %arg7[%dma_start3A_2943, %dma_start3A_2945, %dma_start3A_2946] : memref<3x256x128xf32, #tpu.memory_space<vmem>> -> memref<1x256x128xf32, #tpu.memory_space<vmem>>
    %dma_start3A_2948 = tpu.memref_squeeze %dma_start3A_2947 : memref<1x256x128xf32, #tpu.memory_space<vmem>> -> memref<256x128xf32, #tpu.memory_space<vmem>>
    %dma_start3A_2949 = arith.constant 0 : i32
    %dma_start3A_2950 = tpu.memref_slice %arg5[%add3A_2942, %dma_start3A_2949] : memref<204800x128xf32, #tpu.memory_space<hbm>> -> memref<256x128xf32, #tpu.memory_space<hbm>>
    %dma_start3A_2951 = tpu.memref_slice %arg10[%dma_start3A_2944] : memref<3x!tpu.dma_semaphore, #tpu.memory_space<semaphore_mem>> -> memref<1x!tpu.dma_semaphore, #tpu.memory_space<semaphore_mem>>
    %dma_start3A_2952 = tpu.memref_squeeze %dma_start3A_2951 : memref<1x!tpu.dma_semaphore, #tpu.memory_space<semaphore_mem>> -> memref<!tpu.dma_semaphore, #tpu.memory_space<semaphore_mem>>
    %dma_start3A_2953 = arith.constant 0 : i32
    %dma_start3A_2954 = tpu.memref_slice %arg5[%add3A_2942, %dma_start3A_2953] : memref<204800x128xf32, #tpu.memory_space<hbm>> -> memref<256x128xf32, #tpu.memory_space<hbm>>
    %dma_start3A_2955 = arith.constant 0 : i32
    %dma_start3A_2956 = arith.constant 0 : i32
    %dma_start3A_2957 = tpu.memref_slice %arg7[%dma_start3A_2943, %dma_start3A_2955, %dma_start3A_2956] : memref<3x256x128xf32, #tpu.memory_space<vmem>> -> memref<1x256x128xf32, #tpu.memory_space<vmem>>
    %dma_start3A_2958 = tpu.memref_squeeze %dma_start3A_2957 : memref<1x256x128xf32, #tpu.memory_space<vmem>> -> memref<256x128xf32, #tpu.memory_space<vmem>>
    tpu.enqueue_dma source(%dma_start3A_2958 : memref<256x128xf32, #tpu.memory_space<vmem>>) target(%dma_start3A_2954 : memref<256x128xf32, #tpu.memory_space<hbm>>) target_semaphore(%dma_start3A_2952 : memref<!tpu.dma_semaphore, #tpu.memory_space<semaphore_mem>>)
    %add3A_2959 = arith.constant 6144 : i32
    %add3A_2960 = arith.addi %mul3A_2, %add3A_2959 : i32
    %dma_wait3A_2961 = arith.constant 0 : i32
    %dma_wait3A_2962 = arith.constant 0 : i32
    %dma_wait3A_2963 = arith.constant 0 : i32
    %dma_wait3A_2964 = arith.constant 0 : i32
    %dma_wait3A_2965 = tpu.memref_slice %arg7[%dma_wait3A_2961, %dma_wait3A_2963, %dma_wait3A_2964] : memref<3x256x128xf32, #tpu.memory_space<vmem>> -> memref<1x256x128xf32, #tpu.memory_space<vmem>>
    %dma_wait3A_2966 = tpu.memref_squeeze %dma_wait3A_2965 : memref<1x256x128xf32, #tpu.memory_space<vmem>> -> memref<256x128xf32, #tpu.memory_space<vmem>>
    %dma_wait3A_2967 = arith.constant 0 : i32
    %dma_wait3A_2968 = tpu.memref_slice %arg2[%add3A_2960, %dma_wait3A_2967] : memref<204800x128xf32, #tpu.memory_space<hbm>> -> memref<256x128xf32, #tpu.memory_space<hbm>>
    %dma_wait3A_2969 = tpu.memref_slice %arg8[%dma_wait3A_2962] : memref<3x!tpu.dma_semaphore, #tpu.memory_space<semaphore_mem>> -> memref<1x!tpu.dma_semaphore, #tpu.memory_space<semaphore_mem>>
    %dma_wait3A_2970 = tpu.memref_squeeze %dma_wait3A_2969 : memref<1x!tpu.dma_semaphore, #tpu.memory_space<semaphore_mem>> -> memref<!tpu.dma_semaphore, #tpu.memory_space<semaphore_mem>>
    %dma_wait3A_2971 = arith.constant 0 : i32
    %dma_wait3A_2972 = arith.constant 0 : i32
    %dma_wait3A_2973 = tpu.memref_slice %arg7[%dma_wait3A_2961, %dma_wait3A_2971, %dma_wait3A_2972] : memref<3x256x128xf32, #tpu.memory_space<vmem>> -> memref<1x256x128xf32, #tpu.memory_space<vmem>>
    %dma_wait3A_2974 = tpu.memref_squeeze %dma_wait3A_2973 : memref<1x256x128xf32, #tpu.memory_space<vmem>> -> memref<256x128xf32, #tpu.memory_space<vmem>>
    %dma_wait3A_2975 = arith.constant 0 : i32
    %dma_wait3A_2976 = tpu.memref_slice %arg2[%add3A_2960, %dma_wait3A_2975] : memref<204800x128xf32, #tpu.memory_space<hbm>> -> memref<256x128xf32, #tpu.memory_space<hbm>>
    tpu.wait_dma2 semaphore(%dma_wait3A_2970 : memref<!tpu.dma_semaphore, #tpu.memory_space<semaphore_mem>>) src(%dma_wait3A_2976 : memref<256x128xf32, #tpu.memory_space<hbm>>) dst(%dma_wait3A_2974 : memref<256x128xf32, #tpu.memory_space<vmem>>)
    %dma_start3A_2977 = arith.constant 0 : i32
    %dma_start3A_2978 = arith.constant 0 : i32
    %dma_start3A_2979 = arith.constant 0 : i32
    %dma_start3A_2980 = arith.constant 0 : i32
    %dma_start3A_2981 = tpu.memref_slice %arg7[%dma_start3A_2977, %dma_start3A_2979, %dma_start3A_2980] : memref<3x256x128xf32, #tpu.memory_space<vmem>> -> memref<1x128x128xf32, #tpu.memory_space<vmem>>
    %dma_start3A_2982 = tpu.memref_squeeze %dma_start3A_2981 : memref<1x128x128xf32, #tpu.memory_space<vmem>> -> memref<128x128xf32, #tpu.memory_space<vmem>>
    %dma_start3A_2983 = arith.constant 6144 : i32
    %dma_start3A_2984 = tpu.memref_slice %arg6[%dma_start3A_2983] : memref<6400xi32, #tpu.memory_space<vmem>> -> memref<128xi32, #tpu.memory_space<vmem>>
    %dma_start3A_2985 = arith.constant 0 : i32
    %dma_start3A_2986 = arith.constant 0 : i32
    %dma_start3A_2987 = tpu.memref_slice %arg4[%dma_start3A_2985, %dma_start3A_2986] : memref<100000x128xf32, #tpu.memory_space<hbm>> -> memref<100000x128xf32, #tpu.memory_space<hbm>>
    %dma_start3A_2988 = tpu.memref_slice %arg9[%dma_start3A_2978] : memref<3x!tpu.dma_semaphore, #tpu.memory_space<semaphore_mem>> -> memref<1x!tpu.dma_semaphore, #tpu.memory_space<semaphore_mem>>
    %dma_start3A_2989 = tpu.memref_squeeze %dma_start3A_2988 : memref<1x!tpu.dma_semaphore, #tpu.memory_space<semaphore_mem>> -> memref<!tpu.dma_semaphore, #tpu.memory_space<semaphore_mem>>
    tpu.enqueue_indirect_dma source(%dma_start3A_2987 : memref<100000x128xf32, #tpu.memory_space<hbm>>) target(%dma_start3A_2982 : memref<128x128xf32, #tpu.memory_space<vmem>>) offsets(%dma_start3A_2984 : memref<128xi32, #tpu.memory_space<vmem>>) semaphore(%dma_start3A_2989 : memref<!tpu.dma_semaphore, #tpu.memory_space<semaphore_mem>>) {add = true}
    %dma_start3A_2990 = arith.constant 0 : i32
    %dma_start3A_2991 = arith.constant 0 : i32
    %dma_start3A_2992 = arith.constant 128 : i32
    %dma_start3A_2993 = arith.constant 0 : i32
    %dma_start3A_2994 = tpu.memref_slice %arg7[%dma_start3A_2990, %dma_start3A_2992, %dma_start3A_2993] : memref<3x256x128xf32, #tpu.memory_space<vmem>> -> memref<1x128x128xf32, #tpu.memory_space<vmem>>
    %dma_start3A_2995 = tpu.memref_squeeze %dma_start3A_2994 : memref<1x128x128xf32, #tpu.memory_space<vmem>> -> memref<128x128xf32, #tpu.memory_space<vmem>>
    %dma_start3A_2996 = arith.constant 6272 : i32
    %dma_start3A_2997 = tpu.memref_slice %arg6[%dma_start3A_2996] : memref<6400xi32, #tpu.memory_space<vmem>> -> memref<128xi32, #tpu.memory_space<vmem>>
    %dma_start3A_2998 = arith.constant 0 : i32
    %dma_start3A_2999 = arith.constant 0 : i32
    %dma_start3A_3000 = tpu.memref_slice %arg4[%dma_start3A_2998, %dma_start3A_2999] : memref<100000x128xf32, #tpu.memory_space<hbm>> -> memref<100000x128xf32, #tpu.memory_space<hbm>>
    %dma_start3A_3001 = tpu.memref_slice %arg9[%dma_start3A_2991] : memref<3x!tpu.dma_semaphore, #tpu.memory_space<semaphore_mem>> -> memref<1x!tpu.dma_semaphore, #tpu.memory_space<semaphore_mem>>
    %dma_start3A_3002 = tpu.memref_squeeze %dma_start3A_3001 : memref<1x!tpu.dma_semaphore, #tpu.memory_space<semaphore_mem>> -> memref<!tpu.dma_semaphore, #tpu.memory_space<semaphore_mem>>
    tpu.enqueue_indirect_dma source(%dma_start3A_3000 : memref<100000x128xf32, #tpu.memory_space<hbm>>) target(%dma_start3A_2995 : memref<128x128xf32, #tpu.memory_space<vmem>>) offsets(%dma_start3A_2997 : memref<128xi32, #tpu.memory_space<vmem>>) semaphore(%dma_start3A_3002 : memref<!tpu.dma_semaphore, #tpu.memory_space<semaphore_mem>>) {add = true}
    %dma_wait3A_3003 = arith.constant 0 : i32
    %dma_wait3A_3004 = arith.constant 0 : i32
    %dma_wait3A_3005 = arith.constant 0 : i32
    %dma_wait3A_3006 = arith.constant 0 : i32
    %dma_wait3A_3007 = tpu.memref_slice %arg7[%dma_wait3A_3003, %dma_wait3A_3005, %dma_wait3A_3006] : memref<3x256x128xf32, #tpu.memory_space<vmem>> -> memref<1x128x128xf32, #tpu.memory_space<vmem>>
    %dma_wait3A_3008 = tpu.memref_squeeze %dma_wait3A_3007 : memref<1x128x128xf32, #tpu.memory_space<vmem>> -> memref<128x128xf32, #tpu.memory_space<vmem>>
    %dma_wait3A_3009 = arith.constant 6144 : i32
    %dma_wait3A_3010 = tpu.memref_slice %arg6[%dma_wait3A_3009] : memref<6400xi32, #tpu.memory_space<vmem>> -> memref<128xi32, #tpu.memory_space<vmem>>
    %dma_wait3A_3011 = arith.constant 0 : i32
    %dma_wait3A_3012 = arith.constant 0 : i32
    %dma_wait3A_3013 = tpu.memref_slice %arg4[%dma_wait3A_3011, %dma_wait3A_3012] : memref<100000x128xf32, #tpu.memory_space<hbm>> -> memref<100000x128xf32, #tpu.memory_space<hbm>>
    %dma_wait3A_3014 = tpu.memref_slice %arg9[%dma_wait3A_3004] : memref<3x!tpu.dma_semaphore, #tpu.memory_space<semaphore_mem>> -> memref<1x!tpu.dma_semaphore, #tpu.memory_space<semaphore_mem>>
    %dma_wait3A_3015 = tpu.memref_squeeze %dma_wait3A_3014 : memref<1x!tpu.dma_semaphore, #tpu.memory_space<semaphore_mem>> -> memref<!tpu.dma_semaphore, #tpu.memory_space<semaphore_mem>>
    tpu.wait_indirect_dma semaphore(%dma_wait3A_3015 : memref<!tpu.dma_semaphore, #tpu.memory_space<semaphore_mem>>) src(%dma_wait3A_3013 : memref<100000x128xf32, #tpu.memory_space<hbm>>) dst(%dma_wait3A_3008 : memref<128x128xf32, #tpu.memory_space<vmem>>)
    %dma_wait3A_3016 = arith.constant 0 : i32
    %dma_wait3A_3017 = arith.constant 0 : i32
    %dma_wait3A_3018 = arith.constant 128 : i32
    %dma_wait3A_3019 = arith.constant 0 : i32
    %dma_wait3A_3020 = tpu.memref_slice %arg7[%dma_wait3A_3016, %dma_wait3A_3018, %dma_wait3A_3019] : memref<3x256x128xf32, #tpu.memory_space<vmem>> -> memref<1x128x128xf32, #tpu.memory_space<vmem>>
    %dma_wait3A_3021 = tpu.memref_squeeze %dma_wait3A_3020 : memref<1x128x128xf32, #tpu.memory_space<vmem>> -> memref<128x128xf32, #tpu.memory_space<vmem>>
    %dma_wait3A_3022 = arith.constant 6272 : i32
    %dma_wait3A_3023 = tpu.memref_slice %arg6[%dma_wait3A_3022] : memref<6400xi32, #tpu.memory_space<vmem>> -> memref<128xi32, #tpu.memory_space<vmem>>
    %dma_wait3A_3024 = arith.constant 0 : i32
    %dma_wait3A_3025 = arith.constant 0 : i32
    %dma_wait3A_3026 = tpu.memref_slice %arg4[%dma_wait3A_3024, %dma_wait3A_3025] : memref<100000x128xf32, #tpu.memory_space<hbm>> -> memref<100000x128xf32, #tpu.memory_space<hbm>>
    %dma_wait3A_3027 = tpu.memref_slice %arg9[%dma_wait3A_3017] : memref<3x!tpu.dma_semaphore, #tpu.memory_space<semaphore_mem>> -> memref<1x!tpu.dma_semaphore, #tpu.memory_space<semaphore_mem>>
    %dma_wait3A_3028 = tpu.memref_squeeze %dma_wait3A_3027 : memref<1x!tpu.dma_semaphore, #tpu.memory_space<semaphore_mem>> -> memref<!tpu.dma_semaphore, #tpu.memory_space<semaphore_mem>>
    tpu.wait_indirect_dma semaphore(%dma_wait3A_3028 : memref<!tpu.dma_semaphore, #tpu.memory_space<semaphore_mem>>) src(%dma_wait3A_3026 : memref<100000x128xf32, #tpu.memory_space<hbm>>) dst(%dma_wait3A_3021 : memref<128x128xf32, #tpu.memory_space<vmem>>)
    %add3A_3029 = arith.constant 6144 : i32
    %add3A_3030 = arith.addi %mul3A_2, %add3A_3029 : i32
    %dma_start3A_3031 = arith.constant 0 : i32
    %dma_start3A_3032 = arith.constant 0 : i32
    %dma_start3A_3033 = arith.constant 0 : i32
    %dma_start3A_3034 = arith.constant 0 : i32
    %dma_start3A_3035 = tpu.memref_slice %arg7[%dma_start3A_3031, %dma_start3A_3033, %dma_start3A_3034] : memref<3x256x128xf32, #tpu.memory_space<vmem>> -> memref<1x256x128xf32, #tpu.memory_space<vmem>>
    %dma_start3A_3036 = tpu.memref_squeeze %dma_start3A_3035 : memref<1x256x128xf32, #tpu.memory_space<vmem>> -> memref<256x128xf32, #tpu.memory_space<vmem>>
    %dma_start3A_3037 = arith.constant 0 : i32
    %dma_start3A_3038 = tpu.memref_slice %arg5[%add3A_3030, %dma_start3A_3037] : memref<204800x128xf32, #tpu.memory_space<hbm>> -> memref<256x128xf32, #tpu.memory_space<hbm>>
    %dma_start3A_3039 = tpu.memref_slice %arg10[%dma_start3A_3032] : memref<3x!tpu.dma_semaphore, #tpu.memory_space<semaphore_mem>> -> memref<1x!tpu.dma_semaphore, #tpu.memory_space<semaphore_mem>>
    %dma_start3A_3040 = tpu.memref_squeeze %dma_start3A_3039 : memref<1x!tpu.dma_semaphore, #tpu.memory_space<semaphore_mem>> -> memref<!tpu.dma_semaphore, #tpu.memory_space<semaphore_mem>>
    %dma_start3A_3041 = arith.constant 0 : i32
    %dma_start3A_3042 = tpu.memref_slice %arg5[%add3A_3030, %dma_start3A_3041] : memref<204800x128xf32, #tpu.memory_space<hbm>> -> memref<256x128xf32, #tpu.memory_space<hbm>>
    %dma_start3A_3043 = arith.constant 0 : i32
    %dma_start3A_3044 = arith.constant 0 : i32
    %dma_start3A_3045 = tpu.memref_slice %arg7[%dma_start3A_3031, %dma_start3A_3043, %dma_start3A_3044] : memref<3x256x128xf32, #tpu.memory_space<vmem>> -> memref<1x256x128xf32, #tpu.memory_space<vmem>>
    %dma_start3A_3046 = tpu.memref_squeeze %dma_start3A_3045 : memref<1x256x128xf32, #tpu.memory_space<vmem>> -> memref<256x128xf32, #tpu.memory_space<vmem>>
    tpu.enqueue_dma source(%dma_start3A_3046 : memref<256x128xf32, #tpu.memory_space<vmem>>) target(%dma_start3A_3042 : memref<256x128xf32, #tpu.memory_space<hbm>>) target_semaphore(%dma_start3A_3040 : memref<!tpu.dma_semaphore, #tpu.memory_space<semaphore_mem>>)
    %add3A_3047 = arith.constant 5632 : i32
    %add3A_3048 = arith.addi %mul3A_2, %add3A_3047 : i32
    %dma_wait3A_3049 = arith.constant 1 : i32
    %dma_wait3A_3050 = arith.constant 1 : i32
    %dma_wait3A_3051 = arith.constant 0 : i32
    %dma_wait3A_3052 = arith.constant 0 : i32
    %dma_wait3A_3053 = tpu.memref_slice %arg7[%dma_wait3A_3049, %dma_wait3A_3051, %dma_wait3A_3052] : memref<3x256x128xf32, #tpu.memory_space<vmem>> -> memref<1x256x128xf32, #tpu.memory_space<vmem>>
    %dma_wait3A_3054 = tpu.memref_squeeze %dma_wait3A_3053 : memref<1x256x128xf32, #tpu.memory_space<vmem>> -> memref<256x128xf32, #tpu.memory_space<vmem>>
    %dma_wait3A_3055 = arith.constant 0 : i32
    %dma_wait3A_3056 = tpu.memref_slice %arg5[%add3A_3048, %dma_wait3A_3055] : memref<204800x128xf32, #tpu.memory_space<hbm>> -> memref<256x128xf32, #tpu.memory_space<hbm>>
    %dma_wait3A_3057 = tpu.memref_slice %arg10[%dma_wait3A_3050] : memref<3x!tpu.dma_semaphore, #tpu.memory_space<semaphore_mem>> -> memref<1x!tpu.dma_semaphore, #tpu.memory_space<semaphore_mem>>
    %dma_wait3A_3058 = tpu.memref_squeeze %dma_wait3A_3057 : memref<1x!tpu.dma_semaphore, #tpu.memory_space<semaphore_mem>> -> memref<!tpu.dma_semaphore, #tpu.memory_space<semaphore_mem>>
    %dma_wait3A_3059 = arith.constant 0 : i32
    %dma_wait3A_3060 = tpu.memref_slice %arg5[%add3A_3048, %dma_wait3A_3059] : memref<204800x128xf32, #tpu.memory_space<hbm>> -> memref<256x128xf32, #tpu.memory_space<hbm>>
    %dma_wait3A_3061 = arith.constant 0 : i32
    %dma_wait3A_3062 = arith.constant 0 : i32
    %dma_wait3A_3063 = tpu.memref_slice %arg7[%dma_wait3A_3049, %dma_wait3A_3061, %dma_wait3A_3062] : memref<3x256x128xf32, #tpu.memory_space<vmem>> -> memref<1x256x128xf32, #tpu.memory_space<vmem>>
    %dma_wait3A_3064 = tpu.memref_squeeze %dma_wait3A_3063 : memref<1x256x128xf32, #tpu.memory_space<vmem>> -> memref<256x128xf32, #tpu.memory_space<vmem>>
    tpu.wait_dma2 semaphore(%dma_wait3A_3058 : memref<!tpu.dma_semaphore, #tpu.memory_space<semaphore_mem>>) src(%dma_wait3A_3064 : memref<256x128xf32, #tpu.memory_space<vmem>>) dst(%dma_wait3A_3060 : memref<256x128xf32, #tpu.memory_space<hbm>>)
    %add3A_3065 = arith.constant 5888 : i32
    %add3A_3066 = arith.addi %mul3A_2, %add3A_3065 : i32
    %dma_wait3A_3067 = arith.constant 2 : i32
    %dma_wait3A_3068 = arith.constant 2 : i32
    %dma_wait3A_3069 = arith.constant 0 : i32
    %dma_wait3A_3070 = arith.constant 0 : i32
    %dma_wait3A_3071 = tpu.memref_slice %arg7[%dma_wait3A_3067, %dma_wait3A_3069, %dma_wait3A_3070] : memref<3x256x128xf32, #tpu.memory_space<vmem>> -> memref<1x256x128xf32, #tpu.memory_space<vmem>>
    %dma_wait3A_3072 = tpu.memref_squeeze %dma_wait3A_3071 : memref<1x256x128xf32, #tpu.memory_space<vmem>> -> memref<256x128xf32, #tpu.memory_space<vmem>>
    %dma_wait3A_3073 = arith.constant 0 : i32
    %dma_wait3A_3074 = tpu.memref_slice %arg5[%add3A_3066, %dma_wait3A_3073] : memref<204800x128xf32, #tpu.memory_space<hbm>> -> memref<256x128xf32, #tpu.memory_space<hbm>>
    %dma_wait3A_3075 = tpu.memref_slice %arg10[%dma_wait3A_3068] : memref<3x!tpu.dma_semaphore, #tpu.memory_space<semaphore_mem>> -> memref<1x!tpu.dma_semaphore, #tpu.memory_space<semaphore_mem>>
    %dma_wait3A_3076 = tpu.memref_squeeze %dma_wait3A_3075 : memref<1x!tpu.dma_semaphore, #tpu.memory_space<semaphore_mem>> -> memref<!tpu.dma_semaphore, #tpu.memory_space<semaphore_mem>>
    %dma_wait3A_3077 = arith.constant 0 : i32
    %dma_wait3A_3078 = tpu.memref_slice %arg5[%add3A_3066, %dma_wait3A_3077] : memref<204800x128xf32, #tpu.memory_space<hbm>> -> memref<256x128xf32, #tpu.memory_space<hbm>>
    %dma_wait3A_3079 = arith.constant 0 : i32
    %dma_wait3A_3080 = arith.constant 0 : i32
    %dma_wait3A_3081 = tpu.memref_slice %arg7[%dma_wait3A_3067, %dma_wait3A_3079, %dma_wait3A_3080] : memref<3x256x128xf32, #tpu.memory_space<vmem>> -> memref<1x256x128xf32, #tpu.memory_space<vmem>>
    %dma_wait3A_3082 = tpu.memref_squeeze %dma_wait3A_3081 : memref<1x256x128xf32, #tpu.memory_space<vmem>> -> memref<256x128xf32, #tpu.memory_space<vmem>>
    tpu.wait_dma2 semaphore(%dma_wait3A_3076 : memref<!tpu.dma_semaphore, #tpu.memory_space<semaphore_mem>>) src(%dma_wait3A_3082 : memref<256x128xf32, #tpu.memory_space<vmem>>) dst(%dma_wait3A_3078 : memref<256x128xf32, #tpu.memory_space<hbm>>)
    %add3A_3083 = arith.constant 6144 : i32
    %add3A_3084 = arith.addi %mul3A_2, %add3A_3083 : i32
    %dma_wait3A_3085 = arith.constant 0 : i32
    %dma_wait3A_3086 = arith.constant 0 : i32
    %dma_wait3A_3087 = arith.constant 0 : i32
    %dma_wait3A_3088 = arith.constant 0 : i32
    %dma_wait3A_3089 = tpu.memref_slice %arg7[%dma_wait3A_3085, %dma_wait3A_3087, %dma_wait3A_3088] : memref<3x256x128xf32, #tpu.memory_space<vmem>> -> memref<1x256x128xf32, #tpu.memory_space<vmem>>
    %dma_wait3A_3090 = tpu.memref_squeeze %dma_wait3A_3089 : memref<1x256x128xf32, #tpu.memory_space<vmem>> -> memref<256x128xf32, #tpu.memory_space<vmem>>
    %dma_wait3A_3091 = arith.constant 0 : i32
    %dma_wait3A_3092 = tpu.memref_slice %arg5[%add3A_3084, %dma_wait3A_3091] : memref<204800x128xf32, #tpu.memory_space<hbm>> -> memref<256x128xf32, #tpu.memory_space<hbm>>
    %dma_wait3A_3093 = tpu.memref_slice %arg10[%dma_wait3A_3086] : memref<3x!tpu.dma_semaphore, #tpu.memory_space<semaphore_mem>> -> memref<1x!tpu.dma_semaphore, #tpu.memory_space<semaphore_mem>>
    %dma_wait3A_3094 = tpu.memref_squeeze %dma_wait3A_3093 : memref<1x!tpu.dma_semaphore, #tpu.memory_space<semaphore_mem>> -> memref<!tpu.dma_semaphore, #tpu.memory_space<semaphore_mem>>
    %dma_wait3A_3095 = arith.constant 0 : i32
    %dma_wait3A_3096 = tpu.memref_slice %arg5[%add3A_3084, %dma_wait3A_3095] : memref<204800x128xf32, #tpu.memory_space<hbm>> -> memref<256x128xf32, #tpu.memory_space<hbm>>
    %dma_wait3A_3097 = arith.constant 0 : i32
    %dma_wait3A_3098 = arith.constant 0 : i32
    %dma_wait3A_3099 = tpu.memref_slice %arg7[%dma_wait3A_3085, %dma_wait3A_3097, %dma_wait3A_3098] : memref<3x256x128xf32, #tpu.memory_space<vmem>> -> memref<1x256x128xf32, #tpu.memory_space<vmem>>
    %dma_wait3A_3100 = tpu.memref_squeeze %dma_wait3A_3099 : memref<1x256x128xf32, #tpu.memory_space<vmem>> -> memref<256x128xf32, #tpu.memory_space<vmem>>
    tpu.wait_dma2 semaphore(%dma_wait3A_3094 : memref<!tpu.dma_semaphore, #tpu.memory_space<semaphore_mem>>) src(%dma_wait3A_3100 : memref<256x128xf32, #tpu.memory_space<vmem>>) dst(%dma_wait3A_3096 : memref<256x128xf32, #tpu.memory_space<hbm>>)
    return
  }
}

</mosaic_0001>

<sc_bundles>
// kernel: kernel.3.cloned.1.call-start
scs
__scs_entry_jumppad:
0x0: {  	(pc) =	sbr.rel $0x88, $3  }
0x1: {  	(tag) =	ssettag $0x0;
	lr =	simm.s32 $0x1  }
0x2: {  	[smem:$0x3F9E] =	sst lr;
	_ =	strace $0xD0000000  }
0x3: {  	_ = 	snop  }
0x4: {  	_ = 	snop  }
0x5: {  	_ = 	snop  }
0x6: {  	_ = 	snop  }
0x7: {  	_ = 	snop  }
__scs_overlays_trampoline_lowered:
0x8: {  	[smem:$0x3FAD] =	sst s0  }
0x9: {  	[smem:$0x3FAE] =	sst s1  }
0xa: {  	[smem:$0x3FAF] =	sst s2  }
0xb: {  	[smem:$0x3FB0] =	sst s3  }
0xc: {  	[smem:$0x3FB1] =	sst s4  }
0xd: {  	[smem:$0x3FB2] =	sst s5  }
0xe: {  	[smem:$0x3FB3] =	sst s6  }
0xf: {  	[smem:$0x3FB4] =	sst s7  }
0x10: {  	[smem:$0x3FB5] =	sst s8  }
0x11: {  	[smem:$0x3FB6] =	sst s9;
	s0 =	simm.s32 @!p0 $0x0  }
0x12: {  	s1 =	sld [smem:$0x3F9C];
	s0 =	simm.s32 @p0 $0x1  }
0x13: {  	[smem:$0x3FB7] =	sst s0;
	s0 =	simm.s32 @!p1 $0x0  }
0x14: {  	s2 =	sld [smem:$0x3F9B];
	s0 =	simm.s32 @p1 $0x1  }
0x15: {  	[smem:$0x3FB8] =	sst s0;
	s0 =	simm.s32 @!p2 $0x0  }
0x16: {  	s3 =	sld [smem:$0x3FDB];
	s0 =	simm.s32 @p2 $0x1  }
0x17: {  	s4 =	simm.s32 $0x1BF5;
	[smem:$0x3FBA] =	sst s0  }
0x18: {  	s0 =	sld [smem:$0x3F9D];
	_ =	swait.ge [sflag:s4], $0x0  }
0x19: {  	s7 =	sld [smem:$0x3F9E]  }
0x1a: {  	s8 =	sadd.s32 $0xFFFFE003, lr  }
0x1b: {  	s9 =	sadd.s32 $0xFFFFFEF7, lr;
	s5 =	simm.s32 $0xFFFFFFFF;
	p2 =	slt.u32 s8, $0xFFFFF086  }
0x1c: {  	p1 =	slt.u32 s9, $0xF7A;
	s5 =	simm.s32 @!p2 $0x0  }
0x1d: {  	s5 =	simm.s32 @p1 $0x1;
	p0 =	seq.s32 s7, s2  }
0x1e: {  	s7 =	smul.u32 @!p0 $0xF7A, s2;
	p2 =	seq.s32 @!p0 s5, $0x0  }
0x1f: {  	s9 =	smul.u32 $0xF7A, s1;
	s8 =	simm.s32 @!p0 $0x1BF5;
	p2 =	por !p2, p0  }
0x20: {  	[sflag:s8] =	ssyncset.s32 @!p0 $0xFFFFF086;
	s6 =	sadd.s32 @!p0 s3, s7;
	s7 =	simm.s32 @!p0 $0x108  }
0x21: {  	s3 =	sadd.s32 s3, s9;
	s6 =	sadd.s32 @!p0 $0x88, s6;
	s7 =	simm.s32 @p2 $0x1082  }
0x22: {  	[simem:s7], [sflag:s8] =	dma.local @!p0 [hbm:s6], $0xF7A  }
0x23: {  	s9 =	sor.u32 $0xD0000000, s2;
	s6 =	simm.s32 $0x108;
	_ =	swait.ge @!p0 [sflag:s8], $0x0  }
0x24: {  	s3 =	sadd.s32 $0x88, s3;
	s6 =	simm.s32 @!p1 $0x1082;
	[sflag:s4] =	ssyncset.s32 $0xFFFFF086  }
0x25: {  	[simem:s6], [sflag:s4] =	dma.local [hbm:s3], $0xF7A  }
0x26: {  	[smem:$0x3F9E] =	sst s1;
	(tag) =	ssettag s2;
	_ =	strace s9  }
0x27: {  	s1 =	sld [smem:$0x3FAE]  }
0x28: {  	s2 =	sld [smem:$0x3FAF]  }
0x29: {  	s4 =	sld [smem:$0x3FB1]  }
0x2a: {  	p0 =	seq.s32 s5, $0x0;
	s5 =	sld [smem:$0x3FB2]  }
0x2b: {  	s6 =	sld [smem:$0x3FB3]  }
0x2c: {  	s7 =	sld [smem:$0x3FB4]  }
0x2d: {  	s3 =	simm.s32 $0x108;
	s8 =	sld [smem:$0x3FB5]  }
0x2e: {  	s3 =	simm.s32 @!p0 $0x1082;
	s9 =	sld [smem:$0x3FB6]  }
0x2f: {  	lr =	sadd.s32 s0, s3;
	s0 =	sld [smem:$0x3FAD]  }
0x30: {  	s3 =	sld [smem:$0x3FB0]  }
0x31: {  	[smem:$0x3FB9] =	sst s10  }
0x32: {  	s10 =	sld [smem:$0x3FB7];
	_ =	sdelay $0x3  }
0x33: {  	p0 =	seq.s32 s10, $0x1;
	s10 =	sld [smem:$0x3FB9];
	_ =	sdelay $0x3  }
0x34: {  	[smem:$0x3FB9] =	sst s10  }
0x35: {  	s10 =	sld [smem:$0x3FB8];
	_ =	sdelay $0x3  }
0x36: {  	p1 =	seq.s32 s10, $0x1;
	s10 =	sld [smem:$0x3FB9];
	_ =	sdelay $0x3  }
0x37: {  	[smem:$0x3FB9] =	sst s10  }
0x38: {  	s10 =	sld [smem:$0x3FBA]  }
0x39: {  	_ = 	snop;
	(pc) =	sbr.ind lr, $3  }
0x3a: {  	_ = 	snop  }
0x3b: {  	_ = 	snop  }
0x3c: {  	p2 =	seq.s32 s10, $0x1;
	s10 =	sld [smem:$0x3FB9]  }
0x3d: {  	_ =	shalt  }
0x3e: {  	_ =	shalt  }
0x3f: {  	_ =	shalt  }
0x40: {  	_ =	shalt  }
0x41: {  	_ =	shalt  }
0x42: {  	_ =	shalt  }
0x43: {  	_ =	shalt  }
0x44: {  	_ =	shalt  }
0x45: {  	_ =	shalt  }
0x46: {  	_ =	shalt  }
0x47: {  	_ =	shalt  }
0x48: {  	_ =	shalt  }
0x49: {  	_ =	shalt  }
0x4a: {  	_ =	shalt  }
0x4b: {  	_ =	shalt  }
0x4c: {  	_ =	shalt  }
0x4d: {  	_ =	shalt  }
0x4e: {  	_ =	shalt  }
0x4f: {  	_ =	shalt  }
0x50: {  	_ =	shalt  }
0x51: {  	_ =	shalt  }
0x52: {  	_ =	shalt  }
0x53: {  	_ =	shalt  }
0x54: {  	_ =	shalt  }
0x55: {  	_ =	shalt  }
0x56: {  	_ =	shalt  }
0x57: {  	_ =	shalt  }
0x58: {  	_ =	shalt  }
0x59: {  	_ =	shalt  }
0x5a: {  	_ =	shalt  }
0x5b: {  	_ =	shalt  }
0x5c: {  	_ =	shalt  }
0x5d: {  	_ =	shalt  }
0x5e: {  	_ =	shalt  }
0x5f: {  	_ =	shalt  }
0x60: {  	_ =	shalt  }
0x61: {  	_ =	shalt  }
0x62: {  	_ =	shalt  }
0x63: {  	_ =	shalt  }
0x64: {  	_ =	shalt  }
0x65: {  	_ =	shalt  }
0x66: {  	_ =	shalt  }
0x67: {  	_ =	shalt  }
0x68: {  	_ =	shalt  }
0x69: {  	_ =	shalt  }
0x6a: {  	_ =	shalt  }
0x6b: {  	_ =	shalt  }
0x6c: {  	_ =	shalt  }
0x6d: {  	_ =	shalt  }
0x6e: {  	_ =	shalt  }
0x6f: {  	_ =	shalt  }
0x70: {  	_ =	shalt  }
0x71: {  	_ =	shalt  }
0x72: {  	_ =	shalt  }
0x73: {  	_ =	shalt  }
0x74: {  	_ =	shalt  }
0x75: {  	_ =	shalt  }
0x76: {  	_ =	shalt  }
0x77: {  	_ =	shalt  }
0x78: {  	_ =	shalt  }
0x79: {  	_ =	shalt  }
0x7a: {  	_ =	shalt  }
0x7b: {  	_ =	shalt  }
0x7c: {  	_ =	shalt  }
0x7d: {  	_ =	shalt  }
0x7e: {  	_ =	shalt  }
0x7f: {  	_ =	shalt  }
0x80: {  	_ =	shalt  }
0x81: {  	_ =	shalt  }
0x82: {  	_ =	shalt  }
0x83: {  	_ =	shalt  }
0x84: {  	_ =	shalt  }
0x85: {  	_ =	shalt  }
0x86: {  	_ =	shalt  }
0x87: {  	_ =	shalt  }
.Lfunc_end0:
.L_simem_size_0:
called_computation_lowered:
.L_overlay_start_0:
0x88: {  	s2 =	sld [smem:$0x3FD9]  }
0x89: {  	s3 =	sld [smem:$0x3FFE];
	_ =	sdelay $0x1  }
0x8a: {  	s1 =	srdreg.scid  }
0x8b: {  	s0 =	sand.u32 $0x1, s1  }
0x8c: {  	s17 =	sshll.u32 s0, $0xA;
	s2 =	sadd.s32 s3, s2  }
0x8d: {  	s2 =	sadd.s32 s2, s17  }
0x8e: {  	[smem:$0x3FC5] =	sst s2  }
0x8f: {  	_ = 	snop  }
0x90: {  	s2 =	sld [smem:$0x3FC9]  }
0x91: {  	s18 =	sld [smem:$0x3FC7]  }
0x92: {  	s4 =	sld [smem:$0x3FD0];
	(tm) =	ssettm $0x1  }
0x93: {  	s5 =	sld [smem:$0x3FFB];
	_ =	sdelay $0x3  }
0x94: {  	_ =	strace s5  }
0x95: {  	s5 =	sld [smem:$0x3FFC];
	_ =	sdelay $0x3  }
0x96: {  	_ =	strace s5  }
0x97: {  	s5 =	sld [smem:$0x3FFD];
	_ =	sdelay $0x3  }
0x98: {  	_ =	strace s5  }
0x99: {  	_ =	strace $0x8FFFFFFF  }
0x9a: {  	s19 =	sld [smem:$0x3FDB];
	_ =	sdelay $0x1  }
0x9b: {  	s6 =	simm.s32 $_scs_section_size  }
0x9c: {  	s7 =	simm.s32 $_size__tile_overlayer_lowered;
	s8 =	simm.s32 $_tile_overlayer_lowered  }
0x9d: {  	s22 =	simm.s32 $0x1BFF;
	s21 =	sshll.u32 s8, $0x1;
	s5 =	sadd.s32 s6, s19  }
0x9e: {  	s9 =	simm.s32 $0x0;
	s20 =	sshll.u32 s7, $0x1;
	s7 =	sadd.s32 s21, s5  }
0x9f: {  	[timem:s9], [sflag:s22] =	dma.local [hbm:s7], s20  }
0xa0: {  	_ =	swait.ge [sflag:s22], s20  }
0xa1: {  	s6 =	ssub.s32 $0x0, s20;
	[sflag:s22] =	ssyncset.done $0x0  }
0xa2: {  	[sflag:s22] =	ssyncadd.s32 s6;
	_ =	sdelay $0x1  }
0xa3: {  	s23 =	simm.s32 $0x1B8B  }
0xa4: {  	_ =	swait.ge [sflag:s23], $0x1  }
0xa5: {  	[sflag:s23] =	ssyncset.done $0x0  }
0xa6: {  	s25 =	simm.s32 $0x1B8E;
	s24 =	sld [smem:$0x3FFE];
	[sflag:s23] =	ssyncadd.s32 $0xFFFFFFFF  }
0xa7: {  	s26 =	simm.s32 $execute0_lowered;
	[smem:$0x3FD2] =	sst s25  }
0xa8: {  	s7 =	sshll.u32 s26, $0x1;
	_ =	strace $0x80000046;
	[dreg:$0x1] =	wrdreg $0xFFFFFFFF  }
0xa9: {  	s28 =	simm.s32 $_size_execute0_lowered;
	s5 =	sadd.s32 s5, s7;
	[dreg:$0x0] =	wrdreg $0x0  }
0xaa: {  	s7 =	sshll.u32 s28, $0x1;
	[dreg:$0x2] =	wrdreg s5  }
0xab: {  	[dreg:$0x3] =	wrdreg s7  }
0xac: {  	[dreg:$0x4] =	wrdreg $0xC0  }
0xad: {  	_ =	task [dreg:s9], $0x5FFFF  }
0xae: {  	[dreg:$0x1] =	wrdreg $0xFFFFFFFF  }
0xaf: {  	[dreg:$0x0] =	wrdreg $0x60  }
0xb0: {  	[dreg:$0x2] =	wrdreg s2  }
0xb1: {  	[dreg:$0x3] =	wrdreg s24  }
0xb2: {  	[dreg:$0x4] =	wrdreg s18  }
0xb3: {  	[dreg:$0x5] =	wrdreg s4  }
0xb4: {  	[dreg:$0x6] =	wrdreg $0x9  }
0xb5: {  	_ =	task.clear_ibuf [dreg:s9], $0x7FFFF;
	_ =	strace $0x90000046  }
0xb6: {  	s29 =	simm.s32 $0x9;
	_ =	strace $0x80000048  }
0xb7: {  	_ =	swait.ge [sflag:s29], $0x1  }
0xb8: {  	[sflag:s29] =	ssyncadd.s32 $0xFFFFFFFF  }
0xb9: {  	_ =	strace $0x90000048  }
0xba: {  	_ =	sfence  }
0xbb: {  	s30 =	sld [smem:$0x0];
	_ =	sdelay $0x2  }
0xbc: {  	s31 =	sshll.u32 s1, $0xD;
	s1 =	sshrl.u32 s1, $0x2  }
0xbd: {  	s3 =	sand.u32 $0x4000, s31;
	s1 =	sadd.s32 s1, s30  }
0xbe: {  	s0 =	sor.u32 s3, s0;
	s1 =	sshll.u32 s1, $0x11  }
0xbf: {  	s0 =	sor.u32 s1, s0  }
0xc0: {  	s0 =	sadd.s32 $0x8F2B, s0  }
0xc1: {  	[sflag:s0] =	ssyncadd.remote.s32 $0x1  }
0xc2: {  	_ =	sfence.sel $0xFFFF  }
0xc3: {  	[dreg:$0x0] =	wrdreg $0xFFFFFFFF;
	(pc) =	sbr.abs _section_cstart, $3  }
0xc4: {  	[dreg:$0x1] =	wrdreg $0xFFFFFFFF  }
0xc5: {  	_ =	task.clear_ibuf [dreg:s9], $0x2FFFF;
	_ =	strace $0x9FFFFFFF  }
0xc6: {  	(tm) =	ssettm $0x7FFFFFFF  }
0xc7: {  	_ =	shalt  }
tec
execute0_lowered:
.L_overlay_start_1:
0x0: {  	(tag) =	ssettag $0x1  }
0x1: {  	s0 =	srdreg.scid;
	s20 =	stileid.u32  }
0x2: {  	s1 =	sand.u32 $0x1, s0;
	s22 =	sshll.u32 s20, $0x1  }
0x3: {  	s0 =	sor.u32 s1, s22  }
0x4: {  	s4 =	rddreg [dreg:$0x0];
	s7 =	smul.u32 $0x320, s0  }
0x5: {  	s6 =	rddreg [dreg:$0x1];
	s8 =	smul.u32 $0xC8000, s0  }
0x6: {  	s3 =	rddreg [dreg:$0x2];
	s2 =	simm.s32 $0x0;
	s0 =	smul.u32 $0x19000, s0  }
0x7: {  	[smem:$0x7FF] =	sst s2  }
0x8: {  	s5 =	rddreg [dreg:$0x3];
	_ =	strace $0x80000047;
	s23 =	sadd.s32 s4, s0  }
0x9: {  	s6 =	sadd.s32 s7, s6;
	s0 =	sadd.s32 s5, s0;
	[dreg:$0x6] =	wrdreg s23  }
0xa: {  	s7 =	sadd.s32 $0x400, s6;
	[dreg:$0x8] =	wrdreg s0  }
0xb: {  	s6 =	sshrl.u32 s8, $0x3;
	[dreg:$0x5] =	wrdreg s7;
	s7 =	simm.s32 $0x400  }
0xc: {  	s8 =	sadd.s32 $0x1000, s6;
	[smem:$0x7DE] =	sst s7  }
0xd: {  	s25 =	sadd.s32 $0x2000, s6;
	s24 =	sadd.s32 s4, s8;
	s0 =	rddreg [dreg:$0x5]  }
0xe: {  	s26 =	sadd.s32 s4, s25;
	[dreg:$0x7] =	wrdreg s24  }
0xf: {  	s9 =	sadd.s32 $0x3000, s6;
	s8 =	sadd.s32 s5, s8;
	[dreg:$0x9] =	wrdreg s26  }
0x10: {  	s10 =	sadd.s32 s4, s9;
	[dreg:$0xa] =	wrdreg s8  }
0x11: {  	s12 =	sadd.s32 $0x4000, s6;
	s11 =	sadd.s32 s5, s25;
	[dreg:$0xb] =	wrdreg s10  }
0x12: {  	s13 =	sadd.s32 s4, s12;
	[dreg:$0xc] =	wrdreg s11  }
0x13: {  	s15 =	sadd.s32 $0x5000, s6;
	s14 =	sadd.s32 s5, s9;
	[dreg:$0xd] =	wrdreg s13  }
0x14: {  	s16 =	sadd.s32 s4, s15;
	[dreg:$0xe] =	wrdreg s14  }
0x15: {  	s18 =	sadd.s32 $0x6000, s6;
	s17 =	sadd.s32 s5, s12;
	[dreg:$0xf] =	wrdreg s16  }
0x16: {  	s19 =	sadd.s32 s4, s18;
	[dreg:$0x10] =	wrdreg s17  }
0x17: {  	s22 =	sadd.s32 $0x7000, s6;
	s21 =	sadd.s32 s5, s15;
	[dreg:$0x11] =	wrdreg s19  }
0x18: {  	s23 =	sadd.s32 s4, s22;
	[dreg:$0x12] =	wrdreg s21  }
0x19: {  	s7 =	simm.s32 $0xD00;
	[dreg:$0x13] =	wrdreg s23  }
0x1a: {  	s25 =	sadd.s32 $0x8000, s6;
	s24 =	sadd.s32 s5, s18;
	[smem:$0x7F0] =	sst s7  }
0x1b: {  	s26 =	sadd.s32 s4, s25;
	[dreg:$0x14] =	wrdreg s24  }
0x1c: {  	s9 =	sadd.s32 $0x9000, s6;
	s8 =	sadd.s32 s5, s22;
	[dreg:$0x15] =	wrdreg s26  }
0x1d: {  	s10 =	sadd.s32 s4, s9;
	[dreg:$0x16] =	wrdreg s8  }
0x1e: {  	s12 =	sadd.s32 $0xA000, s6;
	s11 =	sadd.s32 s5, s25;
	[dreg:$0x17] =	wrdreg s10  }
0x1f: {  	s13 =	sadd.s32 s4, s12;
	[dreg:$0x18] =	wrdreg s11  }
0x20: {  	s15 =	sadd.s32 $0xB000, s6;
	s14 =	sadd.s32 s5, s9;
	[dreg:$0x19] =	wrdreg s13  }
0x21: {  	s16 =	sadd.s32 s4, s15;
	[dreg:$0x1a] =	wrdreg s14  }
0x22: {  	s17 =	sadd.s32 s5, s12;
	[dreg:$0x1b] =	wrdreg s16  }
0x23: {  	s18 =	sadd.s32 $0xC000, s6;
	s21 =	sadd.s32 s5, s15;
	[dreg:$0x1c] =	wrdreg s17  }
0x24: {  	s22 =	sadd.s32 $0xD000, s6;
	s19 =	sadd.s32 s4, s18;
	[dreg:$0x1e] =	wrdreg s21  }
0x25: {  	s23 =	sadd.s32 s4, s22;
	[dreg:$0x1d] =	wrdreg s19  }
0x26: {  	s25 =	sadd.s32 $0xE000, s6;
	s24 =	sadd.s32 s5, s18;
	[dreg:$0x1f] =	wrdreg s23  }
0x27: {  	s26 =	sadd.s32 s4, s25;
	[smem:$0x7C0] =	sst s24  }
0x28: {  	s9 =	sadd.s32 s5, s22;
	[smem:$0x7C1] =	sst s26  }
0x29: {  	s12 =	sadd.s32 s5, s25;
	[smem:$0x7C2] =	sst s9  }
0x2a: {  	s10 =	sadd.s32 $0xF000, s6;
	s8 =	simm.s32 $0x480;
	[smem:$0x7C4] =	sst s12  }
0x2b: {  	s13 =	sadd.s32 $0x10000, s6;
	s11 =	sadd.s32 s4, s10;
	[smem:$0x7DF] =	sst s8  }
0x2c: {  	s14 =	sadd.s32 s4, s13;
	[smem:$0x7C3] =	sst s11  }
0x2d: {  	s16 =	sadd.s32 $0x11000, s6;
	s15 =	sadd.s32 s5, s10;
	[smem:$0x7C5] =	sst s14  }
0x2e: {  	s17 =	sadd.s32 s4, s16;
	[smem:$0x7C6] =	sst s15  }
0x2f: {  	s18 =	sadd.s32 s5, s13;
	[smem:$0x7C7] =	sst s17  }
0x30: {  	s19 =	sadd.s32 $0x12000, s6;
	s22 =	sadd.s32 s5, s16;
	[smem:$0x7C8] =	sst s18  }
0x31: {  	s23 =	sadd.s32 $0x13000, s6;
	s21 =	sadd.s32 s4, s19;
	[smem:$0x7CA] =	sst s22  }
0x32: {  	s24 =	sadd.s32 s4, s23;
	[smem:$0x7C9] =	sst s21  }
0x33: {  	s26 =	sadd.s32 $0x14000, s6;
	s25 =	sadd.s32 s5, s19;
	[smem:$0x7CB] =	sst s24  }
0x34: {  	s9 =	sadd.s32 s4, s26;
	[smem:$0x7CC] =	sst s25  }
0x35: {  	s10 =	sadd.s32 s5, s23;
	[smem:$0x7CD] =	sst s9  }
0x36: {  	s13 =	sadd.s32 s5, s26;
	[smem:$0x7CE] =	sst s10  }
0x37: {  	s11 =	sadd.s32 $0x15000, s6;
	s26 =	simm.s32 $0x200;
	[smem:$0x7D0] =	sst s13  }
0x38: {  	s14 =	sadd.s32 $0x16000, s6;
	s12 =	sadd.s32 s4, s11;
	[smem:$0x7DA] =	sst s26  }
0x39: {  	s15 =	sadd.s32 s4, s14;
	[smem:$0x7CF] =	sst s12  }
0x3a: {  	s17 =	sadd.s32 $0x17000, s6;
	s16 =	sadd.s32 s5, s11;
	[smem:$0x7D1] =	sst s15  }
0x3b: {  	s18 =	sadd.s32 s4, s17;
	[smem:$0x7D2] =	sst s16  }
0x3c: {  	s6 =	sadd.s32 $0x18000, s6;
	s19 =	sadd.s32 s5, s14;
	[smem:$0x7D3] =	sst s18  }
0x3d: {  	s21 =	sadd.s32 s4, s6;
	[smem:$0x7D4] =	sst s19  }
0x3e: {  	s22 =	sadd.s32 s5, s17;
	[smem:$0x7D5] =	sst s21  }
0x3f: {  	s23 =	sadd.s32 s5, s6;
	[smem:$0x7D6] =	sst s22  }
0x40: {  	s24 =	simm.s32 $0x100;
	[smem:$0x7D7] =	sst s23  }
0x41: {  	s25 =	simm.s32 $0x180;
	[smem:$0x7D8] =	sst s24  }
0x42: {  	s4 =	simm.s32 $0x280;
	[smem:$0x7D9] =	sst s25  }
0x43: {  	s5 =	simm.s32 $0x300;
	[smem:$0x7DB] =	sst s4  }
0x44: {  	s6 =	simm.s32 $0x380;
	[smem:$0x7DC] =	sst s5  }
0x45: {  	s9 =	simm.s32 $0x500;
	[smem:$0x7DD] =	sst s6  }
0x46: {  	s10 =	simm.s32 $0x580;
	[smem:$0x7E0] =	sst s9  }
0x47: {  	s11 =	simm.s32 $0x600;
	[smem:$0x7E1] =	sst s10  }
0x48: {  	s31 =	simm.s32 $0xA;
	s13 =	simm.s32 $0x700;
	[smem:$0x7E2] =	sst s11  }
0x49: {  	s30 =	simm.s32 $0x1400;
	s14 =	simm.s32 $0x780;
	[smem:$0x7E4] =	sst s13  }
0x4a: {  	s28 =	simm.s32 $0x1480;
	s17 =	simm.s32 $0x900;
	[smem:$0x7E5] =	sst s14  }
0x4b: {  	s29 =	simm.s32 $0x1580;
	s26 =	simm.s32 $0xC80;
	[smem:$0x7E8] =	sst s17  }
0x4c: {  	p0 =	por $0x0, $0x0;
	s12 =	simm.s32 $0x680;
	[smem:$0x7EF] =	sst s26  }
0x4d: {  	s1 =	ssub.s32 $0x2, s1;
	s15 =	simm.s32 $0x800;
	[smem:$0x7E3] =	sst s12  }
0x4e: {  	s7 =	simm.s32 $0x4;
	s16 =	simm.s32 $0x880;
	[smem:$0x7E6] =	sst s15  }
0x4f: {  	s8 =	simm.s32 $0x5900;
	s18 =	simm.s32 $0x980;
	[smem:$0x7E7] =	sst s16  }
0x50: {  	s19 =	sshrl.u32 s1, $0x1;
	s21 =	simm.s32 $0xA00;
	[smem:$0x7E9] =	sst s18  }
0x51: {  	s22 =	simm.s32 $0xA80;
	s23 =	simm.s32 $0xB00;
	[smem:$0x7EA] =	sst s21  }
0x52: {  	s24 =	simm.s32 $0xB80;
	s4 =	simm.s32 $0x1900;
	[smem:$0x7EB] =	sst s22  }
0x53: {  	s25 =	simm.s32 $0xC00;
	s5 =	simm.s32 $0x1;
	[smem:$0x7EC] =	sst s23  }
0x54: {  	s6 =	simm.s32 $0x80;
	s9 =	simm.s32 $0xD80;
	[smem:$0x7ED] =	sst s24  }
0x55: {  	s13 =	simm.s32 $0x9900;
	s10 =	simm.s32 $0xE00;
	[smem:$0x7EE] =	sst s25  }
0x56: {  	s11 =	simm.s32 $0xE80;
	s14 =	simm.s32 $0xF80;
	[smem:$0x7F1] =	sst s9  }
0x57: {  	s17 =	simm.s32 $0x1080;
	s26 =	simm.s32 $0x1380;
	[smem:$0x7F2] =	sst s10  }
0x58: {  	s1 =	ssub.s32 s1, s19;
	s18 =	simm.s32 $0x2;
	[smem:$0x7F3] =	sst s11  }
0x59: {  	s12 =	simm.s32 $0xF00;
	s19 =	simm.s32 $0xD900;
	[smem:$0x7F5] =	sst s14  }
0x5a: {  	s10 =	simm.s32 $0x11900;
	s15 =	simm.s32 $0x1000;
	[smem:$0x7F7] =	sst s17  }
0x5b: {  	s16 =	simm.s32 $0x5;
	s21 =	simm.s32 $0x1100;
	[smem:$0x7FD] =	sst s26  }
0x5c: {  	s17 =	simm.s32 $0x15900;
	s22 =	simm.s32 $0x1180;
	[smem:$0x7F4] =	sst s12  }
0x5d: {  	s9 =	simm.s32 $0x7;
	s23 =	simm.s32 $0x1200;
	[smem:$0x7F6] =	sst s15  }
0x5e: {  	s14 =	simm.s32 $0x6;
	s1 =	smax.u32 s1, $0x1;
	[smem:$0x7F8] =	sst s21  }
0x5f: {  	s24 =	simm.s32 $0x1280;
	[smem:$0x7F9] =	sst s22;
	p1 =	sne.s32 s1, $0x1  }
.Ltmp0:
0x60: {  	s11 =	simm.s32 $0x8;
	[smem:$0x7FA] =	sst s23;
	(pc) =	sbr.rel @!p1 .LBB2_1-.Ltmp0, $4  }
0x61: {  	s25 =	simm.s32 $0x1300;
	s26 =	simm.s32 $0x1680;
	[smem:$0x7FB] =	sst s24  }
0x62: {  	s15 =	simm.s32 $0x3;
	s12 =	simm.s32 $0x9;
	[smem:$0x7FC] =	sst s25  }
0x63: {  	s25 =	simm.s32 $0x1600;
	s23 =	simm.s32 $0x1700;
	s24 =	simm.s32 $0x1780  }
0x64: {  	s21 =	simm.s32 $0x1800;
	s22 =	simm.s32 $0x1880;
	s1 =	sadd.s32 $0xFFFFFFFF, s1  }
0x65: {  	[tilespmem:s2], [sflag:$0xA] =	stream.linear.gather [hbm4b:s0+s2], $0x1900, $0x38;
	[tilespmem:$0x19900] =	vst v63  }
0x66: {  	_ =	swait.ge [sflag:s31], $0x1900  }
0x67: {  	[sflag:s31] =	ssyncset.done $0x0  }
0x68: {  	s20 =	rddreg [dreg:$0x6];
	[sflag:s31] =	ssyncadd.s32 $0xFFFFE700  }
0x69: {  	[tilespmem:s4], [sflag:$0x1] =	stream.linear.gather [hbm4b:s20+s2], $0x8000, $0x38;
	[tilespmem:$0x19900] =	vst v63  }
0x6a: {  	_ =	swait.ge [sflag:s5], $0x8000  }
0x6b: {  	[sflag:s5] =	ssyncset.done $0x0  }
0x6c: {  	[sflag:s5] =	ssyncadd.s32 $0xFFFF8000  }
0x6d: {  	[tilespmem:s4], [sflag:$0x4] =	stream.indirect.gather.add.f32 [hbm:s3], $0x80, s2, s6, $0xb8;
	[tilespmem:$0x19900] =	vst v63  }
0x6e: {  	_ = 	snop  }
0x6f: {  	[tilespmem:s8], [sflag:$0x4] =	stream.indirect.gather.add.f32 [hbm:s3], $0x80, s6, s6, $0xb8;
	[tilespmem:$0x19900] =	vst v63  }
0x70: {  	s20 =	rddreg [dreg:$0x7]  }
0x71: {  	[tilespmem:s13], [sflag:$0x2] =	stream.linear.gather [hbm4b:s20+s2], $0x8000, $0x38;
	[tilespmem:$0x19900] =	vst v63  }
0x72: {  	_ =	swait.ge [sflag:s7], $0x4000  }
0x73: {  	[sflag:s7] =	ssyncset.done $0x0  }
0x74: {  	[sflag:s7] =	ssyncadd.s32 $0xFFFFC000  }
0x75: {  	_ =	swait.ge [sflag:s7], $0x4000  }
0x76: {  	[sflag:s7] =	ssyncset.done $0x0  }
0x77: {  	s20 =	rddreg [dreg:$0x8];
	[sflag:s7] =	ssyncadd.s32 $0xFFFFC000  }
0x78: {  	[hbm4b:s20+s2] =	stream.linear.scatter [tilespmem:s4], [sflag:$0x7], $0x8000, $0x38;
	[tilespmem:$0x19900] =	vst v63  }
0x79: {  	_ =	swait.ge [sflag:s18], $0x8000  }
0x7a: {  	s0 =	sld [smem:$0x7D8]  }
0x7b: {  	[sflag:s18] =	ssyncset.done $0x0  }
0x7c: {  	s20 =	smov.u32 s1;
	s1 =	sld [smem:$0x7D9];
	[sflag:s18] =	ssyncadd.s32 $0xFFFF8000  }
0x7d: {  	[tilespmem:s13], [sflag:$0x5] =	stream.indirect.gather.add.f32 [hbm:s3], $0x80, s0, s6, $0xb8;
	[tilespmem:$0x19900] =	vst v63  }
0x7e: {  	_ = 	snop  }
0x7f: {  	[tilespmem:s19], [sflag:$0x5] =	stream.indirect.gather.add.f32 [hbm:s3], $0x80, s1, s6, $0xb8;
	[tilespmem:$0x19900] =	vst v63  }
0x80: {  	s0 =	rddreg [dreg:$0x9]  }
0x81: {  	[tilespmem:s10], [sflag:$0x3] =	stream.linear.gather [hbm4b:s0+s2], $0x8000, $0x38;
	[tilespmem:$0x19900] =	vst v63  }
0x82: {  	_ =	swait.ge [sflag:s16], $0x4000  }
0x83: {  	[sflag:s16] =	ssyncset.done $0x0  }
0x84: {  	[sflag:s16] =	ssyncadd.s32 $0xFFFFC000  }
0x85: {  	_ =	swait.ge [sflag:s16], $0x4000  }
0x86: {  	[sflag:s16] =	ssyncset.done $0x0  }
0x87: {  	s1 =	rddreg [dreg:$0xa];
	[sflag:s16] =	ssyncadd.s32 $0xFFFFC000  }
0x88: {  	[hbm4b:s1+s2] =	stream.linear.scatter [tilespmem:s13], [sflag:$0x8], $0x8000, $0x38;
	[tilespmem:$0x19900] =	vst v63  }
0x89: {  	_ =	swait.ge [sflag:s15], $0x8000  }
0x8a: {  	s0 =	sld [smem:$0x7DA]  }
0x8b: {  	[sflag:s15] =	ssyncset.done $0x0  }
0x8c: {  	s1 =	sld [smem:$0x7DB];
	[sflag:s15] =	ssyncadd.s32 $0xFFFF8000  }
0x8d: {  	[tilespmem:s10], [sflag:$0x6] =	stream.indirect.gather.add.f32 [hbm:s3], $0x80, s0, s6, $0xb8;
	[tilespmem:$0x19900] =	vst v63  }
0x8e: {  	_ = 	snop  }
0x8f: {  	[tilespmem:s17], [sflag:$0x6] =	stream.indirect.gather.add.f32 [hbm:s3], $0x80, s1, s6, $0xb8;
	[tilespmem:$0x19900] =	vst v63  }
0x90: {  	_ =	swait.ge [sflag:s9], $0x8000  }
0x91: {  	[sflag:s9] =	ssyncset.done $0x0  }
0x92: {  	s1 =	rddreg [dreg:$0xb];
	[sflag:s9] =	ssyncadd.s32 $0xFFFF8000  }
0x93: {  	[tilespmem:s4], [sflag:$0x1] =	stream.linear.gather [hbm4b:s1+s2], $0x8000, $0x38;
	[tilespmem:$0x19900] =	vst v63  }
0x94: {  	_ =	swait.ge [sflag:s14], $0x4000  }
0x95: {  	[sflag:s14] =	ssyncset.done $0x0  }
0x96: {  	[sflag:s14] =	ssyncadd.s32 $0xFFFFC000  }
0x97: {  	_ =	swait.ge [sflag:s14], $0x4000  }
0x98: {  	[sflag:s14] =	ssyncset.done $0x0  }
0x99: {  	s1 =	rddreg [dreg:$0xc];
	[sflag:s14] =	ssyncadd.s32 $0xFFFFC000  }
0x9a: {  	[hbm4b:s1+s2] =	stream.linear.scatter [tilespmem:s10], [sflag:$0x9], $0x8000, $0x38;
	[tilespmem:$0x19900] =	vst v63  }
0x9b: {  	_ =	swait.ge [sflag:s5], $0x8000  }
0x9c: {  	s0 =	sld [smem:$0x7DC]  }
0x9d: {  	[sflag:s5] =	ssyncset.done $0x0  }
0x9e: {  	s1 =	sld [smem:$0x7DD];
	[sflag:s5] =	ssyncadd.s32 $0xFFFF8000  }
0x9f: {  	[tilespmem:s4], [sflag:$0x4] =	stream.indirect.gather.add.f32 [hbm:s3], $0x80, s0, s6, $0xb8;
	[tilespmem:$0x19900] =	vst v63  }
0xa0: {  	_ = 	snop  }
0xa1: {  	[tilespmem:s8], [sflag:$0x4] =	stream.indirect.gather.add.f32 [hbm:s3], $0x80, s1, s6, $0xb8;
	[tilespmem:$0x19900] =	vst v63  }
0xa2: {  	_ =	swait.ge [sflag:s11], $0x8000  }
0xa3: {  	[sflag:s11] =	ssyncset.done $0x0  }
0xa4: {  	s1 =	rddreg [dreg:$0xd];
	[sflag:s11] =	ssyncadd.s32 $0xFFFF8000  }
0xa5: {  	[tilespmem:s13], [sflag:$0x2] =	stream.linear.gather [hbm4b:s1+s2], $0x8000, $0x38;
	[tilespmem:$0x19900] =	vst v63  }
0xa6: {  	_ =	swait.ge [sflag:s7], $0x4000  }
0xa7: {  	[sflag:s7] =	ssyncset.done $0x0  }
0xa8: {  	[sflag:s7] =	ssyncadd.s32 $0xFFFFC000  }
0xa9: {  	_ =	swait.ge [sflag:s7], $0x4000  }
0xaa: {  	[sflag:s7] =	ssyncset.done $0x0  }
0xab: {  	s1 =	rddreg [dreg:$0xe];
	[sflag:s7] =	ssyncadd.s32 $0xFFFFC000  }
0xac: {  	[hbm4b:s1+s2] =	stream.linear.scatter [tilespmem:s4], [sflag:$0x7], $0x8000, $0x38;
	[tilespmem:$0x19900] =	vst v63  }
0xad: {  	_ =	swait.ge [sflag:s18], $0x8000  }
0xae: {  	s0 =	sld [smem:$0x7DE]  }
0xaf: {  	[sflag:s18] =	ssyncset.done $0x0  }
0xb0: {  	s1 =	sld [smem:$0x7DF];
	[sflag:s18] =	ssyncadd.s32 $0xFFFF8000  }
0xb1: {  	[tilespmem:s13], [sflag:$0x5] =	stream.indirect.gather.add.f32 [hbm:s3], $0x80, s0, s6, $0xb8;
	[tilespmem:$0x19900] =	vst v63  }
0xb2: {  	_ = 	snop  }
0xb3: {  	[tilespmem:s19], [sflag:$0x5] =	stream.indirect.gather.add.f32 [hbm:s3], $0x80, s1, s6, $0xb8;
	[tilespmem:$0x19900] =	vst v63  }
0xb4: {  	_ =	swait.ge [sflag:s12], $0x8000  }
0xb5: {  	[sflag:s12] =	ssyncset.done $0x0  }
0xb6: {  	s1 =	rddreg [dreg:$0xf];
	[sflag:s12] =	ssyncadd.s32 $0xFFFF8000  }
0xb7: {  	[tilespmem:s10], [sflag:$0x3] =	stream.linear.gather [hbm4b:s1+s2], $0x8000, $0x38;
	[tilespmem:$0x19900] =	vst v63  }
0xb8: {  	_ =	swait.ge [sflag:s16], $0x4000  }
0xb9: {  	[sflag:s16] =	ssyncset.done $0x0  }
0xba: {  	[sflag:s16] =	ssyncadd.s32 $0xFFFFC000  }
0xbb: {  	_ =	swait.ge [sflag:s16], $0x4000  }
0xbc: {  	[sflag:s16] =	ssyncset.done $0x0  }
0xbd: {  	s1 =	rddreg [dreg:$0x10];
	[sflag:s16] =	ssyncadd.s32 $0xFFFFC000  }
0xbe: {  	[hbm4b:s1+s2] =	stream.linear.scatter [tilespmem:s13], [sflag:$0x8], $0x8000, $0x38;
	[tilespmem:$0x19900] =	vst v63  }
0xbf: {  	_ =	swait.ge [sflag:s15], $0x8000  }
0xc0: {  	s0 =	sld [smem:$0x7E0]  }
0xc1: {  	[sflag:s15] =	ssyncset.done $0x0  }
0xc2: {  	s1 =	sld [smem:$0x7E1];
	[sflag:s15] =	ssyncadd.s32 $0xFFFF8000  }
0xc3: {  	[tilespmem:s10], [sflag:$0x6] =	stream.indirect.gather.add.f32 [hbm:s3], $0x80, s0, s6, $0xb8;
	[tilespmem:$0x19900] =	vst v63  }
0xc4: {  	_ = 	snop  }
0xc5: {  	[tilespmem:s17], [sflag:$0x6] =	stream.indirect.gather.add.f32 [hbm:s3], $0x80, s1, s6, $0xb8;
	[tilespmem:$0x19900] =	vst v63  }
0xc6: {  	_ =	swait.ge [sflag:s9], $0x8000  }
0xc7: {  	[sflag:s9] =	ssyncset.done $0x0  }
0xc8: {  	s1 =	rddreg [dreg:$0x11];
	[sflag:s9] =	ssyncadd.s32 $0xFFFF8000  }
0xc9: {  	[tilespmem:s4], [sflag:$0x1] =	stream.linear.gather [hbm4b:s1+s2], $0x8000, $0x38;
	[tilespmem:$0x19900] =	vst v63  }
0xca: {  	_ =	swait.ge [sflag:s14], $0x4000  }
0xcb: {  	[sflag:s14] =	ssyncset.done $0x0  }
0xcc: {  	[sflag:s14] =	ssyncadd.s32 $0xFFFFC000  }
0xcd: {  	_ =	swait.ge [sflag:s14], $0x4000  }
0xce: {  	[sflag:s14] =	ssyncset.done $0x0  }
0xcf: {  	s1 =	rddreg [dreg:$0x12];
	[sflag:s14] =	ssyncadd.s32 $0xFFFFC000  }
0xd0: {  	[hbm4b:s1+s2] =	stream.linear.scatter [tilespmem:s10], [sflag:$0x9], $0x8000, $0x38;
	[tilespmem:$0x19900] =	vst v63  }
0xd1: {  	_ =	swait.ge [sflag:s5], $0x8000  }
0xd2: {  	s0 =	sld [smem:$0x7E2]  }
0xd3: {  	[sflag:s5] =	ssyncset.done $0x0  }
0xd4: {  	s1 =	sld [smem:$0x7E3];
	[sflag:s5] =	ssyncadd.s32 $0xFFFF8000  }
0xd5: {  	[tilespmem:s4], [sflag:$0x4] =	stream.indirect.gather.add.f32 [hbm:s3], $0x80, s0, s6, $0xb8;
	[tilespmem:$0x19900] =	vst v63  }
0xd6: {  	_ = 	snop  }
0xd7: {  	[tilespmem:s8], [sflag:$0x4] =	stream.indirect.gather.add.f32 [hbm:s3], $0x80, s1, s6, $0xb8;
	[tilespmem:$0x19900] =	vst v63  }
0xd8: {  	_ =	swait.ge [sflag:s11], $0x8000  }
0xd9: {  	[sflag:s11] =	ssyncset.done $0x0  }
0xda: {  	s1 =	rddreg [dreg:$0x13];
	[sflag:s11] =	ssyncadd.s32 $0xFFFF8000  }
0xdb: {  	[tilespmem:s13], [sflag:$0x2] =	stream.linear.gather [hbm4b:s1+s2], $0x8000, $0x38;
	[tilespmem:$0x19900] =	vst v63  }
0xdc: {  	_ =	swait.ge [sflag:s7], $0x4000  }
0xdd: {  	[sflag:s7] =	ssyncset.done $0x0  }
0xde: {  	[sflag:s7] =	ssyncadd.s32 $0xFFFFC000  }
0xdf: {  	_ =	swait.ge [sflag:s7], $0x4000  }
0xe0: {  	[sflag:s7] =	ssyncset.done $0x0  }
0xe1: {  	s1 =	rddreg [dreg:$0x14];
	[sflag:s7] =	ssyncadd.s32 $0xFFFFC000  }
0xe2: {  	[hbm4b:s1+s2] =	stream.linear.scatter [tilespmem:s4], [sflag:$0x7], $0x8000, $0x38;
	[tilespmem:$0x19900] =	vst v63  }
0xe3: {  	_ =	swait.ge [sflag:s18], $0x8000  }
0xe4: {  	s0 =	sld [smem:$0x7E4]  }
0xe5: {  	[sflag:s18] =	ssyncset.done $0x0  }
0xe6: {  	s1 =	sld [smem:$0x7E5];
	[sflag:s18] =	ssyncadd.s32 $0xFFFF8000  }
0xe7: {  	[tilespmem:s13], [sflag:$0x5] =	stream.indirect.gather.add.f32 [hbm:s3], $0x80, s0, s6, $0xb8;
	[tilespmem:$0x19900] =	vst v63  }
0xe8: {  	_ = 	snop  }
0xe9: {  	[tilespmem:s19], [sflag:$0x5] =	stream.indirect.gather.add.f32 [hbm:s3], $0x80, s1, s6, $0xb8;
	[tilespmem:$0x19900] =	vst v63  }
0xea: {  	_ =	swait.ge [sflag:s12], $0x8000  }
0xeb: {  	[sflag:s12] =	ssyncset.done $0x0  }
0xec: {  	s1 =	rddreg [dreg:$0x15];
	[sflag:s12] =	ssyncadd.s32 $0xFFFF8000  }
0xed: {  	[tilespmem:s10], [sflag:$0x3] =	stream.linear.gather [hbm4b:s1+s2], $0x8000, $0x38;
	[tilespmem:$0x19900] =	vst v63  }
0xee: {  	_ =	swait.ge [sflag:s16], $0x4000  }
0xef: {  	[sflag:s16] =	ssyncset.done $0x0  }
0xf0: {  	[sflag:s16] =	ssyncadd.s32 $0xFFFFC000  }
0xf1: {  	_ =	swait.ge [sflag:s16], $0x4000  }
0xf2: {  	[sflag:s16] =	ssyncset.done $0x0  }
0xf3: {  	s1 =	rddreg [dreg:$0x16];
	[sflag:s16] =	ssyncadd.s32 $0xFFFFC000  }
0xf4: {  	[hbm4b:s1+s2] =	stream.linear.scatter [tilespmem:s13], [sflag:$0x8], $0x8000, $0x38;
	[tilespmem:$0x19900] =	vst v63  }
0xf5: {  	_ =	swait.ge [sflag:s15], $0x8000  }
0xf6: {  	s0 =	sld [smem:$0x7E6]  }
0xf7: {  	[sflag:s15] =	ssyncset.done $0x0  }
0xf8: {  	s1 =	sld [smem:$0x7E7];
	[sflag:s15] =	ssyncadd.s32 $0xFFFF8000  }
0xf9: {  	[tilespmem:s10], [sflag:$0x6] =	stream.indirect.gather.add.f32 [hbm:s3], $0x80, s0, s6, $0xb8;
	[tilespmem:$0x19900] =	vst v63  }
0xfa: {  	_ = 	snop  }
0xfb: {  	[tilespmem:s17], [sflag:$0x6] =	stream.indirect.gather.add.f32 [hbm:s3], $0x80, s1, s6, $0xb8;
	[tilespmem:$0x19900] =	vst v63  }
0xfc: {  	_ =	swait.ge [sflag:s9], $0x8000  }
0xfd: {  	[sflag:s9] =	ssyncset.done $0x0  }
0xfe: {  	s1 =	rddreg [dreg:$0x17];
	[sflag:s9] =	ssyncadd.s32 $0xFFFF8000  }
0xff: {  	[tilespmem:s4], [sflag:$0x1] =	stream.linear.gather [hbm4b:s1+s2], $0x8000, $0x38;
	[tilespmem:$0x19900] =	vst v63  }
0x100: {  	_ =	swait.ge [sflag:s14], $0x4000  }
0x101: {  	[sflag:s14] =	ssyncset.done $0x0  }
0x102: {  	[sflag:s14] =	ssyncadd.s32 $0xFFFFC000  }
0x103: {  	_ =	swait.ge [sflag:s14], $0x4000  }
0x104: {  	[sflag:s14] =	ssyncset.done $0x0  }
0x105: {  	s1 =	rddreg [dreg:$0x18];
	[sflag:s14] =	ssyncadd.s32 $0xFFFFC000  }
0x106: {  	[hbm4b:s1+s2] =	stream.linear.scatter [tilespmem:s10], [sflag:$0x9], $0x8000, $0x38;
	[tilespmem:$0x19900] =	vst v63  }
0x107: {  	_ =	swait.ge [sflag:s5], $0x8000  }
0x108: {  	s0 =	sld [smem:$0x7E8]  }
0x109: {  	[sflag:s5] =	ssyncset.done $0x0  }
0x10a: {  	s1 =	sld [smem:$0x7E9];
	[sflag:s5] =	ssyncadd.s32 $0xFFFF8000  }
0x10b: {  	[tilespmem:s4], [sflag:$0x4] =	stream.indirect.gather.add.f32 [hbm:s3], $0x80, s0, s6, $0xb8;
	[tilespmem:$0x19900] =	vst v63  }
0x10c: {  	_ = 	snop  }
0x10d: {  	[tilespmem:s8], [sflag:$0x4] =	stream.indirect.gather.add.f32 [hbm:s3], $0x80, s1, s6, $0xb8;
	[tilespmem:$0x19900] =	vst v63  }
0x10e: {  	_ =	swait.ge [sflag:s11], $0x8000  }
0x10f: {  	[sflag:s11] =	ssyncset.done $0x0  }
0x110: {  	s1 =	rddreg [dreg:$0x19];
	[sflag:s11] =	ssyncadd.s32 $0xFFFF8000  }
0x111: {  	[tilespmem:s13], [sflag:$0x2] =	stream.linear.gather [hbm4b:s1+s2], $0x8000, $0x38;
	[tilespmem:$0x19900] =	vst v63  }
0x112: {  	_ =	swait.ge [sflag:s7], $0x4000  }
0x113: {  	[sflag:s7] =	ssyncset.done $0x0  }
0x114: {  	[sflag:s7] =	ssyncadd.s32 $0xFFFFC000  }
0x115: {  	_ =	swait.ge [sflag:s7], $0x4000  }
0x116: {  	[sflag:s7] =	ssyncset.done $0x0  }
0x117: {  	s1 =	rddreg [dreg:$0x1a];
	[sflag:s7] =	ssyncadd.s32 $0xFFFFC000  }
0x118: {  	[hbm4b:s1+s2] =	stream.linear.scatter [tilespmem:s4], [sflag:$0x7], $0x8000, $0x38;
	[tilespmem:$0x19900] =	vst v63  }
0x119: {  	_ =	swait.ge [sflag:s18], $0x8000  }
0x11a: {  	s0 =	sld [smem:$0x7EA]  }
0x11b: {  	[sflag:s18] =	ssyncset.done $0x0  }
0x11c: {  	s1 =	sld [smem:$0x7EB];
	[sflag:s18] =	ssyncadd.s32 $0xFFFF8000  }
0x11d: {  	[tilespmem:s13], [sflag:$0x5] =	stream.indirect.gather.add.f32 [hbm:s3], $0x80, s0, s6, $0xb8;
	[tilespmem:$0x19900] =	vst v63  }
0x11e: {  	_ = 	snop  }
0x11f: {  	[tilespmem:s19], [sflag:$0x5] =	stream.indirect.gather.add.f32 [hbm:s3], $0x80, s1, s6, $0xb8;
	[tilespmem:$0x19900] =	vst v63  }
0x120: {  	_ =	swait.ge [sflag:s12], $0x8000  }
0x121: {  	[sflag:s12] =	ssyncset.done $0x0  }
0x122: {  	s1 =	rddreg [dreg:$0x1b];
	[sflag:s12] =	ssyncadd.s32 $0xFFFF8000  }
0x123: {  	[tilespmem:s10], [sflag:$0x3] =	stream.linear.gather [hbm4b:s1+s2], $0x8000, $0x38;
	[tilespmem:$0x19900] =	vst v63  }
0x124: {  	_ =	swait.ge [sflag:s16], $0x4000  }
0x125: {  	[sflag:s16] =	ssyncset.done $0x0  }
0x126: {  	[sflag:s16] =	ssyncadd.s32 $0xFFFFC000  }
0x127: {  	_ =	swait.ge [sflag:s16], $0x4000  }
0x128: {  	[sflag:s16] =	ssyncset.done $0x0  }
0x129: {  	s1 =	rddreg [dreg:$0x1c];
	[sflag:s16] =	ssyncadd.s32 $0xFFFFC000  }
0x12a: {  	[hbm4b:s1+s2] =	stream.linear.scatter [tilespmem:s13], [sflag:$0x8], $0x8000, $0x38;
	[tilespmem:$0x19900] =	vst v63  }
0x12b: {  	_ =	swait.ge [sflag:s15], $0x8000  }
0x12c: {  	s0 =	sld [smem:$0x7EC]  }
0x12d: {  	[sflag:s15] =	ssyncset.done $0x0  }
0x12e: {  	s1 =	sld [smem:$0x7ED];
	[sflag:s15] =	ssyncadd.s32 $0xFFFF8000  }
0x12f: {  	[tilespmem:s10], [sflag:$0x6] =	stream.indirect.gather.add.f32 [hbm:s3], $0x80, s0, s6, $0xb8;
	[tilespmem:$0x19900] =	vst v63  }
0x130: {  	_ = 	snop  }
0x131: {  	[tilespmem:s17], [sflag:$0x6] =	stream.indirect.gather.add.f32 [hbm:s3], $0x80, s1, s6, $0xb8;
	[tilespmem:$0x19900] =	vst v63  }
0x132: {  	_ =	swait.ge [sflag:s9], $0x8000  }
0x133: {  	[sflag:s9] =	ssyncset.done $0x0  }
0x134: {  	s1 =	rddreg [dreg:$0x1d];
	[sflag:s9] =	ssyncadd.s32 $0xFFFF8000  }
0x135: {  	[tilespmem:s4], [sflag:$0x1] =	stream.linear.gather [hbm4b:s1+s2], $0x8000, $0x38;
	[tilespmem:$0x19900] =	vst v63  }
0x136: {  	_ =	swait.ge [sflag:s14], $0x4000  }
0x137: {  	[sflag:s14] =	ssyncset.done $0x0  }
0x138: {  	[sflag:s14] =	ssyncadd.s32 $0xFFFFC000  }
0x139: {  	_ =	swait.ge [sflag:s14], $0x4000  }
0x13a: {  	[sflag:s14] =	ssyncset.done $0x0  }
0x13b: {  	s1 =	rddreg [dreg:$0x1e];
	[sflag:s14] =	ssyncadd.s32 $0xFFFFC000  }
0x13c: {  	[hbm4b:s1+s2] =	stream.linear.scatter [tilespmem:s10], [sflag:$0x9], $0x8000, $0x38;
	[tilespmem:$0x19900] =	vst v63  }
0x13d: {  	_ =	swait.ge [sflag:s5], $0x8000  }
0x13e: {  	s0 =	sld [smem:$0x7EE]  }
0x13f: {  	[sflag:s5] =	ssyncset.done $0x0  }
0x140: {  	s1 =	sld [smem:$0x7EF];
	[sflag:s5] =	ssyncadd.s32 $0xFFFF8000  }
0x141: {  	[tilespmem:s4], [sflag:$0x4] =	stream.indirect.gather.add.f32 [hbm:s3], $0x80, s0, s6, $0xb8;
	[tilespmem:$0x19900] =	vst v63  }
0x142: {  	_ = 	snop  }
0x143: {  	[tilespmem:s8], [sflag:$0x4] =	stream.indirect.gather.add.f32 [hbm:s3], $0x80, s1, s6, $0xb8;
	[tilespmem:$0x19900] =	vst v63  }
0x144: {  	_ =	swait.ge [sflag:s11], $0x8000  }
0x145: {  	[sflag:s11] =	ssyncset.done $0x0  }
0x146: {  	s1 =	rddreg [dreg:$0x1f];
	[sflag:s11] =	ssyncadd.s32 $0xFFFF8000  }
0x147: {  	[tilespmem:s13], [sflag:$0x2] =	stream.linear.gather [hbm4b:s1+s2], $0x8000, $0x38;
	[tilespmem:$0x19900] =	vst v63  }
0x148: {  	_ =	swait.ge [sflag:s7], $0x4000  }
0x149: {  	[sflag:s7] =	ssyncset.done $0x0  }
0x14a: {  	[sflag:s7] =	ssyncadd.s32 $0xFFFFC000  }
0x14b: {  	_ =	swait.ge [sflag:s7], $0x4000  }
0x14c: {  	s1 =	sld [smem:$0x7C0]  }
0x14d: {  	[sflag:s7] =	ssyncset.done $0x0  }
0x14e: {  	[sflag:s7] =	ssyncadd.s32 $0xFFFFC000  }
0x14f: {  	[hbm4b:s1+s2] =	stream.linear.scatter [tilespmem:s4], [sflag:$0x7], $0x8000, $0x38;
	[tilespmem:$0x19900] =	vst v63  }
0x150: {  	_ =	swait.ge [sflag:s18], $0x8000  }
0x151: {  	s0 =	sld [smem:$0x7F0]  }
0x152: {  	[sflag:s18] =	ssyncset.done $0x0  }
0x153: {  	s1 =	sld [smem:$0x7F1];
	[sflag:s18] =	ssyncadd.s32 $0xFFFF8000  }
0x154: {  	[tilespmem:s13], [sflag:$0x5] =	stream.indirect.gather.add.f32 [hbm:s3], $0x80, s0, s6, $0xb8;
	[tilespmem:$0x19900] =	vst v63  }
0x155: {  	_ = 	snop  }
0x156: {  	[tilespmem:s19], [sflag:$0x5] =	stream.indirect.gather.add.f32 [hbm:s3], $0x80, s1, s6, $0xb8;
	[tilespmem:$0x19900] =	vst v63  }
0x157: {  	_ =	swait.ge [sflag:s12], $0x8000  }
0x158: {  	s1 =	sld [smem:$0x7C1]  }
0x159: {  	[sflag:s12] =	ssyncset.done $0x0  }
0x15a: {  	[sflag:s12] =	ssyncadd.s32 $0xFFFF8000  }
0x15b: {  	[tilespmem:s10], [sflag:$0x3] =	stream.linear.gather [hbm4b:s1+s2], $0x8000, $0x38;
	[tilespmem:$0x19900] =	vst v63  }
0x15c: {  	_ =	swait.ge [sflag:s16], $0x4000  }
0x15d: {  	[sflag:s16] =	ssyncset.done $0x0  }
0x15e: {  	[sflag:s16] =	ssyncadd.s32 $0xFFFFC000  }
0x15f: {  	_ =	swait.ge [sflag:s16], $0x4000  }
0x160: {  	s1 =	sld [smem:$0x7C2]  }
0x161: {  	[sflag:s16] =	ssyncset.done $0x0  }
0x162: {  	[sflag:s16] =	ssyncadd.s32 $0xFFFFC000  }
0x163: {  	[hbm4b:s1+s2] =	stream.linear.scatter [tilespmem:s13], [sflag:$0x8], $0x8000, $0x38;
	[tilespmem:$0x19900] =	vst v63  }
0x164: {  	_ =	swait.ge [sflag:s15], $0x8000  }
0x165: {  	s0 =	sld [smem:$0x7F2]  }
0x166: {  	[sflag:s15] =	ssyncset.done $0x0  }
0x167: {  	s1 =	sld [smem:$0x7F3];
	[sflag:s15] =	ssyncadd.s32 $0xFFFF8000  }
0x168: {  	[tilespmem:s10], [sflag:$0x6] =	stream.indirect.gather.add.f32 [hbm:s3], $0x80, s0, s6, $0xb8;
	[tilespmem:$0x19900] =	vst v63  }
0x169: {  	_ = 	snop  }
0x16a: {  	[tilespmem:s17], [sflag:$0x6] =	stream.indirect.gather.add.f32 [hbm:s3], $0x80, s1, s6, $0xb8;
	[tilespmem:$0x19900] =	vst v63  }
0x16b: {  	_ =	swait.ge [sflag:s9], $0x8000  }
0x16c: {  	s1 =	sld [smem:$0x7C3]  }
0x16d: {  	[sflag:s9] =	ssyncset.done $0x0  }
0x16e: {  	[sflag:s9] =	ssyncadd.s32 $0xFFFF8000  }
0x16f: {  	[tilespmem:s4], [sflag:$0x1] =	stream.linear.gather [hbm4b:s1+s2], $0x8000, $0x38;
	[tilespmem:$0x19900] =	vst v63  }
0x170: {  	_ =	swait.ge [sflag:s14], $0x4000  }
0x171: {  	[sflag:s14] =	ssyncset.done $0x0  }
0x172: {  	[sflag:s14] =	ssyncadd.s32 $0xFFFFC000  }
0x173: {  	_ =	swait.ge [sflag:s14], $0x4000  }
0x174: {  	s1 =	sld [smem:$0x7C4]  }
0x175: {  	[sflag:s14] =	ssyncset.done $0x0  }
0x176: {  	[sflag:s14] =	ssyncadd.s32 $0xFFFFC000  }
0x177: {  	[hbm4b:s1+s2] =	stream.linear.scatter [tilespmem:s10], [sflag:$0x9], $0x8000, $0x38;
	[tilespmem:$0x19900] =	vst v63  }
0x178: {  	_ =	swait.ge [sflag:s5], $0x8000  }
0x179: {  	s0 =	sld [smem:$0x7F4]  }
0x17a: {  	[sflag:s5] =	ssyncset.done $0x0  }
0x17b: {  	s1 =	sld [smem:$0x7F5];
	[sflag:s5] =	ssyncadd.s32 $0xFFFF8000  }
0x17c: {  	[tilespmem:s4], [sflag:$0x4] =	stream.indirect.gather.add.f32 [hbm:s3], $0x80, s0, s6, $0xb8;
	[tilespmem:$0x19900] =	vst v63  }
0x17d: {  	_ = 	snop  }
0x17e: {  	[tilespmem:s8], [sflag:$0x4] =	stream.indirect.gather.add.f32 [hbm:s3], $0x80, s1, s6, $0xb8;
	[tilespmem:$0x19900] =	vst v63  }
0x17f: {  	_ =	swait.ge [sflag:s11], $0x8000  }
0x180: {  	s1 =	sld [smem:$0x7C5]  }
0x181: {  	[sflag:s11] =	ssyncset.done $0x0  }
0x182: {  	[sflag:s11] =	ssyncadd.s32 $0xFFFF8000  }
0x183: {  	[tilespmem:s13], [sflag:$0x2] =	stream.linear.gather [hbm4b:s1+s2], $0x8000, $0x38;
	[tilespmem:$0x19900] =	vst v63  }
0x184: {  	_ =	swait.ge [sflag:s7], $0x4000  }
0x185: {  	[sflag:s7] =	ssyncset.done $0x0  }
0x186: {  	[sflag:s7] =	ssyncadd.s32 $0xFFFFC000  }
0x187: {  	_ =	swait.ge [sflag:s7], $0x4000  }
0x188: {  	s1 =	sld [smem:$0x7C6]  }
0x189: {  	[sflag:s7] =	ssyncset.done $0x0  }
0x18a: {  	[sflag:s7] =	ssyncadd.s32 $0xFFFFC000  }
0x18b: {  	[hbm4b:s1+s2] =	stream.linear.scatter [tilespmem:s4], [sflag:$0x7], $0x8000, $0x38;
	[tilespmem:$0x19900] =	vst v63  }
0x18c: {  	_ =	swait.ge [sflag:s18], $0x8000  }
0x18d: {  	s0 =	sld [smem:$0x7F6]  }
0x18e: {  	[sflag:s18] =	ssyncset.done $0x0  }
0x18f: {  	s1 =	sld [smem:$0x7F7];
	[sflag:s18] =	ssyncadd.s32 $0xFFFF8000  }
0x190: {  	[tilespmem:s13], [sflag:$0x5] =	stream.indirect.gather.add.f32 [hbm:s3], $0x80, s0, s6, $0xb8;
	[tilespmem:$0x19900] =	vst v63  }
0x191: {  	_ = 	snop  }
0x192: {  	[tilespmem:s19], [sflag:$0x5] =	stream.indirect.gather.add.f32 [hbm:s3], $0x80, s1, s6, $0xb8;
	[tilespmem:$0x19900] =	vst v63  }
0x193: {  	_ =	swait.ge [sflag:s12], $0x8000  }
0x194: {  	s1 =	sld [smem:$0x7C7]  }
0x195: {  	[sflag:s12] =	ssyncset.done $0x0  }
0x196: {  	[sflag:s12] =	ssyncadd.s32 $0xFFFF8000  }
0x197: {  	[tilespmem:s10], [sflag:$0x3] =	stream.linear.gather [hbm4b:s1+s2], $0x8000, $0x38;
	[tilespmem:$0x19900] =	vst v63  }
0x198: {  	_ =	swait.ge [sflag:s16], $0x4000  }
0x199: {  	[sflag:s16] =	ssyncset.done $0x0  }
0x19a: {  	[sflag:s16] =	ssyncadd.s32 $0xFFFFC000  }
0x19b: {  	_ =	swait.ge [sflag:s16], $0x4000  }
0x19c: {  	s1 =	sld [smem:$0x7C8]  }
0x19d: {  	[sflag:s16] =	ssyncset.done $0x0  }
0x19e: {  	[sflag:s16] =	ssyncadd.s32 $0xFFFFC000  }
0x19f: {  	[hbm4b:s1+s2] =	stream.linear.scatter [tilespmem:s13], [sflag:$0x8], $0x8000, $0x38;
	[tilespmem:$0x19900] =	vst v63  }
0x1a0: {  	_ =	swait.ge [sflag:s15], $0x8000  }
0x1a1: {  	s0 =	sld [smem:$0x7F8]  }
0x1a2: {  	[sflag:s15] =	ssyncset.done $0x0  }
0x1a3: {  	s1 =	sld [smem:$0x7F9];
	[sflag:s15] =	ssyncadd.s32 $0xFFFF8000  }
0x1a4: {  	[tilespmem:s10], [sflag:$0x6] =	stream.indirect.gather.add.f32 [hbm:s3], $0x80, s0, s6, $0xb8;
	[tilespmem:$0x19900] =	vst v63  }
0x1a5: {  	_ = 	snop  }
0x1a6: {  	[tilespmem:s17], [sflag:$0x6] =	stream.indirect.gather.add.f32 [hbm:s3], $0x80, s1, s6, $0xb8;
	[tilespmem:$0x19900] =	vst v63  }
0x1a7: {  	_ =	swait.ge [sflag:s9], $0x8000  }
0x1a8: {  	s1 =	sld [smem:$0x7C9]  }
0x1a9: {  	[sflag:s9] =	ssyncset.done $0x0  }
0x1aa: {  	[sflag:s9] =	ssyncadd.s32 $0xFFFF8000  }
0x1ab: {  	[tilespmem:s4], [sflag:$0x1] =	stream.linear.gather [hbm4b:s1+s2], $0x8000, $0x38;
	[tilespmem:$0x19900] =	vst v63  }
0x1ac: {  	_ =	swait.ge [sflag:s14], $0x4000  }
0x1ad: {  	[sflag:s14] =	ssyncset.done $0x0  }
0x1ae: {  	[sflag:s14] =	ssyncadd.s32 $0xFFFFC000  }
0x1af: {  	_ =	swait.ge [sflag:s14], $0x4000  }
0x1b0: {  	s1 =	sld [smem:$0x7CA]  }
0x1b1: {  	[sflag:s14] =	ssyncset.done $0x0  }
0x1b2: {  	[sflag:s14] =	ssyncadd.s32 $0xFFFFC000  }
0x1b3: {  	[hbm4b:s1+s2] =	stream.linear.scatter [tilespmem:s10], [sflag:$0x9], $0x8000, $0x38;
	[tilespmem:$0x19900] =	vst v63  }
0x1b4: {  	_ =	swait.ge [sflag:s5], $0x8000  }
0x1b5: {  	s0 =	sld [smem:$0x7FA]  }
0x1b6: {  	[sflag:s5] =	ssyncset.done $0x0  }
0x1b7: {  	s1 =	sld [smem:$0x7FB];
	[sflag:s5] =	ssyncadd.s32 $0xFFFF8000  }
0x1b8: {  	[tilespmem:s4], [sflag:$0x4] =	stream.indirect.gather.add.f32 [hbm:s3], $0x80, s0, s6, $0xb8;
	[tilespmem:$0x19900] =	vst v63  }
0x1b9: {  	_ = 	snop  }
0x1ba: {  	[tilespmem:s8], [sflag:$0x4] =	stream.indirect.gather.add.f32 [hbm:s3], $0x80, s1, s6, $0xb8;
	[tilespmem:$0x19900] =	vst v63  }
0x1bb: {  	_ =	swait.ge [sflag:s11], $0x8000  }
0x1bc: {  	s1 =	sld [smem:$0x7CB]  }
0x1bd: {  	[sflag:s11] =	ssyncset.done $0x0  }
0x1be: {  	[sflag:s11] =	ssyncadd.s32 $0xFFFF8000  }
0x1bf: {  	[tilespmem:s13], [sflag:$0x2] =	stream.linear.gather [hbm4b:s1+s2], $0x8000, $0x38;
	[tilespmem:$0x19900] =	vst v63  }
0x1c0: {  	_ =	swait.ge [sflag:s7], $0x4000  }
0x1c1: {  	[sflag:s7] =	ssyncset.done $0x0  }
0x1c2: {  	[sflag:s7] =	ssyncadd.s32 $0xFFFFC000  }
0x1c3: {  	_ =	swait.ge [sflag:s7], $0x4000  }
0x1c4: {  	s1 =	sld [smem:$0x7CC]  }
0x1c5: {  	[sflag:s7] =	ssyncset.done $0x0  }
0x1c6: {  	[sflag:s7] =	ssyncadd.s32 $0xFFFFC000  }
0x1c7: {  	[hbm4b:s1+s2] =	stream.linear.scatter [tilespmem:s4], [sflag:$0x7], $0x8000, $0x38;
	[tilespmem:$0x19900] =	vst v63  }
0x1c8: {  	_ =	swait.ge [sflag:s18], $0x8000  }
0x1c9: {  	s0 =	sld [smem:$0x7FC]  }
0x1ca: {  	[sflag:s18] =	ssyncset.done $0x0  }
0x1cb: {  	s1 =	sld [smem:$0x7FD];
	[sflag:s18] =	ssyncadd.s32 $0xFFFF8000  }
0x1cc: {  	[tilespmem:s13], [sflag:$0x5] =	stream.indirect.gather.add.f32 [hbm:s3], $0x80, s0, s6, $0xb8;
	[tilespmem:$0x19900] =	vst v63  }
0x1cd: {  	_ = 	snop  }
0x1ce: {  	[tilespmem:s19], [sflag:$0x5] =	stream.indirect.gather.add.f32 [hbm:s3], $0x80, s1, s6, $0xb8;
	[tilespmem:$0x19900] =	vst v63  }
0x1cf: {  	_ =	swait.ge [sflag:s12], $0x8000  }
0x1d0: {  	s1 =	sld [smem:$0x7CD]  }
0x1d1: {  	[sflag:s12] =	ssyncset.done $0x0  }
0x1d2: {  	[sflag:s12] =	ssyncadd.s32 $0xFFFF8000  }
0x1d3: {  	[tilespmem:s10], [sflag:$0x3] =	stream.linear.gather [hbm4b:s1+s2], $0x8000, $0x38;
	[tilespmem:$0x19900] =	vst v63  }
0x1d4: {  	_ =	swait.ge [sflag:s16], $0x4000  }
0x1d5: {  	[sflag:s16] =	ssyncset.done $0x0  }
0x1d6: {  	[sflag:s16] =	ssyncadd.s32 $0xFFFFC000  }
0x1d7: {  	_ =	swait.ge [sflag:s16], $0x4000  }
0x1d8: {  	s1 =	sld [smem:$0x7CE]  }
0x1d9: {  	[sflag:s16] =	ssyncset.done $0x0  }
0x1da: {  	[sflag:s16] =	ssyncadd.s32 $0xFFFFC000  }
0x1db: {  	[hbm4b:s1+s2] =	stream.linear.scatter [tilespmem:s13], [sflag:$0x8], $0x8000, $0x38;
	[tilespmem:$0x19900] =	vst v63  }
0x1dc: {  	_ =	swait.ge [sflag:s15], $0x8000  }
0x1dd: {  	[sflag:s15] =	ssyncset.done $0x0  }
0x1de: {  	[sflag:s15] =	ssyncadd.s32 $0xFFFF8000  }
0x1df: {  	[tilespmem:s10], [sflag:$0x6] =	stream.indirect.gather.add.f32 [hbm:s3], $0x80, s30, s6, $0xb8;
	[tilespmem:$0x19900] =	vst v63  }
0x1e0: {  	_ = 	snop  }
0x1e1: {  	[tilespmem:s17], [sflag:$0x6] =	stream.indirect.gather.add.f32 [hbm:s3], $0x80, s28, s6, $0xb8;
	[tilespmem:$0x19900] =	vst v63  }
0x1e2: {  	_ =	swait.ge [sflag:s9], $0x8000  }
0x1e3: {  	s1 =	sld [smem:$0x7CF]  }
0x1e4: {  	[sflag:s9] =	ssyncset.done $0x0  }
0x1e5: {  	[sflag:s9] =	ssyncadd.s32 $0xFFFF8000  }
0x1e6: {  	[tilespmem:s4], [sflag:$0x1] =	stream.linear.gather [hbm4b:s1+s2], $0x8000, $0x38;
	[tilespmem:$0x19900] =	vst v63  }
0x1e7: {  	_ =	swait.ge [sflag:s14], $0x4000  }
0x1e8: {  	[sflag:s14] =	ssyncset.done $0x0  }
0x1e9: {  	[sflag:s14] =	ssyncadd.s32 $0xFFFFC000  }
0x1ea: {  	_ =	swait.ge [sflag:s14], $0x4000  }
0x1eb: {  	s1 =	sld [smem:$0x7D0]  }
0x1ec: {  	[sflag:s14] =	ssyncset.done $0x0  }
0x1ed: {  	[sflag:s14] =	ssyncadd.s32 $0xFFFFC000  }
0x1ee: {  	[hbm4b:s1+s2] =	stream.linear.scatter [tilespmem:s10], [sflag:$0x9], $0x8000, $0x38;
	[tilespmem:$0x19900] =	vst v63  }
0x1ef: {  	_ =	swait.ge [sflag:s5], $0x8000  }
0x1f0: {  	[sflag:s5] =	ssyncset.done $0x0  }
0x1f1: {  	s1 =	simm.s32 $0x1500;
	[sflag:s5] =	ssyncadd.s32 $0xFFFF8000  }
0x1f2: {  	[tilespmem:s4], [sflag:$0x4] =	stream.indirect.gather.add.f32 [hbm:s3], $0x80, s1, s6, $0xb8;
	[tilespmem:$0x19900] =	vst v63  }
0x1f3: {  	_ = 	snop  }
0x1f4: {  	[tilespmem:s8], [sflag:$0x4] =	stream.indirect.gather.add.f32 [hbm:s3], $0x80, s29, s6, $0xb8;
	[tilespmem:$0x19900] =	vst v63  }
0x1f5: {  	_ =	swait.ge [sflag:s11], $0x8000  }
0x1f6: {  	s1 =	sld [smem:$0x7D1]  }
0x1f7: {  	[sflag:s11] =	ssyncset.done $0x0  }
0x1f8: {  	[sflag:s11] =	ssyncadd.s32 $0xFFFF8000  }
0x1f9: {  	[tilespmem:s13], [sflag:$0x2] =	stream.linear.gather [hbm4b:s1+s2], $0x8000, $0x38;
	[tilespmem:$0x19900] =	vst v63  }
0x1fa: {  	_ =	swait.ge [sflag:s7], $0x4000  }
0x1fb: {  	[sflag:s7] =	ssyncset.done $0x0  }
0x1fc: {  	[sflag:s7] =	ssyncadd.s32 $0xFFFFC000  }
0x1fd: {  	_ =	swait.ge [sflag:s7], $0x4000  }
0x1fe: {  	s1 =	sld [smem:$0x7D2]  }
0x1ff: {  	[sflag:s7] =	ssyncset.done $0x0  }
0x200: {  	[sflag:s7] =	ssyncadd.s32 $0xFFFFC000  }
0x201: {  	[hbm4b:s1+s2] =	stream.linear.scatter [tilespmem:s4], [sflag:$0x7], $0x8000, $0x38;
	[tilespmem:$0x19900] =	vst v63  }
0x202: {  	_ =	swait.ge [sflag:s18], $0x8000  }
0x203: {  	[sflag:s18] =	ssyncset.done $0x0  }
0x204: {  	[sflag:s18] =	ssyncadd.s32 $0xFFFF8000  }
0x205: {  	[tilespmem:s13], [sflag:$0x5] =	stream.indirect.gather.add.f32 [hbm:s3], $0x80, s25, s6, $0xb8;
	[tilespmem:$0x19900] =	vst v63  }
0x206: {  	_ = 	snop  }
0x207: {  	[tilespmem:s19], [sflag:$0x5] =	stream.indirect.gather.add.f32 [hbm:s3], $0x80, s26, s6, $0xb8;
	[tilespmem:$0x19900] =	vst v63  }
0x208: {  	_ =	swait.ge [sflag:s12], $0x8000  }
0x209: {  	s1 =	sld [smem:$0x7D3]  }
0x20a: {  	[sflag:s12] =	ssyncset.done $0x0  }
0x20b: {  	[sflag:s12] =	ssyncadd.s32 $0xFFFF8000  }
0x20c: {  	[tilespmem:s10], [sflag:$0x3] =	stream.linear.gather [hbm4b:s1+s2], $0x8000, $0x38;
	[tilespmem:$0x19900] =	vst v63  }
0x20d: {  	_ =	swait.ge [sflag:s16], $0x4000  }
0x20e: {  	[sflag:s16] =	ssyncset.done $0x0  }
0x20f: {  	[sflag:s16] =	ssyncadd.s32 $0xFFFFC000  }
0x210: {  	_ =	swait.ge [sflag:s16], $0x4000  }
0x211: {  	s1 =	sld [smem:$0x7D4]  }
0x212: {  	[sflag:s16] =	ssyncset.done $0x0  }
0x213: {  	[sflag:s16] =	ssyncadd.s32 $0xFFFFC000  }
0x214: {  	[hbm4b:s1+s2] =	stream.linear.scatter [tilespmem:s13], [sflag:$0x8], $0x8000, $0x38;
	[tilespmem:$0x19900] =	vst v63  }
0x215: {  	_ =	swait.ge [sflag:s15], $0x8000  }
0x216: {  	[sflag:s15] =	ssyncset.done $0x0  }
0x217: {  	[sflag:s15] =	ssyncadd.s32 $0xFFFF8000  }
0x218: {  	[tilespmem:s10], [sflag:$0x6] =	stream.indirect.gather.add.f32 [hbm:s3], $0x80, s23, s6, $0xb8;
	[tilespmem:$0x19900] =	vst v63  }
0x219: {  	_ = 	snop  }
0x21a: {  	[tilespmem:s17], [sflag:$0x6] =	stream.indirect.gather.add.f32 [hbm:s3], $0x80, s24, s6, $0xb8;
	[tilespmem:$0x19900] =	vst v63  }
0x21b: {  	_ =	swait.ge [sflag:s9], $0x8000  }
0x21c: {  	s1 =	sld [smem:$0x7D5]  }
0x21d: {  	[sflag:s9] =	ssyncset.done $0x0  }
0x21e: {  	[sflag:s9] =	ssyncadd.s32 $0xFFFF8000  }
0x21f: {  	[tilespmem:s4], [sflag:$0x1] =	stream.linear.gather [hbm4b:s1+s2], $0x8000, $0x38;
	[tilespmem:$0x19900] =	vst v63  }
0x220: {  	_ =	swait.ge [sflag:s14], $0x4000  }
0x221: {  	[sflag:s14] =	ssyncset.done $0x0  }
0x222: {  	[sflag:s14] =	ssyncadd.s32 $0xFFFFC000  }
0x223: {  	_ =	swait.ge [sflag:s14], $0x4000  }
0x224: {  	s1 =	sld [smem:$0x7D6]  }
0x225: {  	[sflag:s14] =	ssyncset.done $0x0  }
0x226: {  	[sflag:s14] =	ssyncadd.s32 $0xFFFFC000  }
0x227: {  	[hbm4b:s1+s2] =	stream.linear.scatter [tilespmem:s10], [sflag:$0x9], $0x8000, $0x38;
	[tilespmem:$0x19900] =	vst v63  }
0x228: {  	_ =	swait.ge [sflag:s5], $0x8000  }
0x229: {  	[sflag:s5] =	ssyncset.done $0x0  }
0x22a: {  	[sflag:s5] =	ssyncadd.s32 $0xFFFF8000  }
0x22b: {  	[tilespmem:s4], [sflag:$0x4] =	stream.indirect.gather.add.f32 [hbm:s3], $0x80, s21, s6, $0xb8;
	[tilespmem:$0x19900] =	vst v63  }
0x22c: {  	_ = 	snop  }
0x22d: {  	[tilespmem:s8], [sflag:$0x4] =	stream.indirect.gather.add.f32 [hbm:s3], $0x80, s22, s6, $0xb8;
	[tilespmem:$0x19900] =	vst v63  }
0x22e: {  	_ =	swait.ge [sflag:s7], $0x4000  }
0x22f: {  	[sflag:s7] =	ssyncset.done $0x0  }
0x230: {  	[sflag:s7] =	ssyncadd.s32 $0xFFFFC000  }
0x231: {  	_ =	swait.ge [sflag:s7], $0x4000  }
0x232: {  	s1 =	sld [smem:$0x7D7]  }
0x233: {  	[sflag:s7] =	ssyncset.done $0x0  }
0x234: {  	[sflag:s7] =	ssyncadd.s32 $0xFFFFC000  }
0x235: {  	[hbm4b:s1+s2] =	stream.linear.scatter [tilespmem:s4], [sflag:$0x7], $0x8000, $0x38;
	[tilespmem:$0x19900] =	vst v63  }
0x236: {  	_ =	swait.ge [sflag:s11], $0x8000  }
0x237: {  	[sflag:s11] =	ssyncset.done $0x0  }
0x238: {  	p1 =	sne.s32 s20, $0x1;
	[sflag:s11] =	ssyncadd.s32 $0xFFFF8000  }
.Ltmp1:
0x239: {  	_ =	swait.ge [sflag:s12], $0x8000;
	(pc) =	sbr.rel @!p1 .LBB2_3-.Ltmp1, $4  }
0x23a: {  	[sflag:s12] =	ssyncset.done $0x0  }
0x23b: {  	[sflag:s12] =	ssyncadd.s32 $0xFFFF8000  }
0x23c: {  	p0 =	por $0x1, $0x1;
	_ =	swait.ge [sflag:s9], $0x8000  }
0x23d: {  	s1 =	sadd.s32 $0xFFFFFFFF, s20;
	s0 =	rddreg [dreg:$0x5];
	[sflag:s9] =	ssyncset.done $0x0  }
.LBB2_4:
0x23e: {  	[sflag:s9] =	ssyncadd.s32 $0xFFFF8000  }
0x23f: {  	[tilespmem:s2], [sflag:$0xA] =	stream.linear.gather [hbm4b:s0+s2], $0x1900, $0x38;
	[tilespmem:$0x19900] =	vst v63  }
0x240: {  	_ =	swait.ge [sflag:s31], $0x1900  }
0x241: {  	[sflag:s31] =	ssyncset.done $0x0  }
0x242: {  	s20 =	rddreg [dreg:$0x6];
	[sflag:s31] =	ssyncadd.s32 $0xFFFFE700  }
0x243: {  	[tilespmem:s4], [sflag:$0x1] =	stream.linear.gather [hbm4b:s20+s2], $0x8000, $0x38;
	[tilespmem:$0x19900] =	vst v63  }
0x244: {  	_ =	swait.ge [sflag:s5], $0x8000  }
0x245: {  	[sflag:s5] =	ssyncset.done $0x0  }
0x246: {  	[sflag:s5] =	ssyncadd.s32 $0xFFFF8000  }
0x247: {  	[tilespmem:s4], [sflag:$0x4] =	stream.indirect.gather.add.f32 [hbm:s3], $0x80, s2, s6, $0xb8;
	[tilespmem:$0x19900] =	vst v63  }
0x248: {  	_ = 	snop  }
0x249: {  	[tilespmem:s8], [sflag:$0x4] =	stream.indirect.gather.add.f32 [hbm:s3], $0x80, s6, s6, $0xb8;
	[tilespmem:$0x19900] =	vst v63  }
0x24a: {  	s20 =	rddreg [dreg:$0x7]  }
0x24b: {  	[tilespmem:s13], [sflag:$0x2] =	stream.linear.gather [hbm4b:s20+s2], $0x8000, $0x38;
	[tilespmem:$0x19900] =	vst v63  }
0x24c: {  	_ =	swait.ge [sflag:s7], $0x4000  }
0x24d: {  	[sflag:s7] =	ssyncset.done $0x0  }
0x24e: {  	[sflag:s7] =	ssyncadd.s32 $0xFFFFC000  }
0x24f: {  	_ =	swait.ge [sflag:s7], $0x4000  }
0x250: {  	[sflag:s7] =	ssyncset.done $0x0  }
0x251: {  	s20 =	rddreg [dreg:$0x8];
	[sflag:s7] =	ssyncadd.s32 $0xFFFFC000  }
0x252: {  	[hbm4b:s20+s2] =	stream.linear.scatter [tilespmem:s4], [sflag:$0x7], $0x8000, $0x38;
	[tilespmem:$0x19900] =	vst v63  }
0x253: {  	_ =	swait.ge [sflag:s18], $0x8000  }
0x254: {  	s0 =	sld [smem:$0x7D8]  }
0x255: {  	[sflag:s18] =	ssyncset.done $0x0  }
0x256: {  	s20 =	sld [smem:$0x7D9];
	[sflag:s18] =	ssyncadd.s32 $0xFFFF8000  }
0x257: {  	[tilespmem:s13], [sflag:$0x5] =	stream.indirect.gather.add.f32 [hbm:s3], $0x80, s0, s6, $0xb8;
	[tilespmem:$0x19900] =	vst v63  }
0x258: {  	_ = 	snop  }
0x259: {  	[tilespmem:s19], [sflag:$0x5] =	stream.indirect.gather.add.f32 [hbm:s3], $0x80, s20, s6, $0xb8;
	[tilespmem:$0x19900] =	vst v63  }
0x25a: {  	s0 =	rddreg [dreg:$0x9]  }
0x25b: {  	[tilespmem:s10], [sflag:$0x3] =	stream.linear.gather [hbm4b:s0+s2], $0x8000, $0x38;
	[tilespmem:$0x19900] =	vst v63  }
0x25c: {  	_ =	swait.ge [sflag:s16], $0x4000  }
0x25d: {  	[sflag:s16] =	ssyncset.done $0x0  }
0x25e: {  	[sflag:s16] =	ssyncadd.s32 $0xFFFFC000  }
0x25f: {  	_ =	swait.ge [sflag:s16], $0x4000  }
0x260: {  	[sflag:s16] =	ssyncset.done $0x0  }
0x261: {  	s20 =	rddreg [dreg:$0xa];
	[sflag:s16] =	ssyncadd.s32 $0xFFFFC000  }
0x262: {  	[hbm4b:s20+s2] =	stream.linear.scatter [tilespmem:s13], [sflag:$0x8], $0x8000, $0x38;
	[tilespmem:$0x19900] =	vst v63  }
0x263: {  	_ =	swait.ge [sflag:s15], $0x8000  }
0x264: {  	s0 =	sld [smem:$0x7DA]  }
0x265: {  	[sflag:s15] =	ssyncset.done $0x0  }
0x266: {  	s20 =	sld [smem:$0x7DB];
	[sflag:s15] =	ssyncadd.s32 $0xFFFF8000  }
0x267: {  	[tilespmem:s10], [sflag:$0x6] =	stream.indirect.gather.add.f32 [hbm:s3], $0x80, s0, s6, $0xb8;
	[tilespmem:$0x19900] =	vst v63  }
0x268: {  	_ = 	snop  }
0x269: {  	[tilespmem:s17], [sflag:$0x6] =	stream.indirect.gather.add.f32 [hbm:s3], $0x80, s20, s6, $0xb8;
	[tilespmem:$0x19900] =	vst v63  }
0x26a: {  	_ =	swait.ge [sflag:s9], $0x8000  }
0x26b: {  	[sflag:s9] =	ssyncset.done $0x0  }
0x26c: {  	s20 =	rddreg [dreg:$0xb];
	[sflag:s9] =	ssyncadd.s32 $0xFFFF8000  }
0x26d: {  	[tilespmem:s4], [sflag:$0x1] =	stream.linear.gather [hbm4b:s20+s2], $0x8000, $0x38;
	[tilespmem:$0x19900] =	vst v63  }
0x26e: {  	_ =	swait.ge [sflag:s14], $0x4000  }
0x26f: {  	[sflag:s14] =	ssyncset.done $0x0  }
0x270: {  	[sflag:s14] =	ssyncadd.s32 $0xFFFFC000  }
0x271: {  	_ =	swait.ge [sflag:s14], $0x4000  }
0x272: {  	[sflag:s14] =	ssyncset.done $0x0  }
0x273: {  	s20 =	rddreg [dreg:$0xc];
	[sflag:s14] =	ssyncadd.s32 $0xFFFFC000  }
0x274: {  	[hbm4b:s20+s2] =	stream.linear.scatter [tilespmem:s10], [sflag:$0x9], $0x8000, $0x38;
	[tilespmem:$0x19900] =	vst v63  }
0x275: {  	_ =	swait.ge [sflag:s5], $0x8000  }
0x276: {  	s0 =	sld [smem:$0x7DC]  }
0x277: {  	[sflag:s5] =	ssyncset.done $0x0  }
0x278: {  	s20 =	sld [smem:$0x7DD];
	[sflag:s5] =	ssyncadd.s32 $0xFFFF8000  }
0x279: {  	[tilespmem:s4], [sflag:$0x4] =	stream.indirect.gather.add.f32 [hbm:s3], $0x80, s0, s6, $0xb8;
	[tilespmem:$0x19900] =	vst v63  }
0x27a: {  	_ = 	snop  }
0x27b: {  	[tilespmem:s8], [sflag:$0x4] =	stream.indirect.gather.add.f32 [hbm:s3], $0x80, s20, s6, $0xb8;
	[tilespmem:$0x19900] =	vst v63  }
0x27c: {  	_ =	swait.ge [sflag:s11], $0x8000  }
0x27d: {  	[sflag:s11] =	ssyncset.done $0x0  }
0x27e: {  	s20 =	rddreg [dreg:$0xd];
	[sflag:s11] =	ssyncadd.s32 $0xFFFF8000  }
0x27f: {  	[tilespmem:s13], [sflag:$0x2] =	stream.linear.gather [hbm4b:s20+s2], $0x8000, $0x38;
	[tilespmem:$0x19900] =	vst v63  }
0x280: {  	_ =	swait.ge [sflag:s7], $0x4000  }
0x281: {  	[sflag:s7] =	ssyncset.done $0x0  }
0x282: {  	[sflag:s7] =	ssyncadd.s32 $0xFFFFC000  }
0x283: {  	_ =	swait.ge [sflag:s7], $0x4000  }
0x284: {  	[sflag:s7] =	ssyncset.done $0x0  }
0x285: {  	s20 =	rddreg [dreg:$0xe];
	[sflag:s7] =	ssyncadd.s32 $0xFFFFC000  }
0x286: {  	[hbm4b:s20+s2] =	stream.linear.scatter [tilespmem:s4], [sflag:$0x7], $0x8000, $0x38;
	[tilespmem:$0x19900] =	vst v63  }
0x287: {  	_ =	swait.ge [sflag:s18], $0x8000  }
0x288: {  	s0 =	sld [smem:$0x7DE]  }
0x289: {  	[sflag:s18] =	ssyncset.done $0x0  }
0x28a: {  	s20 =	sld [smem:$0x7DF];
	[sflag:s18] =	ssyncadd.s32 $0xFFFF8000  }
0x28b: {  	[tilespmem:s13], [sflag:$0x5] =	stream.indirect.gather.add.f32 [hbm:s3], $0x80, s0, s6, $0xb8;
	[tilespmem:$0x19900] =	vst v63  }
0x28c: {  	_ = 	snop  }
0x28d: {  	[tilespmem:s19], [sflag:$0x5] =	stream.indirect.gather.add.f32 [hbm:s3], $0x80, s20, s6, $0xb8;
	[tilespmem:$0x19900] =	vst v63  }
0x28e: {  	_ =	swait.ge [sflag:s12], $0x8000  }
0x28f: {  	[sflag:s12] =	ssyncset.done $0x0  }
0x290: {  	s20 =	rddreg [dreg:$0xf];
	[sflag:s12] =	ssyncadd.s32 $0xFFFF8000  }
0x291: {  	[tilespmem:s10], [sflag:$0x3] =	stream.linear.gather [hbm4b:s20+s2], $0x8000, $0x38;
	[tilespmem:$0x19900] =	vst v63  }
0x292: {  	_ =	swait.ge [sflag:s16], $0x4000  }
0x293: {  	[sflag:s16] =	ssyncset.done $0x0  }
0x294: {  	[sflag:s16] =	ssyncadd.s32 $0xFFFFC000  }
0x295: {  	_ =	swait.ge [sflag:s16], $0x4000  }
0x296: {  	[sflag:s16] =	ssyncset.done $0x0  }
0x297: {  	s20 =	rddreg [dreg:$0x10];
	[sflag:s16] =	ssyncadd.s32 $0xFFFFC000  }
0x298: {  	[hbm4b:s20+s2] =	stream.linear.scatter [tilespmem:s13], [sflag:$0x8], $0x8000, $0x38;
	[tilespmem:$0x19900] =	vst v63  }
0x299: {  	_ =	swait.ge [sflag:s15], $0x8000  }
0x29a: {  	s0 =	sld [smem:$0x7E0]  }
0x29b: {  	[sflag:s15] =	ssyncset.done $0x0  }
0x29c: {  	s20 =	sld [smem:$0x7E1];
	[sflag:s15] =	ssyncadd.s32 $0xFFFF8000  }
0x29d: {  	[tilespmem:s10], [sflag:$0x6] =	stream.indirect.gather.add.f32 [hbm:s3], $0x80, s0, s6, $0xb8;
	[tilespmem:$0x19900] =	vst v63  }
0x29e: {  	_ = 	snop  }
0x29f: {  	[tilespmem:s17], [sflag:$0x6] =	stream.indirect.gather.add.f32 [hbm:s3], $0x80, s20, s6, $0xb8;
	[tilespmem:$0x19900] =	vst v63  }
0x2a0: {  	_ =	swait.ge [sflag:s9], $0x8000  }
0x2a1: {  	[sflag:s9] =	ssyncset.done $0x0  }
0x2a2: {  	s20 =	rddreg [dreg:$0x11];
	[sflag:s9] =	ssyncadd.s32 $0xFFFF8000  }
0x2a3: {  	[tilespmem:s4], [sflag:$0x1] =	stream.linear.gather [hbm4b:s20+s2], $0x8000, $0x38;
	[tilespmem:$0x19900] =	vst v63  }
0x2a4: {  	_ =	swait.ge [sflag:s14], $0x4000  }
0x2a5: {  	[sflag:s14] =	ssyncset.done $0x0  }
0x2a6: {  	[sflag:s14] =	ssyncadd.s32 $0xFFFFC000  }
0x2a7: {  	_ =	swait.ge [sflag:s14], $0x4000  }
0x2a8: {  	[sflag:s14] =	ssyncset.done $0x0  }
0x2a9: {  	s20 =	rddreg [dreg:$0x12];
	[sflag:s14] =	ssyncadd.s32 $0xFFFFC000  }
0x2aa: {  	[hbm4b:s20+s2] =	stream.linear.scatter [tilespmem:s10], [sflag:$0x9], $0x8000, $0x38;
	[tilespmem:$0x19900] =	vst v63  }
0x2ab: {  	_ =	swait.ge [sflag:s5], $0x8000  }
0x2ac: {  	s0 =	sld [smem:$0x7E2]  }
0x2ad: {  	[sflag:s5] =	ssyncset.done $0x0  }
0x2ae: {  	s20 =	sld [smem:$0x7E3];
	[sflag:s5] =	ssyncadd.s32 $0xFFFF8000  }
0x2af: {  	[tilespmem:s4], [sflag:$0x4] =	stream.indirect.gather.add.f32 [hbm:s3], $0x80, s0, s6, $0xb8;
	[tilespmem:$0x19900] =	vst v63  }
0x2b0: {  	_ = 	snop  }
0x2b1: {  	[tilespmem:s8], [sflag:$0x4] =	stream.indirect.gather.add.f32 [hbm:s3], $0x80, s20, s6, $0xb8;
	[tilespmem:$0x19900] =	vst v63  }
0x2b2: {  	_ =	swait.ge [sflag:s11], $0x8000  }
0x2b3: {  	[sflag:s11] =	ssyncset.done $0x0  }
0x2b4: {  	s20 =	rddreg [dreg:$0x13];
	[sflag:s11] =	ssyncadd.s32 $0xFFFF8000  }
0x2b5: {  	[tilespmem:s13], [sflag:$0x2] =	stream.linear.gather [hbm4b:s20+s2], $0x8000, $0x38;
	[tilespmem:$0x19900] =	vst v63  }
0x2b6: {  	_ =	swait.ge [sflag:s7], $0x4000  }
0x2b7: {  	[sflag:s7] =	ssyncset.done $0x0  }
0x2b8: {  	[sflag:s7] =	ssyncadd.s32 $0xFFFFC000  }
0x2b9: {  	_ =	swait.ge [sflag:s7], $0x4000  }
0x2ba: {  	[sflag:s7] =	ssyncset.done $0x0  }
0x2bb: {  	s20 =	rddreg [dreg:$0x14];
	[sflag:s7] =	ssyncadd.s32 $0xFFFFC000  }
0x2bc: {  	[hbm4b:s20+s2] =	stream.linear.scatter [tilespmem:s4], [sflag:$0x7], $0x8000, $0x38;
	[tilespmem:$0x19900] =	vst v63  }
0x2bd: {  	_ =	swait.ge [sflag:s18], $0x8000  }
0x2be: {  	s0 =	sld [smem:$0x7E4]  }
0x2bf: {  	[sflag:s18] =	ssyncset.done $0x0  }
0x2c0: {  	s20 =	sld [smem:$0x7E5];
	[sflag:s18] =	ssyncadd.s32 $0xFFFF8000  }
0x2c1: {  	[tilespmem:s13], [sflag:$0x5] =	stream.indirect.gather.add.f32 [hbm:s3], $0x80, s0, s6, $0xb8;
	[tilespmem:$0x19900] =	vst v63  }
0x2c2: {  	_ = 	snop  }
0x2c3: {  	[tilespmem:s19], [sflag:$0x5] =	stream.indirect.gather.add.f32 [hbm:s3], $0x80, s20, s6, $0xb8;
	[tilespmem:$0x19900] =	vst v63  }
0x2c4: {  	_ =	swait.ge [sflag:s12], $0x8000  }
0x2c5: {  	[sflag:s12] =	ssyncset.done $0x0  }
0x2c6: {  	s20 =	rddreg [dreg:$0x15];
	[sflag:s12] =	ssyncadd.s32 $0xFFFF8000  }
0x2c7: {  	[tilespmem:s10], [sflag:$0x3] =	stream.linear.gather [hbm4b:s20+s2], $0x8000, $0x38;
	[tilespmem:$0x19900] =	vst v63  }
0x2c8: {  	_ =	swait.ge [sflag:s16], $0x4000  }
0x2c9: {  	[sflag:s16] =	ssyncset.done $0x0  }
0x2ca: {  	[sflag:s16] =	ssyncadd.s32 $0xFFFFC000  }
0x2cb: {  	_ =	swait.ge [sflag:s16], $0x4000  }
0x2cc: {  	[sflag:s16] =	ssyncset.done $0x0  }
0x2cd: {  	s20 =	rddreg [dreg:$0x16];
	[sflag:s16] =	ssyncadd.s32 $0xFFFFC000  }
0x2ce: {  	[hbm4b:s20+s2] =	stream.linear.scatter [tilespmem:s13], [sflag:$0x8], $0x8000, $0x38;
	[tilespmem:$0x19900] =	vst v63  }
0x2cf: {  	_ =	swait.ge [sflag:s15], $0x8000  }
0x2d0: {  	s0 =	sld [smem:$0x7E6]  }
0x2d1: {  	[sflag:s15] =	ssyncset.done $0x0  }
0x2d2: {  	s20 =	sld [smem:$0x7E7];
	[sflag:s15] =	ssyncadd.s32 $0xFFFF8000  }
0x2d3: {  	[tilespmem:s10], [sflag:$0x6] =	stream.indirect.gather.add.f32 [hbm:s3], $0x80, s0, s6, $0xb8;
	[tilespmem:$0x19900] =	vst v63  }
0x2d4: {  	_ = 	snop  }
0x2d5: {  	[tilespmem:s17], [sflag:$0x6] =	stream.indirect.gather.add.f32 [hbm:s3], $0x80, s20, s6, $0xb8;
	[tilespmem:$0x19900] =	vst v63  }
0x2d6: {  	_ =	swait.ge [sflag:s9], $0x8000  }
0x2d7: {  	[sflag:s9] =	ssyncset.done $0x0  }
0x2d8: {  	s20 =	rddreg [dreg:$0x17];
	[sflag:s9] =	ssyncadd.s32 $0xFFFF8000  }
0x2d9: {  	[tilespmem:s4], [sflag:$0x1] =	stream.linear.gather [hbm4b:s20+s2], $0x8000, $0x38;
	[tilespmem:$0x19900] =	vst v63  }
0x2da: {  	_ =	swait.ge [sflag:s14], $0x4000  }
0x2db: {  	[sflag:s14] =	ssyncset.done $0x0  }
0x2dc: {  	[sflag:s14] =	ssyncadd.s32 $0xFFFFC000  }
0x2dd: {  	_ =	swait.ge [sflag:s14], $0x4000  }
0x2de: {  	[sflag:s14] =	ssyncset.done $0x0  }
0x2df: {  	s20 =	rddreg [dreg:$0x18];
	[sflag:s14] =	ssyncadd.s32 $0xFFFFC000  }
0x2e0: {  	[hbm4b:s20+s2] =	stream.linear.scatter [tilespmem:s10], [sflag:$0x9], $0x8000, $0x38;
	[tilespmem:$0x19900] =	vst v63  }
0x2e1: {  	_ =	swait.ge [sflag:s5], $0x8000  }
0x2e2: {  	s0 =	sld [smem:$0x7E8]  }
0x2e3: {  	[sflag:s5] =	ssyncset.done $0x0  }
0x2e4: {  	s20 =	sld [smem:$0x7E9];
	[sflag:s5] =	ssyncadd.s32 $0xFFFF8000  }
0x2e5: {  	[tilespmem:s4], [sflag:$0x4] =	stream.indirect.gather.add.f32 [hbm:s3], $0x80, s0, s6, $0xb8;
	[tilespmem:$0x19900] =	vst v63  }
0x2e6: {  	_ = 	snop  }
0x2e7: {  	[tilespmem:s8], [sflag:$0x4] =	stream.indirect.gather.add.f32 [hbm:s3], $0x80, s20, s6, $0xb8;
	[tilespmem:$0x19900] =	vst v63  }
0x2e8: {  	_ =	swait.ge [sflag:s11], $0x8000  }
0x2e9: {  	[sflag:s11] =	ssyncset.done $0x0  }
0x2ea: {  	s20 =	rddreg [dreg:$0x19];
	[sflag:s11] =	ssyncadd.s32 $0xFFFF8000  }
0x2eb: {  	[tilespmem:s13], [sflag:$0x2] =	stream.linear.gather [hbm4b:s20+s2], $0x8000, $0x38;
	[tilespmem:$0x19900] =	vst v63  }
0x2ec: {  	_ =	swait.ge [sflag:s7], $0x4000  }
0x2ed: {  	[sflag:s7] =	ssyncset.done $0x0  }
0x2ee: {  	[sflag:s7] =	ssyncadd.s32 $0xFFFFC000  }
0x2ef: {  	_ =	swait.ge [sflag:s7], $0x4000  }
0x2f0: {  	[sflag:s7] =	ssyncset.done $0x0  }
0x2f1: {  	s20 =	rddreg [dreg:$0x1a];
	[sflag:s7] =	ssyncadd.s32 $0xFFFFC000  }
0x2f2: {  	[hbm4b:s20+s2] =	stream.linear.scatter [tilespmem:s4], [sflag:$0x7], $0x8000, $0x38;
	[tilespmem:$0x19900] =	vst v63  }
0x2f3: {  	_ =	swait.ge [sflag:s18], $0x8000  }
0x2f4: {  	s0 =	sld [smem:$0x7EA]  }
0x2f5: {  	[sflag:s18] =	ssyncset.done $0x0  }
0x2f6: {  	s20 =	sld [smem:$0x7EB];
	[sflag:s18] =	ssyncadd.s32 $0xFFFF8000  }
0x2f7: {  	[tilespmem:s13], [sflag:$0x5] =	stream.indirect.gather.add.f32 [hbm:s3], $0x80, s0, s6, $0xb8;
	[tilespmem:$0x19900] =	vst v63  }
0x2f8: {  	_ = 	snop  }
0x2f9: {  	[tilespmem:s19], [sflag:$0x5] =	stream.indirect.gather.add.f32 [hbm:s3], $0x80, s20, s6, $0xb8;
	[tilespmem:$0x19900] =	vst v63  }
0x2fa: {  	_ =	swait.ge [sflag:s12], $0x8000  }
0x2fb: {  	[sflag:s12] =	ssyncset.done $0x0  }
0x2fc: {  	s20 =	rddreg [dreg:$0x1b];
	[sflag:s12] =	ssyncadd.s32 $0xFFFF8000  }
0x2fd: {  	[tilespmem:s10], [sflag:$0x3] =	stream.linear.gather [hbm4b:s20+s2], $0x8000, $0x38;
	[tilespmem:$0x19900] =	vst v63  }
0x2fe: {  	_ =	swait.ge [sflag:s16], $0x4000  }
0x2ff: {  	[sflag:s16] =	ssyncset.done $0x0  }
0x300: {  	[sflag:s16] =	ssyncadd.s32 $0xFFFFC000  }
0x301: {  	_ =	swait.ge [sflag:s16], $0x4000  }
0x302: {  	[sflag:s16] =	ssyncset.done $0x0  }
0x303: {  	s20 =	rddreg [dreg:$0x1c];
	[sflag:s16] =	ssyncadd.s32 $0xFFFFC000  }
0x304: {  	[hbm4b:s20+s2] =	stream.linear.scatter [tilespmem:s13], [sflag:$0x8], $0x8000, $0x38;
	[tilespmem:$0x19900] =	vst v63  }
0x305: {  	_ =	swait.ge [sflag:s15], $0x8000  }
0x306: {  	s0 =	sld [smem:$0x7EC]  }
0x307: {  	[sflag:s15] =	ssyncset.done $0x0  }
0x308: {  	s20 =	sld [smem:$0x7ED];
	[sflag:s15] =	ssyncadd.s32 $0xFFFF8000  }
0x309: {  	[tilespmem:s10], [sflag:$0x6] =	stream.indirect.gather.add.f32 [hbm:s3], $0x80, s0, s6, $0xb8;
	[tilespmem:$0x19900] =	vst v63  }
0x30a: {  	_ = 	snop  }
0x30b: {  	[tilespmem:s17], [sflag:$0x6] =	stream.indirect.gather.add.f32 [hbm:s3], $0x80, s20, s6, $0xb8;
	[tilespmem:$0x19900] =	vst v63  }
0x30c: {  	_ =	swait.ge [sflag:s9], $0x8000  }
0x30d: {  	[sflag:s9] =	ssyncset.done $0x0  }
0x30e: {  	s20 =	rddreg [dreg:$0x1d];
	[sflag:s9] =	ssyncadd.s32 $0xFFFF8000  }
0x30f: {  	[tilespmem:s4], [sflag:$0x1] =	stream.linear.gather [hbm4b:s20+s2], $0x8000, $0x38;
	[tilespmem:$0x19900] =	vst v63  }
0x310: {  	_ =	swait.ge [sflag:s14], $0x4000  }
0x311: {  	[sflag:s14] =	ssyncset.done $0x0  }
0x312: {  	[sflag:s14] =	ssyncadd.s32 $0xFFFFC000  }
0x313: {  	_ =	swait.ge [sflag:s14], $0x4000  }
0x314: {  	[sflag:s14] =	ssyncset.done $0x0  }
0x315: {  	s20 =	rddreg [dreg:$0x1e];
	[sflag:s14] =	ssyncadd.s32 $0xFFFFC000  }
0x316: {  	[hbm4b:s20+s2] =	stream.linear.scatter [tilespmem:s10], [sflag:$0x9], $0x8000, $0x38;
	[tilespmem:$0x19900] =	vst v63  }
0x317: {  	_ =	swait.ge [sflag:s5], $0x8000  }
0x318: {  	s0 =	sld [smem:$0x7EE]  }
0x319: {  	[sflag:s5] =	ssyncset.done $0x0  }
0x31a: {  	s20 =	sld [smem:$0x7EF];
	[sflag:s5] =	ssyncadd.s32 $0xFFFF8000  }
0x31b: {  	[tilespmem:s4], [sflag:$0x4] =	stream.indirect.gather.add.f32 [hbm:s3], $0x80, s0, s6, $0xb8;
	[tilespmem:$0x19900] =	vst v63  }
0x31c: {  	_ = 	snop  }
0x31d: {  	[tilespmem:s8], [sflag:$0x4] =	stream.indirect.gather.add.f32 [hbm:s3], $0x80, s20, s6, $0xb8;
	[tilespmem:$0x19900] =	vst v63  }
0x31e: {  	_ =	swait.ge [sflag:s11], $0x8000  }
0x31f: {  	[sflag:s11] =	ssyncset.done $0x0  }
0x320: {  	s20 =	rddreg [dreg:$0x1f];
	[sflag:s11] =	ssyncadd.s32 $0xFFFF8000  }
0x321: {  	[tilespmem:s13], [sflag:$0x2] =	stream.linear.gather [hbm4b:s20+s2], $0x8000, $0x38;
	[tilespmem:$0x19900] =	vst v63  }
0x322: {  	_ =	swait.ge [sflag:s7], $0x4000  }
0x323: {  	[sflag:s7] =	ssyncset.done $0x0  }
0x324: {  	[sflag:s7] =	ssyncadd.s32 $0xFFFFC000  }
0x325: {  	_ =	swait.ge [sflag:s7], $0x4000  }
0x326: {  	s20 =	sld [smem:$0x7C0]  }
0x327: {  	[sflag:s7] =	ssyncset.done $0x0  }
0x328: {  	[sflag:s7] =	ssyncadd.s32 $0xFFFFC000  }
0x329: {  	[hbm4b:s20+s2] =	stream.linear.scatter [tilespmem:s4], [sflag:$0x7], $0x8000, $0x38;
	[tilespmem:$0x19900] =	vst v63  }
0x32a: {  	_ =	swait.ge [sflag:s18], $0x8000  }
0x32b: {  	s0 =	sld [smem:$0x7F0]  }
0x32c: {  	[sflag:s18] =	ssyncset.done $0x0  }
0x32d: {  	s20 =	sld [smem:$0x7F1];
	[sflag:s18] =	ssyncadd.s32 $0xFFFF8000  }
0x32e: {  	[tilespmem:s13], [sflag:$0x5] =	stream.indirect.gather.add.f32 [hbm:s3], $0x80, s0, s6, $0xb8;
	[tilespmem:$0x19900] =	vst v63  }
0x32f: {  	_ = 	snop  }
0x330: {  	[tilespmem:s19], [sflag:$0x5] =	stream.indirect.gather.add.f32 [hbm:s3], $0x80, s20, s6, $0xb8;
	[tilespmem:$0x19900] =	vst v63  }
0x331: {  	_ =	swait.ge [sflag:s12], $0x8000  }
0x332: {  	s20 =	sld [smem:$0x7C1]  }
0x333: {  	[sflag:s12] =	ssyncset.done $0x0  }
0x334: {  	[sflag:s12] =	ssyncadd.s32 $0xFFFF8000  }
0x335: {  	[tilespmem:s10], [sflag:$0x3] =	stream.linear.gather [hbm4b:s20+s2], $0x8000, $0x38;
	[tilespmem:$0x19900] =	vst v63  }
0x336: {  	_ =	swait.ge [sflag:s16], $0x4000  }
0x337: {  	[sflag:s16] =	ssyncset.done $0x0  }
0x338: {  	[sflag:s16] =	ssyncadd.s32 $0xFFFFC000  }
0x339: {  	_ =	swait.ge [sflag:s16], $0x4000  }
0x33a: {  	s20 =	sld [smem:$0x7C2]  }
0x33b: {  	[sflag:s16] =	ssyncset.done $0x0  }
0x33c: {  	[sflag:s16] =	ssyncadd.s32 $0xFFFFC000  }
0x33d: {  	[hbm4b:s20+s2] =	stream.linear.scatter [tilespmem:s13], [sflag:$0x8], $0x8000, $0x38;
	[tilespmem:$0x19900] =	vst v63  }
0x33e: {  	_ =	swait.ge [sflag:s15], $0x8000  }
0x33f: {  	s0 =	sld [smem:$0x7F2]  }
0x340: {  	[sflag:s15] =	ssyncset.done $0x0  }
0x341: {  	s20 =	sld [smem:$0x7F3];
	[sflag:s15] =	ssyncadd.s32 $0xFFFF8000  }
0x342: {  	[tilespmem:s10], [sflag:$0x6] =	stream.indirect.gather.add.f32 [hbm:s3], $0x80, s0, s6, $0xb8;
	[tilespmem:$0x19900] =	vst v63  }
0x343: {  	_ = 	snop  }
0x344: {  	[tilespmem:s17], [sflag:$0x6] =	stream.indirect.gather.add.f32 [hbm:s3], $0x80, s20, s6, $0xb8;
	[tilespmem:$0x19900] =	vst v63  }
0x345: {  	_ =	swait.ge [sflag:s9], $0x8000  }
0x346: {  	s20 =	sld [smem:$0x7C3]  }
0x347: {  	[sflag:s9] =	ssyncset.done $0x0  }
0x348: {  	[sflag:s9] =	ssyncadd.s32 $0xFFFF8000  }
0x349: {  	[tilespmem:s4], [sflag:$0x1] =	stream.linear.gather [hbm4b:s20+s2], $0x8000, $0x38;
	[tilespmem:$0x19900] =	vst v63  }
0x34a: {  	_ =	swait.ge [sflag:s14], $0x4000  }
0x34b: {  	[sflag:s14] =	ssyncset.done $0x0  }
0x34c: {  	[sflag:s14] =	ssyncadd.s32 $0xFFFFC000  }
0x34d: {  	_ =	swait.ge [sflag:s14], $0x4000  }
0x34e: {  	s20 =	sld [smem:$0x7C4]  }
0x34f: {  	[sflag:s14] =	ssyncset.done $0x0  }
0x350: {  	[sflag:s14] =	ssyncadd.s32 $0xFFFFC000  }
0x351: {  	[hbm4b:s20+s2] =	stream.linear.scatter [tilespmem:s10], [sflag:$0x9], $0x8000, $0x38;
	[tilespmem:$0x19900] =	vst v63  }
0x352: {  	_ =	swait.ge [sflag:s5], $0x8000  }
0x353: {  	s0 =	sld [smem:$0x7F4]  }
0x354: {  	[sflag:s5] =	ssyncset.done $0x0  }
0x355: {  	s20 =	sld [smem:$0x7F5];
	[sflag:s5] =	ssyncadd.s32 $0xFFFF8000  }
0x356: {  	[tilespmem:s4], [sflag:$0x4] =	stream.indirect.gather.add.f32 [hbm:s3], $0x80, s0, s6, $0xb8;
	[tilespmem:$0x19900] =	vst v63  }
0x357: {  	_ = 	snop  }
0x358: {  	[tilespmem:s8], [sflag:$0x4] =	stream.indirect.gather.add.f32 [hbm:s3], $0x80, s20, s6, $0xb8;
	[tilespmem:$0x19900] =	vst v63  }
0x359: {  	_ =	swait.ge [sflag:s11], $0x8000  }
0x35a: {  	s20 =	sld [smem:$0x7C5]  }
0x35b: {  	[sflag:s11] =	ssyncset.done $0x0  }
0x35c: {  	[sflag:s11] =	ssyncadd.s32 $0xFFFF8000  }
0x35d: {  	[tilespmem:s13], [sflag:$0x2] =	stream.linear.gather [hbm4b:s20+s2], $0x8000, $0x38;
	[tilespmem:$0x19900] =	vst v63  }
0x35e: {  	_ =	swait.ge [sflag:s7], $0x4000  }
0x35f: {  	[sflag:s7] =	ssyncset.done $0x0  }
0x360: {  	[sflag:s7] =	ssyncadd.s32 $0xFFFFC000  }
0x361: {  	_ =	swait.ge [sflag:s7], $0x4000  }
0x362: {  	s20 =	sld [smem:$0x7C6]  }
0x363: {  	[sflag:s7] =	ssyncset.done $0x0  }
0x364: {  	[sflag:s7] =	ssyncadd.s32 $0xFFFFC000  }
0x365: {  	[hbm4b:s20+s2] =	stream.linear.scatter [tilespmem:s4], [sflag:$0x7], $0x8000, $0x38;
	[tilespmem:$0x19900] =	vst v63  }
0x366: {  	_ =	swait.ge [sflag:s18], $0x8000  }
0x367: {  	s0 =	sld [smem:$0x7F6]  }
0x368: {  	[sflag:s18] =	ssyncset.done $0x0  }
0x369: {  	s20 =	sld [smem:$0x7F7];
	[sflag:s18] =	ssyncadd.s32 $0xFFFF8000  }
0x36a: {  	[tilespmem:s13], [sflag:$0x5] =	stream.indirect.gather.add.f32 [hbm:s3], $0x80, s0, s6, $0xb8;
	[tilespmem:$0x19900] =	vst v63  }
0x36b: {  	_ = 	snop  }
0x36c: {  	[tilespmem:s19], [sflag:$0x5] =	stream.indirect.gather.add.f32 [hbm:s3], $0x80, s20, s6, $0xb8;
	[tilespmem:$0x19900] =	vst v63  }
0x36d: {  	_ =	swait.ge [sflag:s12], $0x8000  }
0x36e: {  	s20 =	sld [smem:$0x7C7]  }
0x36f: {  	[sflag:s12] =	ssyncset.done $0x0  }
0x370: {  	[sflag:s12] =	ssyncadd.s32 $0xFFFF8000  }
0x371: {  	[tilespmem:s10], [sflag:$0x3] =	stream.linear.gather [hbm4b:s20+s2], $0x8000, $0x38;
	[tilespmem:$0x19900] =	vst v63  }
0x372: {  	_ =	swait.ge [sflag:s16], $0x4000  }
0x373: {  	[sflag:s16] =	ssyncset.done $0x0  }
0x374: {  	[sflag:s16] =	ssyncadd.s32 $0xFFFFC000  }
0x375: {  	_ =	swait.ge [sflag:s16], $0x4000  }
0x376: {  	s20 =	sld [smem:$0x7C8]  }
0x377: {  	[sflag:s16] =	ssyncset.done $0x0  }
0x378: {  	[sflag:s16] =	ssyncadd.s32 $0xFFFFC000  }
0x379: {  	[hbm4b:s20+s2] =	stream.linear.scatter [tilespmem:s13], [sflag:$0x8], $0x8000, $0x38;
	[tilespmem:$0x19900] =	vst v63  }
0x37a: {  	_ =	swait.ge [sflag:s15], $0x8000  }
0x37b: {  	s0 =	sld [smem:$0x7F8]  }
0x37c: {  	[sflag:s15] =	ssyncset.done $0x0  }
0x37d: {  	s20 =	sld [smem:$0x7F9];
	[sflag:s15] =	ssyncadd.s32 $0xFFFF8000  }
0x37e: {  	[tilespmem:s10], [sflag:$0x6] =	stream.indirect.gather.add.f32 [hbm:s3], $0x80, s0, s6, $0xb8;
	[tilespmem:$0x19900] =	vst v63  }
0x37f: {  	_ = 	snop  }
0x380: {  	[tilespmem:s17], [sflag:$0x6] =	stream.indirect.gather.add.f32 [hbm:s3], $0x80, s20, s6, $0xb8;
	[tilespmem:$0x19900] =	vst v63  }
0x381: {  	_ =	swait.ge [sflag:s9], $0x8000  }
0x382: {  	s20 =	sld [smem:$0x7C9]  }
0x383: {  	[sflag:s9] =	ssyncset.done $0x0  }
0x384: {  	[sflag:s9] =	ssyncadd.s32 $0xFFFF8000  }
0x385: {  	[tilespmem:s4], [sflag:$0x1] =	stream.linear.gather [hbm4b:s20+s2], $0x8000, $0x38;
	[tilespmem:$0x19900] =	vst v63  }
0x386: {  	_ =	swait.ge [sflag:s14], $0x4000  }
0x387: {  	[sflag:s14] =	ssyncset.done $0x0  }
0x388: {  	[sflag:s14] =	ssyncadd.s32 $0xFFFFC000  }
0x389: {  	_ =	swait.ge [sflag:s14], $0x4000  }
0x38a: {  	s20 =	sld [smem:$0x7CA]  }
0x38b: {  	[sflag:s14] =	ssyncset.done $0x0  }
0x38c: {  	[sflag:s14] =	ssyncadd.s32 $0xFFFFC000  }
0x38d: {  	[hbm4b:s20+s2] =	stream.linear.scatter [tilespmem:s10], [sflag:$0x9], $0x8000, $0x38;
	[tilespmem:$0x19900] =	vst v63  }
0x38e: {  	_ =	swait.ge [sflag:s5], $0x8000  }
0x38f: {  	s0 =	sld [smem:$0x7FA]  }
0x390: {  	[sflag:s5] =	ssyncset.done $0x0  }
0x391: {  	s20 =	sld [smem:$0x7FB];
	[sflag:s5] =	ssyncadd.s32 $0xFFFF8000  }
0x392: {  	[tilespmem:s4], [sflag:$0x4] =	stream.indirect.gather.add.f32 [hbm:s3], $0x80, s0, s6, $0xb8;
	[tilespmem:$0x19900] =	vst v63  }
0x393: {  	_ = 	snop  }
0x394: {  	[tilespmem:s8], [sflag:$0x4] =	stream.indirect.gather.add.f32 [hbm:s3], $0x80, s20, s6, $0xb8;
	[tilespmem:$0x19900] =	vst v63  }
0x395: {  	_ =	swait.ge [sflag:s11], $0x8000  }
0x396: {  	s20 =	sld [smem:$0x7CB]  }
0x397: {  	[sflag:s11] =	ssyncset.done $0x0  }
0x398: {  	[sflag:s11] =	ssyncadd.s32 $0xFFFF8000  }
0x399: {  	[tilespmem:s13], [sflag:$0x2] =	stream.linear.gather [hbm4b:s20+s2], $0x8000, $0x38;
	[tilespmem:$0x19900] =	vst v63  }
0x39a: {  	_ =	swait.ge [sflag:s7], $0x4000  }
0x39b: {  	[sflag:s7] =	ssyncset.done $0x0  }
0x39c: {  	[sflag:s7] =	ssyncadd.s32 $0xFFFFC000  }
0x39d: {  	_ =	swait.ge [sflag:s7], $0x4000  }
0x39e: {  	s20 =	sld [smem:$0x7CC]  }
0x39f: {  	[sflag:s7] =	ssyncset.done $0x0  }
0x3a0: {  	[sflag:s7] =	ssyncadd.s32 $0xFFFFC000  }
0x3a1: {  	[hbm4b:s20+s2] =	stream.linear.scatter [tilespmem:s4], [sflag:$0x7], $0x8000, $0x38;
	[tilespmem:$0x19900] =	vst v63  }
0x3a2: {  	_ =	swait.ge [sflag:s18], $0x8000  }
0x3a3: {  	s0 =	sld [smem:$0x7FC]  }
0x3a4: {  	[sflag:s18] =	ssyncset.done $0x0  }
0x3a5: {  	s20 =	sld [smem:$0x7FD];
	[sflag:s18] =	ssyncadd.s32 $0xFFFF8000  }
0x3a6: {  	[tilespmem:s13], [sflag:$0x5] =	stream.indirect.gather.add.f32 [hbm:s3], $0x80, s0, s6, $0xb8;
	[tilespmem:$0x19900] =	vst v63  }
0x3a7: {  	_ = 	snop  }
0x3a8: {  	[tilespmem:s19], [sflag:$0x5] =	stream.indirect.gather.add.f32 [hbm:s3], $0x80, s20, s6, $0xb8;
	[tilespmem:$0x19900] =	vst v63  }
0x3a9: {  	_ =	swait.ge [sflag:s12], $0x8000  }
0x3aa: {  	s20 =	sld [smem:$0x7CD]  }
0x3ab: {  	[sflag:s12] =	ssyncset.done $0x0  }
0x3ac: {  	[sflag:s12] =	ssyncadd.s32 $0xFFFF8000  }
0x3ad: {  	[tilespmem:s10], [sflag:$0x3] =	stream.linear.gather [hbm4b:s20+s2], $0x8000, $0x38;
	[tilespmem:$0x19900] =	vst v63  }
0x3ae: {  	_ =	swait.ge [sflag:s16], $0x4000  }
0x3af: {  	[sflag:s16] =	ssyncset.done $0x0  }
0x3b0: {  	[sflag:s16] =	ssyncadd.s32 $0xFFFFC000  }
0x3b1: {  	_ =	swait.ge [sflag:s16], $0x4000  }
0x3b2: {  	s20 =	sld [smem:$0x7CE]  }
0x3b3: {  	[sflag:s16] =	ssyncset.done $0x0  }
0x3b4: {  	[sflag:s16] =	ssyncadd.s32 $0xFFFFC000  }
0x3b5: {  	[hbm4b:s20+s2] =	stream.linear.scatter [tilespmem:s13], [sflag:$0x8], $0x8000, $0x38;
	[tilespmem:$0x19900] =	vst v63  }
0x3b6: {  	_ =	swait.ge [sflag:s15], $0x8000  }
0x3b7: {  	[sflag:s15] =	ssyncset.done $0x0  }
0x3b8: {  	[sflag:s15] =	ssyncadd.s32 $0xFFFF8000  }
0x3b9: {  	[tilespmem:s10], [sflag:$0x6] =	stream.indirect.gather.add.f32 [hbm:s3], $0x80, s30, s6, $0xb8;
	[tilespmem:$0x19900] =	vst v63  }
0x3ba: {  	_ = 	snop  }
0x3bb: {  	[tilespmem:s17], [sflag:$0x6] =	stream.indirect.gather.add.f32 [hbm:s3], $0x80, s28, s6, $0xb8;
	[tilespmem:$0x19900] =	vst v63  }
0x3bc: {  	_ =	swait.ge [sflag:s9], $0x8000  }
0x3bd: {  	s20 =	sld [smem:$0x7CF]  }
0x3be: {  	[sflag:s9] =	ssyncset.done $0x0  }
0x3bf: {  	[sflag:s9] =	ssyncadd.s32 $0xFFFF8000  }
0x3c0: {  	[tilespmem:s4], [sflag:$0x1] =	stream.linear.gather [hbm4b:s20+s2], $0x8000, $0x38;
	[tilespmem:$0x19900] =	vst v63  }
0x3c1: {  	_ =	swait.ge [sflag:s14], $0x4000  }
0x3c2: {  	[sflag:s14] =	ssyncset.done $0x0  }
0x3c3: {  	[sflag:s14] =	ssyncadd.s32 $0xFFFFC000  }
0x3c4: {  	_ =	swait.ge [sflag:s14], $0x4000  }
0x3c5: {  	s20 =	sld [smem:$0x7D0]  }
0x3c6: {  	[sflag:s14] =	ssyncset.done $0x0  }
0x3c7: {  	[sflag:s14] =	ssyncadd.s32 $0xFFFFC000  }
0x3c8: {  	[hbm4b:s20+s2] =	stream.linear.scatter [tilespmem:s10], [sflag:$0x9], $0x8000, $0x38;
	[tilespmem:$0x19900] =	vst v63  }
0x3c9: {  	_ =	swait.ge [sflag:s5], $0x8000  }
0x3ca: {  	[sflag:s5] =	ssyncset.done $0x0  }
0x3cb: {  	s20 =	simm.s32 $0x1500;
	[sflag:s5] =	ssyncadd.s32 $0xFFFF8000  }
0x3cc: {  	[tilespmem:s4], [sflag:$0x4] =	stream.indirect.gather.add.f32 [hbm:s3], $0x80, s20, s6, $0xb8;
	[tilespmem:$0x19900] =	vst v63  }
0x3cd: {  	_ = 	snop  }
0x3ce: {  	[tilespmem:s8], [sflag:$0x4] =	stream.indirect.gather.add.f32 [hbm:s3], $0x80, s29, s6, $0xb8;
	[tilespmem:$0x19900] =	vst v63  }
0x3cf: {  	_ =	swait.ge [sflag:s11], $0x8000  }
0x3d0: {  	s20 =	sld [smem:$0x7D1]  }
0x3d1: {  	[sflag:s11] =	ssyncset.done $0x0  }
0x3d2: {  	[sflag:s11] =	ssyncadd.s32 $0xFFFF8000  }
0x3d3: {  	[tilespmem:s13], [sflag:$0x2] =	stream.linear.gather [hbm4b:s20+s2], $0x8000, $0x38;
	[tilespmem:$0x19900] =	vst v63  }
0x3d4: {  	_ =	swait.ge [sflag:s7], $0x4000  }
0x3d5: {  	[sflag:s7] =	ssyncset.done $0x0  }
0x3d6: {  	[sflag:s7] =	ssyncadd.s32 $0xFFFFC000  }
0x3d7: {  	_ =	swait.ge [sflag:s7], $0x4000  }
0x3d8: {  	s20 =	sld [smem:$0x7D2]  }
0x3d9: {  	[sflag:s7] =	ssyncset.done $0x0  }
0x3da: {  	[sflag:s7] =	ssyncadd.s32 $0xFFFFC000  }
0x3db: {  	[hbm4b:s20+s2] =	stream.linear.scatter [tilespmem:s4], [sflag:$0x7], $0x8000, $0x38;
	[tilespmem:$0x19900] =	vst v63  }
0x3dc: {  	_ =	swait.ge [sflag:s18], $0x8000  }
0x3dd: {  	[sflag:s18] =	ssyncset.done $0x0  }
0x3de: {  	[sflag:s18] =	ssyncadd.s32 $0xFFFF8000  }
0x3df: {  	[tilespmem:s13], [sflag:$0x5] =	stream.indirect.gather.add.f32 [hbm:s3], $0x80, s25, s6, $0xb8;
	[tilespmem:$0x19900] =	vst v63  }
0x3e0: {  	_ = 	snop  }
0x3e1: {  	[tilespmem:s19], [sflag:$0x5] =	stream.indirect.gather.add.f32 [hbm:s3], $0x80, s26, s6, $0xb8;
	[tilespmem:$0x19900] =	vst v63  }
0x3e2: {  	_ =	swait.ge [sflag:s12], $0x8000  }
0x3e3: {  	s20 =	sld [smem:$0x7D3]  }
0x3e4: {  	[sflag:s12] =	ssyncset.done $0x0  }
0x3e5: {  	[sflag:s12] =	ssyncadd.s32 $0xFFFF8000  }
0x3e6: {  	[tilespmem:s10], [sflag:$0x3] =	stream.linear.gather [hbm4b:s20+s2], $0x8000, $0x38;
	[tilespmem:$0x19900] =	vst v63  }
0x3e7: {  	_ =	swait.ge [sflag:s16], $0x4000  }
0x3e8: {  	[sflag:s16] =	ssyncset.done $0x0  }
0x3e9: {  	[sflag:s16] =	ssyncadd.s32 $0xFFFFC000  }
0x3ea: {  	_ =	swait.ge [sflag:s16], $0x4000  }
0x3eb: {  	s20 =	sld [smem:$0x7D4]  }
0x3ec: {  	[sflag:s16] =	ssyncset.done $0x0  }
0x3ed: {  	[sflag:s16] =	ssyncadd.s32 $0xFFFFC000  }
0x3ee: {  	[hbm4b:s20+s2] =	stream.linear.scatter [tilespmem:s13], [sflag:$0x8], $0x8000, $0x38;
	[tilespmem:$0x19900] =	vst v63  }
0x3ef: {  	_ =	swait.ge [sflag:s15], $0x8000  }
0x3f0: {  	[sflag:s15] =	ssyncset.done $0x0  }
0x3f1: {  	[sflag:s15] =	ssyncadd.s32 $0xFFFF8000  }
0x3f2: {  	[tilespmem:s10], [sflag:$0x6] =	stream.indirect.gather.add.f32 [hbm:s3], $0x80, s23, s6, $0xb8;
	[tilespmem:$0x19900] =	vst v63  }
0x3f3: {  	_ = 	snop  }
0x3f4: {  	[tilespmem:s17], [sflag:$0x6] =	stream.indirect.gather.add.f32 [hbm:s3], $0x80, s24, s6, $0xb8;
	[tilespmem:$0x19900] =	vst v63  }
0x3f5: {  	_ =	swait.ge [sflag:s9], $0x8000  }
0x3f6: {  	s20 =	sld [smem:$0x7D5]  }
0x3f7: {  	[sflag:s9] =	ssyncset.done $0x0  }
0x3f8: {  	[sflag:s9] =	ssyncadd.s32 $0xFFFF8000  }
0x3f9: {  	[tilespmem:s4], [sflag:$0x1] =	stream.linear.gather [hbm4b:s20+s2], $0x8000, $0x38;
	[tilespmem:$0x19900] =	vst v63  }
0x3fa: {  	_ =	swait.ge [sflag:s14], $0x4000  }
0x3fb: {  	[sflag:s14] =	ssyncset.done $0x0  }
0x3fc: {  	[sflag:s14] =	ssyncadd.s32 $0xFFFFC000  }
0x3fd: {  	_ =	swait.ge [sflag:s14], $0x4000  }
0x3fe: {  	s20 =	sld [smem:$0x7D6]  }
0x3ff: {  	[sflag:s14] =	ssyncset.done $0x0  }
0x400: {  	[sflag:s14] =	ssyncadd.s32 $0xFFFFC000  }
0x401: {  	[hbm4b:s20+s2] =	stream.linear.scatter [tilespmem:s10], [sflag:$0x9], $0x8000, $0x38;
	[tilespmem:$0x19900] =	vst v63  }
0x402: {  	_ =	swait.ge [sflag:s5], $0x8000  }
0x403: {  	[sflag:s5] =	ssyncset.done $0x0  }
0x404: {  	[sflag:s5] =	ssyncadd.s32 $0xFFFF8000  }
0x405: {  	[tilespmem:s4], [sflag:$0x4] =	stream.indirect.gather.add.f32 [hbm:s3], $0x80, s21, s6, $0xb8;
	[tilespmem:$0x19900] =	vst v63  }
0x406: {  	_ = 	snop  }
0x407: {  	[tilespmem:s8], [sflag:$0x4] =	stream.indirect.gather.add.f32 [hbm:s3], $0x80, s22, s6, $0xb8;
	[tilespmem:$0x19900] =	vst v63  }
0x408: {  	_ =	swait.ge [sflag:s7], $0x4000  }
0x409: {  	[sflag:s7] =	ssyncset.done $0x0  }
0x40a: {  	[sflag:s7] =	ssyncadd.s32 $0xFFFFC000  }
0x40b: {  	_ =	swait.ge [sflag:s7], $0x4000  }
0x40c: {  	s20 =	sld [smem:$0x7D7]  }
0x40d: {  	[sflag:s7] =	ssyncset.done $0x0  }
0x40e: {  	[sflag:s7] =	ssyncadd.s32 $0xFFFFC000  }
0x40f: {  	[hbm4b:s20+s2] =	stream.linear.scatter [tilespmem:s4], [sflag:$0x7], $0x8000, $0x38;
	[tilespmem:$0x19900] =	vst v63  }
0x410: {  	_ =	swait.ge [sflag:s11], $0x8000  }
0x411: {  	[sflag:s11] =	ssyncset.done $0x0  }
0x412: {  	p1 =	sne.s32 s1, $0x1;
	[sflag:s11] =	ssyncadd.s32 $0xFFFF8000  }
.Ltmp2:
0x413: {  	_ =	swait.ge [sflag:s12], $0x8000;
	(pc) =	sbr.rel @p1 .LBB2_4-.Ltmp2, $4  }
0x414: {  	[sflag:s12] =	ssyncset.done $0x0  }
0x415: {  	[sflag:s12] =	ssyncadd.s32 $0xFFFF8000  }
0x416: {  	_ =	swait.ge [sflag:s9], $0x8000  }
0x417: {  	s1 =	sadd.s32 $0xFFFFFFFF, s1;
	s0 =	rddreg [dreg:$0x5];
	[sflag:s9] =	ssyncset.done $0x0  }
0x418: {  	s22 =	simm.s32 $0x1480  }
0x419: {  	s30 =	simm.s32 $0x1400;
	s29 =	simm.s32 $0x1580;
	s28 =	simm.s32 $0x1500  }
0x41a: {  	s26 =	simm.s32 $0x1680;
	s25 =	simm.s32 $0x1600;
	s24 =	simm.s32 $0x1780  }
0x41b: {  	s23 =	simm.s32 $0x1700;
	s21 =	simm.s32 $0x1800;
	s20 =	stileid.u32  }
.LBB2_6:
0x41c: {  	[sflag:s9] =	ssyncadd.s32 @p0 $0xFFFF8000  }
0x41d: {  	[tilespmem:s2], [sflag:$0xA] =	stream.linear.gather [hbm4b:s0+s2], $0x1900, $0x38;
	[tilespmem:$0x19900] =	vst v63  }
0x41e: {  	_ =	swait.ge [sflag:s31], $0x1900  }
0x41f: {  	[sflag:s31] =	ssyncset.done $0x0  }
0x420: {  	s1 =	rddreg [dreg:$0x6];
	[sflag:s31] =	ssyncadd.s32 $0xFFFFE700  }
0x421: {  	[tilespmem:s4], [sflag:$0x1] =	stream.linear.gather [hbm4b:s1+s2], $0x8000, $0x38;
	[tilespmem:$0x19900] =	vst v63  }
0x422: {  	_ =	swait.ge [sflag:s5], $0x8000  }
0x423: {  	[sflag:s5] =	ssyncset.done $0x0  }
0x424: {  	[sflag:s5] =	ssyncadd.s32 $0xFFFF8000  }
0x425: {  	[tilespmem:s4], [sflag:$0x4] =	stream.indirect.gather.add.f32 [hbm:s3], $0x80, s2, s6, $0xb8;
	[tilespmem:$0x19900] =	vst v63  }
0x426: {  	_ = 	snop  }
0x427: {  	[tilespmem:s8], [sflag:$0x4] =	stream.indirect.gather.add.f32 [hbm:s3], $0x80, s6, s6, $0xb8;
	[tilespmem:$0x19900] =	vst v63  }
0x428: {  	s31 =	rddreg [dreg:$0x7]  }
0x429: {  	[tilespmem:s13], [sflag:$0x2] =	stream.linear.gather [hbm4b:s31+s2], $0x8000, $0x38;
	[tilespmem:$0x19900] =	vst v63  }
0x42a: {  	_ =	swait.ge [sflag:s7], $0x4000  }
0x42b: {  	[sflag:s7] =	ssyncset.done $0x0  }
0x42c: {  	[sflag:s7] =	ssyncadd.s32 $0xFFFFC000  }
0x42d: {  	_ =	swait.ge [sflag:s7], $0x4000  }
0x42e: {  	[sflag:s7] =	ssyncset.done $0x0  }
0x42f: {  	s1 =	rddreg [dreg:$0x8];
	[sflag:s7] =	ssyncadd.s32 $0xFFFFC000  }
0x430: {  	[hbm4b:s1+s2] =	stream.linear.scatter [tilespmem:s4], [sflag:$0x7], $0x8000, $0x38;
	[tilespmem:$0x19900] =	vst v63  }
0x431: {  	_ =	swait.ge [sflag:s18], $0x8000  }
0x432: {  	s31 =	sld [smem:$0x7D8]  }
0x433: {  	[sflag:s18] =	ssyncset.done $0x0  }
0x434: {  	s1 =	sld [smem:$0x7D9];
	[sflag:s18] =	ssyncadd.s32 $0xFFFF8000  }
0x435: {  	[tilespmem:s13], [sflag:$0x5] =	stream.indirect.gather.add.f32 [hbm:s3], $0x80, s31, s6, $0xb8;
	[tilespmem:$0x19900] =	vst v63  }
0x436: {  	_ = 	snop  }
0x437: {  	[tilespmem:s19], [sflag:$0x5] =	stream.indirect.gather.add.f32 [hbm:s3], $0x80, s1, s6, $0xb8;
	[tilespmem:$0x19900] =	vst v63  }
0x438: {  	s31 =	rddreg [dreg:$0x9]  }
0x439: {  	[tilespmem:s10], [sflag:$0x3] =	stream.linear.gather [hbm4b:s31+s2], $0x8000, $0x38;
	[tilespmem:$0x19900] =	vst v63  }
0x43a: {  	_ =	swait.ge [sflag:s16], $0x4000  }
0x43b: {  	[sflag:s16] =	ssyncset.done $0x0  }
0x43c: {  	[sflag:s16] =	ssyncadd.s32 $0xFFFFC000  }
0x43d: {  	_ =	swait.ge [sflag:s16], $0x4000  }
0x43e: {  	[sflag:s16] =	ssyncset.done $0x0  }
0x43f: {  	s31 =	rddreg [dreg:$0xa];
	[sflag:s16] =	ssyncadd.s32 $0xFFFFC000  }
0x440: {  	[hbm4b:s31+s2] =	stream.linear.scatter [tilespmem:s13], [sflag:$0x8], $0x8000, $0x38;
	[tilespmem:$0x19900] =	vst v63  }
0x441: {  	_ =	swait.ge [sflag:s15], $0x8000  }
0x442: {  	s1 =	sld [smem:$0x7DA]  }
0x443: {  	[sflag:s15] =	ssyncset.done $0x0  }
0x444: {  	s31 =	sld [smem:$0x7DB];
	[sflag:s15] =	ssyncadd.s32 $0xFFFF8000  }
0x445: {  	[tilespmem:s10], [sflag:$0x6] =	stream.indirect.gather.add.f32 [hbm:s3], $0x80, s1, s6, $0xb8;
	[tilespmem:$0x19900] =	vst v63  }
0x446: {  	_ = 	snop  }
0x447: {  	[tilespmem:s17], [sflag:$0x6] =	stream.indirect.gather.add.f32 [hbm:s3], $0x80, s31, s6, $0xb8;
	[tilespmem:$0x19900] =	vst v63  }
0x448: {  	_ =	swait.ge [sflag:s9], $0x8000  }
0x449: {  	[sflag:s9] =	ssyncset.done $0x0  }
0x44a: {  	s1 =	rddreg [dreg:$0xb];
	[sflag:s9] =	ssyncadd.s32 $0xFFFF8000  }
0x44b: {  	[tilespmem:s4], [sflag:$0x1] =	stream.linear.gather [hbm4b:s1+s2], $0x8000, $0x38;
	[tilespmem:$0x19900] =	vst v63  }
0x44c: {  	_ =	swait.ge [sflag:s14], $0x4000  }
0x44d: {  	[sflag:s14] =	ssyncset.done $0x0  }
0x44e: {  	[sflag:s14] =	ssyncadd.s32 $0xFFFFC000  }
0x44f: {  	_ =	swait.ge [sflag:s14], $0x4000  }
0x450: {  	[sflag:s14] =	ssyncset.done $0x0  }
0x451: {  	s31 =	rddreg [dreg:$0xc];
	[sflag:s14] =	ssyncadd.s32 $0xFFFFC000  }
0x452: {  	[hbm4b:s31+s2] =	stream.linear.scatter [tilespmem:s10], [sflag:$0x9], $0x8000, $0x38;
	[tilespmem:$0x19900] =	vst v63  }
0x453: {  	_ =	swait.ge [sflag:s5], $0x8000  }
0x454: {  	s1 =	sld [smem:$0x7DC]  }
0x455: {  	[sflag:s5] =	ssyncset.done $0x0  }
0x456: {  	s31 =	sld [smem:$0x7DD];
	[sflag:s5] =	ssyncadd.s32 $0xFFFF8000  }
0x457: {  	[tilespmem:s4], [sflag:$0x4] =	stream.indirect.gather.add.f32 [hbm:s3], $0x80, s1, s6, $0xb8;
	[tilespmem:$0x19900] =	vst v63  }
0x458: {  	_ = 	snop  }
0x459: {  	[tilespmem:s8], [sflag:$0x4] =	stream.indirect.gather.add.f32 [hbm:s3], $0x80, s31, s6, $0xb8;
	[tilespmem:$0x19900] =	vst v63  }
0x45a: {  	_ =	swait.ge [sflag:s11], $0x8000  }
0x45b: {  	[sflag:s11] =	ssyncset.done $0x0  }
0x45c: {  	s1 =	rddreg [dreg:$0xd];
	[sflag:s11] =	ssyncadd.s32 $0xFFFF8000  }
0x45d: {  	[tilespmem:s13], [sflag:$0x2] =	stream.linear.gather [hbm4b:s1+s2], $0x8000, $0x38;
	[tilespmem:$0x19900] =	vst v63  }
0x45e: {  	_ =	swait.ge [sflag:s7], $0x4000  }
0x45f: {  	[sflag:s7] =	ssyncset.done $0x0  }
0x460: {  	[sflag:s7] =	ssyncadd.s32 $0xFFFFC000  }
0x461: {  	_ =	swait.ge [sflag:s7], $0x4000  }
0x462: {  	[sflag:s7] =	ssyncset.done $0x0  }
0x463: {  	s31 =	rddreg [dreg:$0xe];
	[sflag:s7] =	ssyncadd.s32 $0xFFFFC000  }
0x464: {  	[hbm4b:s31+s2] =	stream.linear.scatter [tilespmem:s4], [sflag:$0x7], $0x8000, $0x38;
	[tilespmem:$0x19900] =	vst v63  }
0x465: {  	_ =	swait.ge [sflag:s18], $0x8000  }
0x466: {  	s1 =	sld [smem:$0x7DE]  }
0x467: {  	[sflag:s18] =	ssyncset.done $0x0  }
0x468: {  	s31 =	sld [smem:$0x7DF];
	[sflag:s18] =	ssyncadd.s32 $0xFFFF8000  }
0x469: {  	[tilespmem:s13], [sflag:$0x5] =	stream.indirect.gather.add.f32 [hbm:s3], $0x80, s1, s6, $0xb8;
	[tilespmem:$0x19900] =	vst v63  }
0x46a: {  	_ = 	snop  }
0x46b: {  	[tilespmem:s19], [sflag:$0x5] =	stream.indirect.gather.add.f32 [hbm:s3], $0x80, s31, s6, $0xb8;
	[tilespmem:$0x19900] =	vst v63  }
0x46c: {  	_ =	swait.ge [sflag:s12], $0x8000  }
0x46d: {  	[sflag:s12] =	ssyncset.done $0x0  }
0x46e: {  	s1 =	rddreg [dreg:$0xf];
	[sflag:s12] =	ssyncadd.s32 $0xFFFF8000  }
0x46f: {  	[tilespmem:s10], [sflag:$0x3] =	stream.linear.gather [hbm4b:s1+s2], $0x8000, $0x38;
	[tilespmem:$0x19900] =	vst v63  }
0x470: {  	_ =	swait.ge [sflag:s16], $0x4000  }
0x471: {  	[sflag:s16] =	ssyncset.done $0x0  }
0x472: {  	[sflag:s16] =	ssyncadd.s32 $0xFFFFC000  }
0x473: {  	_ =	swait.ge [sflag:s16], $0x4000  }
0x474: {  	[sflag:s16] =	ssyncset.done $0x0  }
0x475: {  	s31 =	rddreg [dreg:$0x10];
	[sflag:s16] =	ssyncadd.s32 $0xFFFFC000  }
0x476: {  	[hbm4b:s31+s2] =	stream.linear.scatter [tilespmem:s13], [sflag:$0x8], $0x8000, $0x38;
	[tilespmem:$0x19900] =	vst v63  }
0x477: {  	_ =	swait.ge [sflag:s15], $0x8000  }
0x478: {  	s1 =	sld [smem:$0x7E0]  }
0x479: {  	[sflag:s15] =	ssyncset.done $0x0  }
0x47a: {  	s31 =	sld [smem:$0x7E1];
	[sflag:s15] =	ssyncadd.s32 $0xFFFF8000  }
0x47b: {  	[tilespmem:s10], [sflag:$0x6] =	stream.indirect.gather.add.f32 [hbm:s3], $0x80, s1, s6, $0xb8;
	[tilespmem:$0x19900] =	vst v63  }
0x47c: {  	_ = 	snop  }
0x47d: {  	[tilespmem:s17], [sflag:$0x6] =	stream.indirect.gather.add.f32 [hbm:s3], $0x80, s31, s6, $0xb8;
	[tilespmem:$0x19900] =	vst v63  }
0x47e: {  	_ =	swait.ge [sflag:s9], $0x8000  }
0x47f: {  	[sflag:s9] =	ssyncset.done $0x0  }
0x480: {  	s1 =	rddreg [dreg:$0x11];
	[sflag:s9] =	ssyncadd.s32 $0xFFFF8000  }
0x481: {  	[tilespmem:s4], [sflag:$0x1] =	stream.linear.gather [hbm4b:s1+s2], $0x8000, $0x38;
	[tilespmem:$0x19900] =	vst v63  }
0x482: {  	_ =	swait.ge [sflag:s14], $0x4000  }
0x483: {  	[sflag:s14] =	ssyncset.done $0x0  }
0x484: {  	[sflag:s14] =	ssyncadd.s32 $0xFFFFC000  }
0x485: {  	_ =	swait.ge [sflag:s14], $0x4000  }
0x486: {  	[sflag:s14] =	ssyncset.done $0x0  }
0x487: {  	s31 =	rddreg [dreg:$0x12];
	[sflag:s14] =	ssyncadd.s32 $0xFFFFC000  }
0x488: {  	[hbm4b:s31+s2] =	stream.linear.scatter [tilespmem:s10], [sflag:$0x9], $0x8000, $0x38;
	[tilespmem:$0x19900] =	vst v63  }
0x489: {  	_ =	swait.ge [sflag:s5], $0x8000  }
0x48a: {  	s1 =	sld [smem:$0x7E2]  }
0x48b: {  	[sflag:s5] =	ssyncset.done $0x0  }
0x48c: {  	s31 =	sld [smem:$0x7E3];
	[sflag:s5] =	ssyncadd.s32 $0xFFFF8000  }
0x48d: {  	[tilespmem:s4], [sflag:$0x4] =	stream.indirect.gather.add.f32 [hbm:s3], $0x80, s1, s6, $0xb8;
	[tilespmem:$0x19900] =	vst v63  }
0x48e: {  	_ = 	snop  }
0x48f: {  	[tilespmem:s8], [sflag:$0x4] =	stream.indirect.gather.add.f32 [hbm:s3], $0x80, s31, s6, $0xb8;
	[tilespmem:$0x19900] =	vst v63  }
0x490: {  	_ =	swait.ge [sflag:s11], $0x8000  }
0x491: {  	[sflag:s11] =	ssyncset.done $0x0  }
0x492: {  	s1 =	rddreg [dreg:$0x13];
	[sflag:s11] =	ssyncadd.s32 $0xFFFF8000  }
0x493: {  	[tilespmem:s13], [sflag:$0x2] =	stream.linear.gather [hbm4b:s1+s2], $0x8000, $0x38;
	[tilespmem:$0x19900] =	vst v63  }
0x494: {  	_ =	swait.ge [sflag:s7], $0x4000  }
0x495: {  	[sflag:s7] =	ssyncset.done $0x0  }
0x496: {  	[sflag:s7] =	ssyncadd.s32 $0xFFFFC000  }
0x497: {  	_ =	swait.ge [sflag:s7], $0x4000  }
0x498: {  	[sflag:s7] =	ssyncset.done $0x0  }
0x499: {  	s31 =	rddreg [dreg:$0x14];
	[sflag:s7] =	ssyncadd.s32 $0xFFFFC000  }
0x49a: {  	[hbm4b:s31+s2] =	stream.linear.scatter [tilespmem:s4], [sflag:$0x7], $0x8000, $0x38;
	[tilespmem:$0x19900] =	vst v63  }
0x49b: {  	_ =	swait.ge [sflag:s18], $0x8000  }
0x49c: {  	s1 =	sld [smem:$0x7E4]  }
0x49d: {  	[sflag:s18] =	ssyncset.done $0x0  }
0x49e: {  	s31 =	sld [smem:$0x7E5];
	[sflag:s18] =	ssyncadd.s32 $0xFFFF8000  }
0x49f: {  	[tilespmem:s13], [sflag:$0x5] =	stream.indirect.gather.add.f32 [hbm:s3], $0x80, s1, s6, $0xb8;
	[tilespmem:$0x19900] =	vst v63  }
0x4a0: {  	_ = 	snop  }
0x4a1: {  	[tilespmem:s19], [sflag:$0x5] =	stream.indirect.gather.add.f32 [hbm:s3], $0x80, s31, s6, $0xb8;
	[tilespmem:$0x19900] =	vst v63  }
0x4a2: {  	_ =	swait.ge [sflag:s12], $0x8000  }
0x4a3: {  	[sflag:s12] =	ssyncset.done $0x0  }
0x4a4: {  	s1 =	rddreg [dreg:$0x15];
	[sflag:s12] =	ssyncadd.s32 $0xFFFF8000  }
0x4a5: {  	[tilespmem:s10], [sflag:$0x3] =	stream.linear.gather [hbm4b:s1+s2], $0x8000, $0x38;
	[tilespmem:$0x19900] =	vst v63  }
0x4a6: {  	_ =	swait.ge [sflag:s16], $0x4000  }
0x4a7: {  	[sflag:s16] =	ssyncset.done $0x0  }
0x4a8: {  	[sflag:s16] =	ssyncadd.s32 $0xFFFFC000  }
0x4a9: {  	_ =	swait.ge [sflag:s16], $0x4000  }
0x4aa: {  	[sflag:s16] =	ssyncset.done $0x0  }
0x4ab: {  	s31 =	rddreg [dreg:$0x16];
	[sflag:s16] =	ssyncadd.s32 $0xFFFFC000  }
0x4ac: {  	[hbm4b:s31+s2] =	stream.linear.scatter [tilespmem:s13], [sflag:$0x8], $0x8000, $0x38;
	[tilespmem:$0x19900] =	vst v63  }
0x4ad: {  	_ =	swait.ge [sflag:s15], $0x8000  }
0x4ae: {  	s1 =	sld [smem:$0x7E6]  }
0x4af: {  	[sflag:s15] =	ssyncset.done $0x0  }
0x4b0: {  	s31 =	sld [smem:$0x7E7];
	[sflag:s15] =	ssyncadd.s32 $0xFFFF8000  }
0x4b1: {  	[tilespmem:s10], [sflag:$0x6] =	stream.indirect.gather.add.f32 [hbm:s3], $0x80, s1, s6, $0xb8;
	[tilespmem:$0x19900] =	vst v63  }
0x4b2: {  	_ = 	snop  }
0x4b3: {  	[tilespmem:s17], [sflag:$0x6] =	stream.indirect.gather.add.f32 [hbm:s3], $0x80, s31, s6, $0xb8;
	[tilespmem:$0x19900] =	vst v63  }
0x4b4: {  	_ =	swait.ge [sflag:s9], $0x8000  }
0x4b5: {  	[sflag:s9] =	ssyncset.done $0x0  }
0x4b6: {  	s1 =	rddreg [dreg:$0x17];
	[sflag:s9] =	ssyncadd.s32 $0xFFFF8000  }
0x4b7: {  	[tilespmem:s4], [sflag:$0x1] =	stream.linear.gather [hbm4b:s1+s2], $0x8000, $0x38;
	[tilespmem:$0x19900] =	vst v63  }
0x4b8: {  	_ =	swait.ge [sflag:s14], $0x4000  }
0x4b9: {  	[sflag:s14] =	ssyncset.done $0x0  }
0x4ba: {  	[sflag:s14] =	ssyncadd.s32 $0xFFFFC000  }
0x4bb: {  	_ =	swait.ge [sflag:s14], $0x4000  }
0x4bc: {  	[sflag:s14] =	ssyncset.done $0x0  }
0x4bd: {  	s31 =	rddreg [dreg:$0x18];
	[sflag:s14] =	ssyncadd.s32 $0xFFFFC000  }
0x4be: {  	[hbm4b:s31+s2] =	stream.linear.scatter [tilespmem:s10], [sflag:$0x9], $0x8000, $0x38;
	[tilespmem:$0x19900] =	vst v63  }
0x4bf: {  	_ =	swait.ge [sflag:s5], $0x8000  }
0x4c0: {  	s1 =	sld [smem:$0x7E8]  }
0x4c1: {  	[sflag:s5] =	ssyncset.done $0x0  }
0x4c2: {  	s31 =	sld [smem:$0x7E9];
	[sflag:s5] =	ssyncadd.s32 $0xFFFF8000  }
0x4c3: {  	[tilespmem:s4], [sflag:$0x4] =	stream.indirect.gather.add.f32 [hbm:s3], $0x80, s1, s6, $0xb8;
	[tilespmem:$0x19900] =	vst v63  }
0x4c4: {  	_ = 	snop  }
0x4c5: {  	[tilespmem:s8], [sflag:$0x4] =	stream.indirect.gather.add.f32 [hbm:s3], $0x80, s31, s6, $0xb8;
	[tilespmem:$0x19900] =	vst v63  }
0x4c6: {  	_ =	swait.ge [sflag:s11], $0x8000  }
0x4c7: {  	[sflag:s11] =	ssyncset.done $0x0  }
0x4c8: {  	s1 =	rddreg [dreg:$0x19];
	[sflag:s11] =	ssyncadd.s32 $0xFFFF8000  }
0x4c9: {  	[tilespmem:s13], [sflag:$0x2] =	stream.linear.gather [hbm4b:s1+s2], $0x8000, $0x38;
	[tilespmem:$0x19900] =	vst v63  }
0x4ca: {  	_ =	swait.ge [sflag:s7], $0x4000  }
0x4cb: {  	[sflag:s7] =	ssyncset.done $0x0  }
0x4cc: {  	[sflag:s7] =	ssyncadd.s32 $0xFFFFC000  }
0x4cd: {  	_ =	swait.ge [sflag:s7], $0x4000  }
0x4ce: {  	[sflag:s7] =	ssyncset.done $0x0  }
0x4cf: {  	s31 =	rddreg [dreg:$0x1a];
	[sflag:s7] =	ssyncadd.s32 $0xFFFFC000  }
0x4d0: {  	[hbm4b:s31+s2] =	stream.linear.scatter [tilespmem:s4], [sflag:$0x7], $0x8000, $0x38;
	[tilespmem:$0x19900] =	vst v63  }
0x4d1: {  	_ =	swait.ge [sflag:s18], $0x8000  }
0x4d2: {  	s1 =	sld [smem:$0x7EA]  }
0x4d3: {  	[sflag:s18] =	ssyncset.done $0x0  }
0x4d4: {  	s31 =	sld [smem:$0x7EB];
	[sflag:s18] =	ssyncadd.s32 $0xFFFF8000  }
0x4d5: {  	[tilespmem:s13], [sflag:$0x5] =	stream.indirect.gather.add.f32 [hbm:s3], $0x80, s1, s6, $0xb8;
	[tilespmem:$0x19900] =	vst v63  }
0x4d6: {  	_ = 	snop  }
0x4d7: {  	[tilespmem:s19], [sflag:$0x5] =	stream.indirect.gather.add.f32 [hbm:s3], $0x80, s31, s6, $0xb8;
	[tilespmem:$0x19900] =	vst v63  }
0x4d8: {  	_ =	swait.ge [sflag:s12], $0x8000  }
0x4d9: {  	[sflag:s12] =	ssyncset.done $0x0  }
0x4da: {  	s1 =	rddreg [dreg:$0x1b];
	[sflag:s12] =	ssyncadd.s32 $0xFFFF8000  }
0x4db: {  	[tilespmem:s10], [sflag:$0x3] =	stream.linear.gather [hbm4b:s1+s2], $0x8000, $0x38;
	[tilespmem:$0x19900] =	vst v63  }
0x4dc: {  	_ =	swait.ge [sflag:s16], $0x4000  }
0x4dd: {  	[sflag:s16] =	ssyncset.done $0x0  }
0x4de: {  	[sflag:s16] =	ssyncadd.s32 $0xFFFFC000  }
0x4df: {  	_ =	swait.ge [sflag:s16], $0x4000  }
0x4e0: {  	[sflag:s16] =	ssyncset.done $0x0  }
0x4e1: {  	s31 =	rddreg [dreg:$0x1c];
	[sflag:s16] =	ssyncadd.s32 $0xFFFFC000  }
0x4e2: {  	[hbm4b:s31+s2] =	stream.linear.scatter [tilespmem:s13], [sflag:$0x8], $0x8000, $0x38;
	[tilespmem:$0x19900] =	vst v63  }
0x4e3: {  	_ =	swait.ge [sflag:s15], $0x8000  }
0x4e4: {  	s1 =	sld [smem:$0x7EC]  }
0x4e5: {  	[sflag:s15] =	ssyncset.done $0x0  }
0x4e6: {  	s31 =	sld [smem:$0x7ED];
	[sflag:s15] =	ssyncadd.s32 $0xFFFF8000  }
0x4e7: {  	[tilespmem:s10], [sflag:$0x6] =	stream.indirect.gather.add.f32 [hbm:s3], $0x80, s1, s6, $0xb8;
	[tilespmem:$0x19900] =	vst v63  }
0x4e8: {  	_ = 	snop  }
0x4e9: {  	[tilespmem:s17], [sflag:$0x6] =	stream.indirect.gather.add.f32 [hbm:s3], $0x80, s31, s6, $0xb8;
	[tilespmem:$0x19900] =	vst v63  }
0x4ea: {  	_ =	swait.ge [sflag:s9], $0x8000  }
0x4eb: {  	[sflag:s9] =	ssyncset.done $0x0  }
0x4ec: {  	s1 =	rddreg [dreg:$0x1d];
	[sflag:s9] =	ssyncadd.s32 $0xFFFF8000  }
0x4ed: {  	[tilespmem:s4], [sflag:$0x1] =	stream.linear.gather [hbm4b:s1+s2], $0x8000, $0x38;
	[tilespmem:$0x19900] =	vst v63  }
0x4ee: {  	_ =	swait.ge [sflag:s14], $0x4000  }
0x4ef: {  	[sflag:s14] =	ssyncset.done $0x0  }
0x4f0: {  	[sflag:s14] =	ssyncadd.s32 $0xFFFFC000  }
0x4f1: {  	_ =	swait.ge [sflag:s14], $0x4000  }
0x4f2: {  	[sflag:s14] =	ssyncset.done $0x0  }
0x4f3: {  	s31 =	rddreg [dreg:$0x1e];
	[sflag:s14] =	ssyncadd.s32 $0xFFFFC000  }
0x4f4: {  	[hbm4b:s31+s2] =	stream.linear.scatter [tilespmem:s10], [sflag:$0x9], $0x8000, $0x38;
	[tilespmem:$0x19900] =	vst v63  }
0x4f5: {  	_ =	swait.ge [sflag:s5], $0x8000  }
0x4f6: {  	s1 =	sld [smem:$0x7EE]  }
0x4f7: {  	[sflag:s5] =	ssyncset.done $0x0  }
0x4f8: {  	s31 =	sld [smem:$0x7EF];
	[sflag:s5] =	ssyncadd.s32 $0xFFFF8000  }
0x4f9: {  	[tilespmem:s4], [sflag:$0x4] =	stream.indirect.gather.add.f32 [hbm:s3], $0x80, s1, s6, $0xb8;
	[tilespmem:$0x19900] =	vst v63  }
0x4fa: {  	_ = 	snop  }
0x4fb: {  	[tilespmem:s8], [sflag:$0x4] =	stream.indirect.gather.add.f32 [hbm:s3], $0x80, s31, s6, $0xb8;
	[tilespmem:$0x19900] =	vst v63  }
0x4fc: {  	_ =	swait.ge [sflag:s11], $0x8000  }
0x4fd: {  	[sflag:s11] =	ssyncset.done $0x0  }
0x4fe: {  	s1 =	rddreg [dreg:$0x1f];
	[sflag:s11] =	ssyncadd.s32 $0xFFFF8000  }
0x4ff: {  	[tilespmem:s13], [sflag:$0x2] =	stream.linear.gather [hbm4b:s1+s2], $0x8000, $0x38;
	[tilespmem:$0x19900] =	vst v63  }
0x500: {  	_ =	swait.ge [sflag:s7], $0x4000  }
0x501: {  	[sflag:s7] =	ssyncset.done $0x0  }
0x502: {  	[sflag:s7] =	ssyncadd.s32 $0xFFFFC000  }
0x503: {  	_ =	swait.ge [sflag:s7], $0x4000  }
0x504: {  	s31 =	sld [smem:$0x7C0]  }
0x505: {  	[sflag:s7] =	ssyncset.done $0x0  }
0x506: {  	[sflag:s7] =	ssyncadd.s32 $0xFFFFC000  }
0x507: {  	[hbm4b:s31+s2] =	stream.linear.scatter [tilespmem:s4], [sflag:$0x7], $0x8000, $0x38;
	[tilespmem:$0x19900] =	vst v63  }
0x508: {  	_ =	swait.ge [sflag:s18], $0x8000  }
0x509: {  	s1 =	sld [smem:$0x7F0]  }
0x50a: {  	[sflag:s18] =	ssyncset.done $0x0  }
0x50b: {  	s31 =	sld [smem:$0x7F1];
	[sflag:s18] =	ssyncadd.s32 $0xFFFF8000  }
0x50c: {  	[tilespmem:s13], [sflag:$0x5] =	stream.indirect.gather.add.f32 [hbm:s3], $0x80, s1, s6, $0xb8;
	[tilespmem:$0x19900] =	vst v63  }
0x50d: {  	_ = 	snop  }
0x50e: {  	[tilespmem:s19], [sflag:$0x5] =	stream.indirect.gather.add.f32 [hbm:s3], $0x80, s31, s6, $0xb8;
	[tilespmem:$0x19900] =	vst v63  }
0x50f: {  	_ =	swait.ge [sflag:s12], $0x8000  }
0x510: {  	s1 =	sld [smem:$0x7C1]  }
0x511: {  	[sflag:s12] =	ssyncset.done $0x0  }
0x512: {  	[sflag:s12] =	ssyncadd.s32 $0xFFFF8000  }
0x513: {  	[tilespmem:s10], [sflag:$0x3] =	stream.linear.gather [hbm4b:s1+s2], $0x8000, $0x38;
	[tilespmem:$0x19900] =	vst v63  }
0x514: {  	_ =	swait.ge [sflag:s16], $0x4000  }
0x515: {  	[sflag:s16] =	ssyncset.done $0x0  }
0x516: {  	[sflag:s16] =	ssyncadd.s32 $0xFFFFC000  }
0x517: {  	_ =	swait.ge [sflag:s16], $0x4000  }
0x518: {  	s31 =	sld [smem:$0x7C2]  }
0x519: {  	[sflag:s16] =	ssyncset.done $0x0  }
0x51a: {  	[sflag:s16] =	ssyncadd.s32 $0xFFFFC000  }
0x51b: {  	[hbm4b:s31+s2] =	stream.linear.scatter [tilespmem:s13], [sflag:$0x8], $0x8000, $0x38;
	[tilespmem:$0x19900] =	vst v63  }
0x51c: {  	_ =	swait.ge [sflag:s15], $0x8000  }
0x51d: {  	s1 =	sld [smem:$0x7F2]  }
0x51e: {  	[sflag:s15] =	ssyncset.done $0x0  }
0x51f: {  	s31 =	sld [smem:$0x7F3];
	[sflag:s15] =	ssyncadd.s32 $0xFFFF8000  }
0x520: {  	[tilespmem:s10], [sflag:$0x6] =	stream.indirect.gather.add.f32 [hbm:s3], $0x80, s1, s6, $0xb8;
	[tilespmem:$0x19900] =	vst v63  }
0x521: {  	_ = 	snop  }
0x522: {  	[tilespmem:s17], [sflag:$0x6] =	stream.indirect.gather.add.f32 [hbm:s3], $0x80, s31, s6, $0xb8;
	[tilespmem:$0x19900] =	vst v63  }
0x523: {  	_ =	swait.ge [sflag:s9], $0x8000  }
0x524: {  	s1 =	sld [smem:$0x7C3]  }
0x525: {  	[sflag:s9] =	ssyncset.done $0x0  }
0x526: {  	[sflag:s9] =	ssyncadd.s32 $0xFFFF8000  }
0x527: {  	[tilespmem:s4], [sflag:$0x1] =	stream.linear.gather [hbm4b:s1+s2], $0x8000, $0x38;
	[tilespmem:$0x19900] =	vst v63  }
0x528: {  	_ =	swait.ge [sflag:s14], $0x4000  }
0x529: {  	[sflag:s14] =	ssyncset.done $0x0  }
0x52a: {  	[sflag:s14] =	ssyncadd.s32 $0xFFFFC000  }
0x52b: {  	_ =	swait.ge [sflag:s14], $0x4000  }
0x52c: {  	s31 =	sld [smem:$0x7C4]  }
0x52d: {  	[sflag:s14] =	ssyncset.done $0x0  }
0x52e: {  	[sflag:s14] =	ssyncadd.s32 $0xFFFFC000  }
0x52f: {  	[hbm4b:s31+s2] =	stream.linear.scatter [tilespmem:s10], [sflag:$0x9], $0x8000, $0x38;
	[tilespmem:$0x19900] =	vst v63  }
0x530: {  	_ =	swait.ge [sflag:s5], $0x8000  }
0x531: {  	s1 =	sld [smem:$0x7F4]  }
0x532: {  	[sflag:s5] =	ssyncset.done $0x0  }
0x533: {  	s31 =	sld [smem:$0x7F5];
	[sflag:s5] =	ssyncadd.s32 $0xFFFF8000  }
0x534: {  	[tilespmem:s4], [sflag:$0x4] =	stream.indirect.gather.add.f32 [hbm:s3], $0x80, s1, s6, $0xb8;
	[tilespmem:$0x19900] =	vst v63  }
0x535: {  	_ = 	snop  }
0x536: {  	[tilespmem:s8], [sflag:$0x4] =	stream.indirect.gather.add.f32 [hbm:s3], $0x80, s31, s6, $0xb8;
	[tilespmem:$0x19900] =	vst v63  }
0x537: {  	_ =	swait.ge [sflag:s11], $0x8000  }
0x538: {  	s1 =	sld [smem:$0x7C5]  }
0x539: {  	[sflag:s11] =	ssyncset.done $0x0  }
0x53a: {  	[sflag:s11] =	ssyncadd.s32 $0xFFFF8000  }
0x53b: {  	[tilespmem:s13], [sflag:$0x2] =	stream.linear.gather [hbm4b:s1+s2], $0x8000, $0x38;
	[tilespmem:$0x19900] =	vst v63  }
0x53c: {  	_ =	swait.ge [sflag:s7], $0x4000  }
0x53d: {  	[sflag:s7] =	ssyncset.done $0x0  }
0x53e: {  	[sflag:s7] =	ssyncadd.s32 $0xFFFFC000  }
0x53f: {  	_ =	swait.ge [sflag:s7], $0x4000  }
0x540: {  	s31 =	sld [smem:$0x7C6]  }
0x541: {  	[sflag:s7] =	ssyncset.done $0x0  }
0x542: {  	[sflag:s7] =	ssyncadd.s32 $0xFFFFC000  }
0x543: {  	[hbm4b:s31+s2] =	stream.linear.scatter [tilespmem:s4], [sflag:$0x7], $0x8000, $0x38;
	[tilespmem:$0x19900] =	vst v63  }
0x544: {  	_ =	swait.ge [sflag:s18], $0x8000  }
0x545: {  	s1 =	sld [smem:$0x7F6]  }
0x546: {  	[sflag:s18] =	ssyncset.done $0x0  }
0x547: {  	s31 =	sld [smem:$0x7F7];
	[sflag:s18] =	ssyncadd.s32 $0xFFFF8000  }
0x548: {  	[tilespmem:s13], [sflag:$0x5] =	stream.indirect.gather.add.f32 [hbm:s3], $0x80, s1, s6, $0xb8;
	[tilespmem:$0x19900] =	vst v63  }
0x549: {  	_ = 	snop  }
0x54a: {  	[tilespmem:s19], [sflag:$0x5] =	stream.indirect.gather.add.f32 [hbm:s3], $0x80, s31, s6, $0xb8;
	[tilespmem:$0x19900] =	vst v63  }
0x54b: {  	_ =	swait.ge [sflag:s12], $0x8000  }
0x54c: {  	s1 =	sld [smem:$0x7C7]  }
0x54d: {  	[sflag:s12] =	ssyncset.done $0x0  }
0x54e: {  	[sflag:s12] =	ssyncadd.s32 $0xFFFF8000  }
0x54f: {  	[tilespmem:s10], [sflag:$0x3] =	stream.linear.gather [hbm4b:s1+s2], $0x8000, $0x38;
	[tilespmem:$0x19900] =	vst v63  }
0x550: {  	_ =	swait.ge [sflag:s16], $0x4000  }
0x551: {  	[sflag:s16] =	ssyncset.done $0x0  }
0x552: {  	[sflag:s16] =	ssyncadd.s32 $0xFFFFC000  }
0x553: {  	_ =	swait.ge [sflag:s16], $0x4000  }
0x554: {  	s31 =	sld [smem:$0x7C8]  }
0x555: {  	[sflag:s16] =	ssyncset.done $0x0  }
0x556: {  	[sflag:s16] =	ssyncadd.s32 $0xFFFFC000  }
0x557: {  	[hbm4b:s31+s2] =	stream.linear.scatter [tilespmem:s13], [sflag:$0x8], $0x8000, $0x38;
	[tilespmem:$0x19900] =	vst v63  }
0x558: {  	_ =	swait.ge [sflag:s15], $0x8000  }
0x559: {  	s1 =	sld [smem:$0x7F8]  }
0x55a: {  	[sflag:s15] =	ssyncset.done $0x0  }
0x55b: {  	s31 =	sld [smem:$0x7F9];
	[sflag:s15] =	ssyncadd.s32 $0xFFFF8000  }
0x55c: {  	[tilespmem:s10], [sflag:$0x6] =	stream.indirect.gather.add.f32 [hbm:s3], $0x80, s1, s6, $0xb8;
	[tilespmem:$0x19900] =	vst v63  }
0x55d: {  	_ = 	snop  }
0x55e: {  	[tilespmem:s17], [sflag:$0x6] =	stream.indirect.gather.add.f32 [hbm:s3], $0x80, s31, s6, $0xb8;
	[tilespmem:$0x19900] =	vst v63  }
0x55f: {  	_ =	swait.ge [sflag:s9], $0x8000  }
0x560: {  	s1 =	sld [smem:$0x7C9]  }
0x561: {  	[sflag:s9] =	ssyncset.done $0x0  }
0x562: {  	[sflag:s9] =	ssyncadd.s32 $0xFFFF8000  }
0x563: {  	[tilespmem:s4], [sflag:$0x1] =	stream.linear.gather [hbm4b:s1+s2], $0x8000, $0x38;
	[tilespmem:$0x19900] =	vst v63  }
0x564: {  	_ =	swait.ge [sflag:s14], $0x4000  }
0x565: {  	[sflag:s14] =	ssyncset.done $0x0  }
0x566: {  	[sflag:s14] =	ssyncadd.s32 $0xFFFFC000  }
0x567: {  	_ =	swait.ge [sflag:s14], $0x4000  }
0x568: {  	s31 =	sld [smem:$0x7CA]  }
0x569: {  	[sflag:s14] =	ssyncset.done $0x0  }
0x56a: {  	[sflag:s14] =	ssyncadd.s32 $0xFFFFC000  }
0x56b: {  	[hbm4b:s31+s2] =	stream.linear.scatter [tilespmem:s10], [sflag:$0x9], $0x8000, $0x38;
	[tilespmem:$0x19900] =	vst v63  }
0x56c: {  	_ =	swait.ge [sflag:s5], $0x8000  }
0x56d: {  	s1 =	sld [smem:$0x7FA]  }
0x56e: {  	[sflag:s5] =	ssyncset.done $0x0  }
0x56f: {  	s31 =	sld [smem:$0x7FB];
	[sflag:s5] =	ssyncadd.s32 $0xFFFF8000  }
0x570: {  	[tilespmem:s4], [sflag:$0x4] =	stream.indirect.gather.add.f32 [hbm:s3], $0x80, s1, s6, $0xb8;
	[tilespmem:$0x19900] =	vst v63  }
0x571: {  	_ = 	snop  }
0x572: {  	[tilespmem:s8], [sflag:$0x4] =	stream.indirect.gather.add.f32 [hbm:s3], $0x80, s31, s6, $0xb8;
	[tilespmem:$0x19900] =	vst v63  }
0x573: {  	_ =	swait.ge [sflag:s11], $0x8000  }
0x574: {  	s1 =	sld [smem:$0x7CB]  }
0x575: {  	[sflag:s11] =	ssyncset.done $0x0  }
0x576: {  	[sflag:s11] =	ssyncadd.s32 $0xFFFF8000  }
0x577: {  	[tilespmem:s13], [sflag:$0x2] =	stream.linear.gather [hbm4b:s1+s2], $0x8000, $0x38;
	[tilespmem:$0x19900] =	vst v63  }
0x578: {  	_ =	swait.ge [sflag:s7], $0x4000  }
0x579: {  	[sflag:s7] =	ssyncset.done $0x0  }
0x57a: {  	[sflag:s7] =	ssyncadd.s32 $0xFFFFC000  }
0x57b: {  	_ =	swait.ge [sflag:s7], $0x4000  }
0x57c: {  	s31 =	sld [smem:$0x7CC]  }
0x57d: {  	[sflag:s7] =	ssyncset.done $0x0  }
0x57e: {  	[sflag:s7] =	ssyncadd.s32 $0xFFFFC000  }
0x57f: {  	[hbm4b:s31+s2] =	stream.linear.scatter [tilespmem:s4], [sflag:$0x7], $0x8000, $0x38;
	[tilespmem:$0x19900] =	vst v63  }
0x580: {  	_ =	swait.ge [sflag:s18], $0x8000  }
0x581: {  	s1 =	sld [smem:$0x7FC]  }
0x582: {  	[sflag:s18] =	ssyncset.done $0x0  }
0x583: {  	s31 =	sld [smem:$0x7FD];
	[sflag:s18] =	ssyncadd.s32 $0xFFFF8000  }
0x584: {  	[tilespmem:s13], [sflag:$0x5] =	stream.indirect.gather.add.f32 [hbm:s3], $0x80, s1, s6, $0xb8;
	[tilespmem:$0x19900] =	vst v63  }
0x585: {  	_ = 	snop  }
0x586: {  	[tilespmem:s19], [sflag:$0x5] =	stream.indirect.gather.add.f32 [hbm:s3], $0x80, s31, s6, $0xb8;
	[tilespmem:$0x19900] =	vst v63  }
0x587: {  	_ =	swait.ge [sflag:s12], $0x8000  }
0x588: {  	s31 =	sld [smem:$0x7CD]  }
0x589: {  	[sflag:s12] =	ssyncset.done $0x0  }
0x58a: {  	[sflag:s12] =	ssyncadd.s32 $0xFFFF8000  }
0x58b: {  	[tilespmem:s10], [sflag:$0x3] =	stream.linear.gather [hbm4b:s31+s2], $0x8000, $0x38;
	[tilespmem:$0x19900] =	vst v63  }
0x58c: {  	_ =	swait.ge [sflag:s16], $0x4000  }
0x58d: {  	[sflag:s16] =	ssyncset.done $0x0  }
0x58e: {  	[sflag:s16] =	ssyncadd.s32 $0xFFFFC000  }
0x58f: {  	_ =	swait.ge [sflag:s16], $0x4000  }
0x590: {  	s1 =	sld [smem:$0x7CE]  }
0x591: {  	[sflag:s16] =	ssyncset.done $0x0  }
0x592: {  	[sflag:s16] =	ssyncadd.s32 $0xFFFFC000  }
0x593: {  	[hbm4b:s1+s2] =	stream.linear.scatter [tilespmem:s13], [sflag:$0x8], $0x8000, $0x38;
	[tilespmem:$0x19900] =	vst v63  }
0x594: {  	_ =	swait.ge [sflag:s15], $0x8000  }
0x595: {  	[sflag:s15] =	ssyncset.done $0x0  }
0x596: {  	[sflag:s15] =	ssyncadd.s32 $0xFFFF8000  }
0x597: {  	[tilespmem:s10], [sflag:$0x6] =	stream.indirect.gather.add.f32 [hbm:s3], $0x80, s30, s6, $0xb8;
	[tilespmem:$0x19900] =	vst v63  }
0x598: {  	_ = 	snop  }
0x599: {  	[tilespmem:s17], [sflag:$0x6] =	stream.indirect.gather.add.f32 [hbm:s3], $0x80, s22, s6, $0xb8;
	[tilespmem:$0x19900] =	vst v63  }
0x59a: {  	_ =	swait.ge [sflag:s9], $0x8000  }
0x59b: {  	s30 =	sld [smem:$0x7CF]  }
0x59c: {  	[sflag:s9] =	ssyncset.done $0x0  }
0x59d: {  	[sflag:s9] =	ssyncadd.s32 $0xFFFF8000  }
0x59e: {  	[tilespmem:s4], [sflag:$0x1] =	stream.linear.gather [hbm4b:s30+s2], $0x8000, $0x38;
	[tilespmem:$0x19900] =	vst v63  }
0x59f: {  	_ =	swait.ge [sflag:s14], $0x4000  }
0x5a0: {  	[sflag:s14] =	ssyncset.done $0x0  }
0x5a1: {  	[sflag:s14] =	ssyncadd.s32 $0xFFFFC000  }
0x5a2: {  	_ =	swait.ge [sflag:s14], $0x4000  }
0x5a3: {  	s31 =	sld [smem:$0x7D0]  }
0x5a4: {  	[sflag:s14] =	ssyncset.done $0x0  }
0x5a5: {  	[sflag:s14] =	ssyncadd.s32 $0xFFFFC000  }
0x5a6: {  	[hbm4b:s31+s2] =	stream.linear.scatter [tilespmem:s10], [sflag:$0x9], $0x8000, $0x38;
	[tilespmem:$0x19900] =	vst v63  }
0x5a7: {  	_ =	swait.ge [sflag:s5], $0x8000  }
0x5a8: {  	[sflag:s5] =	ssyncset.done $0x0  }
0x5a9: {  	[sflag:s5] =	ssyncadd.s32 $0xFFFF8000  }
0x5aa: {  	[tilespmem:s4], [sflag:$0x4] =	stream.indirect.gather.add.f32 [hbm:s3], $0x80, s28, s6, $0xb8;
	[tilespmem:$0x19900] =	vst v63  }
0x5ab: {  	_ = 	snop  }
0x5ac: {  	[tilespmem:s8], [sflag:$0x4] =	stream.indirect.gather.add.f32 [hbm:s3], $0x80, s29, s6, $0xb8;
	[tilespmem:$0x19900] =	vst v63  }
0x5ad: {  	_ =	swait.ge [sflag:s11], $0x8000  }
0x5ae: {  	s1 =	sld [smem:$0x7D1]  }
0x5af: {  	[sflag:s11] =	ssyncset.done $0x0  }
0x5b0: {  	[sflag:s11] =	ssyncadd.s32 $0xFFFF8000  }
0x5b1: {  	[tilespmem:s13], [sflag:$0x2] =	stream.linear.gather [hbm4b:s1+s2], $0x8000, $0x38;
	[tilespmem:$0x19900] =	vst v63  }
0x5b2: {  	_ =	swait.ge [sflag:s7], $0x4000  }
0x5b3: {  	[sflag:s7] =	ssyncset.done $0x0  }
0x5b4: {  	[sflag:s7] =	ssyncadd.s32 $0xFFFFC000  }
0x5b5: {  	_ =	swait.ge [sflag:s7], $0x4000  }
0x5b6: {  	s22 =	sld [smem:$0x7D2]  }
0x5b7: {  	[sflag:s7] =	ssyncset.done $0x0  }
0x5b8: {  	[sflag:s7] =	ssyncadd.s32 $0xFFFFC000  }
0x5b9: {  	[hbm4b:s22+s2] =	stream.linear.scatter [tilespmem:s4], [sflag:$0x7], $0x8000, $0x38;
	[tilespmem:$0x19900] =	vst v63  }
0x5ba: {  	_ =	swait.ge [sflag:s18], $0x8000  }
0x5bb: {  	[sflag:s18] =	ssyncset.done $0x0  }
0x5bc: {  	[sflag:s18] =	ssyncadd.s32 $0xFFFF8000  }
0x5bd: {  	[tilespmem:s13], [sflag:$0x5] =	stream.indirect.gather.add.f32 [hbm:s3], $0x80, s25, s6, $0xb8;
	[tilespmem:$0x19900] =	vst v63  }
0x5be: {  	_ = 	snop  }
0x5bf: {  	[tilespmem:s19], [sflag:$0x5] =	stream.indirect.gather.add.f32 [hbm:s3], $0x80, s26, s6, $0xb8;
	[tilespmem:$0x19900] =	vst v63  }
0x5c0: {  	_ =	swait.ge [sflag:s12], $0x8000  }
0x5c1: {  	s25 =	sld [smem:$0x7D3]  }
0x5c2: {  	[sflag:s12] =	ssyncset.done $0x0  }
0x5c3: {  	[sflag:s12] =	ssyncadd.s32 $0xFFFF8000  }
0x5c4: {  	[tilespmem:s10], [sflag:$0x3] =	stream.linear.gather [hbm4b:s25+s2], $0x8000, $0x38;
	[tilespmem:$0x19900] =	vst v63  }
0x5c5: {  	_ =	swait.ge [sflag:s16], $0x4000  }
0x5c6: {  	[sflag:s16] =	ssyncset.done $0x0  }
0x5c7: {  	[sflag:s16] =	ssyncadd.s32 $0xFFFFC000  }
0x5c8: {  	_ =	swait.ge [sflag:s16], $0x4000  }
0x5c9: {  	s26 =	sld [smem:$0x7D4]  }
0x5ca: {  	[sflag:s16] =	ssyncset.done $0x0  }
0x5cb: {  	[sflag:s16] =	ssyncadd.s32 $0xFFFFC000  }
0x5cc: {  	[hbm4b:s26+s2] =	stream.linear.scatter [tilespmem:s13], [sflag:$0x8], $0x8000, $0x38;
	[tilespmem:$0x19900] =	vst v63  }
0x5cd: {  	_ =	swait.ge [sflag:s15], $0x8000  }
0x5ce: {  	[sflag:s15] =	ssyncset.done $0x0  }
0x5cf: {  	[sflag:s15] =	ssyncadd.s32 $0xFFFF8000  }
0x5d0: {  	[tilespmem:s10], [sflag:$0x6] =	stream.indirect.gather.add.f32 [hbm:s3], $0x80, s23, s6, $0xb8;
	[tilespmem:$0x19900] =	vst v63  }
0x5d1: {  	_ = 	snop  }
0x5d2: {  	[tilespmem:s17], [sflag:$0x6] =	stream.indirect.gather.add.f32 [hbm:s3], $0x80, s24, s6, $0xb8;
	[tilespmem:$0x19900] =	vst v63  }
0x5d3: {  	_ =	swait.ge [sflag:s9], $0x8000  }
0x5d4: {  	s28 =	sld [smem:$0x7D5]  }
0x5d5: {  	[sflag:s9] =	ssyncset.done $0x0  }
0x5d6: {  	[sflag:s9] =	ssyncadd.s32 $0xFFFF8000  }
0x5d7: {  	[tilespmem:s4], [sflag:$0x1] =	stream.linear.gather [hbm4b:s28+s2], $0x8000, $0x38;
	[tilespmem:$0x19900] =	vst v63  }
0x5d8: {  	_ =	swait.ge [sflag:s14], $0x4000  }
0x5d9: {  	[sflag:s14] =	ssyncset.done $0x0  }
0x5da: {  	[sflag:s14] =	ssyncadd.s32 $0xFFFFC000  }
0x5db: {  	_ =	swait.ge [sflag:s14], $0x4000  }
0x5dc: {  	s29 =	sld [smem:$0x7D6]  }
0x5dd: {  	[sflag:s14] =	ssyncset.done $0x0  }
0x5de: {  	[sflag:s14] =	ssyncadd.s32 $0xFFFFC000  }
0x5df: {  	[hbm4b:s29+s2] =	stream.linear.scatter [tilespmem:s10], [sflag:$0x9], $0x8000, $0x38;
	[tilespmem:$0x19900] =	vst v63  }
0x5e0: {  	_ =	swait.ge [sflag:s5], $0x8000  }
0x5e1: {  	[sflag:s5] =	ssyncset.done $0x0  }
0x5e2: {  	[sflag:s5] =	ssyncadd.s32 $0xFFFF8000  }
0x5e3: {  	[tilespmem:s4], [sflag:$0x4] =	stream.indirect.gather.add.f32 [hbm:s3], $0x80, s21, s6, $0xb8;
	[tilespmem:$0x19900] =	vst v63  }
0x5e4: {  	s30 =	simm.s32 $0x1880  }
0x5e5: {  	[tilespmem:s8], [sflag:$0x4] =	stream.indirect.gather.add.f32 [hbm:s3], $0x80, s30, s6, $0xb8;
	[tilespmem:$0x19900] =	vst v63  }
0x5e6: {  	_ =	swait.ge [sflag:s7], $0x4000  }
0x5e7: {  	[sflag:s7] =	ssyncset.done $0x0  }
0x5e8: {  	[sflag:s7] =	ssyncadd.s32 $0xFFFFC000  }
0x5e9: {  	_ =	swait.ge [sflag:s7], $0x4000  }
0x5ea: {  	s31 =	sld [smem:$0x7D7]  }
0x5eb: {  	[sflag:s7] =	ssyncset.done $0x0  }
0x5ec: {  	[sflag:s7] =	ssyncadd.s32 $0xFFFFC000  }
0x5ed: {  	[hbm4b:s31+s2] =	stream.linear.scatter [tilespmem:s4], [sflag:$0x7], $0x8000, $0x38;
	[tilespmem:$0x19900] =	vst v63  }
0x5ee: {  	_ =	swait.ge [sflag:s11], $0x8000  }
0x5ef: {  	[sflag:s11] =	ssyncset.done $0x0  }
0x5f0: {  	[sflag:s11] =	ssyncadd.s32 $0xFFFF8000  }
0x5f1: {  	_ =	swait.ge [sflag:s12], $0x8000  }
0x5f2: {  	[sflag:s12] =	ssyncset.done $0x0  }
0x5f3: {  	[sflag:s12] =	ssyncadd.s32 $0xFFFF8000  }
0x5f4: {  	_ =	swait.ge [sflag:s9], $0x8000  }
0x5f5: {  	[sflag:s9] =	ssyncset.done $0x0  }
0x5f6: {  	[sflag:s9] =	ssyncadd.s32 $0xFFFF8000  }
0x5f7: {  	_ =	sfence.sel $0x180000  }
0x5f8: {  	[bflag:$0x0] =	sbarrier.arrive $0xFFFF  }
0x5f9: {  	_ =	strace $0x90000047  }
0x5fa: {  	[bflag:$0x2] =	sbarrier.arrive $0xFFFF  }
0x5fb: {  	p0 =	sne.s32 s20, $0x0;
	s0 =	rddreg [dreg:$0x4]  }
0x5fc: {  	s0 =	sadd.s32 @!p0 $0x100000, s0  }
0x5fd: {  	[sflag:s0] =	ssyncadd.tile.s32 @!p0 $0x1;
	_ =	shalt  }
.LBB2_1:
.Ltmp3:
0x5fe: {  	(pc) =	sbr.rel .LBB2_6-.Ltmp3, $4  }
0x5ff: {  	_ = 	snop  }
0x600: {  	s22 =	simm.s32 $0x1480;
	s30 =	simm.s32 $0x1400;
	s29 =	simm.s32 $0x1580  }
0x601: {  	s28 =	simm.s32 $0x1500;
	s26 =	simm.s32 $0x1680;
	s25 =	simm.s32 $0x1600  }
0x602: {  	s24 =	simm.s32 $0x1780;
	s23 =	simm.s32 $0x1700;
	s21 =	simm.s32 $0x1800  }
.LBB2_3:
.Ltmp4:
0x603: {  	(pc) =	sbr.rel .LBB2_6-.Ltmp4, $4  }
0x604: {  	s22 =	simm.s32 $0x1480  }
0x605: {  	s30 =	simm.s32 $0x1400;
	s29 =	simm.s32 $0x1580;
	s28 =	simm.s32 $0x1500  }
0x606: {  	s26 =	simm.s32 $0x1680;
	s25 =	simm.s32 $0x1600;
	s24 =	simm.s32 $0x1780  }
0x607: {  	s23 =	simm.s32 $0x1700;
	s21 =	simm.s32 $0x1800;
	s20 =	stileid.u32  }
.Lfunc_end2:
_tile_overlayer_lowered:
.L_overlay_start_2:
0x608: {  	(tag) =	ssettag $0x2  }
0x609: {  	s0 =	rddreg [dreg:$0x0];
	s2 =	stileid.u32  }
0x60a: {  	s1 =	rddreg [dreg:$0x1];
	p0 =	sne.s32 s2, $0x0  }
0x60b: {  	s3 =	rddreg [dreg:$0x2];
	[bflag:$0x3] =	sbarrier.arrive $0xFFFF;
	s2 =	simm.s32 @!p0 $0x1C0A  }
0x60c: {  	[timem:s3], [sflag:s2] =	dma.local @!p0 [hbm:s0], s1  }
0x60d: {  	s0 =	simm.s32 @!p0 $0xA  }
0x60e: {  	_ =	swait.ge @!p0 [sflag:s0], s1  }
0x60f: {  	s1 =	ssub.s32 @!p0 $0x0, s1;
	[sflag:s0] =	ssyncset.done @!p0 $0x0  }
0x610: {  	[sflag:s0] =	ssyncadd.s32 @!p0 s1  }
0x611: {  	[bflag:$0x3] =	sbarrier.arrive $0xFFFF  }
0x612: {  	_ =	shalt  }

</sc_bundles>
